<compile_context>
chip_gen: v7x
topology: tpu7x:2x2x1
jax: 0.10.2.dev20260603
libtpu: 0.0.44.dev20260713+nightly
codegen_flags: <defaults>
</compile_context>

<pallas_src>
import functools

import jax
import jax.numpy as jnp
from jax import lax
from jax.experimental import pallas as pl
from jax.experimental.pallas import tpu as pltpu
from jax.experimental.pallas import tpu_sc as plsc

_N = 10000
_M = 32
_K = 8
_DD = 16
_D = _K * _DD
_RI = 6

_BN = 400
_GRID = _N // _BN

_NW = 32
_CHUNK = 80
_NSPLIT = 5200


def _seg_mat():
    r = lax.broadcasted_iota(jnp.int32, (_D, _D), 0) // _DD
    c = lax.broadcasted_iota(jnp.int32, (_D, _D), 1) // _DD
    return (r == c).astype(jnp.float32)


def _compact_mat():
    r = lax.broadcasted_iota(jnp.int32, (_D, _K), 0) // _DD
    c = lax.broadcasted_iota(jnp.int32, (_D, _K), 1)
    return (r == c).astype(jnp.float32)


def _expand_mat():
    r = lax.broadcasted_iota(jnp.int32, (_K, _D), 0)
    c = lax.broadcasted_iota(jnp.int32, (_K, _D), 1) // _DD
    return (r == c).astype(jnp.float32)


def _gsum(v, sg):
    return lax.dot_general(v, sg, (((1,), (0,)), ((), ())),
                           preferred_element_type=jnp.float32)


def _capsnorm(v, sg):
    s = _gsum(v * v, sg)
    return v * lax.rsqrt(jnp.maximum(s, 1e-24))


def _pre_body(x_ref, o_ref):
    sg = _seg_mat()
    o_ref[...] = _capsnorm(x_ref[...], sg)


def _normalize_input(x):
    return pl.pallas_call(
        _pre_body,
        out_shape=jax.ShapeDtypeStruct((_N, _D), jnp.float32),
    )(x)


def _route_body(x_ref, z_ref, *rest, fc):
    if fc:
        w_ref, b_ref, o_ref = rest
    else:
        (o_ref,) = rest
    sg = _seg_mat()
    sc = _compact_mat()
    ex = _expand_mat()
    x = x_ref[...]
    z = z_ref[...]
    u = x
    for it in range(_RI):
        ue = jnp.broadcast_to(u[:, None, :], (_BN, _M, _D)).reshape(_BN * _M, _D)
        lt = lax.dot_general(sc, z * ue, (((0,), (1,)), ((), ())),
                             preferred_element_type=jnp.float32)
        e = jnp.exp(lt)
        den = jnp.sum(e, axis=0, keepdims=True)
        wt = e / den
        w8 = lax.dot_general(wt, ex, (((0,), (0,)), ((), ())),
                             preferred_element_type=jnp.float32)
        s = (z * w8).reshape(_BN, _M, _D)
        s = s[:, :16] + s[:, 16:]
        s = s[:, :8] + s[:, 8:]
        u = jnp.sum(s, axis=1) + x
        if it < _RI - 1:
            u = _capsnorm(u, sg)
    h = jnp.maximum(u, 0.0)
    if fc:
        y = lax.dot_general(h, w_ref[...], (((1,), (0,)), ((), ())),
                            preferred_element_type=jnp.float32)
        y = jnp.maximum(y + b_ref[...], 0.0)
        h = _capsnorm(y, sg)
    o_ref[...] = h


def _route(xn, z, w=None, b=None, base=0, nodes=_N):
    fc = w is not None
    bb = base // _BN
    in_specs = [
        pl.BlockSpec((_BN, _D), lambda i: (i + bb, 0)),
        pl.BlockSpec((_BN * _M, _D), lambda i: (i, 0)),
    ]
    args = [xn, z]
    if fc:
        in_specs += [
            pl.BlockSpec((_D, _D), lambda i: (0, 0)),
            pl.BlockSpec((1, _D), lambda i: (0, 0)),
        ]
        args += [w, b.reshape(1, _D)]
    return pl.pallas_call(
        functools.partial(_route_body, fc=fc),
        grid=(nodes // _BN,),
        in_specs=in_specs,
        out_specs=pl.BlockSpec((_BN, _D), lambda i: (i, 0)),
        out_shape=jax.ShapeDtypeStruct((nodes, _D), jnp.float32),
    )(*args)


def _gather_body(table, idx_hbm, out, idx_v, buf0, buf1, sem0, sem1, *, nch):
    wid = lax.axis_index("s") * 2 + lax.axis_index("c")
    rpw = nch * _CHUNK
    base = wid * rpw
    pltpu.sync_copy(idx_hbm.at[pl.ds(base, rpw)], idx_v)

    def start(c, buf, sem):
        pltpu.make_async_copy(
            table.at[idx_v.at[pl.ds(c * _CHUNK, _CHUNK)]], buf, sem).start()

    def drain(c, buf, sem):
        pltpu.make_async_copy(
            table.at[idx_v.at[pl.ds(c * _CHUNK, _CHUNK)]], buf, sem).wait()
        pltpu.sync_copy(buf, out.at[pl.ds(base + c * _CHUNK, _CHUNK)])

    start(0, buf0, sem0)

    def body(t, carry):
        c = 2 * t

        @pl.when(c + 1 < nch)
        def _():
            start(c + 1, buf1, sem1)

        drain(c, buf0, sem0)

        @pl.when(c + 2 < nch)
        def _():
            start(c + 2, buf0, sem0)

        @pl.when(c + 1 < nch)
        def _():
            drain(c + 1, buf1, sem1)

        return carry

    lax.fori_loop(0, (nch + 1) // 2, body, 0)


def _gather(xn, nb_part):
    rows = nb_part.shape[0]
    nch = rows // (_NW * _CHUNK)
    assert nch * _NW * _CHUNK == rows
    k = functools.partial(
        pl.kernel,
        out_type=jax.ShapeDtypeStruct((rows, _D), jnp.float32),
        mesh=plsc.VectorSubcoreMesh(core_axis_name="c", subcore_axis_name="s"),
        scratch_types=[
            pltpu.VMEM((nch * _CHUNK,), jnp.int32),
            pltpu.VMEM((_CHUNK, _D), jnp.float32),
            pltpu.VMEM((_CHUNK, _D), jnp.float32),
            pltpu.SemaphoreType.DMA,
            pltpu.SemaphoreType.DMA,
        ],
    )(functools.partial(_gather_body, nch=nch))
    return k(xn, nb_part)


def _layer(xn, nb_a, nb_b, w, b):
    za = _gather(xn, nb_a)
    zb = _gather(xn, nb_b)
    ha = _route(xn, za, w, b, base=0, nodes=_NSPLIT)
    hb = _route(xn, zb, w, b, base=_NSPLIT, nodes=_N - _NSPLIT)
    return jnp.concatenate([ha, hb], axis=0)


def kernel(x, nb, fc1_w, fc1_b, fc2_w, fc2_b):
    nb_flat = nb.reshape(-1)
    nb_a = nb_flat[: _NSPLIT * _M]
    nb_b = nb_flat[_NSPLIT * _M:]
    xn = _normalize_input(x)
    xn = _layer(xn, nb_a, nb_b, fc1_w, fc1_b)
    xn = _layer(xn, nb_a, nb_b, fc2_w, fc2_b)
    return _layer(xn, nb_a, nb_b, None, None)

# --- scband reference (transcript-rebuilt; emitter-appended) ---
"""Pipeline reference for scband-capsule-21663815041426 (READ-ONLY COPY).

The authoritative reference and input builder live on the scoring server;
editing this copy changes nothing except your own understanding.
"""

import jax, jax.numpy as jnp
import numpy as np

N = 10000
M = 32
K = 8
DD = 16
D = K * DD
ROUTIT = 6


def _normalize(x, axis):
    n = jnp.linalg.norm(x, axis=axis, keepdims=True)
    return x / jnp.maximum(n, 1e-12)


def _routing(x, nb_flat, fc_w, fc_b, k, max_iter):
    # RoutingLayer.forward (eval mode)
    if fc_w is not None:
        x = jax.nn.relu(x @ fc_w + fc_b)
    n, d = x.shape
    m = nb_flat.shape[0] // n
    dd = d // k
    x = _normalize(x.reshape(n, k, dd), 2).reshape(n, d)
    z = jnp.concatenate([x, jnp.zeros((1, d), x.dtype)], axis=0)
    z = z[nb_flat].reshape(n, m, k, dd)
    u = x.reshape(n, k, dd)
    for it in range(max_iter):
        p = jnp.sum(z * u[:, None, :, :], axis=3)
        p = jax.nn.softmax(p, axis=2)
        u = jnp.sum(z * p[..., None], axis=1)
        u = u + x.reshape(n, k, dd)
        if it < max_iter - 1:
            u = _normalize(u, 2)
    return u.reshape(n, d)


def setup_inputs(seed: int = 0):
    key = jax.random.key(seed)
    ks = jax.random.split(key, 8)
    x = jax.random.normal(ks[0], (N, D), dtype=jnp.float32)
    nb = jax.random.randint(ks[1], (N, M), 0, N, dtype=jnp.int32)
    s = 1.0 / np.sqrt(D)
    fc1_w = jax.random.uniform(ks[2], (D, D), jnp.float32, -s, s)
    fc1_b = jax.random.uniform(ks[3], (D,), jnp.float32, -s, s)
    fc2_w = jax.random.uniform(ks[4], (D, D), jnp.float32, -s, s)
    fc2_b = jax.random.uniform(ks[5], (D,), jnp.float32, -s, s)
    return {"x": x, "nb": nb, "fc1_w": fc1_w, "fc1_b": fc1_b, "fc2_w": fc2_w, "fc2_b": fc2_b}


def reference(x, nb, fc1_w, fc1_b, fc2_w, fc2_b):
    # Capsule.forward, eval mode (dropout disabled). pca layer is unused in forward.
    nb_flat = nb.reshape(-1)
    h = jax.nn.relu(_routing(x, nb_flat, None, None, K, ROUTIT))
    h = jax.nn.relu(_routing(h, nb_flat, fc1_w, fc1_b, K, ROUTIT))
    h = jax.nn.relu(_routing(h, nb_flat, fc2_w, fc2_b, K, ROUTIT))
    return h

if __name__ == "__main__":
    import jax
    _d = setup_inputs()
    print(jax.jit(kernel)(*tuple(_d.values())))

</pallas_src>

<mosaic_0001>
#map = affine_map<(d0, d1) -> (0, 0)>
#map1 = affine_map<(d0, d1) -> (0)>
module attributes {stable_mosaic.version = 14 : i64} {
  func.func @_gather_body(%arg0: i32, %arg1: i32, %arg2: memref<10000x128xf32, #tpu.memory_space<hbm>>, %arg3: memref<153600xi32, #tpu.memory_space<hbm>>, %arg4: memref<153600x128xf32, #tpu.memory_space<hbm>>, %arg5: memref<4800xi32, #tpu.memory_space<vmem>>, %arg6: memref<80x128xf32, #tpu.memory_space<vmem>>, %arg7: memref<80x128xf32, #tpu.memory_space<vmem>>, %arg8: memref<!tpu.dma_semaphore, #tpu.memory_space<semaphore_mem>>, %arg9: memref<!tpu.dma_semaphore, #tpu.memory_space<semaphore_mem>>) attributes {dimension_semantics = [#tpu.dimension_semantics<core_parallel>, #tpu.dimension_semantics<subcore_parallel>], iteration_bounds = array<i64: 2, 16>, scalar_prefetch = 0 : i64, scratch_operands = 5 : i64, tpu.core_type = #tpu.core_type<sc_vector_subcore>, window_params = [{transform_indices = #map}, {transform_indices = #map1}, {transform_indices = #map}]} {
    %mul3A = arith.constant 2 : i32
    %mul3A_0 = arith.muli %arg1, %mul3A : i32
    %add3A = arith.addi %mul3A_0, %arg0 : i32
    %mul3A_1 = arith.constant 4800 : i32
    %mul3A_2 = arith.muli %add3A, %mul3A_1 : i32
    "tpu.region"() ({
      %run_scoped3A = tpu.sem_alloc : memref<!tpu.dma_semaphore, #tpu.memory_space<semaphore_mem>>
      %dma_start3A_12 = tpu.memref_slice %arg3[%mul3A_2] : memref<153600xi32, #tpu.memory_space<hbm>> -> memref<4800xi32, #tpu.memory_space<hbm>>
      %dma_start3A_13 = tpu.memref_slice %arg3[%mul3A_2] : memref<153600xi32, #tpu.memory_space<hbm>> -> memref<4800xi32, #tpu.memory_space<hbm>>
      tpu.enqueue_dma source(%dma_start3A_13 : memref<4800xi32, #tpu.memory_space<hbm>>) target(%arg5 : memref<4800xi32, #tpu.memory_space<vmem>>) target_semaphore(%run_scoped3A : memref<!tpu.dma_semaphore, #tpu.memory_space<semaphore_mem>>)
      %dma_wait3A = tpu.memref_slice %arg3[%mul3A_2] : memref<153600xi32, #tpu.memory_space<hbm>> -> memref<4800xi32, #tpu.memory_space<hbm>>
      %dma_wait3A_14 = tpu.memref_slice %arg3[%mul3A_2] : memref<153600xi32, #tpu.memory_space<hbm>> -> memref<4800xi32, #tpu.memory_space<hbm>>
      tpu.wait_dma2 semaphore(%run_scoped3A : memref<!tpu.dma_semaphore, #tpu.memory_space<semaphore_mem>>) src(%dma_wait3A_14 : memref<4800xi32, #tpu.memory_space<hbm>>) dst(%arg5 : memref<4800xi32, #tpu.memory_space<vmem>>)
      tpu.yield
    }) : () -> ()
    %dma_start3A = arith.constant 0 : i32
    %dma_start3A_3 = tpu.memref_slice %arg5[%dma_start3A] : memref<4800xi32, #tpu.memory_space<vmem>> -> memref<80xi32, #tpu.memory_space<vmem>>
    %dma_start3A_4 = arith.constant 0 : i32
    %dma_start3A_5 = arith.constant 0 : i32
    %dma_start3A_6 = tpu.memref_slice %arg2[%dma_start3A_4, %dma_start3A_5] : memref<10000x128xf32, #tpu.memory_space<hbm>> -> memref<10000x128xf32, #tpu.memory_space<hbm>>
    tpu.enqueue_indirect_dma source(%dma_start3A_6 : memref<10000x128xf32, #tpu.memory_space<hbm>>) target(%arg6 : memref<80x128xf32, #tpu.memory_space<vmem>>) offsets(%dma_start3A_3 : memref<80xi32, #tpu.memory_space<vmem>>) semaphore(%arg8 : memref<!tpu.dma_semaphore, #tpu.memory_space<semaphore_mem>>)
    %scan3A = arith.constant 0 : i32
    %scan3A_7 = arith.constant 0 : i32
    %scan3A_8 = arith.constant 30 : i32
    %scan3A_9 = arith.addi %scan3A_7, %scan3A_8 : i32
    %scan3A_10 = arith.constant 1 : i32
    scf.for %scan3A_12 = %scan3A_7 to %scan3A_9 step %scan3A_10  : i32 {
      %mul3A_13 = arith.constant 2 : i32
      %mul3A_14 = arith.muli %mul3A_13, %scan3A_12 : i32
      %add3A_15 = arith.constant 1 : i32
      %add3A_16 = arith.addi %mul3A_14, %add3A_15 : i32
      %lt3A = arith.constant 60 : i32
      %lt3A_17 = arith.cmpi slt, %add3A_16, %lt3A : i32
      %convert_element_type3A = arith.extui %lt3A_17 : i1 to i32
      %cond3A = arith.constant 0 : i32
      %cond3A_18 = arith.cmpi ne, %convert_element_type3A, %cond3A : i32
      scf.if %cond3A_18 {
        %add3A_41 = arith.constant 1 : i32
        %add3A_42 = arith.addi %mul3A_14, %add3A_41 : i32
        %mul3A_43 = arith.constant 80 : i32
        %mul3A_44 = arith.muli %add3A_42, %mul3A_43 : i32
        %dma_start3A_45 = tpu.memref_slice %arg5[%mul3A_44] : memref<4800xi32, #tpu.memory_space<vmem>> -> memref<80xi32, #tpu.memory_space<vmem>>
        %dma_start3A_46 = arith.constant 0 : i32
        %dma_start3A_47 = arith.constant 0 : i32
        %dma_start3A_48 = tpu.memref_slice %arg2[%dma_start3A_46, %dma_start3A_47] : memref<10000x128xf32, #tpu.memory_space<hbm>> -> memref<10000x128xf32, #tpu.memory_space<hbm>>
        tpu.enqueue_indirect_dma source(%dma_start3A_48 : memref<10000x128xf32, #tpu.memory_space<hbm>>) target(%arg7 : memref<80x128xf32, #tpu.memory_space<vmem>>) offsets(%dma_start3A_45 : memref<80xi32, #tpu.memory_space<vmem>>) semaphore(%arg9 : memref<!tpu.dma_semaphore, #tpu.memory_space<semaphore_mem>>)
      } else {
      }
      %mul3A_19 = arith.constant 80 : i32
      %mul3A_20 = arith.muli %mul3A_14, %mul3A_19 : i32
      %dma_wait3A = tpu.memref_slice %arg5[%mul3A_20] : memref<4800xi32, #tpu.memory_space<vmem>> -> memref<80xi32, #tpu.memory_space<vmem>>
      %dma_wait3A_21 = arith.constant 0 : i32
      %dma_wait3A_22 = arith.constant 0 : i32
      %dma_wait3A_23 = tpu.memref_slice %arg2[%dma_wait3A_21, %dma_wait3A_22] : memref<10000x128xf32, #tpu.memory_space<hbm>> -> memref<10000x128xf32, #tpu.memory_space<hbm>>
      tpu.wait_indirect_dma semaphore(%arg8 : memref<!tpu.dma_semaphore, #tpu.memory_space<semaphore_mem>>) src(%dma_wait3A_23 : memref<10000x128xf32, #tpu.memory_space<hbm>>) dst(%arg6 : memref<80x128xf32, #tpu.memory_space<vmem>>)
      %mul3A_24 = arith.constant 80 : i32
      %mul3A_25 = arith.muli %mul3A_14, %mul3A_24 : i32
      %add3A_26 = arith.addi %mul3A_2, %mul3A_25 : i32
      "tpu.region"() ({
        %run_scoped3A = tpu.sem_alloc : memref<!tpu.dma_semaphore, #tpu.memory_space<semaphore_mem>>
        %dma_start3A_41 = arith.constant 0 : i32
        %dma_start3A_42 = tpu.memref_slice %arg4[%add3A_26, %dma_start3A_41] : memref<153600x128xf32, #tpu.memory_space<hbm>> -> memref<80x128xf32, #tpu.memory_space<hbm>>
        %dma_start3A_43 = arith.constant 0 : i32
        %dma_start3A_44 = tpu.memref_slice %arg4[%add3A_26, %dma_start3A_43] : memref<153600x128xf32, #tpu.memory_space<hbm>> -> memref<80x128xf32, #tpu.memory_space<hbm>>
        tpu.enqueue_dma source(%arg6 : memref<80x128xf32, #tpu.memory_space<vmem>>) target(%dma_start3A_44 : memref<80x128xf32, #tpu.memory_space<hbm>>) target_semaphore(%run_scoped3A : memref<!tpu.dma_semaphore, #tpu.memory_space<semaphore_mem>>)
        %dma_wait3A_45 = arith.constant 0 : i32
        %dma_wait3A_46 = tpu.memref_slice %arg4[%add3A_26, %dma_wait3A_45] : memref<153600x128xf32, #tpu.memory_space<hbm>> -> memref<80x128xf32, #tpu.memory_space<hbm>>
        %dma_wait3A_47 = arith.constant 0 : i32
        %dma_wait3A_48 = tpu.memref_slice %arg4[%add3A_26, %dma_wait3A_47] : memref<153600x128xf32, #tpu.memory_space<hbm>> -> memref<80x128xf32, #tpu.memory_space<hbm>>
        tpu.wait_dma2 semaphore(%run_scoped3A : memref<!tpu.dma_semaphore, #tpu.memory_space<semaphore_mem>>) src(%arg6 : memref<80x128xf32, #tpu.memory_space<vmem>>) dst(%dma_wait3A_48 : memref<80x128xf32, #tpu.memory_space<hbm>>)
        tpu.yield
      }) : () -> ()
      %add3A_27 = arith.constant 2 : i32
      %add3A_28 = arith.addi %mul3A_14, %add3A_27 : i32
      %lt3A_29 = arith.constant 60 : i32
      %lt3A_30 = arith.cmpi slt, %add3A_28, %lt3A_29 : i32
      %convert_element_type3A_31 = arith.extui %lt3A_30 : i1 to i32
      %cond3A_32 = arith.constant 0 : i32
      %cond3A_33 = arith.cmpi ne, %convert_element_type3A_31, %cond3A_32 : i32
      scf.if %cond3A_33 {
        %add3A_41 = arith.constant 2 : i32
        %add3A_42 = arith.addi %mul3A_14, %add3A_41 : i32
        %mul3A_43 = arith.constant 80 : i32
        %mul3A_44 = arith.muli %add3A_42, %mul3A_43 : i32
        %dma_start3A_45 = tpu.memref_slice %arg5[%mul3A_44] : memref<4800xi32, #tpu.memory_space<vmem>> -> memref<80xi32, #tpu.memory_space<vmem>>
        %dma_start3A_46 = arith.constant 0 : i32
        %dma_start3A_47 = arith.constant 0 : i32
        %dma_start3A_48 = tpu.memref_slice %arg2[%dma_start3A_46, %dma_start3A_47] : memref<10000x128xf32, #tpu.memory_space<hbm>> -> memref<10000x128xf32, #tpu.memory_space<hbm>>
        tpu.enqueue_indirect_dma source(%dma_start3A_48 : memref<10000x128xf32, #tpu.memory_space<hbm>>) target(%arg6 : memref<80x128xf32, #tpu.memory_space<vmem>>) offsets(%dma_start3A_45 : memref<80xi32, #tpu.memory_space<vmem>>) semaphore(%arg8 : memref<!tpu.dma_semaphore, #tpu.memory_space<semaphore_mem>>)
      } else {
      }
      %add3A_34 = arith.constant 1 : i32
      %add3A_35 = arith.addi %mul3A_14, %add3A_34 : i32
      %lt3A_36 = arith.constant 60 : i32
      %lt3A_37 = arith.cmpi slt, %add3A_35, %lt3A_36 : i32
      %convert_element_type3A_38 = arith.extui %lt3A_37 : i1 to i32
      %cond3A_39 = arith.constant 0 : i32
      %cond3A_40 = arith.cmpi ne, %convert_element_type3A_38, %cond3A_39 : i32
      scf.if %cond3A_40 {
        %add3A_41 = arith.constant 1 : i32
        %add3A_42 = arith.addi %mul3A_14, %add3A_41 : i32
        %mul3A_43 = arith.constant 80 : i32
        %mul3A_44 = arith.muli %add3A_42, %mul3A_43 : i32
        %dma_wait3A_45 = tpu.memref_slice %arg5[%mul3A_44] : memref<4800xi32, #tpu.memory_space<vmem>> -> memref<80xi32, #tpu.memory_space<vmem>>
        %dma_wait3A_46 = arith.constant 0 : i32
        %dma_wait3A_47 = arith.constant 0 : i32
        %dma_wait3A_48 = tpu.memref_slice %arg2[%dma_wait3A_46, %dma_wait3A_47] : memref<10000x128xf32, #tpu.memory_space<hbm>> -> memref<10000x128xf32, #tpu.memory_space<hbm>>
        tpu.wait_indirect_dma semaphore(%arg9 : memref<!tpu.dma_semaphore, #tpu.memory_space<semaphore_mem>>) src(%dma_wait3A_48 : memref<10000x128xf32, #tpu.memory_space<hbm>>) dst(%arg7 : memref<80x128xf32, #tpu.memory_space<vmem>>)
        %mul3A_49 = arith.constant 80 : i32
        %mul3A_50 = arith.muli %add3A_42, %mul3A_49 : i32
        %add3A_51 = arith.addi %mul3A_2, %mul3A_50 : i32
        "tpu.region"() ({
          %run_scoped3A = tpu.sem_alloc : memref<!tpu.dma_semaphore, #tpu.memory_space<semaphore_mem>>
          %dma_start3A_52 = arith.constant 0 : i32
          %dma_start3A_53 = tpu.memref_slice %arg4[%add3A_51, %dma_start3A_52] : memref<153600x128xf32, #tpu.memory_space<hbm>> -> memref<80x128xf32, #tpu.memory_space<hbm>>
          %dma_start3A_54 = arith.constant 0 : i32
          %dma_start3A_55 = tpu.memref_slice %arg4[%add3A_51, %dma_start3A_54] : memref<153600x128xf32, #tpu.memory_space<hbm>> -> memref<80x128xf32, #tpu.memory_space<hbm>>
          tpu.enqueue_dma source(%arg7 : memref<80x128xf32, #tpu.memory_space<vmem>>) target(%dma_start3A_55 : memref<80x128xf32, #tpu.memory_space<hbm>>) target_semaphore(%run_scoped3A : memref<!tpu.dma_semaphore, #tpu.memory_space<semaphore_mem>>)
          %dma_wait3A_56 = arith.constant 0 : i32
          %dma_wait3A_57 = tpu.memref_slice %arg4[%add3A_51, %dma_wait3A_56] : memref<153600x128xf32, #tpu.memory_space<hbm>> -> memref<80x128xf32, #tpu.memory_space<hbm>>
          %dma_wait3A_58 = arith.constant 0 : i32
          %dma_wait3A_59 = tpu.memref_slice %arg4[%add3A_51, %dma_wait3A_58] : memref<153600x128xf32, #tpu.memory_space<hbm>> -> memref<80x128xf32, #tpu.memory_space<hbm>>
          tpu.wait_dma2 semaphore(%run_scoped3A : memref<!tpu.dma_semaphore, #tpu.memory_space<semaphore_mem>>) src(%arg7 : memref<80x128xf32, #tpu.memory_space<vmem>>) dst(%dma_wait3A_59 : memref<80x128xf32, #tpu.memory_space<hbm>>)
          tpu.yield
        }) : () -> ()
      } else {
      }
    }
    %scan3A_11 = arith.constant 30 : i32
    return
  }
}

#map = affine_map<(d0, d1) -> (0, 0)>
#map1 = affine_map<(d0, d1) -> (0)>
module attributes {stable_mosaic.version = 14 : i64} {
  func.func @_gather_body(%arg0: i32, %arg1: i32, %arg2: memref<10000x128xf32, #tpu.memory_space<hbm>>, %arg3: memref<166400xi32, #tpu.memory_space<hbm>>, %arg4: memref<166400x128xf32, #tpu.memory_space<hbm>>, %arg5: memref<5200xi32, #tpu.memory_space<vmem>>, %arg6: memref<80x128xf32, #tpu.memory_space<vmem>>, %arg7: memref<80x128xf32, #tpu.memory_space<vmem>>, %arg8: memref<!tpu.dma_semaphore, #tpu.memory_space<semaphore_mem>>, %arg9: memref<!tpu.dma_semaphore, #tpu.memory_space<semaphore_mem>>) attributes {dimension_semantics = [#tpu.dimension_semantics<core_parallel>, #tpu.dimension_semantics<subcore_parallel>], iteration_bounds = array<i64: 2, 16>, scalar_prefetch = 0 : i64, scratch_operands = 5 : i64, tpu.core_type = #tpu.core_type<sc_vector_subcore>, window_params = [{transform_indices = #map}, {transform_indices = #map1}, {transform_indices = #map}]} {
    %mul3A = arith.constant 2 : i32
    %mul3A_0 = arith.muli %arg1, %mul3A : i32
    %add3A = arith.addi %mul3A_0, %arg0 : i32
    %mul3A_1 = arith.constant 5200 : i32
    %mul3A_2 = arith.muli %add3A, %mul3A_1 : i32
    "tpu.region"() ({
      %run_scoped3A = tpu.sem_alloc : memref<!tpu.dma_semaphore, #tpu.memory_space<semaphore_mem>>
      %dma_start3A_12 = tpu.memref_slice %arg3[%mul3A_2] : memref<166400xi32, #tpu.memory_space<hbm>> -> memref<5200xi32, #tpu.memory_space<hbm>>
      %dma_start3A_13 = tpu.memref_slice %arg3[%mul3A_2] : memref<166400xi32, #tpu.memory_space<hbm>> -> memref<5200xi32, #tpu.memory_space<hbm>>
      tpu.enqueue_dma source(%dma_start3A_13 : memref<5200xi32, #tpu.memory_space<hbm>>) target(%arg5 : memref<5200xi32, #tpu.memory_space<vmem>>) target_semaphore(%run_scoped3A : memref<!tpu.dma_semaphore, #tpu.memory_space<semaphore_mem>>)
      %dma_wait3A = tpu.memref_slice %arg3[%mul3A_2] : memref<166400xi32, #tpu.memory_space<hbm>> -> memref<5200xi32, #tpu.memory_space<hbm>>
      %dma_wait3A_14 = tpu.memref_slice %arg3[%mul3A_2] : memref<166400xi32, #tpu.memory_space<hbm>> -> memref<5200xi32, #tpu.memory_space<hbm>>
      tpu.wait_dma2 semaphore(%run_scoped3A : memref<!tpu.dma_semaphore, #tpu.memory_space<semaphore_mem>>) src(%dma_wait3A_14 : memref<5200xi32, #tpu.memory_space<hbm>>) dst(%arg5 : memref<5200xi32, #tpu.memory_space<vmem>>)
      tpu.yield
    }) : () -> ()
    %dma_start3A = arith.constant 0 : i32
    %dma_start3A_3 = tpu.memref_slice %arg5[%dma_start3A] : memref<5200xi32, #tpu.memory_space<vmem>> -> memref<80xi32, #tpu.memory_space<vmem>>
    %dma_start3A_4 = arith.constant 0 : i32
    %dma_start3A_5 = arith.constant 0 : i32
    %dma_start3A_6 = tpu.memref_slice %arg2[%dma_start3A_4, %dma_start3A_5] : memref<10000x128xf32, #tpu.memory_space<hbm>> -> memref<10000x128xf32, #tpu.memory_space<hbm>>
    tpu.enqueue_indirect_dma source(%dma_start3A_6 : memref<10000x128xf32, #tpu.memory_space<hbm>>) target(%arg6 : memref<80x128xf32, #tpu.memory_space<vmem>>) offsets(%dma_start3A_3 : memref<80xi32, #tpu.memory_space<vmem>>) semaphore(%arg8 : memref<!tpu.dma_semaphore, #tpu.memory_space<semaphore_mem>>)
    %scan3A = arith.constant 0 : i32
    %scan3A_7 = arith.constant 0 : i32
    %scan3A_8 = arith.constant 33 : i32
    %scan3A_9 = arith.addi %scan3A_7, %scan3A_8 : i32
    %scan3A_10 = arith.constant 1 : i32
    scf.for %scan3A_12 = %scan3A_7 to %scan3A_9 step %scan3A_10  : i32 {
      %mul3A_13 = arith.constant 2 : i32
      %mul3A_14 = arith.muli %mul3A_13, %scan3A_12 : i32
      %add3A_15 = arith.constant 1 : i32
      %add3A_16 = arith.addi %mul3A_14, %add3A_15 : i32
      %lt3A = arith.constant 65 : i32
      %lt3A_17 = arith.cmpi slt, %add3A_16, %lt3A : i32
      %convert_element_type3A = arith.extui %lt3A_17 : i1 to i32
      %cond3A = arith.constant 0 : i32
      %cond3A_18 = arith.cmpi ne, %convert_element_type3A, %cond3A : i32
      scf.if %cond3A_18 {
        %add3A_41 = arith.constant 1 : i32
        %add3A_42 = arith.addi %mul3A_14, %add3A_41 : i32
        %mul3A_43 = arith.constant 80 : i32
        %mul3A_44 = arith.muli %add3A_42, %mul3A_43 : i32
        %dma_start3A_45 = tpu.memref_slice %arg5[%mul3A_44] : memref<5200xi32, #tpu.memory_space<vmem>> -> memref<80xi32, #tpu.memory_space<vmem>>
        %dma_start3A_46 = arith.constant 0 : i32
        %dma_start3A_47 = arith.constant 0 : i32
        %dma_start3A_48 = tpu.memref_slice %arg2[%dma_start3A_46, %dma_start3A_47] : memref<10000x128xf32, #tpu.memory_space<hbm>> -> memref<10000x128xf32, #tpu.memory_space<hbm>>
        tpu.enqueue_indirect_dma source(%dma_start3A_48 : memref<10000x128xf32, #tpu.memory_space<hbm>>) target(%arg7 : memref<80x128xf32, #tpu.memory_space<vmem>>) offsets(%dma_start3A_45 : memref<80xi32, #tpu.memory_space<vmem>>) semaphore(%arg9 : memref<!tpu.dma_semaphore, #tpu.memory_space<semaphore_mem>>)
      } else {
      }
      %mul3A_19 = arith.constant 80 : i32
      %mul3A_20 = arith.muli %mul3A_14, %mul3A_19 : i32
      %dma_wait3A = tpu.memref_slice %arg5[%mul3A_20] : memref<5200xi32, #tpu.memory_space<vmem>> -> memref<80xi32, #tpu.memory_space<vmem>>
      %dma_wait3A_21 = arith.constant 0 : i32
      %dma_wait3A_22 = arith.constant 0 : i32
      %dma_wait3A_23 = tpu.memref_slice %arg2[%dma_wait3A_21, %dma_wait3A_22] : memref<10000x128xf32, #tpu.memory_space<hbm>> -> memref<10000x128xf32, #tpu.memory_space<hbm>>
      tpu.wait_indirect_dma semaphore(%arg8 : memref<!tpu.dma_semaphore, #tpu.memory_space<semaphore_mem>>) src(%dma_wait3A_23 : memref<10000x128xf32, #tpu.memory_space<hbm>>) dst(%arg6 : memref<80x128xf32, #tpu.memory_space<vmem>>)
      %mul3A_24 = arith.constant 80 : i32
      %mul3A_25 = arith.muli %mul3A_14, %mul3A_24 : i32
      %add3A_26 = arith.addi %mul3A_2, %mul3A_25 : i32
      "tpu.region"() ({
        %run_scoped3A = tpu.sem_alloc : memref<!tpu.dma_semaphore, #tpu.memory_space<semaphore_mem>>
        %dma_start3A_41 = arith.constant 0 : i32
        %dma_start3A_42 = tpu.memref_slice %arg4[%add3A_26, %dma_start3A_41] : memref<166400x128xf32, #tpu.memory_space<hbm>> -> memref<80x128xf32, #tpu.memory_space<hbm>>
        %dma_start3A_43 = arith.constant 0 : i32
        %dma_start3A_44 = tpu.memref_slice %arg4[%add3A_26, %dma_start3A_43] : memref<166400x128xf32, #tpu.memory_space<hbm>> -> memref<80x128xf32, #tpu.memory_space<hbm>>
        tpu.enqueue_dma source(%arg6 : memref<80x128xf32, #tpu.memory_space<vmem>>) target(%dma_start3A_44 : memref<80x128xf32, #tpu.memory_space<hbm>>) target_semaphore(%run_scoped3A : memref<!tpu.dma_semaphore, #tpu.memory_space<semaphore_mem>>)
        %dma_wait3A_45 = arith.constant 0 : i32
        %dma_wait3A_46 = tpu.memref_slice %arg4[%add3A_26, %dma_wait3A_45] : memref<166400x128xf32, #tpu.memory_space<hbm>> -> memref<80x128xf32, #tpu.memory_space<hbm>>
        %dma_wait3A_47 = arith.constant 0 : i32
        %dma_wait3A_48 = tpu.memref_slice %arg4[%add3A_26, %dma_wait3A_47] : memref<166400x128xf32, #tpu.memory_space<hbm>> -> memref<80x128xf32, #tpu.memory_space<hbm>>
        tpu.wait_dma2 semaphore(%run_scoped3A : memref<!tpu.dma_semaphore, #tpu.memory_space<semaphore_mem>>) src(%arg6 : memref<80x128xf32, #tpu.memory_space<vmem>>) dst(%dma_wait3A_48 : memref<80x128xf32, #tpu.memory_space<hbm>>)
        tpu.yield
      }) : () -> ()
      %add3A_27 = arith.constant 2 : i32
      %add3A_28 = arith.addi %mul3A_14, %add3A_27 : i32
      %lt3A_29 = arith.constant 65 : i32
      %lt3A_30 = arith.cmpi slt, %add3A_28, %lt3A_29 : i32
      %convert_element_type3A_31 = arith.extui %lt3A_30 : i1 to i32
      %cond3A_32 = arith.constant 0 : i32
      %cond3A_33 = arith.cmpi ne, %convert_element_type3A_31, %cond3A_32 : i32
      scf.if %cond3A_33 {
        %add3A_41 = arith.constant 2 : i32
        %add3A_42 = arith.addi %mul3A_14, %add3A_41 : i32
        %mul3A_43 = arith.constant 80 : i32
        %mul3A_44 = arith.muli %add3A_42, %mul3A_43 : i32
        %dma_start3A_45 = tpu.memref_slice %arg5[%mul3A_44] : memref<5200xi32, #tpu.memory_space<vmem>> -> memref<80xi32, #tpu.memory_space<vmem>>
        %dma_start3A_46 = arith.constant 0 : i32
        %dma_start3A_47 = arith.constant 0 : i32
        %dma_start3A_48 = tpu.memref_slice %arg2[%dma_start3A_46, %dma_start3A_47] : memref<10000x128xf32, #tpu.memory_space<hbm>> -> memref<10000x128xf32, #tpu.memory_space<hbm>>
        tpu.enqueue_indirect_dma source(%dma_start3A_48 : memref<10000x128xf32, #tpu.memory_space<hbm>>) target(%arg6 : memref<80x128xf32, #tpu.memory_space<vmem>>) offsets(%dma_start3A_45 : memref<80xi32, #tpu.memory_space<vmem>>) semaphore(%arg8 : memref<!tpu.dma_semaphore, #tpu.memory_space<semaphore_mem>>)
      } else {
      }
      %add3A_34 = arith.constant 1 : i32
      %add3A_35 = arith.addi %mul3A_14, %add3A_34 : i32
      %lt3A_36 = arith.constant 65 : i32
      %lt3A_37 = arith.cmpi slt, %add3A_35, %lt3A_36 : i32
      %convert_element_type3A_38 = arith.extui %lt3A_37 : i1 to i32
      %cond3A_39 = arith.constant 0 : i32
      %cond3A_40 = arith.cmpi ne, %convert_element_type3A_38, %cond3A_39 : i32
      scf.if %cond3A_40 {
        %add3A_41 = arith.constant 1 : i32
        %add3A_42 = arith.addi %mul3A_14, %add3A_41 : i32
        %mul3A_43 = arith.constant 80 : i32
        %mul3A_44 = arith.muli %add3A_42, %mul3A_43 : i32
        %dma_wait3A_45 = tpu.memref_slice %arg5[%mul3A_44] : memref<5200xi32, #tpu.memory_space<vmem>> -> memref<80xi32, #tpu.memory_space<vmem>>
        %dma_wait3A_46 = arith.constant 0 : i32
        %dma_wait3A_47 = arith.constant 0 : i32
        %dma_wait3A_48 = tpu.memref_slice %arg2[%dma_wait3A_46, %dma_wait3A_47] : memref<10000x128xf32, #tpu.memory_space<hbm>> -> memref<10000x128xf32, #tpu.memory_space<hbm>>
        tpu.wait_indirect_dma semaphore(%arg9 : memref<!tpu.dma_semaphore, #tpu.memory_space<semaphore_mem>>) src(%dma_wait3A_48 : memref<10000x128xf32, #tpu.memory_space<hbm>>) dst(%arg7 : memref<80x128xf32, #tpu.memory_space<vmem>>)
        %mul3A_49 = arith.constant 80 : i32
        %mul3A_50 = arith.muli %add3A_42, %mul3A_49 : i32
        %add3A_51 = arith.addi %mul3A_2, %mul3A_50 : i32
        "tpu.region"() ({
          %run_scoped3A = tpu.sem_alloc : memref<!tpu.dma_semaphore, #tpu.memory_space<semaphore_mem>>
          %dma_start3A_52 = arith.constant 0 : i32
          %dma_start3A_53 = tpu.memref_slice %arg4[%add3A_51, %dma_start3A_52] : memref<166400x128xf32, #tpu.memory_space<hbm>> -> memref<80x128xf32, #tpu.memory_space<hbm>>
          %dma_start3A_54 = arith.constant 0 : i32
          %dma_start3A_55 = tpu.memref_slice %arg4[%add3A_51, %dma_start3A_54] : memref<166400x128xf32, #tpu.memory_space<hbm>> -> memref<80x128xf32, #tpu.memory_space<hbm>>
          tpu.enqueue_dma source(%arg7 : memref<80x128xf32, #tpu.memory_space<vmem>>) target(%dma_start3A_55 : memref<80x128xf32, #tpu.memory_space<hbm>>) target_semaphore(%run_scoped3A : memref<!tpu.dma_semaphore, #tpu.memory_space<semaphore_mem>>)
          %dma_wait3A_56 = arith.constant 0 : i32
          %dma_wait3A_57 = tpu.memref_slice %arg4[%add3A_51, %dma_wait3A_56] : memref<166400x128xf32, #tpu.memory_space<hbm>> -> memref<80x128xf32, #tpu.memory_space<hbm>>
          %dma_wait3A_58 = arith.constant 0 : i32
          %dma_wait3A_59 = tpu.memref_slice %arg4[%add3A_51, %dma_wait3A_58] : memref<166400x128xf32, #tpu.memory_space<hbm>> -> memref<80x128xf32, #tpu.memory_space<hbm>>
          tpu.wait_dma2 semaphore(%run_scoped3A : memref<!tpu.dma_semaphore, #tpu.memory_space<semaphore_mem>>) src(%arg7 : memref<80x128xf32, #tpu.memory_space<vmem>>) dst(%dma_wait3A_59 : memref<80x128xf32, #tpu.memory_space<hbm>>)
          tpu.yield
        }) : () -> ()
      } else {
      }
    }
    %scan3A_11 = arith.constant 33 : i32
    return
  }
}

#map = affine_map<(d0, d1) -> (0, 0)>
#map1 = affine_map<(d0, d1) -> (0)>
module attributes {stable_mosaic.version = 14 : i64} {
  func.func @_gather_body(%arg0: i32, %arg1: i32, %arg2: memref<10000x128xf32, #tpu.memory_space<hbm>>, %arg3: memref<166400xi32, #tpu.memory_space<hbm>>, %arg4: memref<166400x128xf32, #tpu.memory_space<hbm>>, %arg5: memref<5200xi32, #tpu.memory_space<vmem>>, %arg6: memref<80x128xf32, #tpu.memory_space<vmem>>, %arg7: memref<80x128xf32, #tpu.memory_space<vmem>>, %arg8: memref<!tpu.dma_semaphore, #tpu.memory_space<semaphore_mem>>, %arg9: memref<!tpu.dma_semaphore, #tpu.memory_space<semaphore_mem>>) attributes {dimension_semantics = [#tpu.dimension_semantics<core_parallel>, #tpu.dimension_semantics<subcore_parallel>], iteration_bounds = array<i64: 2, 16>, scalar_prefetch = 0 : i64, scratch_operands = 5 : i64, tpu.core_type = #tpu.core_type<sc_vector_subcore>, window_params = [{transform_indices = #map}, {transform_indices = #map1}, {transform_indices = #map}]} {
    %mul3A = arith.constant 2 : i32
    %mul3A_0 = arith.muli %arg1, %mul3A : i32
    %add3A = arith.addi %mul3A_0, %arg0 : i32
    %mul3A_1 = arith.constant 5200 : i32
    %mul3A_2 = arith.muli %add3A, %mul3A_1 : i32
    "tpu.region"() ({
      %run_scoped3A = tpu.sem_alloc : memref<!tpu.dma_semaphore, #tpu.memory_space<semaphore_mem>>
      %dma_start3A_12 = tpu.memref_slice %arg3[%mul3A_2] : memref<166400xi32, #tpu.memory_space<hbm>> -> memref<5200xi32, #tpu.memory_space<hbm>>
      %dma_start3A_13 = tpu.memref_slice %arg3[%mul3A_2] : memref<166400xi32, #tpu.memory_space<hbm>> -> memref<5200xi32, #tpu.memory_space<hbm>>
      tpu.enqueue_dma source(%dma_start3A_13 : memref<5200xi32, #tpu.memory_space<hbm>>) target(%arg5 : memref<5200xi32, #tpu.memory_space<vmem>>) target_semaphore(%run_scoped3A : memref<!tpu.dma_semaphore, #tpu.memory_space<semaphore_mem>>)
      %dma_wait3A = tpu.memref_slice %arg3[%mul3A_2] : memref<166400xi32, #tpu.memory_space<hbm>> -> memref<5200xi32, #tpu.memory_space<hbm>>
      %dma_wait3A_14 = tpu.memref_slice %arg3[%mul3A_2] : memref<166400xi32, #tpu.memory_space<hbm>> -> memref<5200xi32, #tpu.memory_space<hbm>>
      tpu.wait_dma2 semaphore(%run_scoped3A : memref<!tpu.dma_semaphore, #tpu.memory_space<semaphore_mem>>) src(%dma_wait3A_14 : memref<5200xi32, #tpu.memory_space<hbm>>) dst(%arg5 : memref<5200xi32, #tpu.memory_space<vmem>>)
      tpu.yield
    }) : () -> ()
    %dma_start3A = arith.constant 0 : i32
    %dma_start3A_3 = tpu.memref_slice %arg5[%dma_start3A] : memref<5200xi32, #tpu.memory_space<vmem>> -> memref<80xi32, #tpu.memory_space<vmem>>
    %dma_start3A_4 = arith.constant 0 : i32
    %dma_start3A_5 = arith.constant 0 : i32
    %dma_start3A_6 = tpu.memref_slice %arg2[%dma_start3A_4, %dma_start3A_5] : memref<10000x128xf32, #tpu.memory_space<hbm>> -> memref<10000x128xf32, #tpu.memory_space<hbm>>
    tpu.enqueue_indirect_dma source(%dma_start3A_6 : memref<10000x128xf32, #tpu.memory_space<hbm>>) target(%arg6 : memref<80x128xf32, #tpu.memory_space<vmem>>) offsets(%dma_start3A_3 : memref<80xi32, #tpu.memory_space<vmem>>) semaphore(%arg8 : memref<!tpu.dma_semaphore, #tpu.memory_space<semaphore_mem>>)
    %scan3A = arith.constant 0 : i32
    %scan3A_7 = arith.constant 0 : i32
    %scan3A_8 = arith.constant 33 : i32
    %scan3A_9 = arith.addi %scan3A_7, %scan3A_8 : i32
    %scan3A_10 = arith.constant 1 : i32
    scf.for %scan3A_12 = %scan3A_7 to %scan3A_9 step %scan3A_10  : i32 {
      %mul3A_13 = arith.constant 2 : i32
      %mul3A_14 = arith.muli %mul3A_13, %scan3A_12 : i32
      %add3A_15 = arith.constant 1 : i32
      %add3A_16 = arith.addi %mul3A_14, %add3A_15 : i32
      %lt3A = arith.constant 65 : i32
      %lt3A_17 = arith.cmpi slt, %add3A_16, %lt3A : i32
      %convert_element_type3A = arith.extui %lt3A_17 : i1 to i32
      %cond3A = arith.constant 0 : i32
      %cond3A_18 = arith.cmpi ne, %convert_element_type3A, %cond3A : i32
      scf.if %cond3A_18 {
        %add3A_41 = arith.constant 1 : i32
        %add3A_42 = arith.addi %mul3A_14, %add3A_41 : i32
        %mul3A_43 = arith.constant 80 : i32
        %mul3A_44 = arith.muli %add3A_42, %mul3A_43 : i32
        %dma_start3A_45 = tpu.memref_slice %arg5[%mul3A_44] : memref<5200xi32, #tpu.memory_space<vmem>> -> memref<80xi32, #tpu.memory_space<vmem>>
        %dma_start3A_46 = arith.constant 0 : i32
        %dma_start3A_47 = arith.constant 0 : i32
        %dma_start3A_48 = tpu.memref_slice %arg2[%dma_start3A_46, %dma_start3A_47] : memref<10000x128xf32, #tpu.memory_space<hbm>> -> memref<10000x128xf32, #tpu.memory_space<hbm>>
        tpu.enqueue_indirect_dma source(%dma_start3A_48 : memref<10000x128xf32, #tpu.memory_space<hbm>>) target(%arg7 : memref<80x128xf32, #tpu.memory_space<vmem>>) offsets(%dma_start3A_45 : memref<80xi32, #tpu.memory_space<vmem>>) semaphore(%arg9 : memref<!tpu.dma_semaphore, #tpu.memory_space<semaphore_mem>>)
      } else {
      }
      %mul3A_19 = arith.constant 80 : i32
      %mul3A_20 = arith.muli %mul3A_14, %mul3A_19 : i32
      %dma_wait3A = tpu.memref_slice %arg5[%mul3A_20] : memref<5200xi32, #tpu.memory_space<vmem>> -> memref<80xi32, #tpu.memory_space<vmem>>
      %dma_wait3A_21 = arith.constant 0 : i32
      %dma_wait3A_22 = arith.constant 0 : i32
      %dma_wait3A_23 = tpu.memref_slice %arg2[%dma_wait3A_21, %dma_wait3A_22] : memref<10000x128xf32, #tpu.memory_space<hbm>> -> memref<10000x128xf32, #tpu.memory_space<hbm>>
      tpu.wait_indirect_dma semaphore(%arg8 : memref<!tpu.dma_semaphore, #tpu.memory_space<semaphore_mem>>) src(%dma_wait3A_23 : memref<10000x128xf32, #tpu.memory_space<hbm>>) dst(%arg6 : memref<80x128xf32, #tpu.memory_space<vmem>>)
      %mul3A_24 = arith.constant 80 : i32
      %mul3A_25 = arith.muli %mul3A_14, %mul3A_24 : i32
      %add3A_26 = arith.addi %mul3A_2, %mul3A_25 : i32
      "tpu.region"() ({
        %run_scoped3A = tpu.sem_alloc : memref<!tpu.dma_semaphore, #tpu.memory_space<semaphore_mem>>
        %dma_start3A_41 = arith.constant 0 : i32
        %dma_start3A_42 = tpu.memref_slice %arg4[%add3A_26, %dma_start3A_41] : memref<166400x128xf32, #tpu.memory_space<hbm>> -> memref<80x128xf32, #tpu.memory_space<hbm>>
        %dma_start3A_43 = arith.constant 0 : i32
        %dma_start3A_44 = tpu.memref_slice %arg4[%add3A_26, %dma_start3A_43] : memref<166400x128xf32, #tpu.memory_space<hbm>> -> memref<80x128xf32, #tpu.memory_space<hbm>>
        tpu.enqueue_dma source(%arg6 : memref<80x128xf32, #tpu.memory_space<vmem>>) target(%dma_start3A_44 : memref<80x128xf32, #tpu.memory_space<hbm>>) target_semaphore(%run_scoped3A : memref<!tpu.dma_semaphore, #tpu.memory_space<semaphore_mem>>)
        %dma_wait3A_45 = arith.constant 0 : i32
        %dma_wait3A_46 = tpu.memref_slice %arg4[%add3A_26, %dma_wait3A_45] : memref<166400x128xf32, #tpu.memory_space<hbm>> -> memref<80x128xf32, #tpu.memory_space<hbm>>
        %dma_wait3A_47 = arith.constant 0 : i32
        %dma_wait3A_48 = tpu.memref_slice %arg4[%add3A_26, %dma_wait3A_47] : memref<166400x128xf32, #tpu.memory_space<hbm>> -> memref<80x128xf32, #tpu.memory_space<hbm>>
        tpu.wait_dma2 semaphore(%run_scoped3A : memref<!tpu.dma_semaphore, #tpu.memory_space<semaphore_mem>>) src(%arg6 : memref<80x128xf32, #tpu.memory_space<vmem>>) dst(%dma_wait3A_48 : memref<80x128xf32, #tpu.memory_space<hbm>>)
        tpu.yield
      }) : () -> ()
      %add3A_27 = arith.constant 2 : i32
      %add3A_28 = arith.addi %mul3A_14, %add3A_27 : i32
      %lt3A_29 = arith.constant 65 : i32
      %lt3A_30 = arith.cmpi slt, %add3A_28, %lt3A_29 : i32
      %convert_element_type3A_31 = arith.extui %lt3A_30 : i1 to i32
      %cond3A_32 = arith.constant 0 : i32
      %cond3A_33 = arith.cmpi ne, %convert_element_type3A_31, %cond3A_32 : i32
      scf.if %cond3A_33 {
        %add3A_41 = arith.constant 2 : i32
        %add3A_42 = arith.addi %mul3A_14, %add3A_41 : i32
        %mul3A_43 = arith.constant 80 : i32
        %mul3A_44 = arith.muli %add3A_42, %mul3A_43 : i32
        %dma_start3A_45 = tpu.memref_slice %arg5[%mul3A_44] : memref<5200xi32, #tpu.memory_space<vmem>> -> memref<80xi32, #tpu.memory_space<vmem>>
        %dma_start3A_46 = arith.constant 0 : i32
        %dma_start3A_47 = arith.constant 0 : i32
        %dma_start3A_48 = tpu.memref_slice %arg2[%dma_start3A_46, %dma_start3A_47] : memref<10000x128xf32, #tpu.memory_space<hbm>> -> memref<10000x128xf32, #tpu.memory_space<hbm>>
        tpu.enqueue_indirect_dma source(%dma_start3A_48 : memref<10000x128xf32, #tpu.memory_space<hbm>>) target(%arg6 : memref<80x128xf32, #tpu.memory_space<vmem>>) offsets(%dma_start3A_45 : memref<80xi32, #tpu.memory_space<vmem>>) semaphore(%arg8 : memref<!tpu.dma_semaphore, #tpu.memory_space<semaphore_mem>>)
      } else {
      }
      %add3A_34 = arith.constant 1 : i32
      %add3A_35 = arith.addi %mul3A_14, %add3A_34 : i32
      %lt3A_36 = arith.constant 65 : i32
      %lt3A_37 = arith.cmpi slt, %add3A_35, %lt3A_36 : i32
      %convert_element_type3A_38 = arith.extui %lt3A_37 : i1 to i32
      %cond3A_39 = arith.constant 0 : i32
      %cond3A_40 = arith.cmpi ne, %convert_element_type3A_38, %cond3A_39 : i32
      scf.if %cond3A_40 {
        %add3A_41 = arith.constant 1 : i32
        %add3A_42 = arith.addi %mul3A_14, %add3A_41 : i32
        %mul3A_43 = arith.constant 80 : i32
        %mul3A_44 = arith.muli %add3A_42, %mul3A_43 : i32
        %dma_wait3A_45 = tpu.memref_slice %arg5[%mul3A_44] : memref<5200xi32, #tpu.memory_space<vmem>> -> memref<80xi32, #tpu.memory_space<vmem>>
        %dma_wait3A_46 = arith.constant 0 : i32
        %dma_wait3A_47 = arith.constant 0 : i32
        %dma_wait3A_48 = tpu.memref_slice %arg2[%dma_wait3A_46, %dma_wait3A_47] : memref<10000x128xf32, #tpu.memory_space<hbm>> -> memref<10000x128xf32, #tpu.memory_space<hbm>>
        tpu.wait_indirect_dma semaphore(%arg9 : memref<!tpu.dma_semaphore, #tpu.memory_space<semaphore_mem>>) src(%dma_wait3A_48 : memref<10000x128xf32, #tpu.memory_space<hbm>>) dst(%arg7 : memref<80x128xf32, #tpu.memory_space<vmem>>)
        %mul3A_49 = arith.constant 80 : i32
        %mul3A_50 = arith.muli %add3A_42, %mul3A_49 : i32
        %add3A_51 = arith.addi %mul3A_2, %mul3A_50 : i32
        "tpu.region"() ({
          %run_scoped3A = tpu.sem_alloc : memref<!tpu.dma_semaphore, #tpu.memory_space<semaphore_mem>>
          %dma_start3A_52 = arith.constant 0 : i32
          %dma_start3A_53 = tpu.memref_slice %arg4[%add3A_51, %dma_start3A_52] : memref<166400x128xf32, #tpu.memory_space<hbm>> -> memref<80x128xf32, #tpu.memory_space<hbm>>
          %dma_start3A_54 = arith.constant 0 : i32
          %dma_start3A_55 = tpu.memref_slice %arg4[%add3A_51, %dma_start3A_54] : memref<166400x128xf32, #tpu.memory_space<hbm>> -> memref<80x128xf32, #tpu.memory_space<hbm>>
          tpu.enqueue_dma source(%arg7 : memref<80x128xf32, #tpu.memory_space<vmem>>) target(%dma_start3A_55 : memref<80x128xf32, #tpu.memory_space<hbm>>) target_semaphore(%run_scoped3A : memref<!tpu.dma_semaphore, #tpu.memory_space<semaphore_mem>>)
          %dma_wait3A_56 = arith.constant 0 : i32
          %dma_wait3A_57 = tpu.memref_slice %arg4[%add3A_51, %dma_wait3A_56] : memref<166400x128xf32, #tpu.memory_space<hbm>> -> memref<80x128xf32, #tpu.memory_space<hbm>>
          %dma_wait3A_58 = arith.constant 0 : i32
          %dma_wait3A_59 = tpu.memref_slice %arg4[%add3A_51, %dma_wait3A_58] : memref<166400x128xf32, #tpu.memory_space<hbm>> -> memref<80x128xf32, #tpu.memory_space<hbm>>
          tpu.wait_dma2 semaphore(%run_scoped3A : memref<!tpu.dma_semaphore, #tpu.memory_space<semaphore_mem>>) src(%arg7 : memref<80x128xf32, #tpu.memory_space<vmem>>) dst(%dma_wait3A_59 : memref<80x128xf32, #tpu.memory_space<hbm>>)
          tpu.yield
        }) : () -> ()
      } else {
      }
    }
    %scan3A_11 = arith.constant 33 : i32
    return
  }
}

#map = affine_map<(d0, d1) -> (0, 0)>
#map1 = affine_map<(d0, d1) -> (0)>
module attributes {stable_mosaic.version = 14 : i64} {
  func.func @_gather_body(%arg0: i32, %arg1: i32, %arg2: memref<10000x128xf32, #tpu.memory_space<hbm>>, %arg3: memref<153600xi32, #tpu.memory_space<hbm>>, %arg4: memref<153600x128xf32, #tpu.memory_space<hbm>>, %arg5: memref<4800xi32, #tpu.memory_space<vmem>>, %arg6: memref<80x128xf32, #tpu.memory_space<vmem>>, %arg7: memref<80x128xf32, #tpu.memory_space<vmem>>, %arg8: memref<!tpu.dma_semaphore, #tpu.memory_space<semaphore_mem>>, %arg9: memref<!tpu.dma_semaphore, #tpu.memory_space<semaphore_mem>>) attributes {dimension_semantics = [#tpu.dimension_semantics<core_parallel>, #tpu.dimension_semantics<subcore_parallel>], iteration_bounds = array<i64: 2, 16>, scalar_prefetch = 0 : i64, scratch_operands = 5 : i64, tpu.core_type = #tpu.core_type<sc_vector_subcore>, window_params = [{transform_indices = #map}, {transform_indices = #map1}, {transform_indices = #map}]} {
    %mul3A = arith.constant 2 : i32
    %mul3A_0 = arith.muli %arg1, %mul3A : i32
    %add3A = arith.addi %mul3A_0, %arg0 : i32
    %mul3A_1 = arith.constant 4800 : i32
    %mul3A_2 = arith.muli %add3A, %mul3A_1 : i32
    "tpu.region"() ({
      %run_scoped3A = tpu.sem_alloc : memref<!tpu.dma_semaphore, #tpu.memory_space<semaphore_mem>>
      %dma_start3A_12 = tpu.memref_slice %arg3[%mul3A_2] : memref<153600xi32, #tpu.memory_space<hbm>> -> memref<4800xi32, #tpu.memory_space<hbm>>
      %dma_start3A_13 = tpu.memref_slice %arg3[%mul3A_2] : memref<153600xi32, #tpu.memory_space<hbm>> -> memref<4800xi32, #tpu.memory_space<hbm>>
      tpu.enqueue_dma source(%dma_start3A_13 : memref<4800xi32, #tpu.memory_space<hbm>>) target(%arg5 : memref<4800xi32, #tpu.memory_space<vmem>>) target_semaphore(%run_scoped3A : memref<!tpu.dma_semaphore, #tpu.memory_space<semaphore_mem>>)
      %dma_wait3A = tpu.memref_slice %arg3[%mul3A_2] : memref<153600xi32, #tpu.memory_space<hbm>> -> memref<4800xi32, #tpu.memory_space<hbm>>
      %dma_wait3A_14 = tpu.memref_slice %arg3[%mul3A_2] : memref<153600xi32, #tpu.memory_space<hbm>> -> memref<4800xi32, #tpu.memory_space<hbm>>
      tpu.wait_dma2 semaphore(%run_scoped3A : memref<!tpu.dma_semaphore, #tpu.memory_space<semaphore_mem>>) src(%dma_wait3A_14 : memref<4800xi32, #tpu.memory_space<hbm>>) dst(%arg5 : memref<4800xi32, #tpu.memory_space<vmem>>)
      tpu.yield
    }) : () -> ()
    %dma_start3A = arith.constant 0 : i32
    %dma_start3A_3 = tpu.memref_slice %arg5[%dma_start3A] : memref<4800xi32, #tpu.memory_space<vmem>> -> memref<80xi32, #tpu.memory_space<vmem>>
    %dma_start3A_4 = arith.constant 0 : i32
    %dma_start3A_5 = arith.constant 0 : i32
    %dma_start3A_6 = tpu.memref_slice %arg2[%dma_start3A_4, %dma_start3A_5] : memref<10000x128xf32, #tpu.memory_space<hbm>> -> memref<10000x128xf32, #tpu.memory_space<hbm>>
    tpu.enqueue_indirect_dma source(%dma_start3A_6 : memref<10000x128xf32, #tpu.memory_space<hbm>>) target(%arg6 : memref<80x128xf32, #tpu.memory_space<vmem>>) offsets(%dma_start3A_3 : memref<80xi32, #tpu.memory_space<vmem>>) semaphore(%arg8 : memref<!tpu.dma_semaphore, #tpu.memory_space<semaphore_mem>>)
    %scan3A = arith.constant 0 : i32
    %scan3A_7 = arith.constant 0 : i32
    %scan3A_8 = arith.constant 30 : i32
    %scan3A_9 = arith.addi %scan3A_7, %scan3A_8 : i32
    %scan3A_10 = arith.constant 1 : i32
    scf.for %scan3A_12 = %scan3A_7 to %scan3A_9 step %scan3A_10  : i32 {
      %mul3A_13 = arith.constant 2 : i32
      %mul3A_14 = arith.muli %mul3A_13, %scan3A_12 : i32
      %add3A_15 = arith.constant 1 : i32
      %add3A_16 = arith.addi %mul3A_14, %add3A_15 : i32
      %lt3A = arith.constant 60 : i32
      %lt3A_17 = arith.cmpi slt, %add3A_16, %lt3A : i32
      %convert_element_type3A = arith.extui %lt3A_17 : i1 to i32
      %cond3A = arith.constant 0 : i32
      %cond3A_18 = arith.cmpi ne, %convert_element_type3A, %cond3A : i32
      scf.if %cond3A_18 {
        %add3A_41 = arith.constant 1 : i32
        %add3A_42 = arith.addi %mul3A_14, %add3A_41 : i32
        %mul3A_43 = arith.constant 80 : i32
        %mul3A_44 = arith.muli %add3A_42, %mul3A_43 : i32
        %dma_start3A_45 = tpu.memref_slice %arg5[%mul3A_44] : memref<4800xi32, #tpu.memory_space<vmem>> -> memref<80xi32, #tpu.memory_space<vmem>>
        %dma_start3A_46 = arith.constant 0 : i32
        %dma_start3A_47 = arith.constant 0 : i32
        %dma_start3A_48 = tpu.memref_slice %arg2[%dma_start3A_46, %dma_start3A_47] : memref<10000x128xf32, #tpu.memory_space<hbm>> -> memref<10000x128xf32, #tpu.memory_space<hbm>>
        tpu.enqueue_indirect_dma source(%dma_start3A_48 : memref<10000x128xf32, #tpu.memory_space<hbm>>) target(%arg7 : memref<80x128xf32, #tpu.memory_space<vmem>>) offsets(%dma_start3A_45 : memref<80xi32, #tpu.memory_space<vmem>>) semaphore(%arg9 : memref<!tpu.dma_semaphore, #tpu.memory_space<semaphore_mem>>)
      } else {
      }
      %mul3A_19 = arith.constant 80 : i32
      %mul3A_20 = arith.muli %mul3A_14, %mul3A_19 : i32
      %dma_wait3A = tpu.memref_slice %arg5[%mul3A_20] : memref<4800xi32, #tpu.memory_space<vmem>> -> memref<80xi32, #tpu.memory_space<vmem>>
      %dma_wait3A_21 = arith.constant 0 : i32
      %dma_wait3A_22 = arith.constant 0 : i32
      %dma_wait3A_23 = tpu.memref_slice %arg2[%dma_wait3A_21, %dma_wait3A_22] : memref<10000x128xf32, #tpu.memory_space<hbm>> -> memref<10000x128xf32, #tpu.memory_space<hbm>>
      tpu.wait_indirect_dma semaphore(%arg8 : memref<!tpu.dma_semaphore, #tpu.memory_space<semaphore_mem>>) src(%dma_wait3A_23 : memref<10000x128xf32, #tpu.memory_space<hbm>>) dst(%arg6 : memref<80x128xf32, #tpu.memory_space<vmem>>)
      %mul3A_24 = arith.constant 80 : i32
      %mul3A_25 = arith.muli %mul3A_14, %mul3A_24 : i32
      %add3A_26 = arith.addi %mul3A_2, %mul3A_25 : i32
      "tpu.region"() ({
        %run_scoped3A = tpu.sem_alloc : memref<!tpu.dma_semaphore, #tpu.memory_space<semaphore_mem>>
        %dma_start3A_41 = arith.constant 0 : i32
        %dma_start3A_42 = tpu.memref_slice %arg4[%add3A_26, %dma_start3A_41] : memref<153600x128xf32, #tpu.memory_space<hbm>> -> memref<80x128xf32, #tpu.memory_space<hbm>>
        %dma_start3A_43 = arith.constant 0 : i32
        %dma_start3A_44 = tpu.memref_slice %arg4[%add3A_26, %dma_start3A_43] : memref<153600x128xf32, #tpu.memory_space<hbm>> -> memref<80x128xf32, #tpu.memory_space<hbm>>
        tpu.enqueue_dma source(%arg6 : memref<80x128xf32, #tpu.memory_space<vmem>>) target(%dma_start3A_44 : memref<80x128xf32, #tpu.memory_space<hbm>>) target_semaphore(%run_scoped3A : memref<!tpu.dma_semaphore, #tpu.memory_space<semaphore_mem>>)
        %dma_wait3A_45 = arith.constant 0 : i32
        %dma_wait3A_46 = tpu.memref_slice %arg4[%add3A_26, %dma_wait3A_45] : memref<153600x128xf32, #tpu.memory_space<hbm>> -> memref<80x128xf32, #tpu.memory_space<hbm>>
        %dma_wait3A_47 = arith.constant 0 : i32
        %dma_wait3A_48 = tpu.memref_slice %arg4[%add3A_26, %dma_wait3A_47] : memref<153600x128xf32, #tpu.memory_space<hbm>> -> memref<80x128xf32, #tpu.memory_space<hbm>>
        tpu.wait_dma2 semaphore(%run_scoped3A : memref<!tpu.dma_semaphore, #tpu.memory_space<semaphore_mem>>) src(%arg6 : memref<80x128xf32, #tpu.memory_space<vmem>>) dst(%dma_wait3A_48 : memref<80x128xf32, #tpu.memory_space<hbm>>)
        tpu.yield
      }) : () -> ()
      %add3A_27 = arith.constant 2 : i32
      %add3A_28 = arith.addi %mul3A_14, %add3A_27 : i32
      %lt3A_29 = arith.constant 60 : i32
      %lt3A_30 = arith.cmpi slt, %add3A_28, %lt3A_29 : i32
      %convert_element_type3A_31 = arith.extui %lt3A_30 : i1 to i32
      %cond3A_32 = arith.constant 0 : i32
      %cond3A_33 = arith.cmpi ne, %convert_element_type3A_31, %cond3A_32 : i32
      scf.if %cond3A_33 {
        %add3A_41 = arith.constant 2 : i32
        %add3A_42 = arith.addi %mul3A_14, %add3A_41 : i32
        %mul3A_43 = arith.constant 80 : i32
        %mul3A_44 = arith.muli %add3A_42, %mul3A_43 : i32
        %dma_start3A_45 = tpu.memref_slice %arg5[%mul3A_44] : memref<4800xi32, #tpu.memory_space<vmem>> -> memref<80xi32, #tpu.memory_space<vmem>>
        %dma_start3A_46 = arith.constant 0 : i32
        %dma_start3A_47 = arith.constant 0 : i32
        %dma_start3A_48 = tpu.memref_slice %arg2[%dma_start3A_46, %dma_start3A_47] : memref<10000x128xf32, #tpu.memory_space<hbm>> -> memref<10000x128xf32, #tpu.memory_space<hbm>>
        tpu.enqueue_indirect_dma source(%dma_start3A_48 : memref<10000x128xf32, #tpu.memory_space<hbm>>) target(%arg6 : memref<80x128xf32, #tpu.memory_space<vmem>>) offsets(%dma_start3A_45 : memref<80xi32, #tpu.memory_space<vmem>>) semaphore(%arg8 : memref<!tpu.dma_semaphore, #tpu.memory_space<semaphore_mem>>)
      } else {
      }
      %add3A_34 = arith.constant 1 : i32
      %add3A_35 = arith.addi %mul3A_14, %add3A_34 : i32
      %lt3A_36 = arith.constant 60 : i32
      %lt3A_37 = arith.cmpi slt, %add3A_35, %lt3A_36 : i32
      %convert_element_type3A_38 = arith.extui %lt3A_37 : i1 to i32
      %cond3A_39 = arith.constant 0 : i32
      %cond3A_40 = arith.cmpi ne, %convert_element_type3A_38, %cond3A_39 : i32
      scf.if %cond3A_40 {
        %add3A_41 = arith.constant 1 : i32
        %add3A_42 = arith.addi %mul3A_14, %add3A_41 : i32
        %mul3A_43 = arith.constant 80 : i32
        %mul3A_44 = arith.muli %add3A_42, %mul3A_43 : i32
        %dma_wait3A_45 = tpu.memref_slice %arg5[%mul3A_44] : memref<4800xi32, #tpu.memory_space<vmem>> -> memref<80xi32, #tpu.memory_space<vmem>>
        %dma_wait3A_46 = arith.constant 0 : i32
        %dma_wait3A_47 = arith.constant 0 : i32
        %dma_wait3A_48 = tpu.memref_slice %arg2[%dma_wait3A_46, %dma_wait3A_47] : memref<10000x128xf32, #tpu.memory_space<hbm>> -> memref<10000x128xf32, #tpu.memory_space<hbm>>
        tpu.wait_indirect_dma semaphore(%arg9 : memref<!tpu.dma_semaphore, #tpu.memory_space<semaphore_mem>>) src(%dma_wait3A_48 : memref<10000x128xf32, #tpu.memory_space<hbm>>) dst(%arg7 : memref<80x128xf32, #tpu.memory_space<vmem>>)
        %mul3A_49 = arith.constant 80 : i32
        %mul3A_50 = arith.muli %add3A_42, %mul3A_49 : i32
        %add3A_51 = arith.addi %mul3A_2, %mul3A_50 : i32
        "tpu.region"() ({
          %run_scoped3A = tpu.sem_alloc : memref<!tpu.dma_semaphore, #tpu.memory_space<semaphore_mem>>
          %dma_start3A_52 = arith.constant 0 : i32
          %dma_start3A_53 = tpu.memref_slice %arg4[%add3A_51, %dma_start3A_52] : memref<153600x128xf32, #tpu.memory_space<hbm>> -> memref<80x128xf32, #tpu.memory_space<hbm>>
          %dma_start3A_54 = arith.constant 0 : i32
          %dma_start3A_55 = tpu.memref_slice %arg4[%add3A_51, %dma_start3A_54] : memref<153600x128xf32, #tpu.memory_space<hbm>> -> memref<80x128xf32, #tpu.memory_space<hbm>>
          tpu.enqueue_dma source(%arg7 : memref<80x128xf32, #tpu.memory_space<vmem>>) target(%dma_start3A_55 : memref<80x128xf32, #tpu.memory_space<hbm>>) target_semaphore(%run_scoped3A : memref<!tpu.dma_semaphore, #tpu.memory_space<semaphore_mem>>)
          %dma_wait3A_56 = arith.constant 0 : i32
          %dma_wait3A_57 = tpu.memref_slice %arg4[%add3A_51, %dma_wait3A_56] : memref<153600x128xf32, #tpu.memory_space<hbm>> -> memref<80x128xf32, #tpu.memory_space<hbm>>
          %dma_wait3A_58 = arith.constant 0 : i32
          %dma_wait3A_59 = tpu.memref_slice %arg4[%add3A_51, %dma_wait3A_58] : memref<153600x128xf32, #tpu.memory_space<hbm>> -> memref<80x128xf32, #tpu.memory_space<hbm>>
          tpu.wait_dma2 semaphore(%run_scoped3A : memref<!tpu.dma_semaphore, #tpu.memory_space<semaphore_mem>>) src(%arg7 : memref<80x128xf32, #tpu.memory_space<vmem>>) dst(%dma_wait3A_59 : memref<80x128xf32, #tpu.memory_space<hbm>>)
          tpu.yield
        }) : () -> ()
      } else {
      }
    }
    %scan3A_11 = arith.constant 30 : i32
    return
  }
}

#map = affine_map<(d0, d1) -> (0, 0)>
#map1 = affine_map<(d0, d1) -> (0)>
module attributes {stable_mosaic.version = 14 : i64} {
  func.func @_gather_body(%arg0: i32, %arg1: i32, %arg2: memref<10000x128xf32, #tpu.memory_space<hbm>>, %arg3: memref<166400xi32, #tpu.memory_space<hbm>>, %arg4: memref<166400x128xf32, #tpu.memory_space<hbm>>, %arg5: memref<5200xi32, #tpu.memory_space<vmem>>, %arg6: memref<80x128xf32, #tpu.memory_space<vmem>>, %arg7: memref<80x128xf32, #tpu.memory_space<vmem>>, %arg8: memref<!tpu.dma_semaphore, #tpu.memory_space<semaphore_mem>>, %arg9: memref<!tpu.dma_semaphore, #tpu.memory_space<semaphore_mem>>) attributes {dimension_semantics = [#tpu.dimension_semantics<core_parallel>, #tpu.dimension_semantics<subcore_parallel>], iteration_bounds = array<i64: 2, 16>, scalar_prefetch = 0 : i64, scratch_operands = 5 : i64, tpu.core_type = #tpu.core_type<sc_vector_subcore>, window_params = [{transform_indices = #map}, {transform_indices = #map1}, {transform_indices = #map}]} {
    %mul3A = arith.constant 2 : i32
    %mul3A_0 = arith.muli %arg1, %mul3A : i32
    %add3A = arith.addi %mul3A_0, %arg0 : i32
    %mul3A_1 = arith.constant 5200 : i32
    %mul3A_2 = arith.muli %add3A, %mul3A_1 : i32
    "tpu.region"() ({
      %run_scoped3A = tpu.sem_alloc : memref<!tpu.dma_semaphore, #tpu.memory_space<semaphore_mem>>
      %dma_start3A_12 = tpu.memref_slice %arg3[%mul3A_2] : memref<166400xi32, #tpu.memory_space<hbm>> -> memref<5200xi32, #tpu.memory_space<hbm>>
      %dma_start3A_13 = tpu.memref_slice %arg3[%mul3A_2] : memref<166400xi32, #tpu.memory_space<hbm>> -> memref<5200xi32, #tpu.memory_space<hbm>>
      tpu.enqueue_dma source(%dma_start3A_13 : memref<5200xi32, #tpu.memory_space<hbm>>) target(%arg5 : memref<5200xi32, #tpu.memory_space<vmem>>) target_semaphore(%run_scoped3A : memref<!tpu.dma_semaphore, #tpu.memory_space<semaphore_mem>>)
      %dma_wait3A = tpu.memref_slice %arg3[%mul3A_2] : memref<166400xi32, #tpu.memory_space<hbm>> -> memref<5200xi32, #tpu.memory_space<hbm>>
      %dma_wait3A_14 = tpu.memref_slice %arg3[%mul3A_2] : memref<166400xi32, #tpu.memory_space<hbm>> -> memref<5200xi32, #tpu.memory_space<hbm>>
      tpu.wait_dma2 semaphore(%run_scoped3A : memref<!tpu.dma_semaphore, #tpu.memory_space<semaphore_mem>>) src(%dma_wait3A_14 : memref<5200xi32, #tpu.memory_space<hbm>>) dst(%arg5 : memref<5200xi32, #tpu.memory_space<vmem>>)
      tpu.yield
    }) : () -> ()
    %dma_start3A = arith.constant 0 : i32
    %dma_start3A_3 = tpu.memref_slice %arg5[%dma_start3A] : memref<5200xi32, #tpu.memory_space<vmem>> -> memref<80xi32, #tpu.memory_space<vmem>>
    %dma_start3A_4 = arith.constant 0 : i32
    %dma_start3A_5 = arith.constant 0 : i32
    %dma_start3A_6 = tpu.memref_slice %arg2[%dma_start3A_4, %dma_start3A_5] : memref<10000x128xf32, #tpu.memory_space<hbm>> -> memref<10000x128xf32, #tpu.memory_space<hbm>>
    tpu.enqueue_indirect_dma source(%dma_start3A_6 : memref<10000x128xf32, #tpu.memory_space<hbm>>) target(%arg6 : memref<80x128xf32, #tpu.memory_space<vmem>>) offsets(%dma_start3A_3 : memref<80xi32, #tpu.memory_space<vmem>>) semaphore(%arg8 : memref<!tpu.dma_semaphore, #tpu.memory_space<semaphore_mem>>)
    %scan3A = arith.constant 0 : i32
    %scan3A_7 = arith.constant 0 : i32
    %scan3A_8 = arith.constant 33 : i32
    %scan3A_9 = arith.addi %scan3A_7, %scan3A_8 : i32
    %scan3A_10 = arith.constant 1 : i32
    scf.for %scan3A_12 = %scan3A_7 to %scan3A_9 step %scan3A_10  : i32 {
      %mul3A_13 = arith.constant 2 : i32
      %mul3A_14 = arith.muli %mul3A_13, %scan3A_12 : i32
      %add3A_15 = arith.constant 1 : i32
      %add3A_16 = arith.addi %mul3A_14, %add3A_15 : i32
      %lt3A = arith.constant 65 : i32
      %lt3A_17 = arith.cmpi slt, %add3A_16, %lt3A : i32
      %convert_element_type3A = arith.extui %lt3A_17 : i1 to i32
      %cond3A = arith.constant 0 : i32
      %cond3A_18 = arith.cmpi ne, %convert_element_type3A, %cond3A : i32
      scf.if %cond3A_18 {
        %add3A_41 = arith.constant 1 : i32
        %add3A_42 = arith.addi %mul3A_14, %add3A_41 : i32
        %mul3A_43 = arith.constant 80 : i32
        %mul3A_44 = arith.muli %add3A_42, %mul3A_43 : i32
        %dma_start3A_45 = tpu.memref_slice %arg5[%mul3A_44] : memref<5200xi32, #tpu.memory_space<vmem>> -> memref<80xi32, #tpu.memory_space<vmem>>
        %dma_start3A_46 = arith.constant 0 : i32
        %dma_start3A_47 = arith.constant 0 : i32
        %dma_start3A_48 = tpu.memref_slice %arg2[%dma_start3A_46, %dma_start3A_47] : memref<10000x128xf32, #tpu.memory_space<hbm>> -> memref<10000x128xf32, #tpu.memory_space<hbm>>
        tpu.enqueue_indirect_dma source(%dma_start3A_48 : memref<10000x128xf32, #tpu.memory_space<hbm>>) target(%arg7 : memref<80x128xf32, #tpu.memory_space<vmem>>) offsets(%dma_start3A_45 : memref<80xi32, #tpu.memory_space<vmem>>) semaphore(%arg9 : memref<!tpu.dma_semaphore, #tpu.memory_space<semaphore_mem>>)
      } else {
      }
      %mul3A_19 = arith.constant 80 : i32
      %mul3A_20 = arith.muli %mul3A_14, %mul3A_19 : i32
      %dma_wait3A = tpu.memref_slice %arg5[%mul3A_20] : memref<5200xi32, #tpu.memory_space<vmem>> -> memref<80xi32, #tpu.memory_space<vmem>>
      %dma_wait3A_21 = arith.constant 0 : i32
      %dma_wait3A_22 = arith.constant 0 : i32
      %dma_wait3A_23 = tpu.memref_slice %arg2[%dma_wait3A_21, %dma_wait3A_22] : memref<10000x128xf32, #tpu.memory_space<hbm>> -> memref<10000x128xf32, #tpu.memory_space<hbm>>
      tpu.wait_indirect_dma semaphore(%arg8 : memref<!tpu.dma_semaphore, #tpu.memory_space<semaphore_mem>>) src(%dma_wait3A_23 : memref<10000x128xf32, #tpu.memory_space<hbm>>) dst(%arg6 : memref<80x128xf32, #tpu.memory_space<vmem>>)
      %mul3A_24 = arith.constant 80 : i32
      %mul3A_25 = arith.muli %mul3A_14, %mul3A_24 : i32
      %add3A_26 = arith.addi %mul3A_2, %mul3A_25 : i32
      "tpu.region"() ({
        %run_scoped3A = tpu.sem_alloc : memref<!tpu.dma_semaphore, #tpu.memory_space<semaphore_mem>>
        %dma_start3A_41 = arith.constant 0 : i32
        %dma_start3A_42 = tpu.memref_slice %arg4[%add3A_26, %dma_start3A_41] : memref<166400x128xf32, #tpu.memory_space<hbm>> -> memref<80x128xf32, #tpu.memory_space<hbm>>
        %dma_start3A_43 = arith.constant 0 : i32
        %dma_start3A_44 = tpu.memref_slice %arg4[%add3A_26, %dma_start3A_43] : memref<166400x128xf32, #tpu.memory_space<hbm>> -> memref<80x128xf32, #tpu.memory_space<hbm>>
        tpu.enqueue_dma source(%arg6 : memref<80x128xf32, #tpu.memory_space<vmem>>) target(%dma_start3A_44 : memref<80x128xf32, #tpu.memory_space<hbm>>) target_semaphore(%run_scoped3A : memref<!tpu.dma_semaphore, #tpu.memory_space<semaphore_mem>>)
        %dma_wait3A_45 = arith.constant 0 : i32
        %dma_wait3A_46 = tpu.memref_slice %arg4[%add3A_26, %dma_wait3A_45] : memref<166400x128xf32, #tpu.memory_space<hbm>> -> memref<80x128xf32, #tpu.memory_space<hbm>>
        %dma_wait3A_47 = arith.constant 0 : i32
        %dma_wait3A_48 = tpu.memref_slice %arg4[%add3A_26, %dma_wait3A_47] : memref<166400x128xf32, #tpu.memory_space<hbm>> -> memref<80x128xf32, #tpu.memory_space<hbm>>
        tpu.wait_dma2 semaphore(%run_scoped3A : memref<!tpu.dma_semaphore, #tpu.memory_space<semaphore_mem>>) src(%arg6 : memref<80x128xf32, #tpu.memory_space<vmem>>) dst(%dma_wait3A_48 : memref<80x128xf32, #tpu.memory_space<hbm>>)
        tpu.yield
      }) : () -> ()
      %add3A_27 = arith.constant 2 : i32
      %add3A_28 = arith.addi %mul3A_14, %add3A_27 : i32
      %lt3A_29 = arith.constant 65 : i32
      %lt3A_30 = arith.cmpi slt, %add3A_28, %lt3A_29 : i32
      %convert_element_type3A_31 = arith.extui %lt3A_30 : i1 to i32
      %cond3A_32 = arith.constant 0 : i32
      %cond3A_33 = arith.cmpi ne, %convert_element_type3A_31, %cond3A_32 : i32
      scf.if %cond3A_33 {
        %add3A_41 = arith.constant 2 : i32
        %add3A_42 = arith.addi %mul3A_14, %add3A_41 : i32
        %mul3A_43 = arith.constant 80 : i32
        %mul3A_44 = arith.muli %add3A_42, %mul3A_43 : i32
        %dma_start3A_45 = tpu.memref_slice %arg5[%mul3A_44] : memref<5200xi32, #tpu.memory_space<vmem>> -> memref<80xi32, #tpu.memory_space<vmem>>
        %dma_start3A_46 = arith.constant 0 : i32
        %dma_start3A_47 = arith.constant 0 : i32
        %dma_start3A_48 = tpu.memref_slice %arg2[%dma_start3A_46, %dma_start3A_47] : memref<10000x128xf32, #tpu.memory_space<hbm>> -> memref<10000x128xf32, #tpu.memory_space<hbm>>
        tpu.enqueue_indirect_dma source(%dma_start3A_48 : memref<10000x128xf32, #tpu.memory_space<hbm>>) target(%arg6 : memref<80x128xf32, #tpu.memory_space<vmem>>) offsets(%dma_start3A_45 : memref<80xi32, #tpu.memory_space<vmem>>) semaphore(%arg8 : memref<!tpu.dma_semaphore, #tpu.memory_space<semaphore_mem>>)
      } else {
      }
      %add3A_34 = arith.constant 1 : i32
      %add3A_35 = arith.addi %mul3A_14, %add3A_34 : i32
      %lt3A_36 = arith.constant 65 : i32
      %lt3A_37 = arith.cmpi slt, %add3A_35, %lt3A_36 : i32
      %convert_element_type3A_38 = arith.extui %lt3A_37 : i1 to i32
      %cond3A_39 = arith.constant 0 : i32
      %cond3A_40 = arith.cmpi ne, %convert_element_type3A_38, %cond3A_39 : i32
      scf.if %cond3A_40 {
        %add3A_41 = arith.constant 1 : i32
        %add3A_42 = arith.addi %mul3A_14, %add3A_41 : i32
        %mul3A_43 = arith.constant 80 : i32
        %mul3A_44 = arith.muli %add3A_42, %mul3A_43 : i32
        %dma_wait3A_45 = tpu.memref_slice %arg5[%mul3A_44] : memref<5200xi32, #tpu.memory_space<vmem>> -> memref<80xi32, #tpu.memory_space<vmem>>
        %dma_wait3A_46 = arith.constant 0 : i32
        %dma_wait3A_47 = arith.constant 0 : i32
        %dma_wait3A_48 = tpu.memref_slice %arg2[%dma_wait3A_46, %dma_wait3A_47] : memref<10000x128xf32, #tpu.memory_space<hbm>> -> memref<10000x128xf32, #tpu.memory_space<hbm>>
        tpu.wait_indirect_dma semaphore(%arg9 : memref<!tpu.dma_semaphore, #tpu.memory_space<semaphore_mem>>) src(%dma_wait3A_48 : memref<10000x128xf32, #tpu.memory_space<hbm>>) dst(%arg7 : memref<80x128xf32, #tpu.memory_space<vmem>>)
        %mul3A_49 = arith.constant 80 : i32
        %mul3A_50 = arith.muli %add3A_42, %mul3A_49 : i32
        %add3A_51 = arith.addi %mul3A_2, %mul3A_50 : i32
        "tpu.region"() ({
          %run_scoped3A = tpu.sem_alloc : memref<!tpu.dma_semaphore, #tpu.memory_space<semaphore_mem>>
          %dma_start3A_52 = arith.constant 0 : i32
          %dma_start3A_53 = tpu.memref_slice %arg4[%add3A_51, %dma_start3A_52] : memref<166400x128xf32, #tpu.memory_space<hbm>> -> memref<80x128xf32, #tpu.memory_space<hbm>>
          %dma_start3A_54 = arith.constant 0 : i32
          %dma_start3A_55 = tpu.memref_slice %arg4[%add3A_51, %dma_start3A_54] : memref<166400x128xf32, #tpu.memory_space<hbm>> -> memref<80x128xf32, #tpu.memory_space<hbm>>
          tpu.enqueue_dma source(%arg7 : memref<80x128xf32, #tpu.memory_space<vmem>>) target(%dma_start3A_55 : memref<80x128xf32, #tpu.memory_space<hbm>>) target_semaphore(%run_scoped3A : memref<!tpu.dma_semaphore, #tpu.memory_space<semaphore_mem>>)
          %dma_wait3A_56 = arith.constant 0 : i32
          %dma_wait3A_57 = tpu.memref_slice %arg4[%add3A_51, %dma_wait3A_56] : memref<166400x128xf32, #tpu.memory_space<hbm>> -> memref<80x128xf32, #tpu.memory_space<hbm>>
          %dma_wait3A_58 = arith.constant 0 : i32
          %dma_wait3A_59 = tpu.memref_slice %arg4[%add3A_51, %dma_wait3A_58] : memref<166400x128xf32, #tpu.memory_space<hbm>> -> memref<80x128xf32, #tpu.memory_space<hbm>>
          tpu.wait_dma2 semaphore(%run_scoped3A : memref<!tpu.dma_semaphore, #tpu.memory_space<semaphore_mem>>) src(%arg7 : memref<80x128xf32, #tpu.memory_space<vmem>>) dst(%dma_wait3A_59 : memref<80x128xf32, #tpu.memory_space<hbm>>)
          tpu.yield
        }) : () -> ()
      } else {
      }
    }
    %scan3A_11 = arith.constant 33 : i32
    return
  }
}

#map = affine_map<(d0, d1) -> (0, 0)>
#map1 = affine_map<(d0, d1) -> (0)>
module attributes {stable_mosaic.version = 14 : i64} {
  func.func @_gather_body(%arg0: i32, %arg1: i32, %arg2: memref<10000x128xf32, #tpu.memory_space<hbm>>, %arg3: memref<153600xi32, #tpu.memory_space<hbm>>, %arg4: memref<153600x128xf32, #tpu.memory_space<hbm>>, %arg5: memref<4800xi32, #tpu.memory_space<vmem>>, %arg6: memref<80x128xf32, #tpu.memory_space<vmem>>, %arg7: memref<80x128xf32, #tpu.memory_space<vmem>>, %arg8: memref<!tpu.dma_semaphore, #tpu.memory_space<semaphore_mem>>, %arg9: memref<!tpu.dma_semaphore, #tpu.memory_space<semaphore_mem>>) attributes {dimension_semantics = [#tpu.dimension_semantics<core_parallel>, #tpu.dimension_semantics<subcore_parallel>], iteration_bounds = array<i64: 2, 16>, scalar_prefetch = 0 : i64, scratch_operands = 5 : i64, tpu.core_type = #tpu.core_type<sc_vector_subcore>, window_params = [{transform_indices = #map}, {transform_indices = #map1}, {transform_indices = #map}]} {
    %mul3A = arith.constant 2 : i32
    %mul3A_0 = arith.muli %arg1, %mul3A : i32
    %add3A = arith.addi %mul3A_0, %arg0 : i32
    %mul3A_1 = arith.constant 4800 : i32
    %mul3A_2 = arith.muli %add3A, %mul3A_1 : i32
    "tpu.region"() ({
      %run_scoped3A = tpu.sem_alloc : memref<!tpu.dma_semaphore, #tpu.memory_space<semaphore_mem>>
      %dma_start3A_12 = tpu.memref_slice %arg3[%mul3A_2] : memref<153600xi32, #tpu.memory_space<hbm>> -> memref<4800xi32, #tpu.memory_space<hbm>>
      %dma_start3A_13 = tpu.memref_slice %arg3[%mul3A_2] : memref<153600xi32, #tpu.memory_space<hbm>> -> memref<4800xi32, #tpu.memory_space<hbm>>
      tpu.enqueue_dma source(%dma_start3A_13 : memref<4800xi32, #tpu.memory_space<hbm>>) target(%arg5 : memref<4800xi32, #tpu.memory_space<vmem>>) target_semaphore(%run_scoped3A : memref<!tpu.dma_semaphore, #tpu.memory_space<semaphore_mem>>)
      %dma_wait3A = tpu.memref_slice %arg3[%mul3A_2] : memref<153600xi32, #tpu.memory_space<hbm>> -> memref<4800xi32, #tpu.memory_space<hbm>>
      %dma_wait3A_14 = tpu.memref_slice %arg3[%mul3A_2] : memref<153600xi32, #tpu.memory_space<hbm>> -> memref<4800xi32, #tpu.memory_space<hbm>>
      tpu.wait_dma2 semaphore(%run_scoped3A : memref<!tpu.dma_semaphore, #tpu.memory_space<semaphore_mem>>) src(%dma_wait3A_14 : memref<4800xi32, #tpu.memory_space<hbm>>) dst(%arg5 : memref<4800xi32, #tpu.memory_space<vmem>>)
      tpu.yield
    }) : () -> ()
    %dma_start3A = arith.constant 0 : i32
    %dma_start3A_3 = tpu.memref_slice %arg5[%dma_start3A] : memref<4800xi32, #tpu.memory_space<vmem>> -> memref<80xi32, #tpu.memory_space<vmem>>
    %dma_start3A_4 = arith.constant 0 : i32
    %dma_start3A_5 = arith.constant 0 : i32
    %dma_start3A_6 = tpu.memref_slice %arg2[%dma_start3A_4, %dma_start3A_5] : memref<10000x128xf32, #tpu.memory_space<hbm>> -> memref<10000x128xf32, #tpu.memory_space<hbm>>
    tpu.enqueue_indirect_dma source(%dma_start3A_6 : memref<10000x128xf32, #tpu.memory_space<hbm>>) target(%arg6 : memref<80x128xf32, #tpu.memory_space<vmem>>) offsets(%dma_start3A_3 : memref<80xi32, #tpu.memory_space<vmem>>) semaphore(%arg8 : memref<!tpu.dma_semaphore, #tpu.memory_space<semaphore_mem>>)
    %scan3A = arith.constant 0 : i32
    %scan3A_7 = arith.constant 0 : i32
    %scan3A_8 = arith.constant 30 : i32
    %scan3A_9 = arith.addi %scan3A_7, %scan3A_8 : i32
    %scan3A_10 = arith.constant 1 : i32
    scf.for %scan3A_12 = %scan3A_7 to %scan3A_9 step %scan3A_10  : i32 {
      %mul3A_13 = arith.constant 2 : i32
      %mul3A_14 = arith.muli %mul3A_13, %scan3A_12 : i32
      %add3A_15 = arith.constant 1 : i32
      %add3A_16 = arith.addi %mul3A_14, %add3A_15 : i32
      %lt3A = arith.constant 60 : i32
      %lt3A_17 = arith.cmpi slt, %add3A_16, %lt3A : i32
      %convert_element_type3A = arith.extui %lt3A_17 : i1 to i32
      %cond3A = arith.constant 0 : i32
      %cond3A_18 = arith.cmpi ne, %convert_element_type3A, %cond3A : i32
      scf.if %cond3A_18 {
        %add3A_41 = arith.constant 1 : i32
        %add3A_42 = arith.addi %mul3A_14, %add3A_41 : i32
        %mul3A_43 = arith.constant 80 : i32
        %mul3A_44 = arith.muli %add3A_42, %mul3A_43 : i32
        %dma_start3A_45 = tpu.memref_slice %arg5[%mul3A_44] : memref<4800xi32, #tpu.memory_space<vmem>> -> memref<80xi32, #tpu.memory_space<vmem>>
        %dma_start3A_46 = arith.constant 0 : i32
        %dma_start3A_47 = arith.constant 0 : i32
        %dma_start3A_48 = tpu.memref_slice %arg2[%dma_start3A_46, %dma_start3A_47] : memref<10000x128xf32, #tpu.memory_space<hbm>> -> memref<10000x128xf32, #tpu.memory_space<hbm>>
        tpu.enqueue_indirect_dma source(%dma_start3A_48 : memref<10000x128xf32, #tpu.memory_space<hbm>>) target(%arg7 : memref<80x128xf32, #tpu.memory_space<vmem>>) offsets(%dma_start3A_45 : memref<80xi32, #tpu.memory_space<vmem>>) semaphore(%arg9 : memref<!tpu.dma_semaphore, #tpu.memory_space<semaphore_mem>>)
      } else {
      }
      %mul3A_19 = arith.constant 80 : i32
      %mul3A_20 = arith.muli %mul3A_14, %mul3A_19 : i32
      %dma_wait3A = tpu.memref_slice %arg5[%mul3A_20] : memref<4800xi32, #tpu.memory_space<vmem>> -> memref<80xi32, #tpu.memory_space<vmem>>
      %dma_wait3A_21 = arith.constant 0 : i32
      %dma_wait3A_22 = arith.constant 0 : i32
      %dma_wait3A_23 = tpu.memref_slice %arg2[%dma_wait3A_21, %dma_wait3A_22] : memref<10000x128xf32, #tpu.memory_space<hbm>> -> memref<10000x128xf32, #tpu.memory_space<hbm>>
      tpu.wait_indirect_dma semaphore(%arg8 : memref<!tpu.dma_semaphore, #tpu.memory_space<semaphore_mem>>) src(%dma_wait3A_23 : memref<10000x128xf32, #tpu.memory_space<hbm>>) dst(%arg6 : memref<80x128xf32, #tpu.memory_space<vmem>>)
      %mul3A_24 = arith.constant 80 : i32
      %mul3A_25 = arith.muli %mul3A_14, %mul3A_24 : i32
      %add3A_26 = arith.addi %mul3A_2, %mul3A_25 : i32
      "tpu.region"() ({
        %run_scoped3A = tpu.sem_alloc : memref<!tpu.dma_semaphore, #tpu.memory_space<semaphore_mem>>
        %dma_start3A_41 = arith.constant 0 : i32
        %dma_start3A_42 = tpu.memref_slice %arg4[%add3A_26, %dma_start3A_41] : memref<153600x128xf32, #tpu.memory_space<hbm>> -> memref<80x128xf32, #tpu.memory_space<hbm>>
        %dma_start3A_43 = arith.constant 0 : i32
        %dma_start3A_44 = tpu.memref_slice %arg4[%add3A_26, %dma_start3A_43] : memref<153600x128xf32, #tpu.memory_space<hbm>> -> memref<80x128xf32, #tpu.memory_space<hbm>>
        tpu.enqueue_dma source(%arg6 : memref<80x128xf32, #tpu.memory_space<vmem>>) target(%dma_start3A_44 : memref<80x128xf32, #tpu.memory_space<hbm>>) target_semaphore(%run_scoped3A : memref<!tpu.dma_semaphore, #tpu.memory_space<semaphore_mem>>)
        %dma_wait3A_45 = arith.constant 0 : i32
        %dma_wait3A_46 = tpu.memref_slice %arg4[%add3A_26, %dma_wait3A_45] : memref<153600x128xf32, #tpu.memory_space<hbm>> -> memref<80x128xf32, #tpu.memory_space<hbm>>
        %dma_wait3A_47 = arith.constant 0 : i32
        %dma_wait3A_48 = tpu.memref_slice %arg4[%add3A_26, %dma_wait3A_47] : memref<153600x128xf32, #tpu.memory_space<hbm>> -> memref<80x128xf32, #tpu.memory_space<hbm>>
        tpu.wait_dma2 semaphore(%run_scoped3A : memref<!tpu.dma_semaphore, #tpu.memory_space<semaphore_mem>>) src(%arg6 : memref<80x128xf32, #tpu.memory_space<vmem>>) dst(%dma_wait3A_48 : memref<80x128xf32, #tpu.memory_space<hbm>>)
        tpu.yield
      }) : () -> ()
      %add3A_27 = arith.constant 2 : i32
      %add3A_28 = arith.addi %mul3A_14, %add3A_27 : i32
      %lt3A_29 = arith.constant 60 : i32
      %lt3A_30 = arith.cmpi slt, %add3A_28, %lt3A_29 : i32
      %convert_element_type3A_31 = arith.extui %lt3A_30 : i1 to i32
      %cond3A_32 = arith.constant 0 : i32
      %cond3A_33 = arith.cmpi ne, %convert_element_type3A_31, %cond3A_32 : i32
      scf.if %cond3A_33 {
        %add3A_41 = arith.constant 2 : i32
        %add3A_42 = arith.addi %mul3A_14, %add3A_41 : i32
        %mul3A_43 = arith.constant 80 : i32
        %mul3A_44 = arith.muli %add3A_42, %mul3A_43 : i32
        %dma_start3A_45 = tpu.memref_slice %arg5[%mul3A_44] : memref<4800xi32, #tpu.memory_space<vmem>> -> memref<80xi32, #tpu.memory_space<vmem>>
        %dma_start3A_46 = arith.constant 0 : i32
        %dma_start3A_47 = arith.constant 0 : i32
        %dma_start3A_48 = tpu.memref_slice %arg2[%dma_start3A_46, %dma_start3A_47] : memref<10000x128xf32, #tpu.memory_space<hbm>> -> memref<10000x128xf32, #tpu.memory_space<hbm>>
        tpu.enqueue_indirect_dma source(%dma_start3A_48 : memref<10000x128xf32, #tpu.memory_space<hbm>>) target(%arg6 : memref<80x128xf32, #tpu.memory_space<vmem>>) offsets(%dma_start3A_45 : memref<80xi32, #tpu.memory_space<vmem>>) semaphore(%arg8 : memref<!tpu.dma_semaphore, #tpu.memory_space<semaphore_mem>>)
      } else {
      }
      %add3A_34 = arith.constant 1 : i32
      %add3A_35 = arith.addi %mul3A_14, %add3A_34 : i32
      %lt3A_36 = arith.constant 60 : i32
      %lt3A_37 = arith.cmpi slt, %add3A_35, %lt3A_36 : i32
      %convert_element_type3A_38 = arith.extui %lt3A_37 : i1 to i32
      %cond3A_39 = arith.constant 0 : i32
      %cond3A_40 = arith.cmpi ne, %convert_element_type3A_38, %cond3A_39 : i32
      scf.if %cond3A_40 {
        %add3A_41 = arith.constant 1 : i32
        %add3A_42 = arith.addi %mul3A_14, %add3A_41 : i32
        %mul3A_43 = arith.constant 80 : i32
        %mul3A_44 = arith.muli %add3A_42, %mul3A_43 : i32
        %dma_wait3A_45 = tpu.memref_slice %arg5[%mul3A_44] : memref<4800xi32, #tpu.memory_space<vmem>> -> memref<80xi32, #tpu.memory_space<vmem>>
        %dma_wait3A_46 = arith.constant 0 : i32
        %dma_wait3A_47 = arith.constant 0 : i32
        %dma_wait3A_48 = tpu.memref_slice %arg2[%dma_wait3A_46, %dma_wait3A_47] : memref<10000x128xf32, #tpu.memory_space<hbm>> -> memref<10000x128xf32, #tpu.memory_space<hbm>>
        tpu.wait_indirect_dma semaphore(%arg9 : memref<!tpu.dma_semaphore, #tpu.memory_space<semaphore_mem>>) src(%dma_wait3A_48 : memref<10000x128xf32, #tpu.memory_space<hbm>>) dst(%arg7 : memref<80x128xf32, #tpu.memory_space<vmem>>)
        %mul3A_49 = arith.constant 80 : i32
        %mul3A_50 = arith.muli %add3A_42, %mul3A_49 : i32
        %add3A_51 = arith.addi %mul3A_2, %mul3A_50 : i32
        "tpu.region"() ({
          %run_scoped3A = tpu.sem_alloc : memref<!tpu.dma_semaphore, #tpu.memory_space<semaphore_mem>>
          %dma_start3A_52 = arith.constant 0 : i32
          %dma_start3A_53 = tpu.memref_slice %arg4[%add3A_51, %dma_start3A_52] : memref<153600x128xf32, #tpu.memory_space<hbm>> -> memref<80x128xf32, #tpu.memory_space<hbm>>
          %dma_start3A_54 = arith.constant 0 : i32
          %dma_start3A_55 = tpu.memref_slice %arg4[%add3A_51, %dma_start3A_54] : memref<153600x128xf32, #tpu.memory_space<hbm>> -> memref<80x128xf32, #tpu.memory_space<hbm>>
          tpu.enqueue_dma source(%arg7 : memref<80x128xf32, #tpu.memory_space<vmem>>) target(%dma_start3A_55 : memref<80x128xf32, #tpu.memory_space<hbm>>) target_semaphore(%run_scoped3A : memref<!tpu.dma_semaphore, #tpu.memory_space<semaphore_mem>>)
          %dma_wait3A_56 = arith.constant 0 : i32
          %dma_wait3A_57 = tpu.memref_slice %arg4[%add3A_51, %dma_wait3A_56] : memref<153600x128xf32, #tpu.memory_space<hbm>> -> memref<80x128xf32, #tpu.memory_space<hbm>>
          %dma_wait3A_58 = arith.constant 0 : i32
          %dma_wait3A_59 = tpu.memref_slice %arg4[%add3A_51, %dma_wait3A_58] : memref<153600x128xf32, #tpu.memory_space<hbm>> -> memref<80x128xf32, #tpu.memory_space<hbm>>
          tpu.wait_dma2 semaphore(%run_scoped3A : memref<!tpu.dma_semaphore, #tpu.memory_space<semaphore_mem>>) src(%arg7 : memref<80x128xf32, #tpu.memory_space<vmem>>) dst(%dma_wait3A_59 : memref<80x128xf32, #tpu.memory_space<hbm>>)
          tpu.yield
        }) : () -> ()
      } else {
      }
    }
    %scan3A_11 = arith.constant 30 : i32
    return
  }
}

module attributes {stable_mosaic.version = 14 : i64} {
  func.func @_pre_body(%arg0: memref<10000x128xf32, #tpu.memory_space<vmem>>, %arg1: memref<10000x128xf32, #tpu.memory_space<vmem>>) attributes {dimension_semantics = [], scalar_prefetch = 0 : i64, scratch_operands = 0 : i64, tpu.core_type = #tpu.core_type<tc>} {
    %iota3A = tpu.iota {dimensions = array<i32: 0>} : vector<128x128xi32>
    %jit3A = arith.constant 16 : i32
    %div3A = vector.broadcast %jit3A : i32 to vector<128x128xi32>
    %div3A_0 = arith.divsi %iota3A, %div3A : vector<128x128xi32>
    %sign3A = arith.constant 0 : i32
    %sign3A_1 = vector.broadcast %sign3A : i32 to vector<128x128xi32>
    %sign3A_2 = arith.cmpi sgt, %iota3A, %sign3A_1 : vector<128x128xi32>
    %sign3A_3 = arith.extui %sign3A_2 : vector<128x128xi1> to vector<128x128xi32>
    %sign3A_4 = arith.constant 0 : i32
    %sign3A_5 = vector.broadcast %sign3A_4 : i32 to vector<128x128xi32>
    %sign3A_6 = arith.cmpi slt, %iota3A, %sign3A_5 : vector<128x128xi32>
    %sign3A_7 = arith.extui %sign3A_6 : vector<128x128xi1> to vector<128x128xi32>
    %sign3A_8 = arith.subi %sign3A_3, %sign3A_7 : vector<128x128xi32>
    %sign3A_9 = arith.constant 0 : i32
    %sign3A_10 = arith.cmpi sgt, %jit3A, %sign3A_9 : i32
    %sign3A_11 = arith.extui %sign3A_10 : i1 to i32
    %sign3A_12 = arith.constant 0 : i32
    %sign3A_13 = arith.cmpi slt, %jit3A, %sign3A_12 : i32
    %sign3A_14 = arith.extui %sign3A_13 : i1 to i32
    %sign3A_15 = arith.subi %sign3A_11, %sign3A_14 : i32
    %ne3A = vector.broadcast %sign3A_15 : i32 to vector<128x128xi32>
    %ne3A_16 = arith.cmpi ne, %sign3A_8, %ne3A : vector<128x128xi32>
    %rem3A = vector.broadcast %jit3A : i32 to vector<128x128xi32>
    %rem3A_17 = arith.remsi %iota3A, %rem3A : vector<128x128xi32>
    %ne3A_18 = arith.constant 0 : i32
    %ne3A_19 = vector.broadcast %ne3A_18 : i32 to vector<128x128xi32>
    %ne3A_20 = arith.cmpi ne, %rem3A_17, %ne3A_19 : vector<128x128xi32>
    %and3A = arith.andi %ne3A_16, %ne3A_20 : vector<128x128xi1>
    %sub3A = arith.constant 1 : i32
    %sub3A_21 = vector.broadcast %sub3A : i32 to vector<128x128xi32>
    %sub3A_22 = arith.subi %div3A_0, %sub3A_21 : vector<128x128xi32>
    %select_n3A = arith.select %and3A, %sub3A_22, %div3A_0 : vector<128x128xi1>, vector<128x128xi32>
    %iota3A_23 = tpu.iota {dimensions = array<i32: 1>} : vector<128x128xi32>
    %jit3A_24 = arith.constant 16 : i32
    %div3A_25 = vector.broadcast %jit3A_24 : i32 to vector<128x128xi32>
    %div3A_26 = arith.divsi %iota3A_23, %div3A_25 : vector<128x128xi32>
    %sign3A_27 = arith.constant 0 : i32
    %sign3A_28 = vector.broadcast %sign3A_27 : i32 to vector<128x128xi32>
    %sign3A_29 = arith.cmpi sgt, %iota3A_23, %sign3A_28 : vector<128x128xi32>
    %sign3A_30 = arith.extui %sign3A_29 : vector<128x128xi1> to vector<128x128xi32>
    %sign3A_31 = arith.constant 0 : i32
    %sign3A_32 = vector.broadcast %sign3A_31 : i32 to vector<128x128xi32>
    %sign3A_33 = arith.cmpi slt, %iota3A_23, %sign3A_32 : vector<128x128xi32>
    %sign3A_34 = arith.extui %sign3A_33 : vector<128x128xi1> to vector<128x128xi32>
    %sign3A_35 = arith.subi %sign3A_30, %sign3A_34 : vector<128x128xi32>
    %sign3A_36 = arith.constant 0 : i32
    %sign3A_37 = arith.cmpi sgt, %jit3A_24, %sign3A_36 : i32
    %sign3A_38 = arith.extui %sign3A_37 : i1 to i32
    %sign3A_39 = arith.constant 0 : i32
    %sign3A_40 = arith.cmpi slt, %jit3A_24, %sign3A_39 : i32
    %sign3A_41 = arith.extui %sign3A_40 : i1 to i32
    %sign3A_42 = arith.subi %sign3A_38, %sign3A_41 : i32
    %ne3A_43 = vector.broadcast %sign3A_42 : i32 to vector<128x128xi32>
    %ne3A_44 = arith.cmpi ne, %sign3A_35, %ne3A_43 : vector<128x128xi32>
    %rem3A_45 = vector.broadcast %jit3A_24 : i32 to vector<128x128xi32>
    %rem3A_46 = arith.remsi %iota3A_23, %rem3A_45 : vector<128x128xi32>
    %ne3A_47 = arith.constant 0 : i32
    %ne3A_48 = vector.broadcast %ne3A_47 : i32 to vector<128x128xi32>
    %ne3A_49 = arith.cmpi ne, %rem3A_46, %ne3A_48 : vector<128x128xi32>
    %and3A_50 = arith.andi %ne3A_44, %ne3A_49 : vector<128x128xi1>
    %sub3A_51 = arith.constant 1 : i32
    %sub3A_52 = vector.broadcast %sub3A_51 : i32 to vector<128x128xi32>
    %sub3A_53 = arith.subi %div3A_26, %sub3A_52 : vector<128x128xi32>
    %select_n3A_54 = arith.select %and3A_50, %sub3A_53, %div3A_26 : vector<128x128xi1>, vector<128x128xi32>
    %eq3A = arith.cmpi eq, %select_n3A, %select_n3A_54 : vector<128x128xi32>
    %convert_element_type3A = arith.extui %eq3A : vector<128x128xi1> to vector<128x128xi32>
    %convert_element_type3A_55 = arith.sitofp %convert_element_type3A : vector<128x128xi32> to vector<128x128xf32>
    %get3A = arith.constant 0 : index
    %get3A_56 = arith.constant 0 : index
    %get3A_57 = vector.load %arg0[%get3A, %get3A_56] : memref<10000x128xf32, #tpu.memory_space<vmem>>, vector<10000x128xf32>
    %mul3A = arith.mulf %get3A_57, %get3A_57 : vector<10000x128xf32>
    %dot_general3A = arith.constant dense<0.000000e+00> : vector<10000x128xf32>
    %dot_general3A_58 = tpu.matmul %mul3A, %convert_element_type3A_55, %dot_general3A {dimension_numbers = #tpu.dot_dimension_numbers<[1], [0], [0], [1], [0, 0, 1, 1], [], []>, transpose_lhs_hint = false} : vector<10000x128xf32>, vector<128x128xf32>, vector<10000x128xf32> -> vector<10000x128xf32>
    %max3A = arith.constant 1.000000e-24 : f32
    %max3A_59 = vector.broadcast %max3A : f32 to vector<10000x128xf32>
    %max3A_60 = arith.maximumf %dot_general3A_58, %max3A_59 : vector<10000x128xf32>
    %rsqrt3A = math.rsqrt %max3A_60 : vector<10000x128xf32>
    %mul3A_61 = arith.mulf %get3A_57, %rsqrt3A : vector<10000x128xf32>
    %swap3A = arith.constant 0 : index
    %swap3A_62 = arith.constant 0 : index
    %swap3A_63 = vector.load %arg1[%swap3A, %swap3A_62] : memref<10000x128xf32, #tpu.memory_space<vmem>>, vector<10000x128xf32>
    tpu.vector_store %arg1[%swap3A, %swap3A_62], %mul3A_61 {strides = array<i32>} : memref<10000x128xf32, #tpu.memory_space<vmem>>, vector<10000x128xf32>,
    return
  }
}

module attributes {stable_mosaic.version = 14 : i64} {
  func.func @_route_body(%arg0: i32, %arg1: memref<400x128xf32, #tpu.memory_space<vmem>>, %arg2: memref<12800x128xf32, #tpu.memory_space<vmem>>, %arg3: memref<128x128xf32, #tpu.memory_space<vmem>>, %arg4: memref<1x128xf32, #tpu.memory_space<vmem>>, %arg5: memref<400x128xf32, #tpu.memory_space<vmem>>) attributes {dimension_semantics = [#tpu.dimension_semantics<arbitrary>], iteration_bounds = array<i64: 13>, scalar_prefetch = 0 : i64, scratch_operands = 0 : i64, tpu.core_type = #tpu.core_type<tc>, window_params = [{transform_indices = @transform_0, window_bounds = array<i64: 400, 128>}, {transform_indices = @transform_1, window_bounds = array<i64: 12800, 128>}, {pipeline_mode = #tpu.pipeline_mode<synchronous>, transform_indices = @transform_2, window_bounds = array<i64: 128, 128>}, {pipeline_mode = #tpu.pipeline_mode<synchronous>, transform_indices = @transform_3, window_bounds = array<i64: 1, 128>}, {transform_indices = @transform_4, window_bounds = array<i64: 400, 128>}]} {
    %iota3A = tpu.iota {dimensions = array<i32: 0>} : vector<128x128xi32>
    %jit3A = arith.constant 16 : i32
    %div3A = vector.broadcast %jit3A : i32 to vector<128x128xi32>
    %div3A_0 = arith.divsi %iota3A, %div3A : vector<128x128xi32>
    %sign3A = arith.constant 0 : i32
    %sign3A_1 = vector.broadcast %sign3A : i32 to vector<128x128xi32>
    %sign3A_2 = arith.cmpi sgt, %iota3A, %sign3A_1 : vector<128x128xi32>
    %sign3A_3 = arith.extui %sign3A_2 : vector<128x128xi1> to vector<128x128xi32>
    %sign3A_4 = arith.constant 0 : i32
    %sign3A_5 = vector.broadcast %sign3A_4 : i32 to vector<128x128xi32>
    %sign3A_6 = arith.cmpi slt, %iota3A, %sign3A_5 : vector<128x128xi32>
    %sign3A_7 = arith.extui %sign3A_6 : vector<128x128xi1> to vector<128x128xi32>
    %sign3A_8 = arith.subi %sign3A_3, %sign3A_7 : vector<128x128xi32>
    %sign3A_9 = arith.constant 0 : i32
    %sign3A_10 = arith.cmpi sgt, %jit3A, %sign3A_9 : i32
    %sign3A_11 = arith.extui %sign3A_10 : i1 to i32
    %sign3A_12 = arith.constant 0 : i32
    %sign3A_13 = arith.cmpi slt, %jit3A, %sign3A_12 : i32
    %sign3A_14 = arith.extui %sign3A_13 : i1 to i32
    %sign3A_15 = arith.subi %sign3A_11, %sign3A_14 : i32
    %ne3A = vector.broadcast %sign3A_15 : i32 to vector<128x128xi32>
    %ne3A_16 = arith.cmpi ne, %sign3A_8, %ne3A : vector<128x128xi32>
    %rem3A = vector.broadcast %jit3A : i32 to vector<128x128xi32>
    %rem3A_17 = arith.remsi %iota3A, %rem3A : vector<128x128xi32>
    %ne3A_18 = arith.constant 0 : i32
    %ne3A_19 = vector.broadcast %ne3A_18 : i32 to vector<128x128xi32>
    %ne3A_20 = arith.cmpi ne, %rem3A_17, %ne3A_19 : vector<128x128xi32>
    %and3A = arith.andi %ne3A_16, %ne3A_20 : vector<128x128xi1>
    %sub3A = arith.constant 1 : i32
    %sub3A_21 = vector.broadcast %sub3A : i32 to vector<128x128xi32>
    %sub3A_22 = arith.subi %div3A_0, %sub3A_21 : vector<128x128xi32>
    %select_n3A = arith.select %and3A, %sub3A_22, %div3A_0 : vector<128x128xi1>, vector<128x128xi32>
    %iota3A_23 = tpu.iota {dimensions = array<i32: 1>} : vector<128x128xi32>
    %jit3A_24 = arith.constant 16 : i32
    %div3A_25 = vector.broadcast %jit3A_24 : i32 to vector<128x128xi32>
    %div3A_26 = arith.divsi %iota3A_23, %div3A_25 : vector<128x128xi32>
    %sign3A_27 = arith.constant 0 : i32
    %sign3A_28 = vector.broadcast %sign3A_27 : i32 to vector<128x128xi32>
    %sign3A_29 = arith.cmpi sgt, %iota3A_23, %sign3A_28 : vector<128x128xi32>
    %sign3A_30 = arith.extui %sign3A_29 : vector<128x128xi1> to vector<128x128xi32>
    %sign3A_31 = arith.constant 0 : i32
    %sign3A_32 = vector.broadcast %sign3A_31 : i32 to vector<128x128xi32>
    %sign3A_33 = arith.cmpi slt, %iota3A_23, %sign3A_32 : vector<128x128xi32>
    %sign3A_34 = arith.extui %sign3A_33 : vector<128x128xi1> to vector<128x128xi32>
    %sign3A_35 = arith.subi %sign3A_30, %sign3A_34 : vector<128x128xi32>
    %sign3A_36 = arith.constant 0 : i32
    %sign3A_37 = arith.cmpi sgt, %jit3A_24, %sign3A_36 : i32
    %sign3A_38 = arith.extui %sign3A_37 : i1 to i32
    %sign3A_39 = arith.constant 0 : i32
    %sign3A_40 = arith.cmpi slt, %jit3A_24, %sign3A_39 : i32
    %sign3A_41 = arith.extui %sign3A_40 : i1 to i32
    %sign3A_42 = arith.subi %sign3A_38, %sign3A_41 : i32
    %ne3A_43 = vector.broadcast %sign3A_42 : i32 to vector<128x128xi32>
    %ne3A_44 = arith.cmpi ne, %sign3A_35, %ne3A_43 : vector<128x128xi32>
    %rem3A_45 = vector.broadcast %jit3A_24 : i32 to vector<128x128xi32>
    %rem3A_46 = arith.remsi %iota3A_23, %rem3A_45 : vector<128x128xi32>
    %ne3A_47 = arith.constant 0 : i32
    %ne3A_48 = vector.broadcast %ne3A_47 : i32 to vector<128x128xi32>
    %ne3A_49 = arith.cmpi ne, %rem3A_46, %ne3A_48 : vector<128x128xi32>
    %and3A_50 = arith.andi %ne3A_44, %ne3A_49 : vector<128x128xi1>
    %sub3A_51 = arith.constant 1 : i32
    %sub3A_52 = vector.broadcast %sub3A_51 : i32 to vector<128x128xi32>
    %sub3A_53 = arith.subi %div3A_26, %sub3A_52 : vector<128x128xi32>
    %select_n3A_54 = arith.select %and3A_50, %sub3A_53, %div3A_26 : vector<128x128xi1>, vector<128x128xi32>
    %eq3A = arith.cmpi eq, %select_n3A, %select_n3A_54 : vector<128x128xi32>
    %convert_element_type3A = arith.extui %eq3A : vector<128x128xi1> to vector<128x128xi32>
    %convert_element_type3A_55 = arith.sitofp %convert_element_type3A : vector<128x128xi32> to vector<128x128xf32>
    %iota3A_56 = tpu.iota {dimensions = array<i32: 0>} : vector<128x8xi32>
    %jit3A_57 = arith.constant 16 : i32
    %div3A_58 = vector.broadcast %jit3A_57 : i32 to vector<128x8xi32>
    %div3A_59 = arith.divsi %iota3A_56, %div3A_58 : vector<128x8xi32>
    %sign3A_60 = arith.constant 0 : i32
    %sign3A_61 = vector.broadcast %sign3A_60 : i32 to vector<128x8xi32>
    %sign3A_62 = arith.cmpi sgt, %iota3A_56, %sign3A_61 : vector<128x8xi32>
    %sign3A_63 = arith.extui %sign3A_62 : vector<128x8xi1> to vector<128x8xi32>
    %sign3A_64 = arith.constant 0 : i32
    %sign3A_65 = vector.broadcast %sign3A_64 : i32 to vector<128x8xi32>
    %sign3A_66 = arith.cmpi slt, %iota3A_56, %sign3A_65 : vector<128x8xi32>
    %sign3A_67 = arith.extui %sign3A_66 : vector<128x8xi1> to vector<128x8xi32>
    %sign3A_68 = arith.subi %sign3A_63, %sign3A_67 : vector<128x8xi32>
    %sign3A_69 = arith.constant 0 : i32
    %sign3A_70 = arith.cmpi sgt, %jit3A_57, %sign3A_69 : i32
    %sign3A_71 = arith.extui %sign3A_70 : i1 to i32
    %sign3A_72 = arith.constant 0 : i32
    %sign3A_73 = arith.cmpi slt, %jit3A_57, %sign3A_72 : i32
    %sign3A_74 = arith.extui %sign3A_73 : i1 to i32
    %sign3A_75 = arith.subi %sign3A_71, %sign3A_74 : i32
    %ne3A_76 = vector.broadcast %sign3A_75 : i32 to vector<128x8xi32>
    %ne3A_77 = arith.cmpi ne, %sign3A_68, %ne3A_76 : vector<128x8xi32>
    %rem3A_78 = vector.broadcast %jit3A_57 : i32 to vector<128x8xi32>
    %rem3A_79 = arith.remsi %iota3A_56, %rem3A_78 : vector<128x8xi32>
    %ne3A_80 = arith.constant 0 : i32
    %ne3A_81 = vector.broadcast %ne3A_80 : i32 to vector<128x8xi32>
    %ne3A_82 = arith.cmpi ne, %rem3A_79, %ne3A_81 : vector<128x8xi32>
    %and3A_83 = arith.andi %ne3A_77, %ne3A_82 : vector<128x8xi1>
    %sub3A_84 = arith.constant 1 : i32
    %sub3A_85 = vector.broadcast %sub3A_84 : i32 to vector<128x8xi32>
    %sub3A_86 = arith.subi %div3A_59, %sub3A_85 : vector<128x8xi32>
    %select_n3A_87 = arith.select %and3A_83, %sub3A_86, %div3A_59 : vector<128x8xi1>, vector<128x8xi32>
    %iota3A_88 = tpu.iota {dimensions = array<i32: 1>} : vector<128x8xi32>
    %eq3A_89 = arith.cmpi eq, %select_n3A_87, %iota3A_88 : vector<128x8xi32>
    %convert_element_type3A_90 = arith.extui %eq3A_89 : vector<128x8xi1> to vector<128x8xi32>
    %convert_element_type3A_91 = arith.sitofp %convert_element_type3A_90 : vector<128x8xi32> to vector<128x8xf32>
    %iota3A_92 = tpu.iota {dimensions = array<i32: 0>} : vector<8x128xi32>
    %iota3A_93 = tpu.iota {dimensions = array<i32: 1>} : vector<8x128xi32>
    %jit3A_94 = arith.constant 16 : i32
    %div3A_95 = vector.broadcast %jit3A_94 : i32 to vector<8x128xi32>
    %div3A_96 = arith.divsi %iota3A_93, %div3A_95 : vector<8x128xi32>
    %sign3A_97 = arith.constant 0 : i32
    %sign3A_98 = vector.broadcast %sign3A_97 : i32 to vector<8x128xi32>
    %sign3A_99 = arith.cmpi sgt, %iota3A_93, %sign3A_98 : vector<8x128xi32>
    %sign3A_100 = arith.extui %sign3A_99 : vector<8x128xi1> to vector<8x128xi32>
    %sign3A_101 = arith.constant 0 : i32
    %sign3A_102 = vector.broadcast %sign3A_101 : i32 to vector<8x128xi32>
    %sign3A_103 = arith.cmpi slt, %iota3A_93, %sign3A_102 : vector<8x128xi32>
    %sign3A_104 = arith.extui %sign3A_103 : vector<8x128xi1> to vector<8x128xi32>
    %sign3A_105 = arith.subi %sign3A_100, %sign3A_104 : vector<8x128xi32>
    %sign3A_106 = arith.constant 0 : i32
    %sign3A_107 = arith.cmpi sgt, %jit3A_94, %sign3A_106 : i32
    %sign3A_108 = arith.extui %sign3A_107 : i1 to i32
    %sign3A_109 = arith.constant 0 : i32
    %sign3A_110 = arith.cmpi slt, %jit3A_94, %sign3A_109 : i32
    %sign3A_111 = arith.extui %sign3A_110 : i1 to i32
    %sign3A_112 = arith.subi %sign3A_108, %sign3A_111 : i32
    %ne3A_113 = vector.broadcast %sign3A_112 : i32 to vector<8x128xi32>
    %ne3A_114 = arith.cmpi ne, %sign3A_105, %ne3A_113 : vector<8x128xi32>
    %rem3A_115 = vector.broadcast %jit3A_94 : i32 to vector<8x128xi32>
    %rem3A_116 = arith.remsi %iota3A_93, %rem3A_115 : vector<8x128xi32>
    %ne3A_117 = arith.constant 0 : i32
    %ne3A_118 = vector.broadcast %ne3A_117 : i32 to vector<8x128xi32>
    %ne3A_119 = arith.cmpi ne, %rem3A_116, %ne3A_118 : vector<8x128xi32>
    %and3A_120 = arith.andi %ne3A_114, %ne3A_119 : vector<8x128xi1>
    %sub3A_121 = arith.constant 1 : i32
    %sub3A_122 = vector.broadcast %sub3A_121 : i32 to vector<8x128xi32>
    %sub3A_123 = arith.subi %div3A_96, %sub3A_122 : vector<8x128xi32>
    %select_n3A_124 = arith.select %and3A_120, %sub3A_123, %div3A_96 : vector<8x128xi1>, vector<8x128xi32>
    %eq3A_125 = arith.cmpi eq, %iota3A_92, %select_n3A_124 : vector<8x128xi32>
    %convert_element_type3A_126 = arith.extui %eq3A_125 : vector<8x128xi1> to vector<8x128xi32>
    %convert_element_type3A_127 = arith.sitofp %convert_element_type3A_126 : vector<8x128xi32> to vector<8x128xf32>
    %get3A = arith.constant 0 : index
    %get3A_128 = arith.constant 0 : index
    %get3A_129 = vector.load %arg1[%get3A, %get3A_128] : memref<400x128xf32, #tpu.memory_space<vmem>>, vector<400x128xf32>
    %get3A_130 = arith.constant 0 : index
    %get3A_131 = arith.constant 0 : index
    %get3A_132 = vector.load %arg2[%get3A_130, %get3A_131] : memref<12800x128xf32, #tpu.memory_space<vmem>>, vector<12800x128xf32>
    %broadcast_in_dim3A = vector.shape_cast %get3A_129 : vector<400x128xf32> to vector<400x1x128xf32>
    %broadcast_in_dim3A_133 = vector.shape_cast %broadcast_in_dim3A : vector<400x1x128xf32> to vector<400x1x128xf32>
    %broadcast_in_dim3A_134 = vector.broadcast %broadcast_in_dim3A_133 : vector<400x1x128xf32> to vector<400x32x128xf32>
    %reshape3A = vector.shape_cast %broadcast_in_dim3A_134 : vector<400x32x128xf32> to vector<12800x128xf32>
    %mul3A = arith.mulf %get3A_132, %reshape3A : vector<12800x128xf32>
    %dot_general3A = arith.constant dense<0.000000e+00> : vector<8x12800xf32>
    %dot_general3A_135 = tpu.matmul %convert_element_type3A_91, %mul3A, %dot_general3A {dimension_numbers = #tpu.dot_dimension_numbers<[0], [1], [1], [0], [0, 1, 1, 0], [], []>, transpose_lhs_hint = false} : vector<128x8xf32>, vector<12800x128xf32>, vector<8x12800xf32> -> vector<8x12800xf32>
    %exp3A = math.exp %dot_general3A_135 : vector<8x12800xf32>
    %reduce_sum3A = arith.constant dense<0.000000e+00> : vector<12800xf32>
    %reduce_sum3A_136 = vector.multi_reduction <add>, %exp3A, %reduce_sum3A [0] : vector<8x12800xf32> to vector<12800xf32>
    %broadcast_in_dim3A_137 = vector.shape_cast %reduce_sum3A_136 : vector<12800xf32> to vector<1x12800xf32>
    %div3A_138 = vector.broadcast %broadcast_in_dim3A_137 : vector<1x12800xf32> to vector<8x12800xf32>
    %div3A_139 = arith.divf %exp3A, %div3A_138 : vector<8x12800xf32>
    %dot_general3A_140 = arith.constant dense<0.000000e+00> : vector<12800x128xf32>
    %dot_general3A_141 = tpu.matmul %div3A_139, %convert_element_type3A_127, %dot_general3A_140 {dimension_numbers = #tpu.dot_dimension_numbers<[0], [0], [1], [1], [0, 1, 1, 1], [], []>, transpose_lhs_hint = false} : vector<8x12800xf32>, vector<8x128xf32>, vector<12800x128xf32> -> vector<12800x128xf32>
    %mul3A_142 = arith.mulf %get3A_132, %dot_general3A_141 : vector<12800x128xf32>
    %reshape3A_143 = vector.shape_cast %mul3A_142 : vector<12800x128xf32> to vector<400x32x128xf32>
    %slice3A = vector.extract_strided_slice %reshape3A_143 {offsets = [0, 0, 0], sizes = [400, 16, 128], strides = [1, 1, 1]} : vector<400x32x128xf32> to vector<400x16x128xf32>
    %slice3A_144 = vector.extract_strided_slice %reshape3A_143 {offsets = [0, 16, 0], sizes = [400, 16, 128], strides = [1, 1, 1]} : vector<400x32x128xf32> to vector<400x16x128xf32>
    %add3A = arith.addf %slice3A, %slice3A_144 : vector<400x16x128xf32>
    %slice3A_145 = vector.extract_strided_slice %add3A {offsets = [0, 0, 0], sizes = [400, 8, 128], strides = [1, 1, 1]} : vector<400x16x128xf32> to vector<400x8x128xf32>
    %slice3A_146 = vector.extract_strided_slice %add3A {offsets = [0, 8, 0], sizes = [400, 8, 128], strides = [1, 1, 1]} : vector<400x16x128xf32> to vector<400x8x128xf32>
    %add3A_147 = arith.addf %slice3A_145, %slice3A_146 : vector<400x8x128xf32>
    %reduce_sum3A_148 = arith.constant dense<0.000000e+00> : vector<400x128xf32>
    %reduce_sum3A_149 = vector.multi_reduction <add>, %add3A_147, %reduce_sum3A_148 [1] : vector<400x8x128xf32> to vector<400x128xf32>
    %add3A_150 = arith.addf %reduce_sum3A_149, %get3A_129 : vector<400x128xf32>
    %mul3A_151 = arith.mulf %add3A_150, %add3A_150 : vector<400x128xf32>
    %dot_general3A_152 = arith.constant dense<0.000000e+00> : vector<400x128xf32>
    %dot_general3A_153 = tpu.matmul %mul3A_151, %convert_element_type3A_55, %dot_general3A_152 {dimension_numbers = #tpu.dot_dimension_numbers<[1], [0], [0], [1], [0, 0, 1, 1], [], []>, transpose_lhs_hint = false} : vector<400x128xf32>, vector<128x128xf32>, vector<400x128xf32> -> vector<400x128xf32>
    %max3A = arith.constant 1.000000e-24 : f32
    %max3A_154 = vector.broadcast %max3A : f32 to vector<400x128xf32>
    %max3A_155 = arith.maximumf %dot_general3A_153, %max3A_154 : vector<400x128xf32>
    %rsqrt3A = math.rsqrt %max3A_155 : vector<400x128xf32>
    %mul3A_156 = arith.mulf %add3A_150, %rsqrt3A : vector<400x128xf32>
    %broadcast_in_dim3A_157 = vector.shape_cast %mul3A_156 : vector<400x128xf32> to vector<400x1x128xf32>
    %broadcast_in_dim3A_158 = vector.shape_cast %broadcast_in_dim3A_157 : vector<400x1x128xf32> to vector<400x1x128xf32>
    %broadcast_in_dim3A_159 = vector.broadcast %broadcast_in_dim3A_158 : vector<400x1x128xf32> to vector<400x32x128xf32>
    %reshape3A_160 = vector.shape_cast %broadcast_in_dim3A_159 : vector<400x32x128xf32> to vector<12800x128xf32>
    %mul3A_161 = arith.mulf %get3A_132, %reshape3A_160 : vector<12800x128xf32>
    %dot_general3A_162 = arith.constant dense<0.000000e+00> : vector<8x12800xf32>
    %dot_general3A_163 = tpu.matmul %convert_element_type3A_91, %mul3A_161, %dot_general3A_162 {dimension_numbers = #tpu.dot_dimension_numbers<[0], [1], [1], [0], [0, 1, 1, 0], [], []>, transpose_lhs_hint = false} : vector<128x8xf32>, vector<12800x128xf32>, vector<8x12800xf32> -> vector<8x12800xf32>
    %exp3A_164 = math.exp %dot_general3A_163 : vector<8x12800xf32>
    %reduce_sum3A_165 = arith.constant dense<0.000000e+00> : vector<12800xf32>
    %reduce_sum3A_166 = vector.multi_reduction <add>, %exp3A_164, %reduce_sum3A_165 [0] : vector<8x12800xf32> to vector<12800xf32>
    %broadcast_in_dim3A_167 = vector.shape_cast %reduce_sum3A_166 : vector<12800xf32> to vector<1x12800xf32>
    %div3A_168 = vector.broadcast %broadcast_in_dim3A_167 : vector<1x12800xf32> to vector<8x12800xf32>
    %div3A_169 = arith.divf %exp3A_164, %div3A_168 : vector<8x12800xf32>
    %dot_general3A_170 = arith.constant dense<0.000000e+00> : vector<12800x128xf32>
    %dot_general3A_171 = tpu.matmul %div3A_169, %convert_element_type3A_127, %dot_general3A_170 {dimension_numbers = #tpu.dot_dimension_numbers<[0], [0], [1], [1], [0, 1, 1, 1], [], []>, transpose_lhs_hint = false} : vector<8x12800xf32>, vector<8x128xf32>, vector<12800x128xf32> -> vector<12800x128xf32>
    %mul3A_172 = arith.mulf %get3A_132, %dot_general3A_171 : vector<12800x128xf32>
    %reshape3A_173 = vector.shape_cast %mul3A_172 : vector<12800x128xf32> to vector<400x32x128xf32>
    %slice3A_174 = vector.extract_strided_slice %reshape3A_173 {offsets = [0, 0, 0], sizes = [400, 16, 128], strides = [1, 1, 1]} : vector<400x32x128xf32> to vector<400x16x128xf32>
    %slice3A_175 = vector.extract_strided_slice %reshape3A_173 {offsets = [0, 16, 0], sizes = [400, 16, 128], strides = [1, 1, 1]} : vector<400x32x128xf32> to vector<400x16x128xf32>
    %add3A_176 = arith.addf %slice3A_174, %slice3A_175 : vector<400x16x128xf32>
    %slice3A_177 = vector.extract_strided_slice %add3A_176 {offsets = [0, 0, 0], sizes = [400, 8, 128], strides = [1, 1, 1]} : vector<400x16x128xf32> to vector<400x8x128xf32>
    %slice3A_178 = vector.extract_strided_slice %add3A_176 {offsets = [0, 8, 0], sizes = [400, 8, 128], strides = [1, 1, 1]} : vector<400x16x128xf32> to vector<400x8x128xf32>
    %add3A_179 = arith.addf %slice3A_177, %slice3A_178 : vector<400x8x128xf32>
    %reduce_sum3A_180 = arith.constant dense<0.000000e+00> : vector<400x128xf32>
    %reduce_sum3A_181 = vector.multi_reduction <add>, %add3A_179, %reduce_sum3A_180 [1] : vector<400x8x128xf32> to vector<400x128xf32>
    %add3A_182 = arith.addf %reduce_sum3A_181, %get3A_129 : vector<400x128xf32>
    %mul3A_183 = arith.mulf %add3A_182, %add3A_182 : vector<400x128xf32>
    %dot_general3A_184 = arith.constant dense<0.000000e+00> : vector<400x128xf32>
    %dot_general3A_185 = tpu.matmul %mul3A_183, %convert_element_type3A_55, %dot_general3A_184 {dimension_numbers = #tpu.dot_dimension_numbers<[1], [0], [0], [1], [0, 0, 1, 1], [], []>, transpose_lhs_hint = false} : vector<400x128xf32>, vector<128x128xf32>, vector<400x128xf32> -> vector<400x128xf32>
    %max3A_186 = arith.constant 1.000000e-24 : f32
    %max3A_187 = vector.broadcast %max3A_186 : f32 to vector<400x128xf32>
    %max3A_188 = arith.maximumf %dot_general3A_185, %max3A_187 : vector<400x128xf32>
    %rsqrt3A_189 = math.rsqrt %max3A_188 : vector<400x128xf32>
    %mul3A_190 = arith.mulf %add3A_182, %rsqrt3A_189 : vector<400x128xf32>
    %broadcast_in_dim3A_191 = vector.shape_cast %mul3A_190 : vector<400x128xf32> to vector<400x1x128xf32>
    %broadcast_in_dim3A_192 = vector.shape_cast %broadcast_in_dim3A_191 : vector<400x1x128xf32> to vector<400x1x128xf32>
    %broadcast_in_dim3A_193 = vector.broadcast %broadcast_in_dim3A_192 : vector<400x1x128xf32> to vector<400x32x128xf32>
    %reshape3A_194 = vector.shape_cast %broadcast_in_dim3A_193 : vector<400x32x128xf32> to vector<12800x128xf32>
    %mul3A_195 = arith.mulf %get3A_132, %reshape3A_194 : vector<12800x128xf32>
    %dot_general3A_196 = arith.constant dense<0.000000e+00> : vector<8x12800xf32>
    %dot_general3A_197 = tpu.matmul %convert_element_type3A_91, %mul3A_195, %dot_general3A_196 {dimension_numbers = #tpu.dot_dimension_numbers<[0], [1], [1], [0], [0, 1, 1, 0], [], []>, transpose_lhs_hint = false} : vector<128x8xf32>, vector<12800x128xf32>, vector<8x12800xf32> -> vector<8x12800xf32>
    %exp3A_198 = math.exp %dot_general3A_197 : vector<8x12800xf32>
    %reduce_sum3A_199 = arith.constant dense<0.000000e+00> : vector<12800xf32>
    %reduce_sum3A_200 = vector.multi_reduction <add>, %exp3A_198, %reduce_sum3A_199 [0] : vector<8x12800xf32> to vector<12800xf32>
    %broadcast_in_dim3A_201 = vector.shape_cast %reduce_sum3A_200 : vector<12800xf32> to vector<1x12800xf32>
    %div3A_202 = vector.broadcast %broadcast_in_dim3A_201 : vector<1x12800xf32> to vector<8x12800xf32>
    %div3A_203 = arith.divf %exp3A_198, %div3A_202 : vector<8x12800xf32>
    %dot_general3A_204 = arith.constant dense<0.000000e+00> : vector<12800x128xf32>
    %dot_general3A_205 = tpu.matmul %div3A_203, %convert_element_type3A_127, %dot_general3A_204 {dimension_numbers = #tpu.dot_dimension_numbers<[0], [0], [1], [1], [0, 1, 1, 1], [], []>, transpose_lhs_hint = false} : vector<8x12800xf32>, vector<8x128xf32>, vector<12800x128xf32> -> vector<12800x128xf32>
    %mul3A_206 = arith.mulf %get3A_132, %dot_general3A_205 : vector<12800x128xf32>
    %reshape3A_207 = vector.shape_cast %mul3A_206 : vector<12800x128xf32> to vector<400x32x128xf32>
    %slice3A_208 = vector.extract_strided_slice %reshape3A_207 {offsets = [0, 0, 0], sizes = [400, 16, 128], strides = [1, 1, 1]} : vector<400x32x128xf32> to vector<400x16x128xf32>
    %slice3A_209 = vector.extract_strided_slice %reshape3A_207 {offsets = [0, 16, 0], sizes = [400, 16, 128], strides = [1, 1, 1]} : vector<400x32x128xf32> to vector<400x16x128xf32>
    %add3A_210 = arith.addf %slice3A_208, %slice3A_209 : vector<400x16x128xf32>
    %slice3A_211 = vector.extract_strided_slice %add3A_210 {offsets = [0, 0, 0], sizes = [400, 8, 128], strides = [1, 1, 1]} : vector<400x16x128xf32> to vector<400x8x128xf32>
    %slice3A_212 = vector.extract_strided_slice %add3A_210 {offsets = [0, 8, 0], sizes = [400, 8, 128], strides = [1, 1, 1]} : vector<400x16x128xf32> to vector<400x8x128xf32>
    %add3A_213 = arith.addf %slice3A_211, %slice3A_212 : vector<400x8x128xf32>
    %reduce_sum3A_214 = arith.constant dense<0.000000e+00> : vector<400x128xf32>
    %reduce_sum3A_215 = vector.multi_reduction <add>, %add3A_213, %reduce_sum3A_214 [1] : vector<400x8x128xf32> to vector<400x128xf32>
    %add3A_216 = arith.addf %reduce_sum3A_215, %get3A_129 : vector<400x128xf32>
    %mul3A_217 = arith.mulf %add3A_216, %add3A_216 : vector<400x128xf32>
    %dot_general3A_218 = arith.constant dense<0.000000e+00> : vector<400x128xf32>
    %dot_general3A_219 = tpu.matmul %mul3A_217, %convert_element_type3A_55, %dot_general3A_218 {dimension_numbers = #tpu.dot_dimension_numbers<[1], [0], [0], [1], [0, 0, 1, 1], [], []>, transpose_lhs_hint = false} : vector<400x128xf32>, vector<128x128xf32>, vector<400x128xf32> -> vector<400x128xf32>
    %max3A_220 = arith.constant 1.000000e-24 : f32
    %max3A_221 = vector.broadcast %max3A_220 : f32 to vector<400x128xf32>
    %max3A_222 = arith.maximumf %dot_general3A_219, %max3A_221 : vector<400x128xf32>
    %rsqrt3A_223 = math.rsqrt %max3A_222 : vector<400x128xf32>
    %mul3A_224 = arith.mulf %add3A_216, %rsqrt3A_223 : vector<400x128xf32>
    %broadcast_in_dim3A_225 = vector.shape_cast %mul3A_224 : vector<400x128xf32> to vector<400x1x128xf32>
    %broadcast_in_dim3A_226 = vector.shape_cast %broadcast_in_dim3A_225 : vector<400x1x128xf32> to vector<400x1x128xf32>
    %broadcast_in_dim3A_227 = vector.broadcast %broadcast_in_dim3A_226 : vector<400x1x128xf32> to vector<400x32x128xf32>
    %reshape3A_228 = vector.shape_cast %broadcast_in_dim3A_227 : vector<400x32x128xf32> to vector<12800x128xf32>
    %mul3A_229 = arith.mulf %get3A_132, %reshape3A_228 : vector<12800x128xf32>
    %dot_general3A_230 = arith.constant dense<0.000000e+00> : vector<8x12800xf32>
    %dot_general3A_231 = tpu.matmul %convert_element_type3A_91, %mul3A_229, %dot_general3A_230 {dimension_numbers = #tpu.dot_dimension_numbers<[0], [1], [1], [0], [0, 1, 1, 0], [], []>, transpose_lhs_hint = false} : vector<128x8xf32>, vector<12800x128xf32>, vector<8x12800xf32> -> vector<8x12800xf32>
    %exp3A_232 = math.exp %dot_general3A_231 : vector<8x12800xf32>
    %reduce_sum3A_233 = arith.constant dense<0.000000e+00> : vector<12800xf32>
    %reduce_sum3A_234 = vector.multi_reduction <add>, %exp3A_232, %reduce_sum3A_233 [0] : vector<8x12800xf32> to vector<12800xf32>
    %broadcast_in_dim3A_235 = vector.shape_cast %reduce_sum3A_234 : vector<12800xf32> to vector<1x12800xf32>
    %div3A_236 = vector.broadcast %broadcast_in_dim3A_235 : vector<1x12800xf32> to vector<8x12800xf32>
    %div3A_237 = arith.divf %exp3A_232, %div3A_236 : vector<8x12800xf32>
    %dot_general3A_238 = arith.constant dense<0.000000e+00> : vector<12800x128xf32>
    %dot_general3A_239 = tpu.matmul %div3A_237, %convert_element_type3A_127, %dot_general3A_238 {dimension_numbers = #tpu.dot_dimension_numbers<[0], [0], [1], [1], [0, 1, 1, 1], [], []>, transpose_lhs_hint = false} : vector<8x12800xf32>, vector<8x128xf32>, vector<12800x128xf32> -> vector<12800x128xf32>
    %mul3A_240 = arith.mulf %get3A_132, %dot_general3A_239 : vector<12800x128xf32>
    %reshape3A_241 = vector.shape_cast %mul3A_240 : vector<12800x128xf32> to vector<400x32x128xf32>
    %slice3A_242 = vector.extract_strided_slice %reshape3A_241 {offsets = [0, 0, 0], sizes = [400, 16, 128], strides = [1, 1, 1]} : vector<400x32x128xf32> to vector<400x16x128xf32>
    %slice3A_243 = vector.extract_strided_slice %reshape3A_241 {offsets = [0, 16, 0], sizes = [400, 16, 128], strides = [1, 1, 1]} : vector<400x32x128xf32> to vector<400x16x128xf32>
    %add3A_244 = arith.addf %slice3A_242, %slice3A_243 : vector<400x16x128xf32>
    %slice3A_245 = vector.extract_strided_slice %add3A_244 {offsets = [0, 0, 0], sizes = [400, 8, 128], strides = [1, 1, 1]} : vector<400x16x128xf32> to vector<400x8x128xf32>
    %slice3A_246 = vector.extract_strided_slice %add3A_244 {offsets = [0, 8, 0], sizes = [400, 8, 128], strides = [1, 1, 1]} : vector<400x16x128xf32> to vector<400x8x128xf32>
    %add3A_247 = arith.addf %slice3A_245, %slice3A_246 : vector<400x8x128xf32>
    %reduce_sum3A_248 = arith.constant dense<0.000000e+00> : vector<400x128xf32>
    %reduce_sum3A_249 = vector.multi_reduction <add>, %add3A_247, %reduce_sum3A_248 [1] : vector<400x8x128xf32> to vector<400x128xf32>
    %add3A_250 = arith.addf %reduce_sum3A_249, %get3A_129 : vector<400x128xf32>
    %mul3A_251 = arith.mulf %add3A_250, %add3A_250 : vector<400x128xf32>
    %dot_general3A_252 = arith.constant dense<0.000000e+00> : vector<400x128xf32>
    %dot_general3A_253 = tpu.matmul %mul3A_251, %convert_element_type3A_55, %dot_general3A_252 {dimension_numbers = #tpu.dot_dimension_numbers<[1], [0], [0], [1], [0, 0, 1, 1], [], []>, transpose_lhs_hint = false} : vector<400x128xf32>, vector<128x128xf32>, vector<400x128xf32> -> vector<400x128xf32>
    %max3A_254 = arith.constant 1.000000e-24 : f32
    %max3A_255 = vector.broadcast %max3A_254 : f32 to vector<400x128xf32>
    %max3A_256 = arith.maximumf %dot_general3A_253, %max3A_255 : vector<400x128xf32>
    %rsqrt3A_257 = math.rsqrt %max3A_256 : vector<400x128xf32>
    %mul3A_258 = arith.mulf %add3A_250, %rsqrt3A_257 : vector<400x128xf32>
    %broadcast_in_dim3A_259 = vector.shape_cast %mul3A_258 : vector<400x128xf32> to vector<400x1x128xf32>
    %broadcast_in_dim3A_260 = vector.shape_cast %broadcast_in_dim3A_259 : vector<400x1x128xf32> to vector<400x1x128xf32>
    %broadcast_in_dim3A_261 = vector.broadcast %broadcast_in_dim3A_260 : vector<400x1x128xf32> to vector<400x32x128xf32>
    %reshape3A_262 = vector.shape_cast %broadcast_in_dim3A_261 : vector<400x32x128xf32> to vector<12800x128xf32>
    %mul3A_263 = arith.mulf %get3A_132, %reshape3A_262 : vector<12800x128xf32>
    %dot_general3A_264 = arith.constant dense<0.000000e+00> : vector<8x12800xf32>
    %dot_general3A_265 = tpu.matmul %convert_element_type3A_91, %mul3A_263, %dot_general3A_264 {dimension_numbers = #tpu.dot_dimension_numbers<[0], [1], [1], [0], [0, 1, 1, 0], [], []>, transpose_lhs_hint = false} : vector<128x8xf32>, vector<12800x128xf32>, vector<8x12800xf32> -> vector<8x12800xf32>
    %exp3A_266 = math.exp %dot_general3A_265 : vector<8x12800xf32>
    %reduce_sum3A_267 = arith.constant dense<0.000000e+00> : vector<12800xf32>
    %reduce_sum3A_268 = vector.multi_reduction <add>, %exp3A_266, %reduce_sum3A_267 [0] : vector<8x12800xf32> to vector<12800xf32>
    %broadcast_in_dim3A_269 = vector.shape_cast %reduce_sum3A_268 : vector<12800xf32> to vector<1x12800xf32>
    %div3A_270 = vector.broadcast %broadcast_in_dim3A_269 : vector<1x12800xf32> to vector<8x12800xf32>
    %div3A_271 = arith.divf %exp3A_266, %div3A_270 : vector<8x12800xf32>
    %dot_general3A_272 = arith.constant dense<0.000000e+00> : vector<12800x128xf32>
    %dot_general3A_273 = tpu.matmul %div3A_271, %convert_element_type3A_127, %dot_general3A_272 {dimension_numbers = #tpu.dot_dimension_numbers<[0], [0], [1], [1], [0, 1, 1, 1], [], []>, transpose_lhs_hint = false} : vector<8x12800xf32>, vector<8x128xf32>, vector<12800x128xf32> -> vector<12800x128xf32>
    %mul3A_274 = arith.mulf %get3A_132, %dot_general3A_273 : vector<12800x128xf32>
    %reshape3A_275 = vector.shape_cast %mul3A_274 : vector<12800x128xf32> to vector<400x32x128xf32>
    %slice3A_276 = vector.extract_strided_slice %reshape3A_275 {offsets = [0, 0, 0], sizes = [400, 16, 128], strides = [1, 1, 1]} : vector<400x32x128xf32> to vector<400x16x128xf32>
    %slice3A_277 = vector.extract_strided_slice %reshape3A_275 {offsets = [0, 16, 0], sizes = [400, 16, 128], strides = [1, 1, 1]} : vector<400x32x128xf32> to vector<400x16x128xf32>
    %add3A_278 = arith.addf %slice3A_276, %slice3A_277 : vector<400x16x128xf32>
    %slice3A_279 = vector.extract_strided_slice %add3A_278 {offsets = [0, 0, 0], sizes = [400, 8, 128], strides = [1, 1, 1]} : vector<400x16x128xf32> to vector<400x8x128xf32>
    %slice3A_280 = vector.extract_strided_slice %add3A_278 {offsets = [0, 8, 0], sizes = [400, 8, 128], strides = [1, 1, 1]} : vector<400x16x128xf32> to vector<400x8x128xf32>
    %add3A_281 = arith.addf %slice3A_279, %slice3A_280 : vector<400x8x128xf32>
    %reduce_sum3A_282 = arith.constant dense<0.000000e+00> : vector<400x128xf32>
    %reduce_sum3A_283 = vector.multi_reduction <add>, %add3A_281, %reduce_sum3A_282 [1] : vector<400x8x128xf32> to vector<400x128xf32>
    %add3A_284 = arith.addf %reduce_sum3A_283, %get3A_129 : vector<400x128xf32>
    %mul3A_285 = arith.mulf %add3A_284, %add3A_284 : vector<400x128xf32>
    %dot_general3A_286 = arith.constant dense<0.000000e+00> : vector<400x128xf32>
    %dot_general3A_287 = tpu.matmul %mul3A_285, %convert_element_type3A_55, %dot_general3A_286 {dimension_numbers = #tpu.dot_dimension_numbers<[1], [0], [0], [1], [0, 0, 1, 1], [], []>, transpose_lhs_hint = false} : vector<400x128xf32>, vector<128x128xf32>, vector<400x128xf32> -> vector<400x128xf32>
    %max3A_288 = arith.constant 1.000000e-24 : f32
    %max3A_289 = vector.broadcast %max3A_288 : f32 to vector<400x128xf32>
    %max3A_290 = arith.maximumf %dot_general3A_287, %max3A_289 : vector<400x128xf32>
    %rsqrt3A_291 = math.rsqrt %max3A_290 : vector<400x128xf32>
    %mul3A_292 = arith.mulf %add3A_284, %rsqrt3A_291 : vector<400x128xf32>
    %broadcast_in_dim3A_293 = vector.shape_cast %mul3A_292 : vector<400x128xf32> to vector<400x1x128xf32>
    %broadcast_in_dim3A_294 = vector.shape_cast %broadcast_in_dim3A_293 : vector<400x1x128xf32> to vector<400x1x128xf32>
    %broadcast_in_dim3A_295 = vector.broadcast %broadcast_in_dim3A_294 : vector<400x1x128xf32> to vector<400x32x128xf32>
    %reshape3A_296 = vector.shape_cast %broadcast_in_dim3A_295 : vector<400x32x128xf32> to vector<12800x128xf32>
    %mul3A_297 = arith.mulf %get3A_132, %reshape3A_296 : vector<12800x128xf32>
    %dot_general3A_298 = arith.constant dense<0.000000e+00> : vector<8x12800xf32>
    %dot_general3A_299 = tpu.matmul %convert_element_type3A_91, %mul3A_297, %dot_general3A_298 {dimension_numbers = #tpu.dot_dimension_numbers<[0], [1], [1], [0], [0, 1, 1, 0], [], []>, transpose_lhs_hint = false} : vector<128x8xf32>, vector<12800x128xf32>, vector<8x12800xf32> -> vector<8x12800xf32>
    %exp3A_300 = math.exp %dot_general3A_299 : vector<8x12800xf32>
    %reduce_sum3A_301 = arith.constant dense<0.000000e+00> : vector<12800xf32>
    %reduce_sum3A_302 = vector.multi_reduction <add>, %exp3A_300, %reduce_sum3A_301 [0] : vector<8x12800xf32> to vector<12800xf32>
    %broadcast_in_dim3A_303 = vector.shape_cast %reduce_sum3A_302 : vector<12800xf32> to vector<1x12800xf32>
    %div3A_304 = vector.broadcast %broadcast_in_dim3A_303 : vector<1x12800xf32> to vector<8x12800xf32>
    %div3A_305 = arith.divf %exp3A_300, %div3A_304 : vector<8x12800xf32>
    %dot_general3A_306 = arith.constant dense<0.000000e+00> : vector<12800x128xf32>
    %dot_general3A_307 = tpu.matmul %div3A_305, %convert_element_type3A_127, %dot_general3A_306 {dimension_numbers = #tpu.dot_dimension_numbers<[0], [0], [1], [1], [0, 1, 1, 1], [], []>, transpose_lhs_hint = false} : vector<8x12800xf32>, vector<8x128xf32>, vector<12800x128xf32> -> vector<12800x128xf32>
    %mul3A_308 = arith.mulf %get3A_132, %dot_general3A_307 : vector<12800x128xf32>
    %reshape3A_309 = vector.shape_cast %mul3A_308 : vector<12800x128xf32> to vector<400x32x128xf32>
    %slice3A_310 = vector.extract_strided_slice %reshape3A_309 {offsets = [0, 0, 0], sizes = [400, 16, 128], strides = [1, 1, 1]} : vector<400x32x128xf32> to vector<400x16x128xf32>
    %slice3A_311 = vector.extract_strided_slice %reshape3A_309 {offsets = [0, 16, 0], sizes = [400, 16, 128], strides = [1, 1, 1]} : vector<400x32x128xf32> to vector<400x16x128xf32>
    %add3A_312 = arith.addf %slice3A_310, %slice3A_311 : vector<400x16x128xf32>
    %slice3A_313 = vector.extract_strided_slice %add3A_312 {offsets = [0, 0, 0], sizes = [400, 8, 128], strides = [1, 1, 1]} : vector<400x16x128xf32> to vector<400x8x128xf32>
    %slice3A_314 = vector.extract_strided_slice %add3A_312 {offsets = [0, 8, 0], sizes = [400, 8, 128], strides = [1, 1, 1]} : vector<400x16x128xf32> to vector<400x8x128xf32>
    %add3A_315 = arith.addf %slice3A_313, %slice3A_314 : vector<400x8x128xf32>
    %reduce_sum3A_316 = arith.constant dense<0.000000e+00> : vector<400x128xf32>
    %reduce_sum3A_317 = vector.multi_reduction <add>, %add3A_315, %reduce_sum3A_316 [1] : vector<400x8x128xf32> to vector<400x128xf32>
    %add3A_318 = arith.addf %reduce_sum3A_317, %get3A_129 : vector<400x128xf32>
    %max3A_319 = arith.constant 0.000000e+00 : f32
    %max3A_320 = vector.broadcast %max3A_319 : f32 to vector<400x128xf32>
    %max3A_321 = arith.maximumf %add3A_318, %max3A_320 : vector<400x128xf32>
    %get3A_322 = arith.constant 0 : index
    %get3A_323 = arith.constant 0 : index
    %get3A_324 = vector.load %arg3[%get3A_322, %get3A_323] : memref<128x128xf32, #tpu.memory_space<vmem>>, vector<128x128xf32>
    %dot_general3A_325 = arith.constant dense<0.000000e+00> : vector<400x128xf32>
    %dot_general3A_326 = tpu.matmul %max3A_321, %get3A_324, %dot_general3A_325 {dimension_numbers = #tpu.dot_dimension_numbers<[1], [0], [0], [1], [0, 0, 1, 1], [], []>, transpose_lhs_hint = false} : vector<400x128xf32>, vector<128x128xf32>, vector<400x128xf32> -> vector<400x128xf32>
    %get3A_327 = arith.constant 0 : index
    %get3A_328 = arith.constant 0 : index
    %get3A_329 = vector.load %arg4[%get3A_327, %get3A_328] : memref<1x128xf32, #tpu.memory_space<vmem>>, vector<1x128xf32>
    %add3A_330 = vector.broadcast %get3A_329 : vector<1x128xf32> to vector<400x128xf32>
    %add3A_331 = arith.addf %dot_general3A_326, %add3A_330 : vector<400x128xf32>
    %max3A_332 = arith.constant 0.000000e+00 : f32
    %max3A_333 = vector.broadcast %max3A_332 : f32 to vector<400x128xf32>
    %max3A_334 = arith.maximumf %add3A_331, %max3A_333 : vector<400x128xf32>
    %mul3A_335 = arith.mulf %max3A_334, %max3A_334 : vector<400x128xf32>
    %dot_general3A_336 = arith.constant dense<0.000000e+00> : vector<400x128xf32>
    %dot_general3A_337 = tpu.matmul %mul3A_335, %convert_element_type3A_55, %dot_general3A_336 {dimension_numbers = #tpu.dot_dimension_numbers<[1], [0], [0], [1], [0, 0, 1, 1], [], []>, transpose_lhs_hint = false} : vector<400x128xf32>, vector<128x128xf32>, vector<400x128xf32> -> vector<400x128xf32>
    %max3A_338 = arith.constant 1.000000e-24 : f32
    %max3A_339 = vector.broadcast %max3A_338 : f32 to vector<400x128xf32>
    %max3A_340 = arith.maximumf %dot_general3A_337, %max3A_339 : vector<400x128xf32>
    %rsqrt3A_341 = math.rsqrt %max3A_340 : vector<400x128xf32>
    %mul3A_342 = arith.mulf %max3A_334, %rsqrt3A_341 : vector<400x128xf32>
    %swap3A = arith.constant 0 : index
    %swap3A_343 = arith.constant 0 : index
    %swap3A_344 = vector.load %arg5[%swap3A, %swap3A_343] : memref<400x128xf32, #tpu.memory_space<vmem>>, vector<400x128xf32>
    tpu.vector_store %arg5[%swap3A, %swap3A_343], %mul3A_342 {strides = array<i32>} : memref<400x128xf32, #tpu.memory_space<vmem>>, vector<400x128xf32>,
    return
  }
  func.func @transform_0(%arg0: i32) -> (i32, i32) {
    %add3A = arith.constant 0 : i32
    %add3A_0 = arith.addi %arg0, %add3A : i32
    %c0_i32 = arith.constant 0 : i32
    %c0_i32_1 = arith.constant 0 : i32
    return %add3A_0, %c0_i32 : i32, i32
  }
  func.func @transform_1(%arg0: i32) -> (i32, i32) {
    %c0_i32 = arith.constant 0 : i32
    %c0_i32_0 = arith.constant 0 : i32
    return %arg0, %c0_i32 : i32, i32
  }
  func.func @transform_2(%arg0: i32) -> (i32, i32) {
    %c0_i32 = arith.constant 0 : i32
    %c0_i32_0 = arith.constant 0 : i32
    %c0_i32_1 = arith.constant 0 : i32
    return %c0_i32, %c0_i32_0 : i32, i32
  }
  func.func @transform_3(%arg0: i32) -> (i32, i32) {
    %c0_i32 = arith.constant 0 : i32
    %c0_i32_0 = arith.constant 0 : i32
    %c0_i32_1 = arith.constant 0 : i32
    return %c0_i32, %c0_i32_0 : i32, i32
  }
  func.func @transform_4(%arg0: i32) -> (i32, i32) {
    %c0_i32 = arith.constant 0 : i32
    %c0_i32_0 = arith.constant 0 : i32
    return %arg0, %c0_i32 : i32, i32
  }
}

module attributes {stable_mosaic.version = 14 : i64} {
  func.func @_route_body(%arg0: i32, %arg1: memref<400x128xf32, #tpu.memory_space<vmem>>, %arg2: memref<12800x128xf32, #tpu.memory_space<vmem>>, %arg3: memref<128x128xf32, #tpu.memory_space<vmem>>, %arg4: memref<1x128xf32, #tpu.memory_space<vmem>>, %arg5: memref<400x128xf32, #tpu.memory_space<vmem>>) attributes {dimension_semantics = [#tpu.dimension_semantics<arbitrary>], iteration_bounds = array<i64: 12>, scalar_prefetch = 0 : i64, scratch_operands = 0 : i64, tpu.core_type = #tpu.core_type<tc>, window_params = [{transform_indices = @transform_0, window_bounds = array<i64: 400, 128>}, {transform_indices = @transform_1, window_bounds = array<i64: 12800, 128>}, {pipeline_mode = #tpu.pipeline_mode<synchronous>, transform_indices = @transform_2, window_bounds = array<i64: 128, 128>}, {pipeline_mode = #tpu.pipeline_mode<synchronous>, transform_indices = @transform_3, window_bounds = array<i64: 1, 128>}, {transform_indices = @transform_4, window_bounds = array<i64: 400, 128>}]} {
    %iota3A = tpu.iota {dimensions = array<i32: 0>} : vector<128x128xi32>
    %jit3A = arith.constant 16 : i32
    %div3A = vector.broadcast %jit3A : i32 to vector<128x128xi32>
    %div3A_0 = arith.divsi %iota3A, %div3A : vector<128x128xi32>
    %sign3A = arith.constant 0 : i32
    %sign3A_1 = vector.broadcast %sign3A : i32 to vector<128x128xi32>
    %sign3A_2 = arith.cmpi sgt, %iota3A, %sign3A_1 : vector<128x128xi32>
    %sign3A_3 = arith.extui %sign3A_2 : vector<128x128xi1> to vector<128x128xi32>
    %sign3A_4 = arith.constant 0 : i32
    %sign3A_5 = vector.broadcast %sign3A_4 : i32 to vector<128x128xi32>
    %sign3A_6 = arith.cmpi slt, %iota3A, %sign3A_5 : vector<128x128xi32>
    %sign3A_7 = arith.extui %sign3A_6 : vector<128x128xi1> to vector<128x128xi32>
    %sign3A_8 = arith.subi %sign3A_3, %sign3A_7 : vector<128x128xi32>
    %sign3A_9 = arith.constant 0 : i32
    %sign3A_10 = arith.cmpi sgt, %jit3A, %sign3A_9 : i32
    %sign3A_11 = arith.extui %sign3A_10 : i1 to i32
    %sign3A_12 = arith.constant 0 : i32
    %sign3A_13 = arith.cmpi slt, %jit3A, %sign3A_12 : i32
    %sign3A_14 = arith.extui %sign3A_13 : i1 to i32
    %sign3A_15 = arith.subi %sign3A_11, %sign3A_14 : i32
    %ne3A = vector.broadcast %sign3A_15 : i32 to vector<128x128xi32>
    %ne3A_16 = arith.cmpi ne, %sign3A_8, %ne3A : vector<128x128xi32>
    %rem3A = vector.broadcast %jit3A : i32 to vector<128x128xi32>
    %rem3A_17 = arith.remsi %iota3A, %rem3A : vector<128x128xi32>
    %ne3A_18 = arith.constant 0 : i32
    %ne3A_19 = vector.broadcast %ne3A_18 : i32 to vector<128x128xi32>
    %ne3A_20 = arith.cmpi ne, %rem3A_17, %ne3A_19 : vector<128x128xi32>
    %and3A = arith.andi %ne3A_16, %ne3A_20 : vector<128x128xi1>
    %sub3A = arith.constant 1 : i32
    %sub3A_21 = vector.broadcast %sub3A : i32 to vector<128x128xi32>
    %sub3A_22 = arith.subi %div3A_0, %sub3A_21 : vector<128x128xi32>
    %select_n3A = arith.select %and3A, %sub3A_22, %div3A_0 : vector<128x128xi1>, vector<128x128xi32>
    %iota3A_23 = tpu.iota {dimensions = array<i32: 1>} : vector<128x128xi32>
    %jit3A_24 = arith.constant 16 : i32
    %div3A_25 = vector.broadcast %jit3A_24 : i32 to vector<128x128xi32>
    %div3A_26 = arith.divsi %iota3A_23, %div3A_25 : vector<128x128xi32>
    %sign3A_27 = arith.constant 0 : i32
    %sign3A_28 = vector.broadcast %sign3A_27 : i32 to vector<128x128xi32>
    %sign3A_29 = arith.cmpi sgt, %iota3A_23, %sign3A_28 : vector<128x128xi32>
    %sign3A_30 = arith.extui %sign3A_29 : vector<128x128xi1> to vector<128x128xi32>
    %sign3A_31 = arith.constant 0 : i32
    %sign3A_32 = vector.broadcast %sign3A_31 : i32 to vector<128x128xi32>
    %sign3A_33 = arith.cmpi slt, %iota3A_23, %sign3A_32 : vector<128x128xi32>
    %sign3A_34 = arith.extui %sign3A_33 : vector<128x128xi1> to vector<128x128xi32>
    %sign3A_35 = arith.subi %sign3A_30, %sign3A_34 : vector<128x128xi32>
    %sign3A_36 = arith.constant 0 : i32
    %sign3A_37 = arith.cmpi sgt, %jit3A_24, %sign3A_36 : i32
    %sign3A_38 = arith.extui %sign3A_37 : i1 to i32
    %sign3A_39 = arith.constant 0 : i32
    %sign3A_40 = arith.cmpi slt, %jit3A_24, %sign3A_39 : i32
    %sign3A_41 = arith.extui %sign3A_40 : i1 to i32
    %sign3A_42 = arith.subi %sign3A_38, %sign3A_41 : i32
    %ne3A_43 = vector.broadcast %sign3A_42 : i32 to vector<128x128xi32>
    %ne3A_44 = arith.cmpi ne, %sign3A_35, %ne3A_43 : vector<128x128xi32>
    %rem3A_45 = vector.broadcast %jit3A_24 : i32 to vector<128x128xi32>
    %rem3A_46 = arith.remsi %iota3A_23, %rem3A_45 : vector<128x128xi32>
    %ne3A_47 = arith.constant 0 : i32
    %ne3A_48 = vector.broadcast %ne3A_47 : i32 to vector<128x128xi32>
    %ne3A_49 = arith.cmpi ne, %rem3A_46, %ne3A_48 : vector<128x128xi32>
    %and3A_50 = arith.andi %ne3A_44, %ne3A_49 : vector<128x128xi1>
    %sub3A_51 = arith.constant 1 : i32
    %sub3A_52 = vector.broadcast %sub3A_51 : i32 to vector<128x128xi32>
    %sub3A_53 = arith.subi %div3A_26, %sub3A_52 : vector<128x128xi32>
    %select_n3A_54 = arith.select %and3A_50, %sub3A_53, %div3A_26 : vector<128x128xi1>, vector<128x128xi32>
    %eq3A = arith.cmpi eq, %select_n3A, %select_n3A_54 : vector<128x128xi32>
    %convert_element_type3A = arith.extui %eq3A : vector<128x128xi1> to vector<128x128xi32>
    %convert_element_type3A_55 = arith.sitofp %convert_element_type3A : vector<128x128xi32> to vector<128x128xf32>
    %iota3A_56 = tpu.iota {dimensions = array<i32: 0>} : vector<128x8xi32>
    %jit3A_57 = arith.constant 16 : i32
    %div3A_58 = vector.broadcast %jit3A_57 : i32 to vector<128x8xi32>
    %div3A_59 = arith.divsi %iota3A_56, %div3A_58 : vector<128x8xi32>
    %sign3A_60 = arith.constant 0 : i32
    %sign3A_61 = vector.broadcast %sign3A_60 : i32 to vector<128x8xi32>
    %sign3A_62 = arith.cmpi sgt, %iota3A_56, %sign3A_61 : vector<128x8xi32>
    %sign3A_63 = arith.extui %sign3A_62 : vector<128x8xi1> to vector<128x8xi32>
    %sign3A_64 = arith.constant 0 : i32
    %sign3A_65 = vector.broadcast %sign3A_64 : i32 to vector<128x8xi32>
    %sign3A_66 = arith.cmpi slt, %iota3A_56, %sign3A_65 : vector<128x8xi32>
    %sign3A_67 = arith.extui %sign3A_66 : vector<128x8xi1> to vector<128x8xi32>
    %sign3A_68 = arith.subi %sign3A_63, %sign3A_67 : vector<128x8xi32>
    %sign3A_69 = arith.constant 0 : i32
    %sign3A_70 = arith.cmpi sgt, %jit3A_57, %sign3A_69 : i32
    %sign3A_71 = arith.extui %sign3A_70 : i1 to i32
    %sign3A_72 = arith.constant 0 : i32
    %sign3A_73 = arith.cmpi slt, %jit3A_57, %sign3A_72 : i32
    %sign3A_74 = arith.extui %sign3A_73 : i1 to i32
    %sign3A_75 = arith.subi %sign3A_71, %sign3A_74 : i32
    %ne3A_76 = vector.broadcast %sign3A_75 : i32 to vector<128x8xi32>
    %ne3A_77 = arith.cmpi ne, %sign3A_68, %ne3A_76 : vector<128x8xi32>
    %rem3A_78 = vector.broadcast %jit3A_57 : i32 to vector<128x8xi32>
    %rem3A_79 = arith.remsi %iota3A_56, %rem3A_78 : vector<128x8xi32>
    %ne3A_80 = arith.constant 0 : i32
    %ne3A_81 = vector.broadcast %ne3A_80 : i32 to vector<128x8xi32>
    %ne3A_82 = arith.cmpi ne, %rem3A_79, %ne3A_81 : vector<128x8xi32>
    %and3A_83 = arith.andi %ne3A_77, %ne3A_82 : vector<128x8xi1>
    %sub3A_84 = arith.constant 1 : i32
    %sub3A_85 = vector.broadcast %sub3A_84 : i32 to vector<128x8xi32>
    %sub3A_86 = arith.subi %div3A_59, %sub3A_85 : vector<128x8xi32>
    %select_n3A_87 = arith.select %and3A_83, %sub3A_86, %div3A_59 : vector<128x8xi1>, vector<128x8xi32>
    %iota3A_88 = tpu.iota {dimensions = array<i32: 1>} : vector<128x8xi32>
    %eq3A_89 = arith.cmpi eq, %select_n3A_87, %iota3A_88 : vector<128x8xi32>
    %convert_element_type3A_90 = arith.extui %eq3A_89 : vector<128x8xi1> to vector<128x8xi32>
    %convert_element_type3A_91 = arith.sitofp %convert_element_type3A_90 : vector<128x8xi32> to vector<128x8xf32>
    %iota3A_92 = tpu.iota {dimensions = array<i32: 0>} : vector<8x128xi32>
    %iota3A_93 = tpu.iota {dimensions = array<i32: 1>} : vector<8x128xi32>
    %jit3A_94 = arith.constant 16 : i32
    %div3A_95 = vector.broadcast %jit3A_94 : i32 to vector<8x128xi32>
    %div3A_96 = arith.divsi %iota3A_93, %div3A_95 : vector<8x128xi32>
    %sign3A_97 = arith.constant 0 : i32
    %sign3A_98 = vector.broadcast %sign3A_97 : i32 to vector<8x128xi32>
    %sign3A_99 = arith.cmpi sgt, %iota3A_93, %sign3A_98 : vector<8x128xi32>
    %sign3A_100 = arith.extui %sign3A_99 : vector<8x128xi1> to vector<8x128xi32>
    %sign3A_101 = arith.constant 0 : i32
    %sign3A_102 = vector.broadcast %sign3A_101 : i32 to vector<8x128xi32>
    %sign3A_103 = arith.cmpi slt, %iota3A_93, %sign3A_102 : vector<8x128xi32>
    %sign3A_104 = arith.extui %sign3A_103 : vector<8x128xi1> to vector<8x128xi32>
    %sign3A_105 = arith.subi %sign3A_100, %sign3A_104 : vector<8x128xi32>
    %sign3A_106 = arith.constant 0 : i32
    %sign3A_107 = arith.cmpi sgt, %jit3A_94, %sign3A_106 : i32
    %sign3A_108 = arith.extui %sign3A_107 : i1 to i32
    %sign3A_109 = arith.constant 0 : i32
    %sign3A_110 = arith.cmpi slt, %jit3A_94, %sign3A_109 : i32
    %sign3A_111 = arith.extui %sign3A_110 : i1 to i32
    %sign3A_112 = arith.subi %sign3A_108, %sign3A_111 : i32
    %ne3A_113 = vector.broadcast %sign3A_112 : i32 to vector<8x128xi32>
    %ne3A_114 = arith.cmpi ne, %sign3A_105, %ne3A_113 : vector<8x128xi32>
    %rem3A_115 = vector.broadcast %jit3A_94 : i32 to vector<8x128xi32>
    %rem3A_116 = arith.remsi %iota3A_93, %rem3A_115 : vector<8x128xi32>
    %ne3A_117 = arith.constant 0 : i32
    %ne3A_118 = vector.broadcast %ne3A_117 : i32 to vector<8x128xi32>
    %ne3A_119 = arith.cmpi ne, %rem3A_116, %ne3A_118 : vector<8x128xi32>
    %and3A_120 = arith.andi %ne3A_114, %ne3A_119 : vector<8x128xi1>
    %sub3A_121 = arith.constant 1 : i32
    %sub3A_122 = vector.broadcast %sub3A_121 : i32 to vector<8x128xi32>
    %sub3A_123 = arith.subi %div3A_96, %sub3A_122 : vector<8x128xi32>
    %select_n3A_124 = arith.select %and3A_120, %sub3A_123, %div3A_96 : vector<8x128xi1>, vector<8x128xi32>
    %eq3A_125 = arith.cmpi eq, %iota3A_92, %select_n3A_124 : vector<8x128xi32>
    %convert_element_type3A_126 = arith.extui %eq3A_125 : vector<8x128xi1> to vector<8x128xi32>
    %convert_element_type3A_127 = arith.sitofp %convert_element_type3A_126 : vector<8x128xi32> to vector<8x128xf32>
    %get3A = arith.constant 0 : index
    %get3A_128 = arith.constant 0 : index
    %get3A_129 = vector.load %arg1[%get3A, %get3A_128] : memref<400x128xf32, #tpu.memory_space<vmem>>, vector<400x128xf32>
    %get3A_130 = arith.constant 0 : index
    %get3A_131 = arith.constant 0 : index
    %get3A_132 = vector.load %arg2[%get3A_130, %get3A_131] : memref<12800x128xf32, #tpu.memory_space<vmem>>, vector<12800x128xf32>
    %broadcast_in_dim3A = vector.shape_cast %get3A_129 : vector<400x128xf32> to vector<400x1x128xf32>
    %broadcast_in_dim3A_133 = vector.shape_cast %broadcast_in_dim3A : vector<400x1x128xf32> to vector<400x1x128xf32>
    %broadcast_in_dim3A_134 = vector.broadcast %broadcast_in_dim3A_133 : vector<400x1x128xf32> to vector<400x32x128xf32>
    %reshape3A = vector.shape_cast %broadcast_in_dim3A_134 : vector<400x32x128xf32> to vector<12800x128xf32>
    %mul3A = arith.mulf %get3A_132, %reshape3A : vector<12800x128xf32>
    %dot_general3A = arith.constant dense<0.000000e+00> : vector<8x12800xf32>
    %dot_general3A_135 = tpu.matmul %convert_element_type3A_91, %mul3A, %dot_general3A {dimension_numbers = #tpu.dot_dimension_numbers<[0], [1], [1], [0], [0, 1, 1, 0], [], []>, transpose_lhs_hint = false} : vector<128x8xf32>, vector<12800x128xf32>, vector<8x12800xf32> -> vector<8x12800xf32>
    %exp3A = math.exp %dot_general3A_135 : vector<8x12800xf32>
    %reduce_sum3A = arith.constant dense<0.000000e+00> : vector<12800xf32>
    %reduce_sum3A_136 = vector.multi_reduction <add>, %exp3A, %reduce_sum3A [0] : vector<8x12800xf32> to vector<12800xf32>
    %broadcast_in_dim3A_137 = vector.shape_cast %reduce_sum3A_136 : vector<12800xf32> to vector<1x12800xf32>
    %div3A_138 = vector.broadcast %broadcast_in_dim3A_137 : vector<1x12800xf32> to vector<8x12800xf32>
    %div3A_139 = arith.divf %exp3A, %div3A_138 : vector<8x12800xf32>
    %dot_general3A_140 = arith.constant dense<0.000000e+00> : vector<12800x128xf32>
    %dot_general3A_141 = tpu.matmul %div3A_139, %convert_element_type3A_127, %dot_general3A_140 {dimension_numbers = #tpu.dot_dimension_numbers<[0], [0], [1], [1], [0, 1, 1, 1], [], []>, transpose_lhs_hint = false} : vector<8x12800xf32>, vector<8x128xf32>, vector<12800x128xf32> -> vector<12800x128xf32>
    %mul3A_142 = arith.mulf %get3A_132, %dot_general3A_141 : vector<12800x128xf32>
    %reshape3A_143 = vector.shape_cast %mul3A_142 : vector<12800x128xf32> to vector<400x32x128xf32>
    %slice3A = vector.extract_strided_slice %reshape3A_143 {offsets = [0, 0, 0], sizes = [400, 16, 128], strides = [1, 1, 1]} : vector<400x32x128xf32> to vector<400x16x128xf32>
    %slice3A_144 = vector.extract_strided_slice %reshape3A_143 {offsets = [0, 16, 0], sizes = [400, 16, 128], strides = [1, 1, 1]} : vector<400x32x128xf32> to vector<400x16x128xf32>
    %add3A = arith.addf %slice3A, %slice3A_144 : vector<400x16x128xf32>
    %slice3A_145 = vector.extract_strided_slice %add3A {offsets = [0, 0, 0], sizes = [400, 8, 128], strides = [1, 1, 1]} : vector<400x16x128xf32> to vector<400x8x128xf32>
    %slice3A_146 = vector.extract_strided_slice %add3A {offsets = [0, 8, 0], sizes = [400, 8, 128], strides = [1, 1, 1]} : vector<400x16x128xf32> to vector<400x8x128xf32>
    %add3A_147 = arith.addf %slice3A_145, %slice3A_146 : vector<400x8x128xf32>
    %reduce_sum3A_148 = arith.constant dense<0.000000e+00> : vector<400x128xf32>
    %reduce_sum3A_149 = vector.multi_reduction <add>, %add3A_147, %reduce_sum3A_148 [1] : vector<400x8x128xf32> to vector<400x128xf32>
    %add3A_150 = arith.addf %reduce_sum3A_149, %get3A_129 : vector<400x128xf32>
    %mul3A_151 = arith.mulf %add3A_150, %add3A_150 : vector<400x128xf32>
    %dot_general3A_152 = arith.constant dense<0.000000e+00> : vector<400x128xf32>
    %dot_general3A_153 = tpu.matmul %mul3A_151, %convert_element_type3A_55, %dot_general3A_152 {dimension_numbers = #tpu.dot_dimension_numbers<[1], [0], [0], [1], [0, 0, 1, 1], [], []>, transpose_lhs_hint = false} : vector<400x128xf32>, vector<128x128xf32>, vector<400x128xf32> -> vector<400x128xf32>
    %max3A = arith.constant 1.000000e-24 : f32
    %max3A_154 = vector.broadcast %max3A : f32 to vector<400x128xf32>
    %max3A_155 = arith.maximumf %dot_general3A_153, %max3A_154 : vector<400x128xf32>
    %rsqrt3A = math.rsqrt %max3A_155 : vector<400x128xf32>
    %mul3A_156 = arith.mulf %add3A_150, %rsqrt3A : vector<400x128xf32>
    %broadcast_in_dim3A_157 = vector.shape_cast %mul3A_156 : vector<400x128xf32> to vector<400x1x128xf32>
    %broadcast_in_dim3A_158 = vector.shape_cast %broadcast_in_dim3A_157 : vector<400x1x128xf32> to vector<400x1x128xf32>
    %broadcast_in_dim3A_159 = vector.broadcast %broadcast_in_dim3A_158 : vector<400x1x128xf32> to vector<400x32x128xf32>
    %reshape3A_160 = vector.shape_cast %broadcast_in_dim3A_159 : vector<400x32x128xf32> to vector<12800x128xf32>
    %mul3A_161 = arith.mulf %get3A_132, %reshape3A_160 : vector<12800x128xf32>
    %dot_general3A_162 = arith.constant dense<0.000000e+00> : vector<8x12800xf32>
    %dot_general3A_163 = tpu.matmul %convert_element_type3A_91, %mul3A_161, %dot_general3A_162 {dimension_numbers = #tpu.dot_dimension_numbers<[0], [1], [1], [0], [0, 1, 1, 0], [], []>, transpose_lhs_hint = false} : vector<128x8xf32>, vector<12800x128xf32>, vector<8x12800xf32> -> vector<8x12800xf32>
    %exp3A_164 = math.exp %dot_general3A_163 : vector<8x12800xf32>
    %reduce_sum3A_165 = arith.constant dense<0.000000e+00> : vector<12800xf32>
    %reduce_sum3A_166 = vector.multi_reduction <add>, %exp3A_164, %reduce_sum3A_165 [0] : vector<8x12800xf32> to vector<12800xf32>
    %broadcast_in_dim3A_167 = vector.shape_cast %reduce_sum3A_166 : vector<12800xf32> to vector<1x12800xf32>
    %div3A_168 = vector.broadcast %broadcast_in_dim3A_167 : vector<1x12800xf32> to vector<8x12800xf32>
    %div3A_169 = arith.divf %exp3A_164, %div3A_168 : vector<8x12800xf32>
    %dot_general3A_170 = arith.constant dense<0.000000e+00> : vector<12800x128xf32>
    %dot_general3A_171 = tpu.matmul %div3A_169, %convert_element_type3A_127, %dot_general3A_170 {dimension_numbers = #tpu.dot_dimension_numbers<[0], [0], [1], [1], [0, 1, 1, 1], [], []>, transpose_lhs_hint = false} : vector<8x12800xf32>, vector<8x128xf32>, vector<12800x128xf32> -> vector<12800x128xf32>
    %mul3A_172 = arith.mulf %get3A_132, %dot_general3A_171 : vector<12800x128xf32>
    %reshape3A_173 = vector.shape_cast %mul3A_172 : vector<12800x128xf32> to vector<400x32x128xf32>
    %slice3A_174 = vector.extract_strided_slice %reshape3A_173 {offsets = [0, 0, 0], sizes = [400, 16, 128], strides = [1, 1, 1]} : vector<400x32x128xf32> to vector<400x16x128xf32>
    %slice3A_175 = vector.extract_strided_slice %reshape3A_173 {offsets = [0, 16, 0], sizes = [400, 16, 128], strides = [1, 1, 1]} : vector<400x32x128xf32> to vector<400x16x128xf32>
    %add3A_176 = arith.addf %slice3A_174, %slice3A_175 : vector<400x16x128xf32>
    %slice3A_177 = vector.extract_strided_slice %add3A_176 {offsets = [0, 0, 0], sizes = [400, 8, 128], strides = [1, 1, 1]} : vector<400x16x128xf32> to vector<400x8x128xf32>
    %slice3A_178 = vector.extract_strided_slice %add3A_176 {offsets = [0, 8, 0], sizes = [400, 8, 128], strides = [1, 1, 1]} : vector<400x16x128xf32> to vector<400x8x128xf32>
    %add3A_179 = arith.addf %slice3A_177, %slice3A_178 : vector<400x8x128xf32>
    %reduce_sum3A_180 = arith.constant dense<0.000000e+00> : vector<400x128xf32>
    %reduce_sum3A_181 = vector.multi_reduction <add>, %add3A_179, %reduce_sum3A_180 [1] : vector<400x8x128xf32> to vector<400x128xf32>
    %add3A_182 = arith.addf %reduce_sum3A_181, %get3A_129 : vector<400x128xf32>
    %mul3A_183 = arith.mulf %add3A_182, %add3A_182 : vector<400x128xf32>
    %dot_general3A_184 = arith.constant dense<0.000000e+00> : vector<400x128xf32>
    %dot_general3A_185 = tpu.matmul %mul3A_183, %convert_element_type3A_55, %dot_general3A_184 {dimension_numbers = #tpu.dot_dimension_numbers<[1], [0], [0], [1], [0, 0, 1, 1], [], []>, transpose_lhs_hint = false} : vector<400x128xf32>, vector<128x128xf32>, vector<400x128xf32> -> vector<400x128xf32>
    %max3A_186 = arith.constant 1.000000e-24 : f32
    %max3A_187 = vector.broadcast %max3A_186 : f32 to vector<400x128xf32>
    %max3A_188 = arith.maximumf %dot_general3A_185, %max3A_187 : vector<400x128xf32>
    %rsqrt3A_189 = math.rsqrt %max3A_188 : vector<400x128xf32>
    %mul3A_190 = arith.mulf %add3A_182, %rsqrt3A_189 : vector<400x128xf32>
    %broadcast_in_dim3A_191 = vector.shape_cast %mul3A_190 : vector<400x128xf32> to vector<400x1x128xf32>
    %broadcast_in_dim3A_192 = vector.shape_cast %broadcast_in_dim3A_191 : vector<400x1x128xf32> to vector<400x1x128xf32>
    %broadcast_in_dim3A_193 = vector.broadcast %broadcast_in_dim3A_192 : vector<400x1x128xf32> to vector<400x32x128xf32>
    %reshape3A_194 = vector.shape_cast %broadcast_in_dim3A_193 : vector<400x32x128xf32> to vector<12800x128xf32>
    %mul3A_195 = arith.mulf %get3A_132, %reshape3A_194 : vector<12800x128xf32>
    %dot_general3A_196 = arith.constant dense<0.000000e+00> : vector<8x12800xf32>
    %dot_general3A_197 = tpu.matmul %convert_element_type3A_91, %mul3A_195, %dot_general3A_196 {dimension_numbers = #tpu.dot_dimension_numbers<[0], [1], [1], [0], [0, 1, 1, 0], [], []>, transpose_lhs_hint = false} : vector<128x8xf32>, vector<12800x128xf32>, vector<8x12800xf32> -> vector<8x12800xf32>
    %exp3A_198 = math.exp %dot_general3A_197 : vector<8x12800xf32>
    %reduce_sum3A_199 = arith.constant dense<0.000000e+00> : vector<12800xf32>
    %reduce_sum3A_200 = vector.multi_reduction <add>, %exp3A_198, %reduce_sum3A_199 [0] : vector<8x12800xf32> to vector<12800xf32>
    %broadcast_in_dim3A_201 = vector.shape_cast %reduce_sum3A_200 : vector<12800xf32> to vector<1x12800xf32>
    %div3A_202 = vector.broadcast %broadcast_in_dim3A_201 : vector<1x12800xf32> to vector<8x12800xf32>
    %div3A_203 = arith.divf %exp3A_198, %div3A_202 : vector<8x12800xf32>
    %dot_general3A_204 = arith.constant dense<0.000000e+00> : vector<12800x128xf32>
    %dot_general3A_205 = tpu.matmul %div3A_203, %convert_element_type3A_127, %dot_general3A_204 {dimension_numbers = #tpu.dot_dimension_numbers<[0], [0], [1], [1], [0, 1, 1, 1], [], []>, transpose_lhs_hint = false} : vector<8x12800xf32>, vector<8x128xf32>, vector<12800x128xf32> -> vector<12800x128xf32>
    %mul3A_206 = arith.mulf %get3A_132, %dot_general3A_205 : vector<12800x128xf32>
    %reshape3A_207 = vector.shape_cast %mul3A_206 : vector<12800x128xf32> to vector<400x32x128xf32>
    %slice3A_208 = vector.extract_strided_slice %reshape3A_207 {offsets = [0, 0, 0], sizes = [400, 16, 128], strides = [1, 1, 1]} : vector<400x32x128xf32> to vector<400x16x128xf32>
    %slice3A_209 = vector.extract_strided_slice %reshape3A_207 {offsets = [0, 16, 0], sizes = [400, 16, 128], strides = [1, 1, 1]} : vector<400x32x128xf32> to vector<400x16x128xf32>
    %add3A_210 = arith.addf %slice3A_208, %slice3A_209 : vector<400x16x128xf32>
    %slice3A_211 = vector.extract_strided_slice %add3A_210 {offsets = [0, 0, 0], sizes = [400, 8, 128], strides = [1, 1, 1]} : vector<400x16x128xf32> to vector<400x8x128xf32>
    %slice3A_212 = vector.extract_strided_slice %add3A_210 {offsets = [0, 8, 0], sizes = [400, 8, 128], strides = [1, 1, 1]} : vector<400x16x128xf32> to vector<400x8x128xf32>
    %add3A_213 = arith.addf %slice3A_211, %slice3A_212 : vector<400x8x128xf32>
    %reduce_sum3A_214 = arith.constant dense<0.000000e+00> : vector<400x128xf32>
    %reduce_sum3A_215 = vector.multi_reduction <add>, %add3A_213, %reduce_sum3A_214 [1] : vector<400x8x128xf32> to vector<400x128xf32>
    %add3A_216 = arith.addf %reduce_sum3A_215, %get3A_129 : vector<400x128xf32>
    %mul3A_217 = arith.mulf %add3A_216, %add3A_216 : vector<400x128xf32>
    %dot_general3A_218 = arith.constant dense<0.000000e+00> : vector<400x128xf32>
    %dot_general3A_219 = tpu.matmul %mul3A_217, %convert_element_type3A_55, %dot_general3A_218 {dimension_numbers = #tpu.dot_dimension_numbers<[1], [0], [0], [1], [0, 0, 1, 1], [], []>, transpose_lhs_hint = false} : vector<400x128xf32>, vector<128x128xf32>, vector<400x128xf32> -> vector<400x128xf32>
    %max3A_220 = arith.constant 1.000000e-24 : f32
    %max3A_221 = vector.broadcast %max3A_220 : f32 to vector<400x128xf32>
    %max3A_222 = arith.maximumf %dot_general3A_219, %max3A_221 : vector<400x128xf32>
    %rsqrt3A_223 = math.rsqrt %max3A_222 : vector<400x128xf32>
    %mul3A_224 = arith.mulf %add3A_216, %rsqrt3A_223 : vector<400x128xf32>
    %broadcast_in_dim3A_225 = vector.shape_cast %mul3A_224 : vector<400x128xf32> to vector<400x1x128xf32>
    %broadcast_in_dim3A_226 = vector.shape_cast %broadcast_in_dim3A_225 : vector<400x1x128xf32> to vector<400x1x128xf32>
    %broadcast_in_dim3A_227 = vector.broadcast %broadcast_in_dim3A_226 : vector<400x1x128xf32> to vector<400x32x128xf32>
    %reshape3A_228 = vector.shape_cast %broadcast_in_dim3A_227 : vector<400x32x128xf32> to vector<12800x128xf32>
    %mul3A_229 = arith.mulf %get3A_132, %reshape3A_228 : vector<12800x128xf32>
    %dot_general3A_230 = arith.constant dense<0.000000e+00> : vector<8x12800xf32>
    %dot_general3A_231 = tpu.matmul %convert_element_type3A_91, %mul3A_229, %dot_general3A_230 {dimension_numbers = #tpu.dot_dimension_numbers<[0], [1], [1], [0], [0, 1, 1, 0], [], []>, transpose_lhs_hint = false} : vector<128x8xf32>, vector<12800x128xf32>, vector<8x12800xf32> -> vector<8x12800xf32>
    %exp3A_232 = math.exp %dot_general3A_231 : vector<8x12800xf32>
    %reduce_sum3A_233 = arith.constant dense<0.000000e+00> : vector<12800xf32>
    %reduce_sum3A_234 = vector.multi_reduction <add>, %exp3A_232, %reduce_sum3A_233 [0] : vector<8x12800xf32> to vector<12800xf32>
    %broadcast_in_dim3A_235 = vector.shape_cast %reduce_sum3A_234 : vector<12800xf32> to vector<1x12800xf32>
    %div3A_236 = vector.broadcast %broadcast_in_dim3A_235 : vector<1x12800xf32> to vector<8x12800xf32>
    %div3A_237 = arith.divf %exp3A_232, %div3A_236 : vector<8x12800xf32>
    %dot_general3A_238 = arith.constant dense<0.000000e+00> : vector<12800x128xf32>
    %dot_general3A_239 = tpu.matmul %div3A_237, %convert_element_type3A_127, %dot_general3A_238 {dimension_numbers = #tpu.dot_dimension_numbers<[0], [0], [1], [1], [0, 1, 1, 1], [], []>, transpose_lhs_hint = false} : vector<8x12800xf32>, vector<8x128xf32>, vector<12800x128xf32> -> vector<12800x128xf32>
    %mul3A_240 = arith.mulf %get3A_132, %dot_general3A_239 : vector<12800x128xf32>
    %reshape3A_241 = vector.shape_cast %mul3A_240 : vector<12800x128xf32> to vector<400x32x128xf32>
    %slice3A_242 = vector.extract_strided_slice %reshape3A_241 {offsets = [0, 0, 0], sizes = [400, 16, 128], strides = [1, 1, 1]} : vector<400x32x128xf32> to vector<400x16x128xf32>
    %slice3A_243 = vector.extract_strided_slice %reshape3A_241 {offsets = [0, 16, 0], sizes = [400, 16, 128], strides = [1, 1, 1]} : vector<400x32x128xf32> to vector<400x16x128xf32>
    %add3A_244 = arith.addf %slice3A_242, %slice3A_243 : vector<400x16x128xf32>
    %slice3A_245 = vector.extract_strided_slice %add3A_244 {offsets = [0, 0, 0], sizes = [400, 8, 128], strides = [1, 1, 1]} : vector<400x16x128xf32> to vector<400x8x128xf32>
    %slice3A_246 = vector.extract_strided_slice %add3A_244 {offsets = [0, 8, 0], sizes = [400, 8, 128], strides = [1, 1, 1]} : vector<400x16x128xf32> to vector<400x8x128xf32>
    %add3A_247 = arith.addf %slice3A_245, %slice3A_246 : vector<400x8x128xf32>
    %reduce_sum3A_248 = arith.constant dense<0.000000e+00> : vector<400x128xf32>
    %reduce_sum3A_249 = vector.multi_reduction <add>, %add3A_247, %reduce_sum3A_248 [1] : vector<400x8x128xf32> to vector<400x128xf32>
    %add3A_250 = arith.addf %reduce_sum3A_249, %get3A_129 : vector<400x128xf32>
    %mul3A_251 = arith.mulf %add3A_250, %add3A_250 : vector<400x128xf32>
    %dot_general3A_252 = arith.constant dense<0.000000e+00> : vector<400x128xf32>
    %dot_general3A_253 = tpu.matmul %mul3A_251, %convert_element_type3A_55, %dot_general3A_252 {dimension_numbers = #tpu.dot_dimension_numbers<[1], [0], [0], [1], [0, 0, 1, 1], [], []>, transpose_lhs_hint = false} : vector<400x128xf32>, vector<128x128xf32>, vector<400x128xf32> -> vector<400x128xf32>
    %max3A_254 = arith.constant 1.000000e-24 : f32
    %max3A_255 = vector.broadcast %max3A_254 : f32 to vector<400x128xf32>
    %max3A_256 = arith.maximumf %dot_general3A_253, %max3A_255 : vector<400x128xf32>
    %rsqrt3A_257 = math.rsqrt %max3A_256 : vector<400x128xf32>
    %mul3A_258 = arith.mulf %add3A_250, %rsqrt3A_257 : vector<400x128xf32>
    %broadcast_in_dim3A_259 = vector.shape_cast %mul3A_258 : vector<400x128xf32> to vector<400x1x128xf32>
    %broadcast_in_dim3A_260 = vector.shape_cast %broadcast_in_dim3A_259 : vector<400x1x128xf32> to vector<400x1x128xf32>
    %broadcast_in_dim3A_261 = vector.broadcast %broadcast_in_dim3A_260 : vector<400x1x128xf32> to vector<400x32x128xf32>
    %reshape3A_262 = vector.shape_cast %broadcast_in_dim3A_261 : vector<400x32x128xf32> to vector<12800x128xf32>
    %mul3A_263 = arith.mulf %get3A_132, %reshape3A_262 : vector<12800x128xf32>
    %dot_general3A_264 = arith.constant dense<0.000000e+00> : vector<8x12800xf32>
    %dot_general3A_265 = tpu.matmul %convert_element_type3A_91, %mul3A_263, %dot_general3A_264 {dimension_numbers = #tpu.dot_dimension_numbers<[0], [1], [1], [0], [0, 1, 1, 0], [], []>, transpose_lhs_hint = false} : vector<128x8xf32>, vector<12800x128xf32>, vector<8x12800xf32> -> vector<8x12800xf32>
    %exp3A_266 = math.exp %dot_general3A_265 : vector<8x12800xf32>
    %reduce_sum3A_267 = arith.constant dense<0.000000e+00> : vector<12800xf32>
    %reduce_sum3A_268 = vector.multi_reduction <add>, %exp3A_266, %reduce_sum3A_267 [0] : vector<8x12800xf32> to vector<12800xf32>
    %broadcast_in_dim3A_269 = vector.shape_cast %reduce_sum3A_268 : vector<12800xf32> to vector<1x12800xf32>
    %div3A_270 = vector.broadcast %broadcast_in_dim3A_269 : vector<1x12800xf32> to vector<8x12800xf32>
    %div3A_271 = arith.divf %exp3A_266, %div3A_270 : vector<8x12800xf32>
    %dot_general3A_272 = arith.constant dense<0.000000e+00> : vector<12800x128xf32>
    %dot_general3A_273 = tpu.matmul %div3A_271, %convert_element_type3A_127, %dot_general3A_272 {dimension_numbers = #tpu.dot_dimension_numbers<[0], [0], [1], [1], [0, 1, 1, 1], [], []>, transpose_lhs_hint = false} : vector<8x12800xf32>, vector<8x128xf32>, vector<12800x128xf32> -> vector<12800x128xf32>
    %mul3A_274 = arith.mulf %get3A_132, %dot_general3A_273 : vector<12800x128xf32>
    %reshape3A_275 = vector.shape_cast %mul3A_274 : vector<12800x128xf32> to vector<400x32x128xf32>
    %slice3A_276 = vector.extract_strided_slice %reshape3A_275 {offsets = [0, 0, 0], sizes = [400, 16, 128], strides = [1, 1, 1]} : vector<400x32x128xf32> to vector<400x16x128xf32>
    %slice3A_277 = vector.extract_strided_slice %reshape3A_275 {offsets = [0, 16, 0], sizes = [400, 16, 128], strides = [1, 1, 1]} : vector<400x32x128xf32> to vector<400x16x128xf32>
    %add3A_278 = arith.addf %slice3A_276, %slice3A_277 : vector<400x16x128xf32>
    %slice3A_279 = vector.extract_strided_slice %add3A_278 {offsets = [0, 0, 0], sizes = [400, 8, 128], strides = [1, 1, 1]} : vector<400x16x128xf32> to vector<400x8x128xf32>
    %slice3A_280 = vector.extract_strided_slice %add3A_278 {offsets = [0, 8, 0], sizes = [400, 8, 128], strides = [1, 1, 1]} : vector<400x16x128xf32> to vector<400x8x128xf32>
    %add3A_281 = arith.addf %slice3A_279, %slice3A_280 : vector<400x8x128xf32>
    %reduce_sum3A_282 = arith.constant dense<0.000000e+00> : vector<400x128xf32>
    %reduce_sum3A_283 = vector.multi_reduction <add>, %add3A_281, %reduce_sum3A_282 [1] : vector<400x8x128xf32> to vector<400x128xf32>
    %add3A_284 = arith.addf %reduce_sum3A_283, %get3A_129 : vector<400x128xf32>
    %mul3A_285 = arith.mulf %add3A_284, %add3A_284 : vector<400x128xf32>
    %dot_general3A_286 = arith.constant dense<0.000000e+00> : vector<400x128xf32>
    %dot_general3A_287 = tpu.matmul %mul3A_285, %convert_element_type3A_55, %dot_general3A_286 {dimension_numbers = #tpu.dot_dimension_numbers<[1], [0], [0], [1], [0, 0, 1, 1], [], []>, transpose_lhs_hint = false} : vector<400x128xf32>, vector<128x128xf32>, vector<400x128xf32> -> vector<400x128xf32>
    %max3A_288 = arith.constant 1.000000e-24 : f32
    %max3A_289 = vector.broadcast %max3A_288 : f32 to vector<400x128xf32>
    %max3A_290 = arith.maximumf %dot_general3A_287, %max3A_289 : vector<400x128xf32>
    %rsqrt3A_291 = math.rsqrt %max3A_290 : vector<400x128xf32>
    %mul3A_292 = arith.mulf %add3A_284, %rsqrt3A_291 : vector<400x128xf32>
    %broadcast_in_dim3A_293 = vector.shape_cast %mul3A_292 : vector<400x128xf32> to vector<400x1x128xf32>
    %broadcast_in_dim3A_294 = vector.shape_cast %broadcast_in_dim3A_293 : vector<400x1x128xf32> to vector<400x1x128xf32>
    %broadcast_in_dim3A_295 = vector.broadcast %broadcast_in_dim3A_294 : vector<400x1x128xf32> to vector<400x32x128xf32>
    %reshape3A_296 = vector.shape_cast %broadcast_in_dim3A_295 : vector<400x32x128xf32> to vector<12800x128xf32>
    %mul3A_297 = arith.mulf %get3A_132, %reshape3A_296 : vector<12800x128xf32>
    %dot_general3A_298 = arith.constant dense<0.000000e+00> : vector<8x12800xf32>
    %dot_general3A_299 = tpu.matmul %convert_element_type3A_91, %mul3A_297, %dot_general3A_298 {dimension_numbers = #tpu.dot_dimension_numbers<[0], [1], [1], [0], [0, 1, 1, 0], [], []>, transpose_lhs_hint = false} : vector<128x8xf32>, vector<12800x128xf32>, vector<8x12800xf32> -> vector<8x12800xf32>
    %exp3A_300 = math.exp %dot_general3A_299 : vector<8x12800xf32>
    %reduce_sum3A_301 = arith.constant dense<0.000000e+00> : vector<12800xf32>
    %reduce_sum3A_302 = vector.multi_reduction <add>, %exp3A_300, %reduce_sum3A_301 [0] : vector<8x12800xf32> to vector<12800xf32>
    %broadcast_in_dim3A_303 = vector.shape_cast %reduce_sum3A_302 : vector<12800xf32> to vector<1x12800xf32>
    %div3A_304 = vector.broadcast %broadcast_in_dim3A_303 : vector<1x12800xf32> to vector<8x12800xf32>
    %div3A_305 = arith.divf %exp3A_300, %div3A_304 : vector<8x12800xf32>
    %dot_general3A_306 = arith.constant dense<0.000000e+00> : vector<12800x128xf32>
    %dot_general3A_307 = tpu.matmul %div3A_305, %convert_element_type3A_127, %dot_general3A_306 {dimension_numbers = #tpu.dot_dimension_numbers<[0], [0], [1], [1], [0, 1, 1, 1], [], []>, transpose_lhs_hint = false} : vector<8x12800xf32>, vector<8x128xf32>, vector<12800x128xf32> -> vector<12800x128xf32>
    %mul3A_308 = arith.mulf %get3A_132, %dot_general3A_307 : vector<12800x128xf32>
    %reshape3A_309 = vector.shape_cast %mul3A_308 : vector<12800x128xf32> to vector<400x32x128xf32>
    %slice3A_310 = vector.extract_strided_slice %reshape3A_309 {offsets = [0, 0, 0], sizes = [400, 16, 128], strides = [1, 1, 1]} : vector<400x32x128xf32> to vector<400x16x128xf32>
    %slice3A_311 = vector.extract_strided_slice %reshape3A_309 {offsets = [0, 16, 0], sizes = [400, 16, 128], strides = [1, 1, 1]} : vector<400x32x128xf32> to vector<400x16x128xf32>
    %add3A_312 = arith.addf %slice3A_310, %slice3A_311 : vector<400x16x128xf32>
    %slice3A_313 = vector.extract_strided_slice %add3A_312 {offsets = [0, 0, 0], sizes = [400, 8, 128], strides = [1, 1, 1]} : vector<400x16x128xf32> to vector<400x8x128xf32>
    %slice3A_314 = vector.extract_strided_slice %add3A_312 {offsets = [0, 8, 0], sizes = [400, 8, 128], strides = [1, 1, 1]} : vector<400x16x128xf32> to vector<400x8x128xf32>
    %add3A_315 = arith.addf %slice3A_313, %slice3A_314 : vector<400x8x128xf32>
    %reduce_sum3A_316 = arith.constant dense<0.000000e+00> : vector<400x128xf32>
    %reduce_sum3A_317 = vector.multi_reduction <add>, %add3A_315, %reduce_sum3A_316 [1] : vector<400x8x128xf32> to vector<400x128xf32>
    %add3A_318 = arith.addf %reduce_sum3A_317, %get3A_129 : vector<400x128xf32>
    %max3A_319 = arith.constant 0.000000e+00 : f32
    %max3A_320 = vector.broadcast %max3A_319 : f32 to vector<400x128xf32>
    %max3A_321 = arith.maximumf %add3A_318, %max3A_320 : vector<400x128xf32>
    %get3A_322 = arith.constant 0 : index
    %get3A_323 = arith.constant 0 : index
    %get3A_324 = vector.load %arg3[%get3A_322, %get3A_323] : memref<128x128xf32, #tpu.memory_space<vmem>>, vector<128x128xf32>
    %dot_general3A_325 = arith.constant dense<0.000000e+00> : vector<400x128xf32>
    %dot_general3A_326 = tpu.matmul %max3A_321, %get3A_324, %dot_general3A_325 {dimension_numbers = #tpu.dot_dimension_numbers<[1], [0], [0], [1], [0, 0, 1, 1], [], []>, transpose_lhs_hint = false} : vector<400x128xf32>, vector<128x128xf32>, vector<400x128xf32> -> vector<400x128xf32>
    %get3A_327 = arith.constant 0 : index
    %get3A_328 = arith.constant 0 : index
    %get3A_329 = vector.load %arg4[%get3A_327, %get3A_328] : memref<1x128xf32, #tpu.memory_space<vmem>>, vector<1x128xf32>
    %add3A_330 = vector.broadcast %get3A_329 : vector<1x128xf32> to vector<400x128xf32>
    %add3A_331 = arith.addf %dot_general3A_326, %add3A_330 : vector<400x128xf32>
    %max3A_332 = arith.constant 0.000000e+00 : f32
    %max3A_333 = vector.broadcast %max3A_332 : f32 to vector<400x128xf32>
    %max3A_334 = arith.maximumf %add3A_331, %max3A_333 : vector<400x128xf32>
    %mul3A_335 = arith.mulf %max3A_334, %max3A_334 : vector<400x128xf32>
    %dot_general3A_336 = arith.constant dense<0.000000e+00> : vector<400x128xf32>
    %dot_general3A_337 = tpu.matmul %mul3A_335, %convert_element_type3A_55, %dot_general3A_336 {dimension_numbers = #tpu.dot_dimension_numbers<[1], [0], [0], [1], [0, 0, 1, 1], [], []>, transpose_lhs_hint = false} : vector<400x128xf32>, vector<128x128xf32>, vector<400x128xf32> -> vector<400x128xf32>
    %max3A_338 = arith.constant 1.000000e-24 : f32
    %max3A_339 = vector.broadcast %max3A_338 : f32 to vector<400x128xf32>
    %max3A_340 = arith.maximumf %dot_general3A_337, %max3A_339 : vector<400x128xf32>
    %rsqrt3A_341 = math.rsqrt %max3A_340 : vector<400x128xf32>
    %mul3A_342 = arith.mulf %max3A_334, %rsqrt3A_341 : vector<400x128xf32>
    %swap3A = arith.constant 0 : index
    %swap3A_343 = arith.constant 0 : index
    %swap3A_344 = vector.load %arg5[%swap3A, %swap3A_343] : memref<400x128xf32, #tpu.memory_space<vmem>>, vector<400x128xf32>
    tpu.vector_store %arg5[%swap3A, %swap3A_343], %mul3A_342 {strides = array<i32>} : memref<400x128xf32, #tpu.memory_space<vmem>>, vector<400x128xf32>,
    return
  }
  func.func @transform_0(%arg0: i32) -> (i32, i32) {
    %add3A = arith.constant 13 : i32
    %add3A_0 = arith.addi %arg0, %add3A : i32
    %c0_i32 = arith.constant 0 : i32
    %c0_i32_1 = arith.constant 0 : i32
    return %add3A_0, %c0_i32 : i32, i32
  }
  func.func @transform_1(%arg0: i32) -> (i32, i32) {
    %c0_i32 = arith.constant 0 : i32
    %c0_i32_0 = arith.constant 0 : i32
    return %arg0, %c0_i32 : i32, i32
  }
  func.func @transform_2(%arg0: i32) -> (i32, i32) {
    %c0_i32 = arith.constant 0 : i32
    %c0_i32_0 = arith.constant 0 : i32
    %c0_i32_1 = arith.constant 0 : i32
    return %c0_i32, %c0_i32_0 : i32, i32
  }
  func.func @transform_3(%arg0: i32) -> (i32, i32) {
    %c0_i32 = arith.constant 0 : i32
    %c0_i32_0 = arith.constant 0 : i32
    %c0_i32_1 = arith.constant 0 : i32
    return %c0_i32, %c0_i32_0 : i32, i32
  }
  func.func @transform_4(%arg0: i32) -> (i32, i32) {
    %c0_i32 = arith.constant 0 : i32
    %c0_i32_0 = arith.constant 0 : i32
    return %arg0, %c0_i32 : i32, i32
  }
}

module attributes {stable_mosaic.version = 14 : i64} {
  func.func @_route_body(%arg0: i32, %arg1: memref<400x128xf32, #tpu.memory_space<vmem>>, %arg2: memref<12800x128xf32, #tpu.memory_space<vmem>>, %arg3: memref<400x128xf32, #tpu.memory_space<vmem>>) attributes {dimension_semantics = [#tpu.dimension_semantics<arbitrary>], iteration_bounds = array<i64: 13>, scalar_prefetch = 0 : i64, scratch_operands = 0 : i64, tpu.core_type = #tpu.core_type<tc>, window_params = [{transform_indices = @transform_0, window_bounds = array<i64: 400, 128>}, {transform_indices = @transform_1, window_bounds = array<i64: 12800, 128>}, {transform_indices = @transform_2, window_bounds = array<i64: 400, 128>}]} {
    %iota3A = tpu.iota {dimensions = array<i32: 0>} : vector<128x128xi32>
    %jit3A = arith.constant 16 : i32
    %div3A = vector.broadcast %jit3A : i32 to vector<128x128xi32>
    %div3A_0 = arith.divsi %iota3A, %div3A : vector<128x128xi32>
    %sign3A = arith.constant 0 : i32
    %sign3A_1 = vector.broadcast %sign3A : i32 to vector<128x128xi32>
    %sign3A_2 = arith.cmpi sgt, %iota3A, %sign3A_1 : vector<128x128xi32>
    %sign3A_3 = arith.extui %sign3A_2 : vector<128x128xi1> to vector<128x128xi32>
    %sign3A_4 = arith.constant 0 : i32
    %sign3A_5 = vector.broadcast %sign3A_4 : i32 to vector<128x128xi32>
    %sign3A_6 = arith.cmpi slt, %iota3A, %sign3A_5 : vector<128x128xi32>
    %sign3A_7 = arith.extui %sign3A_6 : vector<128x128xi1> to vector<128x128xi32>
    %sign3A_8 = arith.subi %sign3A_3, %sign3A_7 : vector<128x128xi32>
    %sign3A_9 = arith.constant 0 : i32
    %sign3A_10 = arith.cmpi sgt, %jit3A, %sign3A_9 : i32
    %sign3A_11 = arith.extui %sign3A_10 : i1 to i32
    %sign3A_12 = arith.constant 0 : i32
    %sign3A_13 = arith.cmpi slt, %jit3A, %sign3A_12 : i32
    %sign3A_14 = arith.extui %sign3A_13 : i1 to i32
    %sign3A_15 = arith.subi %sign3A_11, %sign3A_14 : i32
    %ne3A = vector.broadcast %sign3A_15 : i32 to vector<128x128xi32>
    %ne3A_16 = arith.cmpi ne, %sign3A_8, %ne3A : vector<128x128xi32>
    %rem3A = vector.broadcast %jit3A : i32 to vector<128x128xi32>
    %rem3A_17 = arith.remsi %iota3A, %rem3A : vector<128x128xi32>
    %ne3A_18 = arith.constant 0 : i32
    %ne3A_19 = vector.broadcast %ne3A_18 : i32 to vector<128x128xi32>
    %ne3A_20 = arith.cmpi ne, %rem3A_17, %ne3A_19 : vector<128x128xi32>
    %and3A = arith.andi %ne3A_16, %ne3A_20 : vector<128x128xi1>
    %sub3A = arith.constant 1 : i32
    %sub3A_21 = vector.broadcast %sub3A : i32 to vector<128x128xi32>
    %sub3A_22 = arith.subi %div3A_0, %sub3A_21 : vector<128x128xi32>
    %select_n3A = arith.select %and3A, %sub3A_22, %div3A_0 : vector<128x128xi1>, vector<128x128xi32>
    %iota3A_23 = tpu.iota {dimensions = array<i32: 1>} : vector<128x128xi32>
    %jit3A_24 = arith.constant 16 : i32
    %div3A_25 = vector.broadcast %jit3A_24 : i32 to vector<128x128xi32>
    %div3A_26 = arith.divsi %iota3A_23, %div3A_25 : vector<128x128xi32>
    %sign3A_27 = arith.constant 0 : i32
    %sign3A_28 = vector.broadcast %sign3A_27 : i32 to vector<128x128xi32>
    %sign3A_29 = arith.cmpi sgt, %iota3A_23, %sign3A_28 : vector<128x128xi32>
    %sign3A_30 = arith.extui %sign3A_29 : vector<128x128xi1> to vector<128x128xi32>
    %sign3A_31 = arith.constant 0 : i32
    %sign3A_32 = vector.broadcast %sign3A_31 : i32 to vector<128x128xi32>
    %sign3A_33 = arith.cmpi slt, %iota3A_23, %sign3A_32 : vector<128x128xi32>
    %sign3A_34 = arith.extui %sign3A_33 : vector<128x128xi1> to vector<128x128xi32>
    %sign3A_35 = arith.subi %sign3A_30, %sign3A_34 : vector<128x128xi32>
    %sign3A_36 = arith.constant 0 : i32
    %sign3A_37 = arith.cmpi sgt, %jit3A_24, %sign3A_36 : i32
    %sign3A_38 = arith.extui %sign3A_37 : i1 to i32
    %sign3A_39 = arith.constant 0 : i32
    %sign3A_40 = arith.cmpi slt, %jit3A_24, %sign3A_39 : i32
    %sign3A_41 = arith.extui %sign3A_40 : i1 to i32
    %sign3A_42 = arith.subi %sign3A_38, %sign3A_41 : i32
    %ne3A_43 = vector.broadcast %sign3A_42 : i32 to vector<128x128xi32>
    %ne3A_44 = arith.cmpi ne, %sign3A_35, %ne3A_43 : vector<128x128xi32>
    %rem3A_45 = vector.broadcast %jit3A_24 : i32 to vector<128x128xi32>
    %rem3A_46 = arith.remsi %iota3A_23, %rem3A_45 : vector<128x128xi32>
    %ne3A_47 = arith.constant 0 : i32
    %ne3A_48 = vector.broadcast %ne3A_47 : i32 to vector<128x128xi32>
    %ne3A_49 = arith.cmpi ne, %rem3A_46, %ne3A_48 : vector<128x128xi32>
    %and3A_50 = arith.andi %ne3A_44, %ne3A_49 : vector<128x128xi1>
    %sub3A_51 = arith.constant 1 : i32
    %sub3A_52 = vector.broadcast %sub3A_51 : i32 to vector<128x128xi32>
    %sub3A_53 = arith.subi %div3A_26, %sub3A_52 : vector<128x128xi32>
    %select_n3A_54 = arith.select %and3A_50, %sub3A_53, %div3A_26 : vector<128x128xi1>, vector<128x128xi32>
    %eq3A = arith.cmpi eq, %select_n3A, %select_n3A_54 : vector<128x128xi32>
    %convert_element_type3A = arith.extui %eq3A : vector<128x128xi1> to vector<128x128xi32>
    %convert_element_type3A_55 = arith.sitofp %convert_element_type3A : vector<128x128xi32> to vector<128x128xf32>
    %iota3A_56 = tpu.iota {dimensions = array<i32: 0>} : vector<128x8xi32>
    %jit3A_57 = arith.constant 16 : i32
    %div3A_58 = vector.broadcast %jit3A_57 : i32 to vector<128x8xi32>
    %div3A_59 = arith.divsi %iota3A_56, %div3A_58 : vector<128x8xi32>
    %sign3A_60 = arith.constant 0 : i32
    %sign3A_61 = vector.broadcast %sign3A_60 : i32 to vector<128x8xi32>
    %sign3A_62 = arith.cmpi sgt, %iota3A_56, %sign3A_61 : vector<128x8xi32>
    %sign3A_63 = arith.extui %sign3A_62 : vector<128x8xi1> to vector<128x8xi32>
    %sign3A_64 = arith.constant 0 : i32
    %sign3A_65 = vector.broadcast %sign3A_64 : i32 to vector<128x8xi32>
    %sign3A_66 = arith.cmpi slt, %iota3A_56, %sign3A_65 : vector<128x8xi32>
    %sign3A_67 = arith.extui %sign3A_66 : vector<128x8xi1> to vector<128x8xi32>
    %sign3A_68 = arith.subi %sign3A_63, %sign3A_67 : vector<128x8xi32>
    %sign3A_69 = arith.constant 0 : i32
    %sign3A_70 = arith.cmpi sgt, %jit3A_57, %sign3A_69 : i32
    %sign3A_71 = arith.extui %sign3A_70 : i1 to i32
    %sign3A_72 = arith.constant 0 : i32
    %sign3A_73 = arith.cmpi slt, %jit3A_57, %sign3A_72 : i32
    %sign3A_74 = arith.extui %sign3A_73 : i1 to i32
    %sign3A_75 = arith.subi %sign3A_71, %sign3A_74 : i32
    %ne3A_76 = vector.broadcast %sign3A_75 : i32 to vector<128x8xi32>
    %ne3A_77 = arith.cmpi ne, %sign3A_68, %ne3A_76 : vector<128x8xi32>
    %rem3A_78 = vector.broadcast %jit3A_57 : i32 to vector<128x8xi32>
    %rem3A_79 = arith.remsi %iota3A_56, %rem3A_78 : vector<128x8xi32>
    %ne3A_80 = arith.constant 0 : i32
    %ne3A_81 = vector.broadcast %ne3A_80 : i32 to vector<128x8xi32>
    %ne3A_82 = arith.cmpi ne, %rem3A_79, %ne3A_81 : vector<128x8xi32>
    %and3A_83 = arith.andi %ne3A_77, %ne3A_82 : vector<128x8xi1>
    %sub3A_84 = arith.constant 1 : i32
    %sub3A_85 = vector.broadcast %sub3A_84 : i32 to vector<128x8xi32>
    %sub3A_86 = arith.subi %div3A_59, %sub3A_85 : vector<128x8xi32>
    %select_n3A_87 = arith.select %and3A_83, %sub3A_86, %div3A_59 : vector<128x8xi1>, vector<128x8xi32>
    %iota3A_88 = tpu.iota {dimensions = array<i32: 1>} : vector<128x8xi32>
    %eq3A_89 = arith.cmpi eq, %select_n3A_87, %iota3A_88 : vector<128x8xi32>
    %convert_element_type3A_90 = arith.extui %eq3A_89 : vector<128x8xi1> to vector<128x8xi32>
    %convert_element_type3A_91 = arith.sitofp %convert_element_type3A_90 : vector<128x8xi32> to vector<128x8xf32>
    %iota3A_92 = tpu.iota {dimensions = array<i32: 0>} : vector<8x128xi32>
    %iota3A_93 = tpu.iota {dimensions = array<i32: 1>} : vector<8x128xi32>
    %jit3A_94 = arith.constant 16 : i32
    %div3A_95 = vector.broadcast %jit3A_94 : i32 to vector<8x128xi32>
    %div3A_96 = arith.divsi %iota3A_93, %div3A_95 : vector<8x128xi32>
    %sign3A_97 = arith.constant 0 : i32
    %sign3A_98 = vector.broadcast %sign3A_97 : i32 to vector<8x128xi32>
    %sign3A_99 = arith.cmpi sgt, %iota3A_93, %sign3A_98 : vector<8x128xi32>
    %sign3A_100 = arith.extui %sign3A_99 : vector<8x128xi1> to vector<8x128xi32>
    %sign3A_101 = arith.constant 0 : i32
    %sign3A_102 = vector.broadcast %sign3A_101 : i32 to vector<8x128xi32>
    %sign3A_103 = arith.cmpi slt, %iota3A_93, %sign3A_102 : vector<8x128xi32>
    %sign3A_104 = arith.extui %sign3A_103 : vector<8x128xi1> to vector<8x128xi32>
    %sign3A_105 = arith.subi %sign3A_100, %sign3A_104 : vector<8x128xi32>
    %sign3A_106 = arith.constant 0 : i32
    %sign3A_107 = arith.cmpi sgt, %jit3A_94, %sign3A_106 : i32
    %sign3A_108 = arith.extui %sign3A_107 : i1 to i32
    %sign3A_109 = arith.constant 0 : i32
    %sign3A_110 = arith.cmpi slt, %jit3A_94, %sign3A_109 : i32
    %sign3A_111 = arith.extui %sign3A_110 : i1 to i32
    %sign3A_112 = arith.subi %sign3A_108, %sign3A_111 : i32
    %ne3A_113 = vector.broadcast %sign3A_112 : i32 to vector<8x128xi32>
    %ne3A_114 = arith.cmpi ne, %sign3A_105, %ne3A_113 : vector<8x128xi32>
    %rem3A_115 = vector.broadcast %jit3A_94 : i32 to vector<8x128xi32>
    %rem3A_116 = arith.remsi %iota3A_93, %rem3A_115 : vector<8x128xi32>
    %ne3A_117 = arith.constant 0 : i32
    %ne3A_118 = vector.broadcast %ne3A_117 : i32 to vector<8x128xi32>
    %ne3A_119 = arith.cmpi ne, %rem3A_116, %ne3A_118 : vector<8x128xi32>
    %and3A_120 = arith.andi %ne3A_114, %ne3A_119 : vector<8x128xi1>
    %sub3A_121 = arith.constant 1 : i32
    %sub3A_122 = vector.broadcast %sub3A_121 : i32 to vector<8x128xi32>
    %sub3A_123 = arith.subi %div3A_96, %sub3A_122 : vector<8x128xi32>
    %select_n3A_124 = arith.select %and3A_120, %sub3A_123, %div3A_96 : vector<8x128xi1>, vector<8x128xi32>
    %eq3A_125 = arith.cmpi eq, %iota3A_92, %select_n3A_124 : vector<8x128xi32>
    %convert_element_type3A_126 = arith.extui %eq3A_125 : vector<8x128xi1> to vector<8x128xi32>
    %convert_element_type3A_127 = arith.sitofp %convert_element_type3A_126 : vector<8x128xi32> to vector<8x128xf32>
    %get3A = arith.constant 0 : index
    %get3A_128 = arith.constant 0 : index
    %get3A_129 = vector.load %arg1[%get3A, %get3A_128] : memref<400x128xf32, #tpu.memory_space<vmem>>, vector<400x128xf32>
    %get3A_130 = arith.constant 0 : index
    %get3A_131 = arith.constant 0 : index
    %get3A_132 = vector.load %arg2[%get3A_130, %get3A_131] : memref<12800x128xf32, #tpu.memory_space<vmem>>, vector<12800x128xf32>
    %broadcast_in_dim3A = vector.shape_cast %get3A_129 : vector<400x128xf32> to vector<400x1x128xf32>
    %broadcast_in_dim3A_133 = vector.shape_cast %broadcast_in_dim3A : vector<400x1x128xf32> to vector<400x1x128xf32>
    %broadcast_in_dim3A_134 = vector.broadcast %broadcast_in_dim3A_133 : vector<400x1x128xf32> to vector<400x32x128xf32>
    %reshape3A = vector.shape_cast %broadcast_in_dim3A_134 : vector<400x32x128xf32> to vector<12800x128xf32>
    %mul3A = arith.mulf %get3A_132, %reshape3A : vector<12800x128xf32>
    %dot_general3A = arith.constant dense<0.000000e+00> : vector<8x12800xf32>
    %dot_general3A_135 = tpu.matmul %convert_element_type3A_91, %mul3A, %dot_general3A {dimension_numbers = #tpu.dot_dimension_numbers<[0], [1], [1], [0], [0, 1, 1, 0], [], []>, transpose_lhs_hint = false} : vector<128x8xf32>, vector<12800x128xf32>, vector<8x12800xf32> -> vector<8x12800xf32>
    %exp3A = math.exp %dot_general3A_135 : vector<8x12800xf32>
    %reduce_sum3A = arith.constant dense<0.000000e+00> : vector<12800xf32>
    %reduce_sum3A_136 = vector.multi_reduction <add>, %exp3A, %reduce_sum3A [0] : vector<8x12800xf32> to vector<12800xf32>
    %broadcast_in_dim3A_137 = vector.shape_cast %reduce_sum3A_136 : vector<12800xf32> to vector<1x12800xf32>
    %div3A_138 = vector.broadcast %broadcast_in_dim3A_137 : vector<1x12800xf32> to vector<8x12800xf32>
    %div3A_139 = arith.divf %exp3A, %div3A_138 : vector<8x12800xf32>
    %dot_general3A_140 = arith.constant dense<0.000000e+00> : vector<12800x128xf32>
    %dot_general3A_141 = tpu.matmul %div3A_139, %convert_element_type3A_127, %dot_general3A_140 {dimension_numbers = #tpu.dot_dimension_numbers<[0], [0], [1], [1], [0, 1, 1, 1], [], []>, transpose_lhs_hint = false} : vector<8x12800xf32>, vector<8x128xf32>, vector<12800x128xf32> -> vector<12800x128xf32>
    %mul3A_142 = arith.mulf %get3A_132, %dot_general3A_141 : vector<12800x128xf32>
    %reshape3A_143 = vector.shape_cast %mul3A_142 : vector<12800x128xf32> to vector<400x32x128xf32>
    %slice3A = vector.extract_strided_slice %reshape3A_143 {offsets = [0, 0, 0], sizes = [400, 16, 128], strides = [1, 1, 1]} : vector<400x32x128xf32> to vector<400x16x128xf32>
    %slice3A_144 = vector.extract_strided_slice %reshape3A_143 {offsets = [0, 16, 0], sizes = [400, 16, 128], strides = [1, 1, 1]} : vector<400x32x128xf32> to vector<400x16x128xf32>
    %add3A = arith.addf %slice3A, %slice3A_144 : vector<400x16x128xf32>
    %slice3A_145 = vector.extract_strided_slice %add3A {offsets = [0, 0, 0], sizes = [400, 8, 128], strides = [1, 1, 1]} : vector<400x16x128xf32> to vector<400x8x128xf32>
    %slice3A_146 = vector.extract_strided_slice %add3A {offsets = [0, 8, 0], sizes = [400, 8, 128], strides = [1, 1, 1]} : vector<400x16x128xf32> to vector<400x8x128xf32>
    %add3A_147 = arith.addf %slice3A_145, %slice3A_146 : vector<400x8x128xf32>
    %reduce_sum3A_148 = arith.constant dense<0.000000e+00> : vector<400x128xf32>
    %reduce_sum3A_149 = vector.multi_reduction <add>, %add3A_147, %reduce_sum3A_148 [1] : vector<400x8x128xf32> to vector<400x128xf32>
    %add3A_150 = arith.addf %reduce_sum3A_149, %get3A_129 : vector<400x128xf32>
    %mul3A_151 = arith.mulf %add3A_150, %add3A_150 : vector<400x128xf32>
    %dot_general3A_152 = arith.constant dense<0.000000e+00> : vector<400x128xf32>
    %dot_general3A_153 = tpu.matmul %mul3A_151, %convert_element_type3A_55, %dot_general3A_152 {dimension_numbers = #tpu.dot_dimension_numbers<[1], [0], [0], [1], [0, 0, 1, 1], [], []>, transpose_lhs_hint = false} : vector<400x128xf32>, vector<128x128xf32>, vector<400x128xf32> -> vector<400x128xf32>
    %max3A = arith.constant 1.000000e-24 : f32
    %max3A_154 = vector.broadcast %max3A : f32 to vector<400x128xf32>
    %max3A_155 = arith.maximumf %dot_general3A_153, %max3A_154 : vector<400x128xf32>
    %rsqrt3A = math.rsqrt %max3A_155 : vector<400x128xf32>
    %mul3A_156 = arith.mulf %add3A_150, %rsqrt3A : vector<400x128xf32>
    %broadcast_in_dim3A_157 = vector.shape_cast %mul3A_156 : vector<400x128xf32> to vector<400x1x128xf32>
    %broadcast_in_dim3A_158 = vector.shape_cast %broadcast_in_dim3A_157 : vector<400x1x128xf32> to vector<400x1x128xf32>
    %broadcast_in_dim3A_159 = vector.broadcast %broadcast_in_dim3A_158 : vector<400x1x128xf32> to vector<400x32x128xf32>
    %reshape3A_160 = vector.shape_cast %broadcast_in_dim3A_159 : vector<400x32x128xf32> to vector<12800x128xf32>
    %mul3A_161 = arith.mulf %get3A_132, %reshape3A_160 : vector<12800x128xf32>
    %dot_general3A_162 = arith.constant dense<0.000000e+00> : vector<8x12800xf32>
    %dot_general3A_163 = tpu.matmul %convert_element_type3A_91, %mul3A_161, %dot_general3A_162 {dimension_numbers = #tpu.dot_dimension_numbers<[0], [1], [1], [0], [0, 1, 1, 0], [], []>, transpose_lhs_hint = false} : vector<128x8xf32>, vector<12800x128xf32>, vector<8x12800xf32> -> vector<8x12800xf32>
    %exp3A_164 = math.exp %dot_general3A_163 : vector<8x12800xf32>
    %reduce_sum3A_165 = arith.constant dense<0.000000e+00> : vector<12800xf32>
    %reduce_sum3A_166 = vector.multi_reduction <add>, %exp3A_164, %reduce_sum3A_165 [0] : vector<8x12800xf32> to vector<12800xf32>
    %broadcast_in_dim3A_167 = vector.shape_cast %reduce_sum3A_166 : vector<12800xf32> to vector<1x12800xf32>
    %div3A_168 = vector.broadcast %broadcast_in_dim3A_167 : vector<1x12800xf32> to vector<8x12800xf32>
    %div3A_169 = arith.divf %exp3A_164, %div3A_168 : vector<8x12800xf32>
    %dot_general3A_170 = arith.constant dense<0.000000e+00> : vector<12800x128xf32>
    %dot_general3A_171 = tpu.matmul %div3A_169, %convert_element_type3A_127, %dot_general3A_170 {dimension_numbers = #tpu.dot_dimension_numbers<[0], [0], [1], [1], [0, 1, 1, 1], [], []>, transpose_lhs_hint = false} : vector<8x12800xf32>, vector<8x128xf32>, vector<12800x128xf32> -> vector<12800x128xf32>
    %mul3A_172 = arith.mulf %get3A_132, %dot_general3A_171 : vector<12800x128xf32>
    %reshape3A_173 = vector.shape_cast %mul3A_172 : vector<12800x128xf32> to vector<400x32x128xf32>
    %slice3A_174 = vector.extract_strided_slice %reshape3A_173 {offsets = [0, 0, 0], sizes = [400, 16, 128], strides = [1, 1, 1]} : vector<400x32x128xf32> to vector<400x16x128xf32>
    %slice3A_175 = vector.extract_strided_slice %reshape3A_173 {offsets = [0, 16, 0], sizes = [400, 16, 128], strides = [1, 1, 1]} : vector<400x32x128xf32> to vector<400x16x128xf32>
    %add3A_176 = arith.addf %slice3A_174, %slice3A_175 : vector<400x16x128xf32>
    %slice3A_177 = vector.extract_strided_slice %add3A_176 {offsets = [0, 0, 0], sizes = [400, 8, 128], strides = [1, 1, 1]} : vector<400x16x128xf32> to vector<400x8x128xf32>
    %slice3A_178 = vector.extract_strided_slice %add3A_176 {offsets = [0, 8, 0], sizes = [400, 8, 128], strides = [1, 1, 1]} : vector<400x16x128xf32> to vector<400x8x128xf32>
    %add3A_179 = arith.addf %slice3A_177, %slice3A_178 : vector<400x8x128xf32>
    %reduce_sum3A_180 = arith.constant dense<0.000000e+00> : vector<400x128xf32>
    %reduce_sum3A_181 = vector.multi_reduction <add>, %add3A_179, %reduce_sum3A_180 [1] : vector<400x8x128xf32> to vector<400x128xf32>
    %add3A_182 = arith.addf %reduce_sum3A_181, %get3A_129 : vector<400x128xf32>
    %mul3A_183 = arith.mulf %add3A_182, %add3A_182 : vector<400x128xf32>
    %dot_general3A_184 = arith.constant dense<0.000000e+00> : vector<400x128xf32>
    %dot_general3A_185 = tpu.matmul %mul3A_183, %convert_element_type3A_55, %dot_general3A_184 {dimension_numbers = #tpu.dot_dimension_numbers<[1], [0], [0], [1], [0, 0, 1, 1], [], []>, transpose_lhs_hint = false} : vector<400x128xf32>, vector<128x128xf32>, vector<400x128xf32> -> vector<400x128xf32>
    %max3A_186 = arith.constant 1.000000e-24 : f32
    %max3A_187 = vector.broadcast %max3A_186 : f32 to vector<400x128xf32>
    %max3A_188 = arith.maximumf %dot_general3A_185, %max3A_187 : vector<400x128xf32>
    %rsqrt3A_189 = math.rsqrt %max3A_188 : vector<400x128xf32>
    %mul3A_190 = arith.mulf %add3A_182, %rsqrt3A_189 : vector<400x128xf32>
    %broadcast_in_dim3A_191 = vector.shape_cast %mul3A_190 : vector<400x128xf32> to vector<400x1x128xf32>
    %broadcast_in_dim3A_192 = vector.shape_cast %broadcast_in_dim3A_191 : vector<400x1x128xf32> to vector<400x1x128xf32>
    %broadcast_in_dim3A_193 = vector.broadcast %broadcast_in_dim3A_192 : vector<400x1x128xf32> to vector<400x32x128xf32>
    %reshape3A_194 = vector.shape_cast %broadcast_in_dim3A_193 : vector<400x32x128xf32> to vector<12800x128xf32>
    %mul3A_195 = arith.mulf %get3A_132, %reshape3A_194 : vector<12800x128xf32>
    %dot_general3A_196 = arith.constant dense<0.000000e+00> : vector<8x12800xf32>
    %dot_general3A_197 = tpu.matmul %convert_element_type3A_91, %mul3A_195, %dot_general3A_196 {dimension_numbers = #tpu.dot_dimension_numbers<[0], [1], [1], [0], [0, 1, 1, 0], [], []>, transpose_lhs_hint = false} : vector<128x8xf32>, vector<12800x128xf32>, vector<8x12800xf32> -> vector<8x12800xf32>
    %exp3A_198 = math.exp %dot_general3A_197 : vector<8x12800xf32>
    %reduce_sum3A_199 = arith.constant dense<0.000000e+00> : vector<12800xf32>
    %reduce_sum3A_200 = vector.multi_reduction <add>, %exp3A_198, %reduce_sum3A_199 [0] : vector<8x12800xf32> to vector<12800xf32>
    %broadcast_in_dim3A_201 = vector.shape_cast %reduce_sum3A_200 : vector<12800xf32> to vector<1x12800xf32>
    %div3A_202 = vector.broadcast %broadcast_in_dim3A_201 : vector<1x12800xf32> to vector<8x12800xf32>
    %div3A_203 = arith.divf %exp3A_198, %div3A_202 : vector<8x12800xf32>
    %dot_general3A_204 = arith.constant dense<0.000000e+00> : vector<12800x128xf32>
    %dot_general3A_205 = tpu.matmul %div3A_203, %convert_element_type3A_127, %dot_general3A_204 {dimension_numbers = #tpu.dot_dimension_numbers<[0], [0], [1], [1], [0, 1, 1, 1], [], []>, transpose_lhs_hint = false} : vector<8x12800xf32>, vector<8x128xf32>, vector<12800x128xf32> -> vector<12800x128xf32>
    %mul3A_206 = arith.mulf %get3A_132, %dot_general3A_205 : vector<12800x128xf32>
    %reshape3A_207 = vector.shape_cast %mul3A_206 : vector<12800x128xf32> to vector<400x32x128xf32>
    %slice3A_208 = vector.extract_strided_slice %reshape3A_207 {offsets = [0, 0, 0], sizes = [400, 16, 128], strides = [1, 1, 1]} : vector<400x32x128xf32> to vector<400x16x128xf32>
    %slice3A_209 = vector.extract_strided_slice %reshape3A_207 {offsets = [0, 16, 0], sizes = [400, 16, 128], strides = [1, 1, 1]} : vector<400x32x128xf32> to vector<400x16x128xf32>
    %add3A_210 = arith.addf %slice3A_208, %slice3A_209 : vector<400x16x128xf32>
    %slice3A_211 = vector.extract_strided_slice %add3A_210 {offsets = [0, 0, 0], sizes = [400, 8, 128], strides = [1, 1, 1]} : vector<400x16x128xf32> to vector<400x8x128xf32>
    %slice3A_212 = vector.extract_strided_slice %add3A_210 {offsets = [0, 8, 0], sizes = [400, 8, 128], strides = [1, 1, 1]} : vector<400x16x128xf32> to vector<400x8x128xf32>
    %add3A_213 = arith.addf %slice3A_211, %slice3A_212 : vector<400x8x128xf32>
    %reduce_sum3A_214 = arith.constant dense<0.000000e+00> : vector<400x128xf32>
    %reduce_sum3A_215 = vector.multi_reduction <add>, %add3A_213, %reduce_sum3A_214 [1] : vector<400x8x128xf32> to vector<400x128xf32>
    %add3A_216 = arith.addf %reduce_sum3A_215, %get3A_129 : vector<400x128xf32>
    %mul3A_217 = arith.mulf %add3A_216, %add3A_216 : vector<400x128xf32>
    %dot_general3A_218 = arith.constant dense<0.000000e+00> : vector<400x128xf32>
    %dot_general3A_219 = tpu.matmul %mul3A_217, %convert_element_type3A_55, %dot_general3A_218 {dimension_numbers = #tpu.dot_dimension_numbers<[1], [0], [0], [1], [0, 0, 1, 1], [], []>, transpose_lhs_hint = false} : vector<400x128xf32>, vector<128x128xf32>, vector<400x128xf32> -> vector<400x128xf32>
    %max3A_220 = arith.constant 1.000000e-24 : f32
    %max3A_221 = vector.broadcast %max3A_220 : f32 to vector<400x128xf32>
    %max3A_222 = arith.maximumf %dot_general3A_219, %max3A_221 : vector<400x128xf32>
    %rsqrt3A_223 = math.rsqrt %max3A_222 : vector<400x128xf32>
    %mul3A_224 = arith.mulf %add3A_216, %rsqrt3A_223 : vector<400x128xf32>
    %broadcast_in_dim3A_225 = vector.shape_cast %mul3A_224 : vector<400x128xf32> to vector<400x1x128xf32>
    %broadcast_in_dim3A_226 = vector.shape_cast %broadcast_in_dim3A_225 : vector<400x1x128xf32> to vector<400x1x128xf32>
    %broadcast_in_dim3A_227 = vector.broadcast %broadcast_in_dim3A_226 : vector<400x1x128xf32> to vector<400x32x128xf32>
    %reshape3A_228 = vector.shape_cast %broadcast_in_dim3A_227 : vector<400x32x128xf32> to vector<12800x128xf32>
    %mul3A_229 = arith.mulf %get3A_132, %reshape3A_228 : vector<12800x128xf32>
    %dot_general3A_230 = arith.constant dense<0.000000e+00> : vector<8x12800xf32>
    %dot_general3A_231 = tpu.matmul %convert_element_type3A_91, %mul3A_229, %dot_general3A_230 {dimension_numbers = #tpu.dot_dimension_numbers<[0], [1], [1], [0], [0, 1, 1, 0], [], []>, transpose_lhs_hint = false} : vector<128x8xf32>, vector<12800x128xf32>, vector<8x12800xf32> -> vector<8x12800xf32>
    %exp3A_232 = math.exp %dot_general3A_231 : vector<8x12800xf32>
    %reduce_sum3A_233 = arith.constant dense<0.000000e+00> : vector<12800xf32>
    %reduce_sum3A_234 = vector.multi_reduction <add>, %exp3A_232, %reduce_sum3A_233 [0] : vector<8x12800xf32> to vector<12800xf32>
    %broadcast_in_dim3A_235 = vector.shape_cast %reduce_sum3A_234 : vector<12800xf32> to vector<1x12800xf32>
    %div3A_236 = vector.broadcast %broadcast_in_dim3A_235 : vector<1x12800xf32> to vector<8x12800xf32>
    %div3A_237 = arith.divf %exp3A_232, %div3A_236 : vector<8x12800xf32>
    %dot_general3A_238 = arith.constant dense<0.000000e+00> : vector<12800x128xf32>
    %dot_general3A_239 = tpu.matmul %div3A_237, %convert_element_type3A_127, %dot_general3A_238 {dimension_numbers = #tpu.dot_dimension_numbers<[0], [0], [1], [1], [0, 1, 1, 1], [], []>, transpose_lhs_hint = false} : vector<8x12800xf32>, vector<8x128xf32>, vector<12800x128xf32> -> vector<12800x128xf32>
    %mul3A_240 = arith.mulf %get3A_132, %dot_general3A_239 : vector<12800x128xf32>
    %reshape3A_241 = vector.shape_cast %mul3A_240 : vector<12800x128xf32> to vector<400x32x128xf32>
    %slice3A_242 = vector.extract_strided_slice %reshape3A_241 {offsets = [0, 0, 0], sizes = [400, 16, 128], strides = [1, 1, 1]} : vector<400x32x128xf32> to vector<400x16x128xf32>
    %slice3A_243 = vector.extract_strided_slice %reshape3A_241 {offsets = [0, 16, 0], sizes = [400, 16, 128], strides = [1, 1, 1]} : vector<400x32x128xf32> to vector<400x16x128xf32>
    %add3A_244 = arith.addf %slice3A_242, %slice3A_243 : vector<400x16x128xf32>
    %slice3A_245 = vector.extract_strided_slice %add3A_244 {offsets = [0, 0, 0], sizes = [400, 8, 128], strides = [1, 1, 1]} : vector<400x16x128xf32> to vector<400x8x128xf32>
    %slice3A_246 = vector.extract_strided_slice %add3A_244 {offsets = [0, 8, 0], sizes = [400, 8, 128], strides = [1, 1, 1]} : vector<400x16x128xf32> to vector<400x8x128xf32>
    %add3A_247 = arith.addf %slice3A_245, %slice3A_246 : vector<400x8x128xf32>
    %reduce_sum3A_248 = arith.constant dense<0.000000e+00> : vector<400x128xf32>
    %reduce_sum3A_249 = vector.multi_reduction <add>, %add3A_247, %reduce_sum3A_248 [1] : vector<400x8x128xf32> to vector<400x128xf32>
    %add3A_250 = arith.addf %reduce_sum3A_249, %get3A_129 : vector<400x128xf32>
    %mul3A_251 = arith.mulf %add3A_250, %add3A_250 : vector<400x128xf32>
    %dot_general3A_252 = arith.constant dense<0.000000e+00> : vector<400x128xf32>
    %dot_general3A_253 = tpu.matmul %mul3A_251, %convert_element_type3A_55, %dot_general3A_252 {dimension_numbers = #tpu.dot_dimension_numbers<[1], [0], [0], [1], [0, 0, 1, 1], [], []>, transpose_lhs_hint = false} : vector<400x128xf32>, vector<128x128xf32>, vector<400x128xf32> -> vector<400x128xf32>
    %max3A_254 = arith.constant 1.000000e-24 : f32
    %max3A_255 = vector.broadcast %max3A_254 : f32 to vector<400x128xf32>
    %max3A_256 = arith.maximumf %dot_general3A_253, %max3A_255 : vector<400x128xf32>
    %rsqrt3A_257 = math.rsqrt %max3A_256 : vector<400x128xf32>
    %mul3A_258 = arith.mulf %add3A_250, %rsqrt3A_257 : vector<400x128xf32>
    %broadcast_in_dim3A_259 = vector.shape_cast %mul3A_258 : vector<400x128xf32> to vector<400x1x128xf32>
    %broadcast_in_dim3A_260 = vector.shape_cast %broadcast_in_dim3A_259 : vector<400x1x128xf32> to vector<400x1x128xf32>
    %broadcast_in_dim3A_261 = vector.broadcast %broadcast_in_dim3A_260 : vector<400x1x128xf32> to vector<400x32x128xf32>
    %reshape3A_262 = vector.shape_cast %broadcast_in_dim3A_261 : vector<400x32x128xf32> to vector<12800x128xf32>
    %mul3A_263 = arith.mulf %get3A_132, %reshape3A_262 : vector<12800x128xf32>
    %dot_general3A_264 = arith.constant dense<0.000000e+00> : vector<8x12800xf32>
    %dot_general3A_265 = tpu.matmul %convert_element_type3A_91, %mul3A_263, %dot_general3A_264 {dimension_numbers = #tpu.dot_dimension_numbers<[0], [1], [1], [0], [0, 1, 1, 0], [], []>, transpose_lhs_hint = false} : vector<128x8xf32>, vector<12800x128xf32>, vector<8x12800xf32> -> vector<8x12800xf32>
    %exp3A_266 = math.exp %dot_general3A_265 : vector<8x12800xf32>
    %reduce_sum3A_267 = arith.constant dense<0.000000e+00> : vector<12800xf32>
    %reduce_sum3A_268 = vector.multi_reduction <add>, %exp3A_266, %reduce_sum3A_267 [0] : vector<8x12800xf32> to vector<12800xf32>
    %broadcast_in_dim3A_269 = vector.shape_cast %reduce_sum3A_268 : vector<12800xf32> to vector<1x12800xf32>
    %div3A_270 = vector.broadcast %broadcast_in_dim3A_269 : vector<1x12800xf32> to vector<8x12800xf32>
    %div3A_271 = arith.divf %exp3A_266, %div3A_270 : vector<8x12800xf32>
    %dot_general3A_272 = arith.constant dense<0.000000e+00> : vector<12800x128xf32>
    %dot_general3A_273 = tpu.matmul %div3A_271, %convert_element_type3A_127, %dot_general3A_272 {dimension_numbers = #tpu.dot_dimension_numbers<[0], [0], [1], [1], [0, 1, 1, 1], [], []>, transpose_lhs_hint = false} : vector<8x12800xf32>, vector<8x128xf32>, vector<12800x128xf32> -> vector<12800x128xf32>
    %mul3A_274 = arith.mulf %get3A_132, %dot_general3A_273 : vector<12800x128xf32>
    %reshape3A_275 = vector.shape_cast %mul3A_274 : vector<12800x128xf32> to vector<400x32x128xf32>
    %slice3A_276 = vector.extract_strided_slice %reshape3A_275 {offsets = [0, 0, 0], sizes = [400, 16, 128], strides = [1, 1, 1]} : vector<400x32x128xf32> to vector<400x16x128xf32>
    %slice3A_277 = vector.extract_strided_slice %reshape3A_275 {offsets = [0, 16, 0], sizes = [400, 16, 128], strides = [1, 1, 1]} : vector<400x32x128xf32> to vector<400x16x128xf32>
    %add3A_278 = arith.addf %slice3A_276, %slice3A_277 : vector<400x16x128xf32>
    %slice3A_279 = vector.extract_strided_slice %add3A_278 {offsets = [0, 0, 0], sizes = [400, 8, 128], strides = [1, 1, 1]} : vector<400x16x128xf32> to vector<400x8x128xf32>
    %slice3A_280 = vector.extract_strided_slice %add3A_278 {offsets = [0, 8, 0], sizes = [400, 8, 128], strides = [1, 1, 1]} : vector<400x16x128xf32> to vector<400x8x128xf32>
    %add3A_281 = arith.addf %slice3A_279, %slice3A_280 : vector<400x8x128xf32>
    %reduce_sum3A_282 = arith.constant dense<0.000000e+00> : vector<400x128xf32>
    %reduce_sum3A_283 = vector.multi_reduction <add>, %add3A_281, %reduce_sum3A_282 [1] : vector<400x8x128xf32> to vector<400x128xf32>
    %add3A_284 = arith.addf %reduce_sum3A_283, %get3A_129 : vector<400x128xf32>
    %mul3A_285 = arith.mulf %add3A_284, %add3A_284 : vector<400x128xf32>
    %dot_general3A_286 = arith.constant dense<0.000000e+00> : vector<400x128xf32>
    %dot_general3A_287 = tpu.matmul %mul3A_285, %convert_element_type3A_55, %dot_general3A_286 {dimension_numbers = #tpu.dot_dimension_numbers<[1], [0], [0], [1], [0, 0, 1, 1], [], []>, transpose_lhs_hint = false} : vector<400x128xf32>, vector<128x128xf32>, vector<400x128xf32> -> vector<400x128xf32>
    %max3A_288 = arith.constant 1.000000e-24 : f32
    %max3A_289 = vector.broadcast %max3A_288 : f32 to vector<400x128xf32>
    %max3A_290 = arith.maximumf %dot_general3A_287, %max3A_289 : vector<400x128xf32>
    %rsqrt3A_291 = math.rsqrt %max3A_290 : vector<400x128xf32>
    %mul3A_292 = arith.mulf %add3A_284, %rsqrt3A_291 : vector<400x128xf32>
    %broadcast_in_dim3A_293 = vector.shape_cast %mul3A_292 : vector<400x128xf32> to vector<400x1x128xf32>
    %broadcast_in_dim3A_294 = vector.shape_cast %broadcast_in_dim3A_293 : vector<400x1x128xf32> to vector<400x1x128xf32>
    %broadcast_in_dim3A_295 = vector.broadcast %broadcast_in_dim3A_294 : vector<400x1x128xf32> to vector<400x32x128xf32>
    %reshape3A_296 = vector.shape_cast %broadcast_in_dim3A_295 : vector<400x32x128xf32> to vector<12800x128xf32>
    %mul3A_297 = arith.mulf %get3A_132, %reshape3A_296 : vector<12800x128xf32>
    %dot_general3A_298 = arith.constant dense<0.000000e+00> : vector<8x12800xf32>
    %dot_general3A_299 = tpu.matmul %convert_element_type3A_91, %mul3A_297, %dot_general3A_298 {dimension_numbers = #tpu.dot_dimension_numbers<[0], [1], [1], [0], [0, 1, 1, 0], [], []>, transpose_lhs_hint = false} : vector<128x8xf32>, vector<12800x128xf32>, vector<8x12800xf32> -> vector<8x12800xf32>
    %exp3A_300 = math.exp %dot_general3A_299 : vector<8x12800xf32>
    %reduce_sum3A_301 = arith.constant dense<0.000000e+00> : vector<12800xf32>
    %reduce_sum3A_302 = vector.multi_reduction <add>, %exp3A_300, %reduce_sum3A_301 [0] : vector<8x12800xf32> to vector<12800xf32>
    %broadcast_in_dim3A_303 = vector.shape_cast %reduce_sum3A_302 : vector<12800xf32> to vector<1x12800xf32>
    %div3A_304 = vector.broadcast %broadcast_in_dim3A_303 : vector<1x12800xf32> to vector<8x12800xf32>
    %div3A_305 = arith.divf %exp3A_300, %div3A_304 : vector<8x12800xf32>
    %dot_general3A_306 = arith.constant dense<0.000000e+00> : vector<12800x128xf32>
    %dot_general3A_307 = tpu.matmul %div3A_305, %convert_element_type3A_127, %dot_general3A_306 {dimension_numbers = #tpu.dot_dimension_numbers<[0], [0], [1], [1], [0, 1, 1, 1], [], []>, transpose_lhs_hint = false} : vector<8x12800xf32>, vector<8x128xf32>, vector<12800x128xf32> -> vector<12800x128xf32>
    %mul3A_308 = arith.mulf %get3A_132, %dot_general3A_307 : vector<12800x128xf32>
    %reshape3A_309 = vector.shape_cast %mul3A_308 : vector<12800x128xf32> to vector<400x32x128xf32>
    %slice3A_310 = vector.extract_strided_slice %reshape3A_309 {offsets = [0, 0, 0], sizes = [400, 16, 128], strides = [1, 1, 1]} : vector<400x32x128xf32> to vector<400x16x128xf32>
    %slice3A_311 = vector.extract_strided_slice %reshape3A_309 {offsets = [0, 16, 0], sizes = [400, 16, 128], strides = [1, 1, 1]} : vector<400x32x128xf32> to vector<400x16x128xf32>
    %add3A_312 = arith.addf %slice3A_310, %slice3A_311 : vector<400x16x128xf32>
    %slice3A_313 = vector.extract_strided_slice %add3A_312 {offsets = [0, 0, 0], sizes = [400, 8, 128], strides = [1, 1, 1]} : vector<400x16x128xf32> to vector<400x8x128xf32>
    %slice3A_314 = vector.extract_strided_slice %add3A_312 {offsets = [0, 8, 0], sizes = [400, 8, 128], strides = [1, 1, 1]} : vector<400x16x128xf32> to vector<400x8x128xf32>
    %add3A_315 = arith.addf %slice3A_313, %slice3A_314 : vector<400x8x128xf32>
    %reduce_sum3A_316 = arith.constant dense<0.000000e+00> : vector<400x128xf32>
    %reduce_sum3A_317 = vector.multi_reduction <add>, %add3A_315, %reduce_sum3A_316 [1] : vector<400x8x128xf32> to vector<400x128xf32>
    %add3A_318 = arith.addf %reduce_sum3A_317, %get3A_129 : vector<400x128xf32>
    %max3A_319 = arith.constant 0.000000e+00 : f32
    %max3A_320 = vector.broadcast %max3A_319 : f32 to vector<400x128xf32>
    %max3A_321 = arith.maximumf %add3A_318, %max3A_320 : vector<400x128xf32>
    %swap3A = arith.constant 0 : index
    %swap3A_322 = arith.constant 0 : index
    %swap3A_323 = vector.load %arg3[%swap3A, %swap3A_322] : memref<400x128xf32, #tpu.memory_space<vmem>>, vector<400x128xf32>
    tpu.vector_store %arg3[%swap3A, %swap3A_322], %max3A_321 {strides = array<i32>} : memref<400x128xf32, #tpu.memory_space<vmem>>, vector<400x128xf32>,
    return
  }
  func.func @transform_0(%arg0: i32) -> (i32, i32) {
    %add3A = arith.constant 0 : i32
    %add3A_0 = arith.addi %arg0, %add3A : i32
    %c0_i32 = arith.constant 0 : i32
    %c0_i32_1 = arith.constant 0 : i32
    return %add3A_0, %c0_i32 : i32, i32
  }
  func.func @transform_1(%arg0: i32) -> (i32, i32) {
    %c0_i32 = arith.constant 0 : i32
    %c0_i32_0 = arith.constant 0 : i32
    return %arg0, %c0_i32 : i32, i32
  }
  func.func @transform_2(%arg0: i32) -> (i32, i32) {
    %c0_i32 = arith.constant 0 : i32
    %c0_i32_0 = arith.constant 0 : i32
    return %arg0, %c0_i32 : i32, i32
  }
}

module attributes {stable_mosaic.version = 14 : i64} {
  func.func @_route_body(%arg0: i32, %arg1: memref<400x128xf32, #tpu.memory_space<vmem>>, %arg2: memref<12800x128xf32, #tpu.memory_space<vmem>>, %arg3: memref<400x128xf32, #tpu.memory_space<vmem>>) attributes {dimension_semantics = [#tpu.dimension_semantics<arbitrary>], iteration_bounds = array<i64: 12>, scalar_prefetch = 0 : i64, scratch_operands = 0 : i64, tpu.core_type = #tpu.core_type<tc>, window_params = [{transform_indices = @transform_0, window_bounds = array<i64: 400, 128>}, {transform_indices = @transform_1, window_bounds = array<i64: 12800, 128>}, {transform_indices = @transform_2, window_bounds = array<i64: 400, 128>}]} {
    %iota3A = tpu.iota {dimensions = array<i32: 0>} : vector<128x128xi32>
    %jit3A = arith.constant 16 : i32
    %div3A = vector.broadcast %jit3A : i32 to vector<128x128xi32>
    %div3A_0 = arith.divsi %iota3A, %div3A : vector<128x128xi32>
    %sign3A = arith.constant 0 : i32
    %sign3A_1 = vector.broadcast %sign3A : i32 to vector<128x128xi32>
    %sign3A_2 = arith.cmpi sgt, %iota3A, %sign3A_1 : vector<128x128xi32>
    %sign3A_3 = arith.extui %sign3A_2 : vector<128x128xi1> to vector<128x128xi32>
    %sign3A_4 = arith.constant 0 : i32
    %sign3A_5 = vector.broadcast %sign3A_4 : i32 to vector<128x128xi32>
    %sign3A_6 = arith.cmpi slt, %iota3A, %sign3A_5 : vector<128x128xi32>
    %sign3A_7 = arith.extui %sign3A_6 : vector<128x128xi1> to vector<128x128xi32>
    %sign3A_8 = arith.subi %sign3A_3, %sign3A_7 : vector<128x128xi32>
    %sign3A_9 = arith.constant 0 : i32
    %sign3A_10 = arith.cmpi sgt, %jit3A, %sign3A_9 : i32
    %sign3A_11 = arith.extui %sign3A_10 : i1 to i32
    %sign3A_12 = arith.constant 0 : i32
    %sign3A_13 = arith.cmpi slt, %jit3A, %sign3A_12 : i32
    %sign3A_14 = arith.extui %sign3A_13 : i1 to i32
    %sign3A_15 = arith.subi %sign3A_11, %sign3A_14 : i32
    %ne3A = vector.broadcast %sign3A_15 : i32 to vector<128x128xi32>
    %ne3A_16 = arith.cmpi ne, %sign3A_8, %ne3A : vector<128x128xi32>
    %rem3A = vector.broadcast %jit3A : i32 to vector<128x128xi32>
    %rem3A_17 = arith.remsi %iota3A, %rem3A : vector<128x128xi32>
    %ne3A_18 = arith.constant 0 : i32
    %ne3A_19 = vector.broadcast %ne3A_18 : i32 to vector<128x128xi32>
    %ne3A_20 = arith.cmpi ne, %rem3A_17, %ne3A_19 : vector<128x128xi32>
    %and3A = arith.andi %ne3A_16, %ne3A_20 : vector<128x128xi1>
    %sub3A = arith.constant 1 : i32
    %sub3A_21 = vector.broadcast %sub3A : i32 to vector<128x128xi32>
    %sub3A_22 = arith.subi %div3A_0, %sub3A_21 : vector<128x128xi32>
    %select_n3A = arith.select %and3A, %sub3A_22, %div3A_0 : vector<128x128xi1>, vector<128x128xi32>
    %iota3A_23 = tpu.iota {dimensions = array<i32: 1>} : vector<128x128xi32>
    %jit3A_24 = arith.constant 16 : i32
    %div3A_25 = vector.broadcast %jit3A_24 : i32 to vector<128x128xi32>
    %div3A_26 = arith.divsi %iota3A_23, %div3A_25 : vector<128x128xi32>
    %sign3A_27 = arith.constant 0 : i32
    %sign3A_28 = vector.broadcast %sign3A_27 : i32 to vector<128x128xi32>
    %sign3A_29 = arith.cmpi sgt, %iota3A_23, %sign3A_28 : vector<128x128xi32>
    %sign3A_30 = arith.extui %sign3A_29 : vector<128x128xi1> to vector<128x128xi32>
    %sign3A_31 = arith.constant 0 : i32
    %sign3A_32 = vector.broadcast %sign3A_31 : i32 to vector<128x128xi32>
    %sign3A_33 = arith.cmpi slt, %iota3A_23, %sign3A_32 : vector<128x128xi32>
    %sign3A_34 = arith.extui %sign3A_33 : vector<128x128xi1> to vector<128x128xi32>
    %sign3A_35 = arith.subi %sign3A_30, %sign3A_34 : vector<128x128xi32>
    %sign3A_36 = arith.constant 0 : i32
    %sign3A_37 = arith.cmpi sgt, %jit3A_24, %sign3A_36 : i32
    %sign3A_38 = arith.extui %sign3A_37 : i1 to i32
    %sign3A_39 = arith.constant 0 : i32
    %sign3A_40 = arith.cmpi slt, %jit3A_24, %sign3A_39 : i32
    %sign3A_41 = arith.extui %sign3A_40 : i1 to i32
    %sign3A_42 = arith.subi %sign3A_38, %sign3A_41 : i32
    %ne3A_43 = vector.broadcast %sign3A_42 : i32 to vector<128x128xi32>
    %ne3A_44 = arith.cmpi ne, %sign3A_35, %ne3A_43 : vector<128x128xi32>
    %rem3A_45 = vector.broadcast %jit3A_24 : i32 to vector<128x128xi32>
    %rem3A_46 = arith.remsi %iota3A_23, %rem3A_45 : vector<128x128xi32>
    %ne3A_47 = arith.constant 0 : i32
    %ne3A_48 = vector.broadcast %ne3A_47 : i32 to vector<128x128xi32>
    %ne3A_49 = arith.cmpi ne, %rem3A_46, %ne3A_48 : vector<128x128xi32>
    %and3A_50 = arith.andi %ne3A_44, %ne3A_49 : vector<128x128xi1>
    %sub3A_51 = arith.constant 1 : i32
    %sub3A_52 = vector.broadcast %sub3A_51 : i32 to vector<128x128xi32>
    %sub3A_53 = arith.subi %div3A_26, %sub3A_52 : vector<128x128xi32>
    %select_n3A_54 = arith.select %and3A_50, %sub3A_53, %div3A_26 : vector<128x128xi1>, vector<128x128xi32>
    %eq3A = arith.cmpi eq, %select_n3A, %select_n3A_54 : vector<128x128xi32>
    %convert_element_type3A = arith.extui %eq3A : vector<128x128xi1> to vector<128x128xi32>
    %convert_element_type3A_55 = arith.sitofp %convert_element_type3A : vector<128x128xi32> to vector<128x128xf32>
    %iota3A_56 = tpu.iota {dimensions = array<i32: 0>} : vector<128x8xi32>
    %jit3A_57 = arith.constant 16 : i32
    %div3A_58 = vector.broadcast %jit3A_57 : i32 to vector<128x8xi32>
    %div3A_59 = arith.divsi %iota3A_56, %div3A_58 : vector<128x8xi32>
    %sign3A_60 = arith.constant 0 : i32
    %sign3A_61 = vector.broadcast %sign3A_60 : i32 to vector<128x8xi32>
    %sign3A_62 = arith.cmpi sgt, %iota3A_56, %sign3A_61 : vector<128x8xi32>
    %sign3A_63 = arith.extui %sign3A_62 : vector<128x8xi1> to vector<128x8xi32>
    %sign3A_64 = arith.constant 0 : i32
    %sign3A_65 = vector.broadcast %sign3A_64 : i32 to vector<128x8xi32>
    %sign3A_66 = arith.cmpi slt, %iota3A_56, %sign3A_65 : vector<128x8xi32>
    %sign3A_67 = arith.extui %sign3A_66 : vector<128x8xi1> to vector<128x8xi32>
    %sign3A_68 = arith.subi %sign3A_63, %sign3A_67 : vector<128x8xi32>
    %sign3A_69 = arith.constant 0 : i32
    %sign3A_70 = arith.cmpi sgt, %jit3A_57, %sign3A_69 : i32
    %sign3A_71 = arith.extui %sign3A_70 : i1 to i32
    %sign3A_72 = arith.constant 0 : i32
    %sign3A_73 = arith.cmpi slt, %jit3A_57, %sign3A_72 : i32
    %sign3A_74 = arith.extui %sign3A_73 : i1 to i32
    %sign3A_75 = arith.subi %sign3A_71, %sign3A_74 : i32
    %ne3A_76 = vector.broadcast %sign3A_75 : i32 to vector<128x8xi32>
    %ne3A_77 = arith.cmpi ne, %sign3A_68, %ne3A_76 : vector<128x8xi32>
    %rem3A_78 = vector.broadcast %jit3A_57 : i32 to vector<128x8xi32>
    %rem3A_79 = arith.remsi %iota3A_56, %rem3A_78 : vector<128x8xi32>
    %ne3A_80 = arith.constant 0 : i32
    %ne3A_81 = vector.broadcast %ne3A_80 : i32 to vector<128x8xi32>
    %ne3A_82 = arith.cmpi ne, %rem3A_79, %ne3A_81 : vector<128x8xi32>
    %and3A_83 = arith.andi %ne3A_77, %ne3A_82 : vector<128x8xi1>
    %sub3A_84 = arith.constant 1 : i32
    %sub3A_85 = vector.broadcast %sub3A_84 : i32 to vector<128x8xi32>
    %sub3A_86 = arith.subi %div3A_59, %sub3A_85 : vector<128x8xi32>
    %select_n3A_87 = arith.select %and3A_83, %sub3A_86, %div3A_59 : vector<128x8xi1>, vector<128x8xi32>
    %iota3A_88 = tpu.iota {dimensions = array<i32: 1>} : vector<128x8xi32>
    %eq3A_89 = arith.cmpi eq, %select_n3A_87, %iota3A_88 : vector<128x8xi32>
    %convert_element_type3A_90 = arith.extui %eq3A_89 : vector<128x8xi1> to vector<128x8xi32>
    %convert_element_type3A_91 = arith.sitofp %convert_element_type3A_90 : vector<128x8xi32> to vector<128x8xf32>
    %iota3A_92 = tpu.iota {dimensions = array<i32: 0>} : vector<8x128xi32>
    %iota3A_93 = tpu.iota {dimensions = array<i32: 1>} : vector<8x128xi32>
    %jit3A_94 = arith.constant 16 : i32
    %div3A_95 = vector.broadcast %jit3A_94 : i32 to vector<8x128xi32>
    %div3A_96 = arith.divsi %iota3A_93, %div3A_95 : vector<8x128xi32>
    %sign3A_97 = arith.constant 0 : i32
    %sign3A_98 = vector.broadcast %sign3A_97 : i32 to vector<8x128xi32>
    %sign3A_99 = arith.cmpi sgt, %iota3A_93, %sign3A_98 : vector<8x128xi32>
    %sign3A_100 = arith.extui %sign3A_99 : vector<8x128xi1> to vector<8x128xi32>
    %sign3A_101 = arith.constant 0 : i32
    %sign3A_102 = vector.broadcast %sign3A_101 : i32 to vector<8x128xi32>
    %sign3A_103 = arith.cmpi slt, %iota3A_93, %sign3A_102 : vector<8x128xi32>
    %sign3A_104 = arith.extui %sign3A_103 : vector<8x128xi1> to vector<8x128xi32>
    %sign3A_105 = arith.subi %sign3A_100, %sign3A_104 : vector<8x128xi32>
    %sign3A_106 = arith.constant 0 : i32
    %sign3A_107 = arith.cmpi sgt, %jit3A_94, %sign3A_106 : i32
    %sign3A_108 = arith.extui %sign3A_107 : i1 to i32
    %sign3A_109 = arith.constant 0 : i32
    %sign3A_110 = arith.cmpi slt, %jit3A_94, %sign3A_109 : i32
    %sign3A_111 = arith.extui %sign3A_110 : i1 to i32
    %sign3A_112 = arith.subi %sign3A_108, %sign3A_111 : i32
    %ne3A_113 = vector.broadcast %sign3A_112 : i32 to vector<8x128xi32>
    %ne3A_114 = arith.cmpi ne, %sign3A_105, %ne3A_113 : vector<8x128xi32>
    %rem3A_115 = vector.broadcast %jit3A_94 : i32 to vector<8x128xi32>
    %rem3A_116 = arith.remsi %iota3A_93, %rem3A_115 : vector<8x128xi32>
    %ne3A_117 = arith.constant 0 : i32
    %ne3A_118 = vector.broadcast %ne3A_117 : i32 to vector<8x128xi32>
    %ne3A_119 = arith.cmpi ne, %rem3A_116, %ne3A_118 : vector<8x128xi32>
    %and3A_120 = arith.andi %ne3A_114, %ne3A_119 : vector<8x128xi1>
    %sub3A_121 = arith.constant 1 : i32
    %sub3A_122 = vector.broadcast %sub3A_121 : i32 to vector<8x128xi32>
    %sub3A_123 = arith.subi %div3A_96, %sub3A_122 : vector<8x128xi32>
    %select_n3A_124 = arith.select %and3A_120, %sub3A_123, %div3A_96 : vector<8x128xi1>, vector<8x128xi32>
    %eq3A_125 = arith.cmpi eq, %iota3A_92, %select_n3A_124 : vector<8x128xi32>
    %convert_element_type3A_126 = arith.extui %eq3A_125 : vector<8x128xi1> to vector<8x128xi32>
    %convert_element_type3A_127 = arith.sitofp %convert_element_type3A_126 : vector<8x128xi32> to vector<8x128xf32>
    %get3A = arith.constant 0 : index
    %get3A_128 = arith.constant 0 : index
    %get3A_129 = vector.load %arg1[%get3A, %get3A_128] : memref<400x128xf32, #tpu.memory_space<vmem>>, vector<400x128xf32>
    %get3A_130 = arith.constant 0 : index
    %get3A_131 = arith.constant 0 : index
    %get3A_132 = vector.load %arg2[%get3A_130, %get3A_131] : memref<12800x128xf32, #tpu.memory_space<vmem>>, vector<12800x128xf32>
    %broadcast_in_dim3A = vector.shape_cast %get3A_129 : vector<400x128xf32> to vector<400x1x128xf32>
    %broadcast_in_dim3A_133 = vector.shape_cast %broadcast_in_dim3A : vector<400x1x128xf32> to vector<400x1x128xf32>
    %broadcast_in_dim3A_134 = vector.broadcast %broadcast_in_dim3A_133 : vector<400x1x128xf32> to vector<400x32x128xf32>
    %reshape3A = vector.shape_cast %broadcast_in_dim3A_134 : vector<400x32x128xf32> to vector<12800x128xf32>
    %mul3A = arith.mulf %get3A_132, %reshape3A : vector<12800x128xf32>
    %dot_general3A = arith.constant dense<0.000000e+00> : vector<8x12800xf32>
    %dot_general3A_135 = tpu.matmul %convert_element_type3A_91, %mul3A, %dot_general3A {dimension_numbers = #tpu.dot_dimension_numbers<[0], [1], [1], [0], [0, 1, 1, 0], [], []>, transpose_lhs_hint = false} : vector<128x8xf32>, vector<12800x128xf32>, vector<8x12800xf32> -> vector<8x12800xf32>
    %exp3A = math.exp %dot_general3A_135 : vector<8x12800xf32>
    %reduce_sum3A = arith.constant dense<0.000000e+00> : vector<12800xf32>
    %reduce_sum3A_136 = vector.multi_reduction <add>, %exp3A, %reduce_sum3A [0] : vector<8x12800xf32> to vector<12800xf32>
    %broadcast_in_dim3A_137 = vector.shape_cast %reduce_sum3A_136 : vector<12800xf32> to vector<1x12800xf32>
    %div3A_138 = vector.broadcast %broadcast_in_dim3A_137 : vector<1x12800xf32> to vector<8x12800xf32>
    %div3A_139 = arith.divf %exp3A, %div3A_138 : vector<8x12800xf32>
    %dot_general3A_140 = arith.constant dense<0.000000e+00> : vector<12800x128xf32>
    %dot_general3A_141 = tpu.matmul %div3A_139, %convert_element_type3A_127, %dot_general3A_140 {dimension_numbers = #tpu.dot_dimension_numbers<[0], [0], [1], [1], [0, 1, 1, 1], [], []>, transpose_lhs_hint = false} : vector<8x12800xf32>, vector<8x128xf32>, vector<12800x128xf32> -> vector<12800x128xf32>
    %mul3A_142 = arith.mulf %get3A_132, %dot_general3A_141 : vector<12800x128xf32>
    %reshape3A_143 = vector.shape_cast %mul3A_142 : vector<12800x128xf32> to vector<400x32x128xf32>
    %slice3A = vector.extract_strided_slice %reshape3A_143 {offsets = [0, 0, 0], sizes = [400, 16, 128], strides = [1, 1, 1]} : vector<400x32x128xf32> to vector<400x16x128xf32>
    %slice3A_144 = vector.extract_strided_slice %reshape3A_143 {offsets = [0, 16, 0], sizes = [400, 16, 128], strides = [1, 1, 1]} : vector<400x32x128xf32> to vector<400x16x128xf32>
    %add3A = arith.addf %slice3A, %slice3A_144 : vector<400x16x128xf32>
    %slice3A_145 = vector.extract_strided_slice %add3A {offsets = [0, 0, 0], sizes = [400, 8, 128], strides = [1, 1, 1]} : vector<400x16x128xf32> to vector<400x8x128xf32>
    %slice3A_146 = vector.extract_strided_slice %add3A {offsets = [0, 8, 0], sizes = [400, 8, 128], strides = [1, 1, 1]} : vector<400x16x128xf32> to vector<400x8x128xf32>
    %add3A_147 = arith.addf %slice3A_145, %slice3A_146 : vector<400x8x128xf32>
    %reduce_sum3A_148 = arith.constant dense<0.000000e+00> : vector<400x128xf32>
    %reduce_sum3A_149 = vector.multi_reduction <add>, %add3A_147, %reduce_sum3A_148 [1] : vector<400x8x128xf32> to vector<400x128xf32>
    %add3A_150 = arith.addf %reduce_sum3A_149, %get3A_129 : vector<400x128xf32>
    %mul3A_151 = arith.mulf %add3A_150, %add3A_150 : vector<400x128xf32>
    %dot_general3A_152 = arith.constant dense<0.000000e+00> : vector<400x128xf32>
    %dot_general3A_153 = tpu.matmul %mul3A_151, %convert_element_type3A_55, %dot_general3A_152 {dimension_numbers = #tpu.dot_dimension_numbers<[1], [0], [0], [1], [0, 0, 1, 1], [], []>, transpose_lhs_hint = false} : vector<400x128xf32>, vector<128x128xf32>, vector<400x128xf32> -> vector<400x128xf32>
    %max3A = arith.constant 1.000000e-24 : f32
    %max3A_154 = vector.broadcast %max3A : f32 to vector<400x128xf32>
    %max3A_155 = arith.maximumf %dot_general3A_153, %max3A_154 : vector<400x128xf32>
    %rsqrt3A = math.rsqrt %max3A_155 : vector<400x128xf32>
    %mul3A_156 = arith.mulf %add3A_150, %rsqrt3A : vector<400x128xf32>
    %broadcast_in_dim3A_157 = vector.shape_cast %mul3A_156 : vector<400x128xf32> to vector<400x1x128xf32>
    %broadcast_in_dim3A_158 = vector.shape_cast %broadcast_in_dim3A_157 : vector<400x1x128xf32> to vector<400x1x128xf32>
    %broadcast_in_dim3A_159 = vector.broadcast %broadcast_in_dim3A_158 : vector<400x1x128xf32> to vector<400x32x128xf32>
    %reshape3A_160 = vector.shape_cast %broadcast_in_dim3A_159 : vector<400x32x128xf32> to vector<12800x128xf32>
    %mul3A_161 = arith.mulf %get3A_132, %reshape3A_160 : vector<12800x128xf32>
    %dot_general3A_162 = arith.constant dense<0.000000e+00> : vector<8x12800xf32>
    %dot_general3A_163 = tpu.matmul %convert_element_type3A_91, %mul3A_161, %dot_general3A_162 {dimension_numbers = #tpu.dot_dimension_numbers<[0], [1], [1], [0], [0, 1, 1, 0], [], []>, transpose_lhs_hint = false} : vector<128x8xf32>, vector<12800x128xf32>, vector<8x12800xf32> -> vector<8x12800xf32>
    %exp3A_164 = math.exp %dot_general3A_163 : vector<8x12800xf32>
    %reduce_sum3A_165 = arith.constant dense<0.000000e+00> : vector<12800xf32>
    %reduce_sum3A_166 = vector.multi_reduction <add>, %exp3A_164, %reduce_sum3A_165 [0] : vector<8x12800xf32> to vector<12800xf32>
    %broadcast_in_dim3A_167 = vector.shape_cast %reduce_sum3A_166 : vector<12800xf32> to vector<1x12800xf32>
    %div3A_168 = vector.broadcast %broadcast_in_dim3A_167 : vector<1x12800xf32> to vector<8x12800xf32>
    %div3A_169 = arith.divf %exp3A_164, %div3A_168 : vector<8x12800xf32>
    %dot_general3A_170 = arith.constant dense<0.000000e+00> : vector<12800x128xf32>
    %dot_general3A_171 = tpu.matmul %div3A_169, %convert_element_type3A_127, %dot_general3A_170 {dimension_numbers = #tpu.dot_dimension_numbers<[0], [0], [1], [1], [0, 1, 1, 1], [], []>, transpose_lhs_hint = false} : vector<8x12800xf32>, vector<8x128xf32>, vector<12800x128xf32> -> vector<12800x128xf32>
    %mul3A_172 = arith.mulf %get3A_132, %dot_general3A_171 : vector<12800x128xf32>
    %reshape3A_173 = vector.shape_cast %mul3A_172 : vector<12800x128xf32> to vector<400x32x128xf32>
    %slice3A_174 = vector.extract_strided_slice %reshape3A_173 {offsets = [0, 0, 0], sizes = [400, 16, 128], strides = [1, 1, 1]} : vector<400x32x128xf32> to vector<400x16x128xf32>
    %slice3A_175 = vector.extract_strided_slice %reshape3A_173 {offsets = [0, 16, 0], sizes = [400, 16, 128], strides = [1, 1, 1]} : vector<400x32x128xf32> to vector<400x16x128xf32>
    %add3A_176 = arith.addf %slice3A_174, %slice3A_175 : vector<400x16x128xf32>
    %slice3A_177 = vector.extract_strided_slice %add3A_176 {offsets = [0, 0, 0], sizes = [400, 8, 128], strides = [1, 1, 1]} : vector<400x16x128xf32> to vector<400x8x128xf32>
    %slice3A_178 = vector.extract_strided_slice %add3A_176 {offsets = [0, 8, 0], sizes = [400, 8, 128], strides = [1, 1, 1]} : vector<400x16x128xf32> to vector<400x8x128xf32>
    %add3A_179 = arith.addf %slice3A_177, %slice3A_178 : vector<400x8x128xf32>
    %reduce_sum3A_180 = arith.constant dense<0.000000e+00> : vector<400x128xf32>
    %reduce_sum3A_181 = vector.multi_reduction <add>, %add3A_179, %reduce_sum3A_180 [1] : vector<400x8x128xf32> to vector<400x128xf32>
    %add3A_182 = arith.addf %reduce_sum3A_181, %get3A_129 : vector<400x128xf32>
    %mul3A_183 = arith.mulf %add3A_182, %add3A_182 : vector<400x128xf32>
    %dot_general3A_184 = arith.constant dense<0.000000e+00> : vector<400x128xf32>
    %dot_general3A_185 = tpu.matmul %mul3A_183, %convert_element_type3A_55, %dot_general3A_184 {dimension_numbers = #tpu.dot_dimension_numbers<[1], [0], [0], [1], [0, 0, 1, 1], [], []>, transpose_lhs_hint = false} : vector<400x128xf32>, vector<128x128xf32>, vector<400x128xf32> -> vector<400x128xf32>
    %max3A_186 = arith.constant 1.000000e-24 : f32
    %max3A_187 = vector.broadcast %max3A_186 : f32 to vector<400x128xf32>
    %max3A_188 = arith.maximumf %dot_general3A_185, %max3A_187 : vector<400x128xf32>
    %rsqrt3A_189 = math.rsqrt %max3A_188 : vector<400x128xf32>
    %mul3A_190 = arith.mulf %add3A_182, %rsqrt3A_189 : vector<400x128xf32>
    %broadcast_in_dim3A_191 = vector.shape_cast %mul3A_190 : vector<400x128xf32> to vector<400x1x128xf32>
    %broadcast_in_dim3A_192 = vector.shape_cast %broadcast_in_dim3A_191 : vector<400x1x128xf32> to vector<400x1x128xf32>
    %broadcast_in_dim3A_193 = vector.broadcast %broadcast_in_dim3A_192 : vector<400x1x128xf32> to vector<400x32x128xf32>
    %reshape3A_194 = vector.shape_cast %broadcast_in_dim3A_193 : vector<400x32x128xf32> to vector<12800x128xf32>
    %mul3A_195 = arith.mulf %get3A_132, %reshape3A_194 : vector<12800x128xf32>
    %dot_general3A_196 = arith.constant dense<0.000000e+00> : vector<8x12800xf32>
    %dot_general3A_197 = tpu.matmul %convert_element_type3A_91, %mul3A_195, %dot_general3A_196 {dimension_numbers = #tpu.dot_dimension_numbers<[0], [1], [1], [0], [0, 1, 1, 0], [], []>, transpose_lhs_hint = false} : vector<128x8xf32>, vector<12800x128xf32>, vector<8x12800xf32> -> vector<8x12800xf32>
    %exp3A_198 = math.exp %dot_general3A_197 : vector<8x12800xf32>
    %reduce_sum3A_199 = arith.constant dense<0.000000e+00> : vector<12800xf32>
    %reduce_sum3A_200 = vector.multi_reduction <add>, %exp3A_198, %reduce_sum3A_199 [0] : vector<8x12800xf32> to vector<12800xf32>
    %broadcast_in_dim3A_201 = vector.shape_cast %reduce_sum3A_200 : vector<12800xf32> to vector<1x12800xf32>
    %div3A_202 = vector.broadcast %broadcast_in_dim3A_201 : vector<1x12800xf32> to vector<8x12800xf32>
    %div3A_203 = arith.divf %exp3A_198, %div3A_202 : vector<8x12800xf32>
    %dot_general3A_204 = arith.constant dense<0.000000e+00> : vector<12800x128xf32>
    %dot_general3A_205 = tpu.matmul %div3A_203, %convert_element_type3A_127, %dot_general3A_204 {dimension_numbers = #tpu.dot_dimension_numbers<[0], [0], [1], [1], [0, 1, 1, 1], [], []>, transpose_lhs_hint = false} : vector<8x12800xf32>, vector<8x128xf32>, vector<12800x128xf32> -> vector<12800x128xf32>
    %mul3A_206 = arith.mulf %get3A_132, %dot_general3A_205 : vector<12800x128xf32>
    %reshape3A_207 = vector.shape_cast %mul3A_206 : vector<12800x128xf32> to vector<400x32x128xf32>
    %slice3A_208 = vector.extract_strided_slice %reshape3A_207 {offsets = [0, 0, 0], sizes = [400, 16, 128], strides = [1, 1, 1]} : vector<400x32x128xf32> to vector<400x16x128xf32>
    %slice3A_209 = vector.extract_strided_slice %reshape3A_207 {offsets = [0, 16, 0], sizes = [400, 16, 128], strides = [1, 1, 1]} : vector<400x32x128xf32> to vector<400x16x128xf32>
    %add3A_210 = arith.addf %slice3A_208, %slice3A_209 : vector<400x16x128xf32>
    %slice3A_211 = vector.extract_strided_slice %add3A_210 {offsets = [0, 0, 0], sizes = [400, 8, 128], strides = [1, 1, 1]} : vector<400x16x128xf32> to vector<400x8x128xf32>
    %slice3A_212 = vector.extract_strided_slice %add3A_210 {offsets = [0, 8, 0], sizes = [400, 8, 128], strides = [1, 1, 1]} : vector<400x16x128xf32> to vector<400x8x128xf32>
    %add3A_213 = arith.addf %slice3A_211, %slice3A_212 : vector<400x8x128xf32>
    %reduce_sum3A_214 = arith.constant dense<0.000000e+00> : vector<400x128xf32>
    %reduce_sum3A_215 = vector.multi_reduction <add>, %add3A_213, %reduce_sum3A_214 [1] : vector<400x8x128xf32> to vector<400x128xf32>
    %add3A_216 = arith.addf %reduce_sum3A_215, %get3A_129 : vector<400x128xf32>
    %mul3A_217 = arith.mulf %add3A_216, %add3A_216 : vector<400x128xf32>
    %dot_general3A_218 = arith.constant dense<0.000000e+00> : vector<400x128xf32>
    %dot_general3A_219 = tpu.matmul %mul3A_217, %convert_element_type3A_55, %dot_general3A_218 {dimension_numbers = #tpu.dot_dimension_numbers<[1], [0], [0], [1], [0, 0, 1, 1], [], []>, transpose_lhs_hint = false} : vector<400x128xf32>, vector<128x128xf32>, vector<400x128xf32> -> vector<400x128xf32>
    %max3A_220 = arith.constant 1.000000e-24 : f32
    %max3A_221 = vector.broadcast %max3A_220 : f32 to vector<400x128xf32>
    %max3A_222 = arith.maximumf %dot_general3A_219, %max3A_221 : vector<400x128xf32>
    %rsqrt3A_223 = math.rsqrt %max3A_222 : vector<400x128xf32>
    %mul3A_224 = arith.mulf %add3A_216, %rsqrt3A_223 : vector<400x128xf32>
    %broadcast_in_dim3A_225 = vector.shape_cast %mul3A_224 : vector<400x128xf32> to vector<400x1x128xf32>
    %broadcast_in_dim3A_226 = vector.shape_cast %broadcast_in_dim3A_225 : vector<400x1x128xf32> to vector<400x1x128xf32>
    %broadcast_in_dim3A_227 = vector.broadcast %broadcast_in_dim3A_226 : vector<400x1x128xf32> to vector<400x32x128xf32>
    %reshape3A_228 = vector.shape_cast %broadcast_in_dim3A_227 : vector<400x32x128xf32> to vector<12800x128xf32>
    %mul3A_229 = arith.mulf %get3A_132, %reshape3A_228 : vector<12800x128xf32>
    %dot_general3A_230 = arith.constant dense<0.000000e+00> : vector<8x12800xf32>
    %dot_general3A_231 = tpu.matmul %convert_element_type3A_91, %mul3A_229, %dot_general3A_230 {dimension_numbers = #tpu.dot_dimension_numbers<[0], [1], [1], [0], [0, 1, 1, 0], [], []>, transpose_lhs_hint = false} : vector<128x8xf32>, vector<12800x128xf32>, vector<8x12800xf32> -> vector<8x12800xf32>
    %exp3A_232 = math.exp %dot_general3A_231 : vector<8x12800xf32>
    %reduce_sum3A_233 = arith.constant dense<0.000000e+00> : vector<12800xf32>
    %reduce_sum3A_234 = vector.multi_reduction <add>, %exp3A_232, %reduce_sum3A_233 [0] : vector<8x12800xf32> to vector<12800xf32>
    %broadcast_in_dim3A_235 = vector.shape_cast %reduce_sum3A_234 : vector<12800xf32> to vector<1x12800xf32>
    %div3A_236 = vector.broadcast %broadcast_in_dim3A_235 : vector<1x12800xf32> to vector<8x12800xf32>
    %div3A_237 = arith.divf %exp3A_232, %div3A_236 : vector<8x12800xf32>
    %dot_general3A_238 = arith.constant dense<0.000000e+00> : vector<12800x128xf32>
    %dot_general3A_239 = tpu.matmul %div3A_237, %convert_element_type3A_127, %dot_general3A_238 {dimension_numbers = #tpu.dot_dimension_numbers<[0], [0], [1], [1], [0, 1, 1, 1], [], []>, transpose_lhs_hint = false} : vector<8x12800xf32>, vector<8x128xf32>, vector<12800x128xf32> -> vector<12800x128xf32>
    %mul3A_240 = arith.mulf %get3A_132, %dot_general3A_239 : vector<12800x128xf32>
    %reshape3A_241 = vector.shape_cast %mul3A_240 : vector<12800x128xf32> to vector<400x32x128xf32>
    %slice3A_242 = vector.extract_strided_slice %reshape3A_241 {offsets = [0, 0, 0], sizes = [400, 16, 128], strides = [1, 1, 1]} : vector<400x32x128xf32> to vector<400x16x128xf32>
    %slice3A_243 = vector.extract_strided_slice %reshape3A_241 {offsets = [0, 16, 0], sizes = [400, 16, 128], strides = [1, 1, 1]} : vector<400x32x128xf32> to vector<400x16x128xf32>
    %add3A_244 = arith.addf %slice3A_242, %slice3A_243 : vector<400x16x128xf32>
    %slice3A_245 = vector.extract_strided_slice %add3A_244 {offsets = [0, 0, 0], sizes = [400, 8, 128], strides = [1, 1, 1]} : vector<400x16x128xf32> to vector<400x8x128xf32>
    %slice3A_246 = vector.extract_strided_slice %add3A_244 {offsets = [0, 8, 0], sizes = [400, 8, 128], strides = [1, 1, 1]} : vector<400x16x128xf32> to vector<400x8x128xf32>
    %add3A_247 = arith.addf %slice3A_245, %slice3A_246 : vector<400x8x128xf32>
    %reduce_sum3A_248 = arith.constant dense<0.000000e+00> : vector<400x128xf32>
    %reduce_sum3A_249 = vector.multi_reduction <add>, %add3A_247, %reduce_sum3A_248 [1] : vector<400x8x128xf32> to vector<400x128xf32>
    %add3A_250 = arith.addf %reduce_sum3A_249, %get3A_129 : vector<400x128xf32>
    %mul3A_251 = arith.mulf %add3A_250, %add3A_250 : vector<400x128xf32>
    %dot_general3A_252 = arith.constant dense<0.000000e+00> : vector<400x128xf32>
    %dot_general3A_253 = tpu.matmul %mul3A_251, %convert_element_type3A_55, %dot_general3A_252 {dimension_numbers = #tpu.dot_dimension_numbers<[1], [0], [0], [1], [0, 0, 1, 1], [], []>, transpose_lhs_hint = false} : vector<400x128xf32>, vector<128x128xf32>, vector<400x128xf32> -> vector<400x128xf32>
    %max3A_254 = arith.constant 1.000000e-24 : f32
    %max3A_255 = vector.broadcast %max3A_254 : f32 to vector<400x128xf32>
    %max3A_256 = arith.maximumf %dot_general3A_253, %max3A_255 : vector<400x128xf32>
    %rsqrt3A_257 = math.rsqrt %max3A_256 : vector<400x128xf32>
    %mul3A_258 = arith.mulf %add3A_250, %rsqrt3A_257 : vector<400x128xf32>
    %broadcast_in_dim3A_259 = vector.shape_cast %mul3A_258 : vector<400x128xf32> to vector<400x1x128xf32>
    %broadcast_in_dim3A_260 = vector.shape_cast %broadcast_in_dim3A_259 : vector<400x1x128xf32> to vector<400x1x128xf32>
    %broadcast_in_dim3A_261 = vector.broadcast %broadcast_in_dim3A_260 : vector<400x1x128xf32> to vector<400x32x128xf32>
    %reshape3A_262 = vector.shape_cast %broadcast_in_dim3A_261 : vector<400x32x128xf32> to vector<12800x128xf32>
    %mul3A_263 = arith.mulf %get3A_132, %reshape3A_262 : vector<12800x128xf32>
    %dot_general3A_264 = arith.constant dense<0.000000e+00> : vector<8x12800xf32>
    %dot_general3A_265 = tpu.matmul %convert_element_type3A_91, %mul3A_263, %dot_general3A_264 {dimension_numbers = #tpu.dot_dimension_numbers<[0], [1], [1], [0], [0, 1, 1, 0], [], []>, transpose_lhs_hint = false} : vector<128x8xf32>, vector<12800x128xf32>, vector<8x12800xf32> -> vector<8x12800xf32>
    %exp3A_266 = math.exp %dot_general3A_265 : vector<8x12800xf32>
    %reduce_sum3A_267 = arith.constant dense<0.000000e+00> : vector<12800xf32>
    %reduce_sum3A_268 = vector.multi_reduction <add>, %exp3A_266, %reduce_sum3A_267 [0] : vector<8x12800xf32> to vector<12800xf32>
    %broadcast_in_dim3A_269 = vector.shape_cast %reduce_sum3A_268 : vector<12800xf32> to vector<1x12800xf32>
    %div3A_270 = vector.broadcast %broadcast_in_dim3A_269 : vector<1x12800xf32> to vector<8x12800xf32>
    %div3A_271 = arith.divf %exp3A_266, %div3A_270 : vector<8x12800xf32>
    %dot_general3A_272 = arith.constant dense<0.000000e+00> : vector<12800x128xf32>
    %dot_general3A_273 = tpu.matmul %div3A_271, %convert_element_type3A_127, %dot_general3A_272 {dimension_numbers = #tpu.dot_dimension_numbers<[0], [0], [1], [1], [0, 1, 1, 1], [], []>, transpose_lhs_hint = false} : vector<8x12800xf32>, vector<8x128xf32>, vector<12800x128xf32> -> vector<12800x128xf32>
    %mul3A_274 = arith.mulf %get3A_132, %dot_general3A_273 : vector<12800x128xf32>
    %reshape3A_275 = vector.shape_cast %mul3A_274 : vector<12800x128xf32> to vector<400x32x128xf32>
    %slice3A_276 = vector.extract_strided_slice %reshape3A_275 {offsets = [0, 0, 0], sizes = [400, 16, 128], strides = [1, 1, 1]} : vector<400x32x128xf32> to vector<400x16x128xf32>
    %slice3A_277 = vector.extract_strided_slice %reshape3A_275 {offsets = [0, 16, 0], sizes = [400, 16, 128], strides = [1, 1, 1]} : vector<400x32x128xf32> to vector<400x16x128xf32>
    %add3A_278 = arith.addf %slice3A_276, %slice3A_277 : vector<400x16x128xf32>
    %slice3A_279 = vector.extract_strided_slice %add3A_278 {offsets = [0, 0, 0], sizes = [400, 8, 128], strides = [1, 1, 1]} : vector<400x16x128xf32> to vector<400x8x128xf32>
    %slice3A_280 = vector.extract_strided_slice %add3A_278 {offsets = [0, 8, 0], sizes = [400, 8, 128], strides = [1, 1, 1]} : vector<400x16x128xf32> to vector<400x8x128xf32>
    %add3A_281 = arith.addf %slice3A_279, %slice3A_280 : vector<400x8x128xf32>
    %reduce_sum3A_282 = arith.constant dense<0.000000e+00> : vector<400x128xf32>
    %reduce_sum3A_283 = vector.multi_reduction <add>, %add3A_281, %reduce_sum3A_282 [1] : vector<400x8x128xf32> to vector<400x128xf32>
    %add3A_284 = arith.addf %reduce_sum3A_283, %get3A_129 : vector<400x128xf32>
    %mul3A_285 = arith.mulf %add3A_284, %add3A_284 : vector<400x128xf32>
    %dot_general3A_286 = arith.constant dense<0.000000e+00> : vector<400x128xf32>
    %dot_general3A_287 = tpu.matmul %mul3A_285, %convert_element_type3A_55, %dot_general3A_286 {dimension_numbers = #tpu.dot_dimension_numbers<[1], [0], [0], [1], [0, 0, 1, 1], [], []>, transpose_lhs_hint = false} : vector<400x128xf32>, vector<128x128xf32>, vector<400x128xf32> -> vector<400x128xf32>
    %max3A_288 = arith.constant 1.000000e-24 : f32
    %max3A_289 = vector.broadcast %max3A_288 : f32 to vector<400x128xf32>
    %max3A_290 = arith.maximumf %dot_general3A_287, %max3A_289 : vector<400x128xf32>
    %rsqrt3A_291 = math.rsqrt %max3A_290 : vector<400x128xf32>
    %mul3A_292 = arith.mulf %add3A_284, %rsqrt3A_291 : vector<400x128xf32>
    %broadcast_in_dim3A_293 = vector.shape_cast %mul3A_292 : vector<400x128xf32> to vector<400x1x128xf32>
    %broadcast_in_dim3A_294 = vector.shape_cast %broadcast_in_dim3A_293 : vector<400x1x128xf32> to vector<400x1x128xf32>
    %broadcast_in_dim3A_295 = vector.broadcast %broadcast_in_dim3A_294 : vector<400x1x128xf32> to vector<400x32x128xf32>
    %reshape3A_296 = vector.shape_cast %broadcast_in_dim3A_295 : vector<400x32x128xf32> to vector<12800x128xf32>
    %mul3A_297 = arith.mulf %get3A_132, %reshape3A_296 : vector<12800x128xf32>
    %dot_general3A_298 = arith.constant dense<0.000000e+00> : vector<8x12800xf32>
    %dot_general3A_299 = tpu.matmul %convert_element_type3A_91, %mul3A_297, %dot_general3A_298 {dimension_numbers = #tpu.dot_dimension_numbers<[0], [1], [1], [0], [0, 1, 1, 0], [], []>, transpose_lhs_hint = false} : vector<128x8xf32>, vector<12800x128xf32>, vector<8x12800xf32> -> vector<8x12800xf32>
    %exp3A_300 = math.exp %dot_general3A_299 : vector<8x12800xf32>
    %reduce_sum3A_301 = arith.constant dense<0.000000e+00> : vector<12800xf32>
    %reduce_sum3A_302 = vector.multi_reduction <add>, %exp3A_300, %reduce_sum3A_301 [0] : vector<8x12800xf32> to vector<12800xf32>
    %broadcast_in_dim3A_303 = vector.shape_cast %reduce_sum3A_302 : vector<12800xf32> to vector<1x12800xf32>
    %div3A_304 = vector.broadcast %broadcast_in_dim3A_303 : vector<1x12800xf32> to vector<8x12800xf32>
    %div3A_305 = arith.divf %exp3A_300, %div3A_304 : vector<8x12800xf32>
    %dot_general3A_306 = arith.constant dense<0.000000e+00> : vector<12800x128xf32>
    %dot_general3A_307 = tpu.matmul %div3A_305, %convert_element_type3A_127, %dot_general3A_306 {dimension_numbers = #tpu.dot_dimension_numbers<[0], [0], [1], [1], [0, 1, 1, 1], [], []>, transpose_lhs_hint = false} : vector<8x12800xf32>, vector<8x128xf32>, vector<12800x128xf32> -> vector<12800x128xf32>
    %mul3A_308 = arith.mulf %get3A_132, %dot_general3A_307 : vector<12800x128xf32>
    %reshape3A_309 = vector.shape_cast %mul3A_308 : vector<12800x128xf32> to vector<400x32x128xf32>
    %slice3A_310 = vector.extract_strided_slice %reshape3A_309 {offsets = [0, 0, 0], sizes = [400, 16, 128], strides = [1, 1, 1]} : vector<400x32x128xf32> to vector<400x16x128xf32>
    %slice3A_311 = vector.extract_strided_slice %reshape3A_309 {offsets = [0, 16, 0], sizes = [400, 16, 128], strides = [1, 1, 1]} : vector<400x32x128xf32> to vector<400x16x128xf32>
    %add3A_312 = arith.addf %slice3A_310, %slice3A_311 : vector<400x16x128xf32>
    %slice3A_313 = vector.extract_strided_slice %add3A_312 {offsets = [0, 0, 0], sizes = [400, 8, 128], strides = [1, 1, 1]} : vector<400x16x128xf32> to vector<400x8x128xf32>
    %slice3A_314 = vector.extract_strided_slice %add3A_312 {offsets = [0, 8, 0], sizes = [400, 8, 128], strides = [1, 1, 1]} : vector<400x16x128xf32> to vector<400x8x128xf32>
    %add3A_315 = arith.addf %slice3A_313, %slice3A_314 : vector<400x8x128xf32>
    %reduce_sum3A_316 = arith.constant dense<0.000000e+00> : vector<400x128xf32>
    %reduce_sum3A_317 = vector.multi_reduction <add>, %add3A_315, %reduce_sum3A_316 [1] : vector<400x8x128xf32> to vector<400x128xf32>
    %add3A_318 = arith.addf %reduce_sum3A_317, %get3A_129 : vector<400x128xf32>
    %max3A_319 = arith.constant 0.000000e+00 : f32
    %max3A_320 = vector.broadcast %max3A_319 : f32 to vector<400x128xf32>
    %max3A_321 = arith.maximumf %add3A_318, %max3A_320 : vector<400x128xf32>
    %swap3A = arith.constant 0 : index
    %swap3A_322 = arith.constant 0 : index
    %swap3A_323 = vector.load %arg3[%swap3A, %swap3A_322] : memref<400x128xf32, #tpu.memory_space<vmem>>, vector<400x128xf32>
    tpu.vector_store %arg3[%swap3A, %swap3A_322], %max3A_321 {strides = array<i32>} : memref<400x128xf32, #tpu.memory_space<vmem>>, vector<400x128xf32>,
    return
  }
  func.func @transform_0(%arg0: i32) -> (i32, i32) {
    %add3A = arith.constant 13 : i32
    %add3A_0 = arith.addi %arg0, %add3A : i32
    %c0_i32 = arith.constant 0 : i32
    %c0_i32_1 = arith.constant 0 : i32
    return %add3A_0, %c0_i32 : i32, i32
  }
  func.func @transform_1(%arg0: i32) -> (i32, i32) {
    %c0_i32 = arith.constant 0 : i32
    %c0_i32_0 = arith.constant 0 : i32
    return %arg0, %c0_i32 : i32, i32
  }
  func.func @transform_2(%arg0: i32) -> (i32, i32) {
    %c0_i32 = arith.constant 0 : i32
    %c0_i32_0 = arith.constant 0 : i32
    return %arg0, %c0_i32 : i32, i32
  }
}

</mosaic_0001>

<sc_bundles>
// kernel: kernel.15.cloned.1.call-start
scs
__scs_entry_jumppad:
0x0: {  	(pc) =	sbr.rel $0x88, $3  }
0x1: {  	(tag) =	ssettag $0x0;
	lr =	simm.s32 $0x1  }
0x2: {  	[smem:$0x3F9B] =	sst lr;
	_ =	strace $0xD0000000  }
0x3: {  	_ = 	snop  }
0x4: {  	_ = 	snop  }
0x5: {  	_ = 	snop  }
0x6: {  	_ = 	snop  }
0x7: {  	_ = 	snop  }
__scs_overlays_trampoline_lowered:
0x8: {  	[smem:$0x3FAA] =	sst s0  }
0x9: {  	[smem:$0x3FAB] =	sst s1  }
0xa: {  	[smem:$0x3FAC] =	sst s2  }
0xb: {  	[smem:$0x3FAD] =	sst s3  }
0xc: {  	[smem:$0x3FAE] =	sst s4  }
0xd: {  	[smem:$0x3FAF] =	sst s5  }
0xe: {  	[smem:$0x3FB0] =	sst s6  }
0xf: {  	[smem:$0x3FB1] =	sst s7  }
0x10: {  	[smem:$0x3FB2] =	sst s8  }
0x11: {  	[smem:$0x3FB3] =	sst s9;
	s0 =	simm.s32 @!p0 $0x0  }
0x12: {  	s1 =	sld [smem:$0x3F99];
	s0 =	simm.s32 @p0 $0x1  }
0x13: {  	[smem:$0x3FB4] =	sst s0;
	s0 =	simm.s32 @!p1 $0x0  }
0x14: {  	s2 =	sld [smem:$0x3F98];
	s0 =	simm.s32 @p1 $0x1  }
0x15: {  	[smem:$0x3FB5] =	sst s0;
	s0 =	simm.s32 @!p2 $0x0  }
0x16: {  	s3 =	sld [smem:$0x3FDB];
	s0 =	simm.s32 @p2 $0x1  }
0x17: {  	s4 =	simm.s32 $0x1BF5;
	[smem:$0x3FB7] =	sst s0  }
0x18: {  	s0 =	sld [smem:$0x3F9A];
	_ =	swait.ge [sflag:s4], $0x0  }
0x19: {  	s7 =	sld [smem:$0x3F9B]  }
0x1a: {  	s8 =	sadd.s32 $0xFFFFE003, lr  }
0x1b: {  	s9 =	sadd.s32 $0xFFFFFEF7, lr;
	s5 =	simm.s32 $0xFFFFFFFF;
	p2 =	slt.u32 s8, $0xFFFFF086  }
0x1c: {  	p1 =	slt.u32 s9, $0xF7A;
	s5 =	simm.s32 @!p2 $0x0  }
0x1d: {  	s5 =	simm.s32 @p1 $0x1;
	p0 =	seq.s32 s7, s2  }
0x1e: {  	s7 =	smul.u32 @!p0 $0xF7A, s2;
	p2 =	seq.s32 @!p0 s5, $0x0  }
0x1f: {  	s9 =	smul.u32 $0xF7A, s1;
	s8 =	simm.s32 @!p0 $0x1BF5;
	p2 =	por !p2, p0  }
0x20: {  	[sflag:s8] =	ssyncset.s32 @!p0 $0xFFFFF086;
	s6 =	sadd.s32 @!p0 s3, s7;
	s7 =	simm.s32 @!p0 $0x108  }
0x21: {  	s3 =	sadd.s32 s3, s9;
	s6 =	sadd.s32 @!p0 $0x88, s6;
	s7 =	simm.s32 @p2 $0x1082  }
0x22: {  	[simem:s7], [sflag:s8] =	dma.local @!p0 [hbm:s6], $0xF7A  }
0x23: {  	s9 =	sor.u32 $0xD0000000, s2;
	s6 =	simm.s32 $0x108;
	_ =	swait.ge @!p0 [sflag:s8], $0x0  }
0x24: {  	s3 =	sadd.s32 $0x88, s3;
	s6 =	simm.s32 @!p1 $0x1082;
	[sflag:s4] =	ssyncset.s32 $0xFFFFF086  }
0x25: {  	[simem:s6], [sflag:s4] =	dma.local [hbm:s3], $0xF7A  }
0x26: {  	[smem:$0x3F9B] =	sst s1;
	(tag) =	ssettag s2;
	_ =	strace s9  }
0x27: {  	s1 =	sld [smem:$0x3FAB]  }
0x28: {  	s2 =	sld [smem:$0x3FAC]  }
0x29: {  	s4 =	sld [smem:$0x3FAE]  }
0x2a: {  	p0 =	seq.s32 s5, $0x0;
	s5 =	sld [smem:$0x3FAF]  }
0x2b: {  	s6 =	sld [smem:$0x3FB0]  }
0x2c: {  	s7 =	sld [smem:$0x3FB1]  }
0x2d: {  	s3 =	simm.s32 $0x108;
	s8 =	sld [smem:$0x3FB2]  }
0x2e: {  	s3 =	simm.s32 @!p0 $0x1082;
	s9 =	sld [smem:$0x3FB3]  }
0x2f: {  	lr =	sadd.s32 s0, s3;
	s0 =	sld [smem:$0x3FAA]  }
0x30: {  	s3 =	sld [smem:$0x3FAD]  }
0x31: {  	[smem:$0x3FB6] =	sst s10  }
0x32: {  	s10 =	sld [smem:$0x3FB4];
	_ =	sdelay $0x3  }
0x33: {  	p0 =	seq.s32 s10, $0x1;
	s10 =	sld [smem:$0x3FB6];
	_ =	sdelay $0x3  }
0x34: {  	[smem:$0x3FB6] =	sst s10  }
0x35: {  	s10 =	sld [smem:$0x3FB5];
	_ =	sdelay $0x3  }
0x36: {  	p1 =	seq.s32 s10, $0x1;
	s10 =	sld [smem:$0x3FB6];
	_ =	sdelay $0x3  }
0x37: {  	[smem:$0x3FB6] =	sst s10  }
0x38: {  	s10 =	sld [smem:$0x3FB7]  }
0x39: {  	_ = 	snop;
	(pc) =	sbr.ind lr, $3  }
0x3a: {  	_ = 	snop  }
0x3b: {  	_ = 	snop  }
0x3c: {  	p2 =	seq.s32 s10, $0x1;
	s10 =	sld [smem:$0x3FB6]  }
0x3d: {  	_ =	shalt  }
0x3e: {  	_ =	shalt  }
0x3f: {  	_ =	shalt  }
0x40: {  	_ =	shalt  }
0x41: {  	_ =	shalt  }
0x42: {  	_ =	shalt  }
0x43: {  	_ =	shalt  }
0x44: {  	_ =	shalt  }
0x45: {  	_ =	shalt  }
0x46: {  	_ =	shalt  }
0x47: {  	_ =	shalt  }
0x48: {  	_ =	shalt  }
0x49: {  	_ =	shalt  }
0x4a: {  	_ =	shalt  }
0x4b: {  	_ =	shalt  }
0x4c: {  	_ =	shalt  }
0x4d: {  	_ =	shalt  }
0x4e: {  	_ =	shalt  }
0x4f: {  	_ =	shalt  }
0x50: {  	_ =	shalt  }
0x51: {  	_ =	shalt  }
0x52: {  	_ =	shalt  }
0x53: {  	_ =	shalt  }
0x54: {  	_ =	shalt  }
0x55: {  	_ =	shalt  }
0x56: {  	_ =	shalt  }
0x57: {  	_ =	shalt  }
0x58: {  	_ =	shalt  }
0x59: {  	_ =	shalt  }
0x5a: {  	_ =	shalt  }
0x5b: {  	_ =	shalt  }
0x5c: {  	_ =	shalt  }
0x5d: {  	_ =	shalt  }
0x5e: {  	_ =	shalt  }
0x5f: {  	_ =	shalt  }
0x60: {  	_ =	shalt  }
0x61: {  	_ =	shalt  }
0x62: {  	_ =	shalt  }
0x63: {  	_ =	shalt  }
0x64: {  	_ =	shalt  }
0x65: {  	_ =	shalt  }
0x66: {  	_ =	shalt  }
0x67: {  	_ =	shalt  }
0x68: {  	_ =	shalt  }
0x69: {  	_ =	shalt  }
0x6a: {  	_ =	shalt  }
0x6b: {  	_ =	shalt  }
0x6c: {  	_ =	shalt  }
0x6d: {  	_ =	shalt  }
0x6e: {  	_ =	shalt  }
0x6f: {  	_ =	shalt  }
0x70: {  	_ =	shalt  }
0x71: {  	_ =	shalt  }
0x72: {  	_ =	shalt  }
0x73: {  	_ =	shalt  }
0x74: {  	_ =	shalt  }
0x75: {  	_ =	shalt  }
0x76: {  	_ =	shalt  }
0x77: {  	_ =	shalt  }
0x78: {  	_ =	shalt  }
0x79: {  	_ =	shalt  }
0x7a: {  	_ =	shalt  }
0x7b: {  	_ =	shalt  }
0x7c: {  	_ =	shalt  }
0x7d: {  	_ =	shalt  }
0x7e: {  	_ =	shalt  }
0x7f: {  	_ =	shalt  }
0x80: {  	_ =	shalt  }
0x81: {  	_ =	shalt  }
0x82: {  	_ =	shalt  }
0x83: {  	_ =	shalt  }
0x84: {  	_ =	shalt  }
0x85: {  	_ =	shalt  }
0x86: {  	_ =	shalt  }
0x87: {  	_ =	shalt  }
.Lfunc_end0:
.L_simem_size_0:
called_computation_lowered:
.L_overlay_start_0:
0x88: {  	s2 =	sld [smem:$0x3FD9]  }
0x89: {  	s3 =	sld [smem:$0x3FFE];
	_ =	sdelay $0x1  }
0x8a: {  	s1 =	srdreg.scid  }
0x8b: {  	s0 =	sand.u32 $0x1, s1  }
0x8c: {  	s17 =	sshll.u32 s0, $0xA;
	s2 =	sadd.s32 s3, s2  }
0x8d: {  	s2 =	sadd.s32 s2, s17  }
0x8e: {  	[smem:$0x3FC2] =	sst s2  }
0x8f: {  	_ = 	snop  }
0x90: {  	s2 =	sld [smem:$0x3FD0];
	(tm) =	ssettm $0x1  }
0x91: {  	s18 =	sld [smem:$0x3FFB];
	_ =	sdelay $0x3  }
0x92: {  	_ =	strace s18  }
0x93: {  	s3 =	sld [smem:$0x3FFC];
	_ =	sdelay $0x3  }
0x94: {  	_ =	strace s3  }
0x95: {  	s3 =	sld [smem:$0x3FFD];
	_ =	sdelay $0x3  }
0x96: {  	_ =	strace s3  }
0x97: {  	_ =	strace $0x8FFFFFFF  }
0x98: {  	s19 =	sld [smem:$0x3FDB];
	_ =	sdelay $0x1  }
0x99: {  	s4 =	simm.s32 $_scs_section_size  }
0x9a: {  	s5 =	simm.s32 $_size__tile_overlayer_lowered;
	s6 =	simm.s32 $_tile_overlayer_lowered  }
0x9b: {  	s22 =	simm.s32 $0x1BFF;
	s21 =	sshll.u32 s6, $0x1;
	s3 =	sadd.s32 s4, s19  }
0x9c: {  	s7 =	simm.s32 $0x0;
	s20 =	sshll.u32 s5, $0x1;
	s5 =	sadd.s32 s21, s3  }
0x9d: {  	[timem:s7], [sflag:s22] =	dma.local [hbm:s5], s20  }
0x9e: {  	_ =	swait.ge [sflag:s22], s20  }
0x9f: {  	s4 =	ssub.s32 $0x0, s20;
	[sflag:s22] =	ssyncset.done $0x0  }
0xa0: {  	[sflag:s22] =	ssyncadd.s32 s4;
	_ =	sdelay $0x1  }
0xa1: {  	s23 =	simm.s32 $0x1B8B  }
0xa2: {  	_ =	swait.ge [sflag:s23], $0x1  }
0xa3: {  	[sflag:s23] =	ssyncset.done $0x0  }
0xa4: {  	s25 =	simm.s32 $0x1B8E;
	s24 =	sld [smem:$0x3FFE];
	[sflag:s23] =	ssyncadd.s32 $0xFFFFFFFF  }
0xa5: {  	s26 =	simm.s32 $execute0_lowered;
	[smem:$0x3FD2] =	sst s25  }
0xa6: {  	s5 =	sshll.u32 s26, $0x1;
	_ =	strace $0x80000046;
	[dreg:$0x1] =	wrdreg $0xFFFFFFFF  }
0xa7: {  	s28 =	simm.s32 $_size_execute0_lowered;
	s3 =	sadd.s32 s3, s5;
	[dreg:$0x0] =	wrdreg $0x0  }
0xa8: {  	s5 =	sshll.u32 s28, $0x1;
	[dreg:$0x2] =	wrdreg s3  }
0xa9: {  	[dreg:$0x3] =	wrdreg s5  }
0xaa: {  	[dreg:$0x4] =	wrdreg $0xC0  }
0xab: {  	_ =	task [dreg:s7], $0x5FFFF  }
0xac: {  	[dreg:$0x1] =	wrdreg $0xFFFFFFFF  }
0xad: {  	[dreg:$0x0] =	wrdreg $0x60  }
0xae: {  	[dreg:$0x2] =	wrdreg s2  }
0xaf: {  	[dreg:$0x3] =	wrdreg s24  }
0xb0: {  	[dreg:$0x4] =	wrdreg $0x9  }
0xb1: {  	_ =	task.clear_ibuf [dreg:s7], $0x5FFFF;
	_ =	strace $0x90000046  }
0xb2: {  	s29 =	simm.s32 $0x9;
	_ =	strace $0x80000048  }
0xb3: {  	_ =	swait.ge [sflag:s29], $0x1  }
0xb4: {  	[sflag:s29] =	ssyncadd.s32 $0xFFFFFFFF  }
0xb5: {  	_ =	strace $0x90000048  }
0xb6: {  	_ =	sfence  }
0xb7: {  	s30 =	sld [smem:$0x0];
	_ =	sdelay $0x2  }
0xb8: {  	s31 =	sshll.u32 s1, $0xD;
	s1 =	sshrl.u32 s1, $0x2  }
0xb9: {  	s3 =	sand.u32 $0x4000, s31;
	s1 =	sadd.s32 s1, s30  }
0xba: {  	s0 =	sor.u32 s3, s0;
	s1 =	sshll.u32 s1, $0x11  }
0xbb: {  	s0 =	sor.u32 s1, s0  }
0xbc: {  	s0 =	sadd.s32 $0x8F2B, s0  }
0xbd: {  	[sflag:s0] =	ssyncadd.remote.s32 $0x1  }
0xbe: {  	_ =	sfence.sel $0xFFFF  }
0xbf: {  	[dreg:$0x0] =	wrdreg $0xFFFFFFFF;
	(pc) =	sbr.abs _section_cstart, $3  }
0xc0: {  	[dreg:$0x1] =	wrdreg $0xFFFFFFFF  }
0xc1: {  	_ =	task.clear_ibuf [dreg:s7], $0x2FFFF;
	_ =	strace $0x9FFFFFFF  }
0xc2: {  	(tm) =	ssettm $0x7FFFFFFF  }
0xc3: {  	_ =	shalt  }
tec
execute0_lowered:
.L_overlay_start_1:
0x0: {  	(tag) =	ssettag $0x1  }
0x1: {  	s1 =	srdreg.scid;
	s2 =	rddreg [dreg:$0x0]  }
0x2: {  	s0 =	stileid.u32;
	s4 =	rddreg [dreg:$0x1];
	s3 =	simm.s32 $0x0  }
0x3: {  	s11 =	simm.s32 $0x3C80;
	s12 =	simm.s32 $0x1;
	s13 =	simm.s32 $0x4  }
0x4: {  	s14 =	simm.s32 $0x2;
	s15 =	simm.s32 $0x0;
	s5 =	sand.u32 $0x1, s1  }
0x5: {  	s28 =	sshll.u32 s0, $0x1;
	s1 =	rddreg [dreg:$0x2];
	s29 =	smul.u32 $0x28A00, s0  }
0x6: {  	[smem:$0x7FF] =	sst s3;
	s6 =	sor.u32 s5, s28;
	s30 =	smul.u32 $0x14500, s5  }
0x7: {  	s10 =	sadd.s32 $0x8800, s4;
	s8 =	ssub.s32 $0x2, s5;
	s7 =	smul.u32 $0x1450, s6  }
0x8: {  	_ =	strace $0x80000047;
	s9 =	sshrl.u32 s8, $0x1;
	s6 =	smul.u32 $0x14500, s6  }
0x9: {  	s31 =	sadd.s32 s29, s10;
	s8 =	ssub.s32 s8, s9;
	s9 =	simm.s32 $0x1480  }
0xa: {  	s7 =	sshrl.u32 s7, $0x3;
	s6 =	sadd.s32 s10, s6;
	s5 =	smax.u32 s8, $0x1  }
0xb: {  	s8 =	simm.s32 $0x3;
	s10 =	simm.s32 $0x50;
	s7 =	sadd.s32 s7, s4  }
0xc: {  	s6 =	sadd.s32 $0x14000, s6;
	s4 =	sadd.s32 $0x3600, s7;
	s7 =	sadd.s32 s30, s31  }
.LBB2_1:
0xd: {  	[tilespmem:s3], [sflag:$0x3] =	stream.linear.gather [hbm4b:s4+s3], $0x1450, $0x38;
	[tilespmem:$0x6480] =	vst v63  }
0xe: {  	_ =	swait.ge [sflag:s8], $0x1450  }
0xf: {  	[sflag:s8] =	ssyncset.done $0x0  }
0x10: {  	[sflag:s8] =	ssyncadd.s32 $0xFFFFEBB0  }
0x11: {  	[tilespmem:s9], [sflag:$0x1] =	stream.indirect.gather [hbm4b:s2+s10], $0x80, s3, s10, $0xb8;
	[tilespmem:$0x6480] =	vst v63  }
0x12: {  	_ = 	snop  }
0x13: {  	[tilespmem:s11], [sflag:$0x2] =	stream.indirect.gather [hbm4b:s2+s10], $0x80, s10, s10, $0xb8;
	[tilespmem:$0x6480] =	vst v63  }
0x14: {  	_ =	swait.ge [sflag:s12], $0x2800  }
0x15: {  	[sflag:s12] =	ssyncset.done $0x0  }
0x16: {  	s16 =	sadd.s32 $0x0, s7;
	[sflag:s12] =	ssyncadd.s32 $0xFFFFD800  }
0x17: {  	[hbm4b:s16+s3] =	stream.linear.scatter [tilespmem:s9], [sflag:$0x4], $0x2800, $0x38;
	[tilespmem:$0x6480] =	vst v63  }
0x18: {  	_ =	swait.ge [sflag:s13], $0x2800  }
0x19: {  	[sflag:s13] =	ssyncset.done $0x0  }
0x1a: {  	s17 =	simm.s32 $0xA0;
	[sflag:s13] =	ssyncadd.s32 $0xFFFFD800  }
0x1b: {  	[tilespmem:s9], [sflag:$0x1] =	stream.indirect.gather [hbm4b:s2+s10], $0x80, s17, s10, $0xb8;
	[tilespmem:$0x6480] =	vst v63  }
0x1c: {  	_ =	swait.ge [sflag:s14], $0x2800  }
0x1d: {  	[sflag:s14] =	ssyncset.done $0x0  }
0x1e: {  	s16 =	sadd.s32 $0x500, s16;
	[sflag:s14] =	ssyncadd.s32 $0xFFFFD800  }
0x1f: {  	[hbm4b:s16+s3] =	stream.linear.scatter [tilespmem:s11], [sflag:$0x3], $0x2800, $0x38;
	[tilespmem:$0x6480] =	vst v63  }
0x20: {  	_ =	swait.ge [sflag:s8], $0x2800  }
0x21: {  	s17 =	simm.s32 $0x50;
	s16 =	simm.s32 $0xA00;
	[sflag:s8] =	ssyncset.done $0x0  }
.LBB2_2:
0x22: {  	p0 =	sne.s32 s16, $0x13600;
	[sflag:s8] =	ssyncadd.s32 $0xFFFFD800;
	s17 =	sadd.s32 $0xA0, s17  }
0x23: {  	[tilespmem:s11], [sflag:$0x2] =	stream.indirect.gather [hbm4b:s2+s10], $0x80, s17, s10, $0xb8;
	[tilespmem:$0x6480] =	vst v63  }
0x24: {  	s18 =	smov.u32 s16;
	s16 =	sadd.s32 $0xA00, s16;
	_ =	swait.ge [sflag:s12], $0x2800  }
0x25: {  	[sflag:s12] =	ssyncset.done $0x0  }
0x26: {  	s18 =	sadd.s32 s18, s7;
	[sflag:s12] =	ssyncadd.s32 $0xFFFFD800  }
0x27: {  	[hbm4b:s18+s3] =	stream.linear.scatter [tilespmem:s9], [sflag:$0x4], $0x2800, $0x38;
	[tilespmem:$0x6480] =	vst v63  }
0x28: {  	_ =	swait.ge [sflag:s13], $0x2800  }
0x29: {  	[sflag:s13] =	ssyncset.done $0x0  }
0x2a: {  	s19 =	sadd.s32 $0x50, s17;
	[sflag:s13] =	ssyncadd.s32 $0xFFFFD800  }
0x2b: {  	[tilespmem:s9], [sflag:$0x1] =	stream.indirect.gather [hbm4b:s2+s10], $0x80, s19, s10, $0xb8;
	[tilespmem:$0x6480] =	vst v63  }
0x2c: {  	_ =	swait.ge [sflag:s14], $0x2800  }
.Ltmp0:
0x2d: {  	[sflag:s14] =	ssyncset.done $0x0;
	(pc) =	sbr.rel @p0 .LBB2_2-.Ltmp0, $4  }
0x2e: {  	s18 =	sadd.s32 $0x500, s18;
	[sflag:s14] =	ssyncadd.s32 $0xFFFFD800  }
0x2f: {  	[hbm4b:s18+s3] =	stream.linear.scatter [tilespmem:s11], [sflag:$0x3], $0x2800, $0x38;
	[tilespmem:$0x6480] =	vst v63  }
0x30: {  	_ =	swait.ge [sflag:s8], $0x2800  }
0x31: {  	[sflag:s8] =	ssyncset.done $0x0  }
0x32: {  	[sflag:s8] =	ssyncadd.s32 $0xFFFFD800  }
0x33: {  	s15 =	sadd.s32 $0x1, s15;
	_ =	swait.ge [sflag:s12], $0x2800  }
0x34: {  	p0 =	sne.s32 s15, s5;
	[sflag:s12] =	ssyncset.done $0x0  }
.Ltmp1:
0x35: {  	[sflag:s12] =	ssyncadd.s32 $0xFFFFD800;
	(pc) =	sbr.rel @p0 .LBB2_1-.Ltmp1, $4  }
0x36: {  	[hbm4b:s6+s3] =	stream.linear.scatter [tilespmem:s9], [sflag:$0x4], $0x2800, $0x38;
	[tilespmem:$0x6480] =	vst v63  }
0x37: {  	_ =	swait.ge [sflag:s13], $0x2800  }
0x38: {  	[sflag:s13] =	ssyncset.done $0x0  }
0x39: {  	[sflag:s13] =	ssyncadd.s32 $0xFFFFD800  }
0x3a: {  	_ =	sfence.sel $0x180000  }
0x3b: {  	[bflag:$0x0] =	sbarrier.arrive $0xFFFF  }
0x3c: {  	p0 =	sne.s32 s0, $0x0;
	_ =	strace $0x90000047  }
0x3d: {  	s0 =	sadd.s32 @!p0 $0x100000, s1;
	[bflag:$0x2] =	sbarrier.arrive $0xFFFF  }
0x3e: {  	[sflag:s0] =	ssyncadd.tile.s32 @!p0 $0x1;
	_ =	shalt  }
.Lfunc_end2:
_tile_overlayer_lowered:
.L_overlay_start_2:
0x3f: {  	(tag) =	ssettag $0x2  }
0x40: {  	s0 =	rddreg [dreg:$0x0];
	s2 =	stileid.u32  }
0x41: {  	s1 =	rddreg [dreg:$0x1];
	p0 =	sne.s32 s2, $0x0  }
0x42: {  	s3 =	rddreg [dreg:$0x2];
	[bflag:$0x3] =	sbarrier.arrive $0xFFFF;
	s2 =	simm.s32 @!p0 $0x1C03  }
0x43: {  	[timem:s3], [sflag:s2] =	dma.local @!p0 [hbm:s0], s1  }
0x44: {  	s0 =	simm.s32 @!p0 $0x3  }
0x45: {  	_ =	swait.ge @!p0 [sflag:s0], s1  }
0x46: {  	s1 =	ssub.s32 @!p0 $0x0, s1;
	[sflag:s0] =	ssyncset.done @!p0 $0x0  }
0x47: {  	[sflag:s0] =	ssyncadd.s32 @!p0 s1  }
0x48: {  	[bflag:$0x3] =	sbarrier.arrive $0xFFFF  }
0x49: {  	_ =	shalt  }

// kernel: kernel.18.cloned.1.call-start
scs
__scs_entry_jumppad:
0x0: {  	(pc) =	sbr.rel $0x88, $3  }
0x1: {  	(tag) =	ssettag $0x0;
	lr =	simm.s32 $0x1  }
0x2: {  	[smem:$0x3F9B] =	sst lr;
	_ =	strace $0xD0000000  }
0x3: {  	_ = 	snop  }
0x4: {  	_ = 	snop  }
0x5: {  	_ = 	snop  }
0x6: {  	_ = 	snop  }
0x7: {  	_ = 	snop  }
__scs_overlays_trampoline_lowered:
0x8: {  	[smem:$0x3FAA] =	sst s0  }
0x9: {  	[smem:$0x3FAB] =	sst s1  }
0xa: {  	[smem:$0x3FAC] =	sst s2  }
0xb: {  	[smem:$0x3FAD] =	sst s3  }
0xc: {  	[smem:$0x3FAE] =	sst s4  }
0xd: {  	[smem:$0x3FAF] =	sst s5  }
0xe: {  	[smem:$0x3FB0] =	sst s6  }
0xf: {  	[smem:$0x3FB1] =	sst s7  }
0x10: {  	[smem:$0x3FB2] =	sst s8  }
0x11: {  	[smem:$0x3FB3] =	sst s9;
	s0 =	simm.s32 @!p0 $0x0  }
0x12: {  	s1 =	sld [smem:$0x3F99];
	s0 =	simm.s32 @p0 $0x1  }
0x13: {  	[smem:$0x3FB4] =	sst s0;
	s0 =	simm.s32 @!p1 $0x0  }
0x14: {  	s2 =	sld [smem:$0x3F98];
	s0 =	simm.s32 @p1 $0x1  }
0x15: {  	[smem:$0x3FB5] =	sst s0;
	s0 =	simm.s32 @!p2 $0x0  }
0x16: {  	s3 =	sld [smem:$0x3FDB];
	s0 =	simm.s32 @p2 $0x1  }
0x17: {  	s4 =	simm.s32 $0x1BF5;
	[smem:$0x3FB7] =	sst s0  }
0x18: {  	s0 =	sld [smem:$0x3F9A];
	_ =	swait.ge [sflag:s4], $0x0  }
0x19: {  	s7 =	sld [smem:$0x3F9B]  }
0x1a: {  	s8 =	sadd.s32 $0xFFFFE003, lr  }
0x1b: {  	s9 =	sadd.s32 $0xFFFFFEF7, lr;
	s5 =	simm.s32 $0xFFFFFFFF;
	p2 =	slt.u32 s8, $0xFFFFF086  }
0x1c: {  	p1 =	slt.u32 s9, $0xF7A;
	s5 =	simm.s32 @!p2 $0x0  }
0x1d: {  	s5 =	simm.s32 @p1 $0x1;
	p0 =	seq.s32 s7, s2  }
0x1e: {  	s7 =	smul.u32 @!p0 $0xF7A, s2;
	p2 =	seq.s32 @!p0 s5, $0x0  }
0x1f: {  	s9 =	smul.u32 $0xF7A, s1;
	s8 =	simm.s32 @!p0 $0x1BF5;
	p2 =	por !p2, p0  }
0x20: {  	[sflag:s8] =	ssyncset.s32 @!p0 $0xFFFFF086;
	s6 =	sadd.s32 @!p0 s3, s7;
	s7 =	simm.s32 @!p0 $0x108  }
0x21: {  	s3 =	sadd.s32 s3, s9;
	s6 =	sadd.s32 @!p0 $0x88, s6;
	s7 =	simm.s32 @p2 $0x1082  }
0x22: {  	[simem:s7], [sflag:s8] =	dma.local @!p0 [hbm:s6], $0xF7A  }
0x23: {  	s9 =	sor.u32 $0xD0000000, s2;
	s6 =	simm.s32 $0x108;
	_ =	swait.ge @!p0 [sflag:s8], $0x0  }
0x24: {  	s3 =	sadd.s32 $0x88, s3;
	s6 =	simm.s32 @!p1 $0x1082;
	[sflag:s4] =	ssyncset.s32 $0xFFFFF086  }
0x25: {  	[simem:s6], [sflag:s4] =	dma.local [hbm:s3], $0xF7A  }
0x26: {  	[smem:$0x3F9B] =	sst s1;
	(tag) =	ssettag s2;
	_ =	strace s9  }
0x27: {  	s1 =	sld [smem:$0x3FAB]  }
0x28: {  	s2 =	sld [smem:$0x3FAC]  }
0x29: {  	s4 =	sld [smem:$0x3FAE]  }
0x2a: {  	p0 =	seq.s32 s5, $0x0;
	s5 =	sld [smem:$0x3FAF]  }
0x2b: {  	s6 =	sld [smem:$0x3FB0]  }
0x2c: {  	s7 =	sld [smem:$0x3FB1]  }
0x2d: {  	s3 =	simm.s32 $0x108;
	s8 =	sld [smem:$0x3FB2]  }
0x2e: {  	s3 =	simm.s32 @!p0 $0x1082;
	s9 =	sld [smem:$0x3FB3]  }
0x2f: {  	lr =	sadd.s32 s0, s3;
	s0 =	sld [smem:$0x3FAA]  }
0x30: {  	s3 =	sld [smem:$0x3FAD]  }
0x31: {  	[smem:$0x3FB6] =	sst s10  }
0x32: {  	s10 =	sld [smem:$0x3FB4];
	_ =	sdelay $0x3  }
0x33: {  	p0 =	seq.s32 s10, $0x1;
	s10 =	sld [smem:$0x3FB6];
	_ =	sdelay $0x3  }
0x34: {  	[smem:$0x3FB6] =	sst s10  }
0x35: {  	s10 =	sld [smem:$0x3FB5];
	_ =	sdelay $0x3  }
0x36: {  	p1 =	seq.s32 s10, $0x1;
	s10 =	sld [smem:$0x3FB6];
	_ =	sdelay $0x3  }
0x37: {  	[smem:$0x3FB6] =	sst s10  }
0x38: {  	s10 =	sld [smem:$0x3FB7]  }
0x39: {  	_ = 	snop;
	(pc) =	sbr.ind lr, $3  }
0x3a: {  	_ = 	snop  }
0x3b: {  	_ = 	snop  }
0x3c: {  	p2 =	seq.s32 s10, $0x1;
	s10 =	sld [smem:$0x3FB6]  }
0x3d: {  	_ =	shalt  }
0x3e: {  	_ =	shalt  }
0x3f: {  	_ =	shalt  }
0x40: {  	_ =	shalt  }
0x41: {  	_ =	shalt  }
0x42: {  	_ =	shalt  }
0x43: {  	_ =	shalt  }
0x44: {  	_ =	shalt  }
0x45: {  	_ =	shalt  }
0x46: {  	_ =	shalt  }
0x47: {  	_ =	shalt  }
0x48: {  	_ =	shalt  }
0x49: {  	_ =	shalt  }
0x4a: {  	_ =	shalt  }
0x4b: {  	_ =	shalt  }
0x4c: {  	_ =	shalt  }
0x4d: {  	_ =	shalt  }
0x4e: {  	_ =	shalt  }
0x4f: {  	_ =	shalt  }
0x50: {  	_ =	shalt  }
0x51: {  	_ =	shalt  }
0x52: {  	_ =	shalt  }
0x53: {  	_ =	shalt  }
0x54: {  	_ =	shalt  }
0x55: {  	_ =	shalt  }
0x56: {  	_ =	shalt  }
0x57: {  	_ =	shalt  }
0x58: {  	_ =	shalt  }
0x59: {  	_ =	shalt  }
0x5a: {  	_ =	shalt  }
0x5b: {  	_ =	shalt  }
0x5c: {  	_ =	shalt  }
0x5d: {  	_ =	shalt  }
0x5e: {  	_ =	shalt  }
0x5f: {  	_ =	shalt  }
0x60: {  	_ =	shalt  }
0x61: {  	_ =	shalt  }
0x62: {  	_ =	shalt  }
0x63: {  	_ =	shalt  }
0x64: {  	_ =	shalt  }
0x65: {  	_ =	shalt  }
0x66: {  	_ =	shalt  }
0x67: {  	_ =	shalt  }
0x68: {  	_ =	shalt  }
0x69: {  	_ =	shalt  }
0x6a: {  	_ =	shalt  }
0x6b: {  	_ =	shalt  }
0x6c: {  	_ =	shalt  }
0x6d: {  	_ =	shalt  }
0x6e: {  	_ =	shalt  }
0x6f: {  	_ =	shalt  }
0x70: {  	_ =	shalt  }
0x71: {  	_ =	shalt  }
0x72: {  	_ =	shalt  }
0x73: {  	_ =	shalt  }
0x74: {  	_ =	shalt  }
0x75: {  	_ =	shalt  }
0x76: {  	_ =	shalt  }
0x77: {  	_ =	shalt  }
0x78: {  	_ =	shalt  }
0x79: {  	_ =	shalt  }
0x7a: {  	_ =	shalt  }
0x7b: {  	_ =	shalt  }
0x7c: {  	_ =	shalt  }
0x7d: {  	_ =	shalt  }
0x7e: {  	_ =	shalt  }
0x7f: {  	_ =	shalt  }
0x80: {  	_ =	shalt  }
0x81: {  	_ =	shalt  }
0x82: {  	_ =	shalt  }
0x83: {  	_ =	shalt  }
0x84: {  	_ =	shalt  }
0x85: {  	_ =	shalt  }
0x86: {  	_ =	shalt  }
0x87: {  	_ =	shalt  }
.Lfunc_end0:
.L_simem_size_0:
called_computation.1_lowered:
.L_overlay_start_0:
0x88: {  	s2 =	sld [smem:$0x3FD9]  }
0x89: {  	s3 =	sld [smem:$0x3FFE];
	_ =	sdelay $0x1  }
0x8a: {  	s1 =	srdreg.scid  }
0x8b: {  	s0 =	sand.u32 $0x1, s1  }
0x8c: {  	s17 =	sshll.u32 s0, $0xA;
	s2 =	sadd.s32 s3, s2  }
0x8d: {  	s2 =	sadd.s32 s2, s17  }
0x8e: {  	[smem:$0x3FC2] =	sst s2  }
0x8f: {  	_ = 	snop  }
0x90: {  	s18 =	sld [smem:$0x3FD0];
	(tm) =	ssettm $0x1  }
0x91: {  	s19 =	sld [smem:$0x3FFB];
	_ =	sdelay $0x3  }
0x92: {  	_ =	strace s19  }
0x93: {  	s2 =	sld [smem:$0x3FFC];
	_ =	sdelay $0x3  }
0x94: {  	_ =	strace s2  }
0x95: {  	s2 =	sld [smem:$0x3FFD];
	_ =	sdelay $0x3  }
0x96: {  	_ =	strace s2  }
0x97: {  	_ =	strace $0x8FFFFFFF  }
0x98: {  	s20 =	sld [smem:$0x3FDB];
	_ =	sdelay $0x1  }
0x99: {  	s4 =	simm.s32 $_scs_section_size  }
0x9a: {  	s5 =	simm.s32 $_size__tile_overlayer_lowered;
	s6 =	simm.s32 $_tile_overlayer_lowered  }
0x9b: {  	s7 =	simm.s32 $0x1BFF;
	s21 =	sshll.u32 s6, $0x1;
	s4 =	sadd.s32 s4, s20  }
0x9c: {  	s22 =	simm.s32 $0x0;
	s5 =	sshll.u32 s5, $0x1;
	s6 =	sadd.s32 s21, s4  }
0x9d: {  	[timem:s22], [sflag:s7] =	dma.local [hbm:s6], s5  }
0x9e: {  	_ =	swait.ge [sflag:s7], s5  }
0x9f: {  	s5 =	ssub.s32 $0x0, s5;
	[sflag:s7] =	ssyncset.done $0x0  }
0xa0: {  	[sflag:s7] =	ssyncadd.s32 s5;
	_ =	sdelay $0x1  }
0xa1: {  	s23 =	simm.s32 $0x1B8B  }
0xa2: {  	_ =	swait.ge [sflag:s23], $0x1  }
0xa3: {  	[sflag:s23] =	ssyncset.done $0x0  }
0xa4: {  	[sflag:s23] =	ssyncadd.s32 $0xFFFFFFFF  }
0xa5: {  	s5 =	sld [smem:$0x0]  }
0xa6: {  	s6 =	sand.u32 $0xFFFFFFFE, s1  }
0xa7: {  	p0 =	sne.s32 s1, s6  }
0xa8: {  	s6 =	sshll.u32 @p0 s6, $0xE  }
0xa9: {  	s6 =	sadd.s32 @p0 $0x11B8D, s6;
	s7 =	sshll.u32 @p0 s5, $0x11  }
0xaa: {  	s6 =	sor.u32 @p0 s7, s6  }
0xab: {  	[sflag:s6] =	ssyncadd.remote.s32 @p0 $0x1;
	_ =	sdelay $0x1  }
0xac: {  	s6 =	simm.s32 @p0 $0x1B8D  }
0xad: {  	_ =	swait.eq @p0 [sflag:s6], $0x1  }
0xae: {  	[sflag:s6] =	ssyncadd.s32 @p0 $0xFFFFFFFF  }
0xaf: {  	s7 =	sshll.u32 @!p0 s1, $0xE  }
0xb0: {  	s7 =	sor.u32 @!p0 $0x4000, s7;
	s6 =	simm.s32 @!p0 $0x1B8D  }
0xb1: {  	s5 =	sshll.u32 @!p0 s5, $0x11;
	s7 =	sadd.s32 @!p0 $0x11B8D, s7;
	_ =	swait.eq @!p0 [sflag:s6], $0x1  }
0xb2: {  	s5 =	sor.u32 @!p0 s5, s7;
	[sflag:s6] =	ssyncadd.s32 @!p0 $0xFFFFFFFF  }
0xb3: {  	s25 =	simm.s32 $0x1B8E;
	s24 =	sld [smem:$0x3FFE];
	[sflag:s5] =	ssyncadd.remote.s32 @!p0 $0x1  }
0xb4: {  	s26 =	simm.s32 $execute0_lowered;
	[smem:$0x3FD2] =	sst s25  }
0xb5: {  	s6 =	sshll.u32 s26, $0x1;
	_ =	strace $0x80000049;
	[dreg:$0x1] =	wrdreg $0xFFFFFFFF  }
0xb6: {  	s28 =	simm.s32 $_size_execute0_lowered;
	s4 =	sadd.s32 s4, s6;
	[dreg:$0x0] =	wrdreg $0x0  }
0xb7: {  	s6 =	sshll.u32 s28, $0x1;
	[dreg:$0x2] =	wrdreg s4  }
0xb8: {  	[dreg:$0x3] =	wrdreg s6  }
0xb9: {  	[dreg:$0x4] =	wrdreg $0xC0  }
0xba: {  	_ =	task [dreg:s22], $0x5FFFF  }
0xbb: {  	[dreg:$0x1] =	wrdreg $0xFFFFFFFF  }
0xbc: {  	[dreg:$0x0] =	wrdreg $0x60  }
0xbd: {  	[dreg:$0x2] =	wrdreg s18  }
0xbe: {  	[dreg:$0x3] =	wrdreg s24  }
0xbf: {  	[dreg:$0x4] =	wrdreg $0xA  }
0xc0: {  	_ =	task.clear_ibuf [dreg:s22], $0x5FFFF;
	_ =	strace $0x90000049  }
0xc1: {  	s29 =	simm.s32 $0xA;
	_ =	strace $0x8000004B  }
0xc2: {  	_ =	swait.ge [sflag:s29], $0x1  }
0xc3: {  	[sflag:s29] =	ssyncadd.s32 $0xFFFFFFFF  }
0xc4: {  	_ =	strace $0x9000004B  }
0xc5: {  	_ =	sfence  }
0xc6: {  	s30 =	sld [smem:$0x0];
	_ =	sdelay $0x2  }
0xc7: {  	s31 =	sshll.u32 s1, $0xD;
	s1 =	sshrl.u32 s1, $0x2  }
0xc8: {  	s4 =	sand.u32 $0x4000, s31;
	s1 =	sadd.s32 s1, s30  }
0xc9: {  	s0 =	sor.u32 s4, s0;
	s1 =	sshll.u32 s1, $0x11  }
0xca: {  	s0 =	sor.u32 s1, s0  }
0xcb: {  	s0 =	sadd.s32 $0x8F2B, s0  }
0xcc: {  	[sflag:s0] =	ssyncadd.remote.s32 $0x1  }
0xcd: {  	_ =	sfence.sel $0xFFFF  }
0xce: {  	[dreg:$0x0] =	wrdreg $0xFFFFFFFF;
	(pc) =	sbr.abs _section_cstart, $3  }
0xcf: {  	[dreg:$0x1] =	wrdreg $0xFFFFFFFF  }
0xd0: {  	_ =	task.clear_ibuf [dreg:s22], $0x2FFFF;
	_ =	strace $0x9FFFFFFF  }
0xd1: {  	(tm) =	ssettm $0x7FFFFFFF  }
tec
execute0_lowered:
.L_overlay_start_1:
0x0: {  	(tag) =	ssettag $0x1  }
0x1: {  	s1 =	srdreg.scid;
	s2 =	rddreg [dreg:$0x0]  }
0x2: {  	s0 =	stileid.u32;
	s4 =	rddreg [dreg:$0x1]  }
0x3: {  	s3 =	simm.s32 $0x0;
	s12 =	simm.s32 $0x3B00;
	s13 =	simm.s32 $0x1  }
0x4: {  	s14 =	simm.s32 $0x4;
	s15 =	simm.s32 $0x2;
	s16 =	simm.s32 $0x1270  }
0x5: {  	s17 =	simm.s32 $0x0;
	s5 =	sand.u32 $0x1, s1;
	s1 =	rddreg [dreg:$0x2]  }
0x6: {  	s28 =	sshll.u32 s0, $0x1;
	[smem:$0x7FF] =	sst s3;
	s10 =	smul.u32 $0x25800, s0  }
0x7: {  	s9 =	sadd.s32 $0x297400, s4;
	s6 =	sor.u32 s5, s28;
	s11 =	smul.u32 $0x12C00, s5  }
0x8: {  	_ =	strace $0x8000004A;
	s8 =	ssub.s32 $0x2, s5;
	s7 =	smul.u32 $0x12C0, s6  }
0x9: {  	s6 =	smul.u32 $0x12C00, s6;
	s29 =	sshrl.u32 s8, $0x1;
	s31 =	sadd.s32 s10, s9  }
0xa: {  	s10 =	simm.s32 $0x1300;
	s8 =	ssub.s32 s8, s29;
	s7 =	sshrl.u32 s7, $0x3  }
0xb: {  	s5 =	smax.u32 s8, $0x1;
	s30 =	sadd.s32 s9, s6;
	s8 =	sadd.s32 s11, s31  }
0xc: {  	s9 =	simm.s32 $0x3;
	s11 =	simm.s32 $0x50;
	s7 =	sadd.s32 s7, s4  }
0xd: {  	s6 =	sadd.s32 $0x12200, s30;
	s4 =	sadd.s32 $0x292800, s7;
	s7 =	sadd.s32 $0x12700, s30  }
.LBB2_1:
0xe: {  	[tilespmem:s3], [sflag:$0x3] =	stream.linear.gather [hbm4b:s4+s3], $0x12C0, $0x38;
	[tilespmem:$0x6300] =	vst v63  }
0xf: {  	_ =	swait.ge [sflag:s9], $0x12C0  }
0x10: {  	[sflag:s9] =	ssyncset.done $0x0  }
0x11: {  	[sflag:s9] =	ssyncadd.s32 $0xFFFFED40  }
0x12: {  	[tilespmem:s10], [sflag:$0x1] =	stream.indirect.gather [hbm4b:s2+s11], $0x80, s3, s11, $0xb8;
	[tilespmem:$0x6300] =	vst v63  }
0x13: {  	_ = 	snop  }
0x14: {  	[tilespmem:s12], [sflag:$0x2] =	stream.indirect.gather [hbm4b:s2+s11], $0x80, s11, s11, $0xb8;
	[tilespmem:$0x6300] =	vst v63  }
0x15: {  	_ =	swait.ge [sflag:s13], $0x2800  }
0x16: {  	[sflag:s13] =	ssyncset.done $0x0  }
0x17: {  	s18 =	sadd.s32 $0x0, s8;
	[sflag:s13] =	ssyncadd.s32 $0xFFFFD800  }
0x18: {  	[hbm4b:s18+s3] =	stream.linear.scatter [tilespmem:s10], [sflag:$0x4], $0x2800, $0x38;
	[tilespmem:$0x6300] =	vst v63  }
0x19: {  	_ =	swait.ge [sflag:s14], $0x2800  }
0x1a: {  	[sflag:s14] =	ssyncset.done $0x0  }
0x1b: {  	s19 =	simm.s32 $0xA0;
	[sflag:s14] =	ssyncadd.s32 $0xFFFFD800  }
0x1c: {  	[tilespmem:s10], [sflag:$0x1] =	stream.indirect.gather [hbm4b:s2+s11], $0x80, s19, s11, $0xb8;
	[tilespmem:$0x6300] =	vst v63  }
0x1d: {  	_ =	swait.ge [sflag:s15], $0x2800  }
0x1e: {  	[sflag:s15] =	ssyncset.done $0x0  }
0x1f: {  	s18 =	sadd.s32 $0x500, s18;
	[sflag:s15] =	ssyncadd.s32 $0xFFFFD800  }
0x20: {  	[hbm4b:s18+s3] =	stream.linear.scatter [tilespmem:s12], [sflag:$0x3], $0x2800, $0x38;
	[tilespmem:$0x6300] =	vst v63  }
0x21: {  	_ =	swait.ge [sflag:s9], $0x2800  }
0x22: {  	s19 =	simm.s32 $0x50;
	s18 =	simm.s32 $0xA00;
	[sflag:s9] =	ssyncset.done $0x0  }
.LBB2_2:
0x23: {  	p0 =	sne.s32 s18, $0x11800;
	[sflag:s9] =	ssyncadd.s32 $0xFFFFD800;
	s19 =	sadd.s32 $0xA0, s19  }
0x24: {  	[tilespmem:s12], [sflag:$0x2] =	stream.indirect.gather [hbm4b:s2+s11], $0x80, s19, s11, $0xb8;
	[tilespmem:$0x6300] =	vst v63  }
0x25: {  	s20 =	smov.u32 s18;
	s18 =	sadd.s32 $0xA00, s18;
	_ =	swait.ge [sflag:s13], $0x2800  }
0x26: {  	[sflag:s13] =	ssyncset.done $0x0  }
0x27: {  	s20 =	sadd.s32 s20, s8;
	[sflag:s13] =	ssyncadd.s32 $0xFFFFD800  }
0x28: {  	[hbm4b:s20+s3] =	stream.linear.scatter [tilespmem:s10], [sflag:$0x4], $0x2800, $0x38;
	[tilespmem:$0x6300] =	vst v63  }
0x29: {  	_ =	swait.ge [sflag:s14], $0x2800  }
0x2a: {  	[sflag:s14] =	ssyncset.done $0x0  }
0x2b: {  	s21 =	sadd.s32 $0x50, s19;
	[sflag:s14] =	ssyncadd.s32 $0xFFFFD800  }
0x2c: {  	[tilespmem:s10], [sflag:$0x1] =	stream.indirect.gather [hbm4b:s2+s11], $0x80, s21, s11, $0xb8;
	[tilespmem:$0x6300] =	vst v63  }
0x2d: {  	_ =	swait.ge [sflag:s15], $0x2800  }
.Ltmp0:
0x2e: {  	[sflag:s15] =	ssyncset.done $0x0;
	(pc) =	sbr.rel @p0 .LBB2_2-.Ltmp0, $4  }
0x2f: {  	s20 =	sadd.s32 $0x500, s20;
	[sflag:s15] =	ssyncadd.s32 $0xFFFFD800  }
0x30: {  	[hbm4b:s20+s3] =	stream.linear.scatter [tilespmem:s12], [sflag:$0x3], $0x2800, $0x38;
	[tilespmem:$0x6300] =	vst v63  }
0x31: {  	_ =	swait.ge [sflag:s9], $0x2800  }
0x32: {  	[sflag:s9] =	ssyncset.done $0x0  }
0x33: {  	[sflag:s9] =	ssyncadd.s32 $0xFFFFD800  }
0x34: {  	[tilespmem:s12], [sflag:$0x2] =	stream.indirect.gather [hbm4b:s2+s11], $0x80, s16, s11, $0xb8;
	[tilespmem:$0x6300] =	vst v63  }
0x35: {  	_ =	swait.ge [sflag:s13], $0x2800  }
0x36: {  	[sflag:s13] =	ssyncset.done $0x0  }
0x37: {  	[sflag:s13] =	ssyncadd.s32 $0xFFFFD800  }
0x38: {  	[hbm4b:s6+s3] =	stream.linear.scatter [tilespmem:s10], [sflag:$0x4], $0x2800, $0x38;
	[tilespmem:$0x6300] =	vst v63  }
0x39: {  	_ =	swait.ge [sflag:s14], $0x2800  }
0x3a: {  	[sflag:s14] =	ssyncset.done $0x0  }
0x3b: {  	[sflag:s14] =	ssyncadd.s32 $0xFFFFD800  }
0x3c: {  	s17 =	sadd.s32 $0x1, s17;
	_ =	swait.ge [sflag:s15], $0x2800  }
0x3d: {  	p0 =	sne.s32 s17, s5;
	[sflag:s15] =	ssyncset.done $0x0  }
.Ltmp1:
0x3e: {  	[sflag:s15] =	ssyncadd.s32 $0xFFFFD800;
	(pc) =	sbr.rel @p0 .LBB2_1-.Ltmp1, $4  }
0x3f: {  	[hbm4b:s7+s3] =	stream.linear.scatter [tilespmem:s12], [sflag:$0x3], $0x2800, $0x38;
	[tilespmem:$0x6300] =	vst v63  }
0x40: {  	_ =	swait.ge [sflag:s9], $0x2800  }
0x41: {  	[sflag:s9] =	ssyncset.done $0x0  }
0x42: {  	[sflag:s9] =	ssyncadd.s32 $0xFFFFD800  }
0x43: {  	_ =	sfence.sel $0x180000  }
0x44: {  	[bflag:$0x0] =	sbarrier.arrive $0xFFFF  }
0x45: {  	p0 =	sne.s32 s0, $0x0;
	_ =	strace $0x9000004A  }
0x46: {  	s0 =	sadd.s32 @!p0 $0x100000, s1;
	[bflag:$0x2] =	sbarrier.arrive $0xFFFF  }
0x47: {  	[sflag:s0] =	ssyncadd.tile.s32 @!p0 $0x1;
	_ =	shalt  }
.Lfunc_end2:
_tile_overlayer_lowered:
.L_overlay_start_2:
0x48: {  	(tag) =	ssettag $0x2  }
0x49: {  	s0 =	rddreg [dreg:$0x0];
	s2 =	stileid.u32  }
0x4a: {  	s1 =	rddreg [dreg:$0x1];
	p0 =	sne.s32 s2, $0x0  }
0x4b: {  	s3 =	rddreg [dreg:$0x2];
	[bflag:$0x3] =	sbarrier.arrive $0xFFFF;
	s2 =	simm.s32 @!p0 $0x1C03  }
0x4c: {  	[timem:s3], [sflag:s2] =	dma.local @!p0 [hbm:s0], s1  }
0x4d: {  	s0 =	simm.s32 @!p0 $0x3  }
0x4e: {  	_ =	swait.ge @!p0 [sflag:s0], s1  }
0x4f: {  	s1 =	ssub.s32 @!p0 $0x0, s1;
	[sflag:s0] =	ssyncset.done @!p0 $0x0  }
0x50: {  	[sflag:s0] =	ssyncadd.s32 @!p0 s1  }
0x51: {  	[bflag:$0x3] =	sbarrier.arrive $0xFFFF  }
0x52: {  	_ =	shalt  }

// kernel: kernel.21.cloned.1.call-start
scs
__scs_entry_jumppad:
0x0: {  	(pc) =	sbr.rel $0x88, $3  }
0x1: {  	(tag) =	ssettag $0x0;
	lr =	simm.s32 $0x1  }
0x2: {  	[smem:$0x3F9B] =	sst lr;
	_ =	strace $0xD0000000  }
0x3: {  	_ = 	snop  }
0x4: {  	_ = 	snop  }
0x5: {  	_ = 	snop  }
0x6: {  	_ = 	snop  }
0x7: {  	_ = 	snop  }
__scs_overlays_trampoline_lowered:
0x8: {  	[smem:$0x3FAA] =	sst s0  }
0x9: {  	[smem:$0x3FAB] =	sst s1  }
0xa: {  	[smem:$0x3FAC] =	sst s2  }
0xb: {  	[smem:$0x3FAD] =	sst s3  }
0xc: {  	[smem:$0x3FAE] =	sst s4  }
0xd: {  	[smem:$0x3FAF] =	sst s5  }
0xe: {  	[smem:$0x3FB0] =	sst s6  }
0xf: {  	[smem:$0x3FB1] =	sst s7  }
0x10: {  	[smem:$0x3FB2] =	sst s8  }
0x11: {  	[smem:$0x3FB3] =	sst s9;
	s0 =	simm.s32 @!p0 $0x0  }
0x12: {  	s1 =	sld [smem:$0x3F99];
	s0 =	simm.s32 @p0 $0x1  }
0x13: {  	[smem:$0x3FB4] =	sst s0;
	s0 =	simm.s32 @!p1 $0x0  }
0x14: {  	s2 =	sld [smem:$0x3F98];
	s0 =	simm.s32 @p1 $0x1  }
0x15: {  	[smem:$0x3FB5] =	sst s0;
	s0 =	simm.s32 @!p2 $0x0  }
0x16: {  	s3 =	sld [smem:$0x3FDB];
	s0 =	simm.s32 @p2 $0x1  }
0x17: {  	s4 =	simm.s32 $0x1BF5;
	[smem:$0x3FB7] =	sst s0  }
0x18: {  	s0 =	sld [smem:$0x3F9A];
	_ =	swait.ge [sflag:s4], $0x0  }
0x19: {  	s7 =	sld [smem:$0x3F9B]  }
0x1a: {  	s8 =	sadd.s32 $0xFFFFE003, lr  }
0x1b: {  	s9 =	sadd.s32 $0xFFFFFEF7, lr;
	s5 =	simm.s32 $0xFFFFFFFF;
	p2 =	slt.u32 s8, $0xFFFFF086  }
0x1c: {  	p1 =	slt.u32 s9, $0xF7A;
	s5 =	simm.s32 @!p2 $0x0  }
0x1d: {  	s5 =	simm.s32 @p1 $0x1;
	p0 =	seq.s32 s7, s2  }
0x1e: {  	s7 =	smul.u32 @!p0 $0xF7A, s2;
	p2 =	seq.s32 @!p0 s5, $0x0  }
0x1f: {  	s9 =	smul.u32 $0xF7A, s1;
	s8 =	simm.s32 @!p0 $0x1BF5;
	p2 =	por !p2, p0  }
0x20: {  	[sflag:s8] =	ssyncset.s32 @!p0 $0xFFFFF086;
	s6 =	sadd.s32 @!p0 s3, s7;
	s7 =	simm.s32 @!p0 $0x108  }
0x21: {  	s3 =	sadd.s32 s3, s9;
	s6 =	sadd.s32 @!p0 $0x88, s6;
	s7 =	simm.s32 @p2 $0x1082  }
0x22: {  	[simem:s7], [sflag:s8] =	dma.local @!p0 [hbm:s6], $0xF7A  }
0x23: {  	s9 =	sor.u32 $0xD0000000, s2;
	s6 =	simm.s32 $0x108;
	_ =	swait.ge @!p0 [sflag:s8], $0x0  }
0x24: {  	s3 =	sadd.s32 $0x88, s3;
	s6 =	simm.s32 @!p1 $0x1082;
	[sflag:s4] =	ssyncset.s32 $0xFFFFF086  }
0x25: {  	[simem:s6], [sflag:s4] =	dma.local [hbm:s3], $0xF7A  }
0x26: {  	[smem:$0x3F9B] =	sst s1;
	(tag) =	ssettag s2;
	_ =	strace s9  }
0x27: {  	s1 =	sld [smem:$0x3FAB]  }
0x28: {  	s2 =	sld [smem:$0x3FAC]  }
0x29: {  	s4 =	sld [smem:$0x3FAE]  }
0x2a: {  	p0 =	seq.s32 s5, $0x0;
	s5 =	sld [smem:$0x3FAF]  }
0x2b: {  	s6 =	sld [smem:$0x3FB0]  }
0x2c: {  	s7 =	sld [smem:$0x3FB1]  }
0x2d: {  	s3 =	simm.s32 $0x108;
	s8 =	sld [smem:$0x3FB2]  }
0x2e: {  	s3 =	simm.s32 @!p0 $0x1082;
	s9 =	sld [smem:$0x3FB3]  }
0x2f: {  	lr =	sadd.s32 s0, s3;
	s0 =	sld [smem:$0x3FAA]  }
0x30: {  	s3 =	sld [smem:$0x3FAD]  }
0x31: {  	[smem:$0x3FB6] =	sst s10  }
0x32: {  	s10 =	sld [smem:$0x3FB4];
	_ =	sdelay $0x3  }
0x33: {  	p0 =	seq.s32 s10, $0x1;
	s10 =	sld [smem:$0x3FB6];
	_ =	sdelay $0x3  }
0x34: {  	[smem:$0x3FB6] =	sst s10  }
0x35: {  	s10 =	sld [smem:$0x3FB5];
	_ =	sdelay $0x3  }
0x36: {  	p1 =	seq.s32 s10, $0x1;
	s10 =	sld [smem:$0x3FB6];
	_ =	sdelay $0x3  }
0x37: {  	[smem:$0x3FB6] =	sst s10  }
0x38: {  	s10 =	sld [smem:$0x3FB7]  }
0x39: {  	_ = 	snop;
	(pc) =	sbr.ind lr, $3  }
0x3a: {  	_ = 	snop  }
0x3b: {  	_ = 	snop  }
0x3c: {  	p2 =	seq.s32 s10, $0x1;
	s10 =	sld [smem:$0x3FB6]  }
0x3d: {  	_ =	shalt  }
0x3e: {  	_ =	shalt  }
0x3f: {  	_ =	shalt  }
0x40: {  	_ =	shalt  }
0x41: {  	_ =	shalt  }
0x42: {  	_ =	shalt  }
0x43: {  	_ =	shalt  }
0x44: {  	_ =	shalt  }
0x45: {  	_ =	shalt  }
0x46: {  	_ =	shalt  }
0x47: {  	_ =	shalt  }
0x48: {  	_ =	shalt  }
0x49: {  	_ =	shalt  }
0x4a: {  	_ =	shalt  }
0x4b: {  	_ =	shalt  }
0x4c: {  	_ =	shalt  }
0x4d: {  	_ =	shalt  }
0x4e: {  	_ =	shalt  }
0x4f: {  	_ =	shalt  }
0x50: {  	_ =	shalt  }
0x51: {  	_ =	shalt  }
0x52: {  	_ =	shalt  }
0x53: {  	_ =	shalt  }
0x54: {  	_ =	shalt  }
0x55: {  	_ =	shalt  }
0x56: {  	_ =	shalt  }
0x57: {  	_ =	shalt  }
0x58: {  	_ =	shalt  }
0x59: {  	_ =	shalt  }
0x5a: {  	_ =	shalt  }
0x5b: {  	_ =	shalt  }
0x5c: {  	_ =	shalt  }
0x5d: {  	_ =	shalt  }
0x5e: {  	_ =	shalt  }
0x5f: {  	_ =	shalt  }
0x60: {  	_ =	shalt  }
0x61: {  	_ =	shalt  }
0x62: {  	_ =	shalt  }
0x63: {  	_ =	shalt  }
0x64: {  	_ =	shalt  }
0x65: {  	_ =	shalt  }
0x66: {  	_ =	shalt  }
0x67: {  	_ =	shalt  }
0x68: {  	_ =	shalt  }
0x69: {  	_ =	shalt  }
0x6a: {  	_ =	shalt  }
0x6b: {  	_ =	shalt  }
0x6c: {  	_ =	shalt  }
0x6d: {  	_ =	shalt  }
0x6e: {  	_ =	shalt  }
0x6f: {  	_ =	shalt  }
0x70: {  	_ =	shalt  }
0x71: {  	_ =	shalt  }
0x72: {  	_ =	shalt  }
0x73: {  	_ =	shalt  }
0x74: {  	_ =	shalt  }
0x75: {  	_ =	shalt  }
0x76: {  	_ =	shalt  }
0x77: {  	_ =	shalt  }
0x78: {  	_ =	shalt  }
0x79: {  	_ =	shalt  }
0x7a: {  	_ =	shalt  }
0x7b: {  	_ =	shalt  }
0x7c: {  	_ =	shalt  }
0x7d: {  	_ =	shalt  }
0x7e: {  	_ =	shalt  }
0x7f: {  	_ =	shalt  }
0x80: {  	_ =	shalt  }
0x81: {  	_ =	shalt  }
0x82: {  	_ =	shalt  }
0x83: {  	_ =	shalt  }
0x84: {  	_ =	shalt  }
0x85: {  	_ =	shalt  }
0x86: {  	_ =	shalt  }
0x87: {  	_ =	shalt  }
.Lfunc_end0:
.L_simem_size_0:
called_computation.2_lowered:
.L_overlay_start_0:
0x88: {  	s2 =	sld [smem:$0x3FD9]  }
0x89: {  	s3 =	sld [smem:$0x3FFE];
	_ =	sdelay $0x1  }
0x8a: {  	s1 =	srdreg.scid  }
0x8b: {  	s0 =	sand.u32 $0x1, s1  }
0x8c: {  	s17 =	sshll.u32 s0, $0xA;
	s2 =	sadd.s32 s3, s2  }
0x8d: {  	s2 =	sadd.s32 s2, s17  }
0x8e: {  	[smem:$0x3FC2] =	sst s2  }
0x8f: {  	_ = 	snop  }
0x90: {  	s2 =	sld [smem:$0x3FD0];
	(tm) =	ssettm $0x1  }
0x91: {  	s18 =	sld [smem:$0x3FFB];
	_ =	sdelay $0x3  }
0x92: {  	_ =	strace s18  }
0x93: {  	s3 =	sld [smem:$0x3FFC];
	_ =	sdelay $0x3  }
0x94: {  	_ =	strace s3  }
0x95: {  	s3 =	sld [smem:$0x3FFD];
	_ =	sdelay $0x3  }
0x96: {  	_ =	strace s3  }
0x97: {  	_ =	strace $0x8FFFFFFF  }
0x98: {  	s19 =	sld [smem:$0x3FDB];
	_ =	sdelay $0x1  }
0x99: {  	s4 =	simm.s32 $_scs_section_size  }
0x9a: {  	s5 =	simm.s32 $_size__tile_overlayer_lowered;
	s6 =	simm.s32 $_tile_overlayer_lowered  }
0x9b: {  	s22 =	simm.s32 $0x1BFF;
	s21 =	sshll.u32 s6, $0x1;
	s3 =	sadd.s32 s4, s19  }
0x9c: {  	s7 =	simm.s32 $0x0;
	s20 =	sshll.u32 s5, $0x1;
	s5 =	sadd.s32 s21, s3  }
0x9d: {  	[timem:s7], [sflag:s22] =	dma.local [hbm:s5], s20  }
0x9e: {  	_ =	swait.ge [sflag:s22], s20  }
0x9f: {  	s4 =	ssub.s32 $0x0, s20;
	[sflag:s22] =	ssyncset.done $0x0  }
0xa0: {  	[sflag:s22] =	ssyncadd.s32 s4;
	_ =	sdelay $0x1  }
0xa1: {  	s23 =	simm.s32 $0x1B8B  }
0xa2: {  	_ =	swait.ge [sflag:s23], $0x1  }
0xa3: {  	[sflag:s23] =	ssyncset.done $0x0  }
0xa4: {  	s25 =	simm.s32 $0x1B8E;
	s24 =	sld [smem:$0x3FFE];
	[sflag:s23] =	ssyncadd.s32 $0xFFFFFFFF  }
0xa5: {  	s26 =	simm.s32 $execute0_lowered;
	[smem:$0x3FD2] =	sst s25  }
0xa6: {  	s5 =	sshll.u32 s26, $0x1;
	_ =	strace $0x8000004C;
	[dreg:$0x1] =	wrdreg $0xFFFFFFFF  }
0xa7: {  	s28 =	simm.s32 $_size_execute0_lowered;
	s3 =	sadd.s32 s3, s5;
	[dreg:$0x0] =	wrdreg $0x0  }
0xa8: {  	s5 =	sshll.u32 s28, $0x1;
	[dreg:$0x2] =	wrdreg s3  }
0xa9: {  	[dreg:$0x3] =	wrdreg s5  }
0xaa: {  	[dreg:$0x4] =	wrdreg $0xC0  }
0xab: {  	_ =	task [dreg:s7], $0x5FFFF  }
0xac: {  	[dreg:$0x1] =	wrdreg $0xFFFFFFFF  }
0xad: {  	[dreg:$0x0] =	wrdreg $0x60  }
0xae: {  	[dreg:$0x2] =	wrdreg s2  }
0xaf: {  	[dreg:$0x3] =	wrdreg s24  }
0xb0: {  	[dreg:$0x4] =	wrdreg $0x9  }
0xb1: {  	_ =	task.clear_ibuf [dreg:s7], $0x5FFFF;
	_ =	strace $0x9000004C  }
0xb2: {  	s29 =	simm.s32 $0x9;
	_ =	strace $0x8000004E  }
0xb3: {  	_ =	swait.ge [sflag:s29], $0x1  }
0xb4: {  	[sflag:s29] =	ssyncadd.s32 $0xFFFFFFFF  }
0xb5: {  	_ =	strace $0x9000004E  }
0xb6: {  	_ =	sfence  }
0xb7: {  	s30 =	sld [smem:$0x0];
	_ =	sdelay $0x2  }
0xb8: {  	s31 =	sshll.u32 s1, $0xD;
	s1 =	sshrl.u32 s1, $0x2  }
0xb9: {  	s3 =	sand.u32 $0x4000, s31;
	s1 =	sadd.s32 s1, s30  }
0xba: {  	s0 =	sor.u32 s3, s0;
	s1 =	sshll.u32 s1, $0x11  }
0xbb: {  	s0 =	sor.u32 s1, s0  }
0xbc: {  	s0 =	sadd.s32 $0x8F2B, s0  }
0xbd: {  	[sflag:s0] =	ssyncadd.remote.s32 $0x1  }
0xbe: {  	_ =	sfence.sel $0xFFFF  }
0xbf: {  	[dreg:$0x0] =	wrdreg $0xFFFFFFFF;
	(pc) =	sbr.abs _section_cstart, $3  }
0xc0: {  	[dreg:$0x1] =	wrdreg $0xFFFFFFFF  }
0xc1: {  	_ =	task.clear_ibuf [dreg:s7], $0x2FFFF;
	_ =	strace $0x9FFFFFFF  }
0xc2: {  	(tm) =	ssettm $0x7FFFFFFF  }
0xc3: {  	_ =	shalt  }
tec
execute0_lowered:
.L_overlay_start_1:
0x0: {  	(tag) =	ssettag $0x1  }
0x1: {  	s1 =	srdreg.scid;
	s2 =	rddreg [dreg:$0x0]  }
0x2: {  	s0 =	stileid.u32;
	s4 =	rddreg [dreg:$0x1];
	s3 =	simm.s32 $0x0  }
0x3: {  	s11 =	simm.s32 $0x3C80;
	s12 =	simm.s32 $0x1;
	s13 =	simm.s32 $0x4  }
0x4: {  	s14 =	simm.s32 $0x2;
	s15 =	simm.s32 $0x0;
	s5 =	sand.u32 $0x1, s1  }
0x5: {  	s28 =	sshll.u32 s0, $0x1;
	s1 =	rddreg [dreg:$0x2];
	s29 =	smul.u32 $0x28A00, s0  }
0x6: {  	[smem:$0x7FF] =	sst s3;
	s6 =	sor.u32 s5, s28;
	s30 =	smul.u32 $0x14500, s5  }
0x7: {  	s10 =	sadd.s32 $0x8800, s4;
	s8 =	ssub.s32 $0x2, s5;
	s7 =	smul.u32 $0x1450, s6  }
0x8: {  	_ =	strace $0x8000004D;
	s9 =	sshrl.u32 s8, $0x1;
	s6 =	smul.u32 $0x14500, s6  }
0x9: {  	s31 =	sadd.s32 s29, s10;
	s8 =	ssub.s32 s8, s9;
	s9 =	simm.s32 $0x1480  }
0xa: {  	s7 =	sshrl.u32 s7, $0x3;
	s6 =	sadd.s32 s10, s6;
	s5 =	smax.u32 s8, $0x1  }
0xb: {  	s8 =	simm.s32 $0x3;
	s10 =	simm.s32 $0x50;
	s7 =	sadd.s32 s7, s4  }
0xc: {  	s6 =	sadd.s32 $0x14000, s6;
	s4 =	sadd.s32 $0x3600, s7;
	s7 =	sadd.s32 s30, s31  }
.LBB2_1:
0xd: {  	[tilespmem:s3], [sflag:$0x3] =	stream.linear.gather [hbm4b:s4+s3], $0x1450, $0x38;
	[tilespmem:$0x6480] =	vst v63  }
0xe: {  	_ =	swait.ge [sflag:s8], $0x1450  }
0xf: {  	[sflag:s8] =	ssyncset.done $0x0  }
0x10: {  	[sflag:s8] =	ssyncadd.s32 $0xFFFFEBB0  }
0x11: {  	[tilespmem:s9], [sflag:$0x1] =	stream.indirect.gather [hbm4b:s2+s10], $0x80, s3, s10, $0xb8;
	[tilespmem:$0x6480] =	vst v63  }
0x12: {  	_ = 	snop  }
0x13: {  	[tilespmem:s11], [sflag:$0x2] =	stream.indirect.gather [hbm4b:s2+s10], $0x80, s10, s10, $0xb8;
	[tilespmem:$0x6480] =	vst v63  }
0x14: {  	_ =	swait.ge [sflag:s12], $0x2800  }
0x15: {  	[sflag:s12] =	ssyncset.done $0x0  }
0x16: {  	s16 =	sadd.s32 $0x0, s7;
	[sflag:s12] =	ssyncadd.s32 $0xFFFFD800  }
0x17: {  	[hbm4b:s16+s3] =	stream.linear.scatter [tilespmem:s9], [sflag:$0x4], $0x2800, $0x38;
	[tilespmem:$0x6480] =	vst v63  }
0x18: {  	_ =	swait.ge [sflag:s13], $0x2800  }
0x19: {  	[sflag:s13] =	ssyncset.done $0x0  }
0x1a: {  	s17 =	simm.s32 $0xA0;
	[sflag:s13] =	ssyncadd.s32 $0xFFFFD800  }
0x1b: {  	[tilespmem:s9], [sflag:$0x1] =	stream.indirect.gather [hbm4b:s2+s10], $0x80, s17, s10, $0xb8;
	[tilespmem:$0x6480] =	vst v63  }
0x1c: {  	_ =	swait.ge [sflag:s14], $0x2800  }
0x1d: {  	[sflag:s14] =	ssyncset.done $0x0  }
0x1e: {  	s16 =	sadd.s32 $0x500, s16;
	[sflag:s14] =	ssyncadd.s32 $0xFFFFD800  }
0x1f: {  	[hbm4b:s16+s3] =	stream.linear.scatter [tilespmem:s11], [sflag:$0x3], $0x2800, $0x38;
	[tilespmem:$0x6480] =	vst v63  }
0x20: {  	_ =	swait.ge [sflag:s8], $0x2800  }
0x21: {  	s17 =	simm.s32 $0x50;
	s16 =	simm.s32 $0xA00;
	[sflag:s8] =	ssyncset.done $0x0  }
.LBB2_2:
0x22: {  	p0 =	sne.s32 s16, $0x13600;
	[sflag:s8] =	ssyncadd.s32 $0xFFFFD800;
	s17 =	sadd.s32 $0xA0, s17  }
0x23: {  	[tilespmem:s11], [sflag:$0x2] =	stream.indirect.gather [hbm4b:s2+s10], $0x80, s17, s10, $0xb8;
	[tilespmem:$0x6480] =	vst v63  }
0x24: {  	s18 =	smov.u32 s16;
	s16 =	sadd.s32 $0xA00, s16;
	_ =	swait.ge [sflag:s12], $0x2800  }
0x25: {  	[sflag:s12] =	ssyncset.done $0x0  }
0x26: {  	s18 =	sadd.s32 s18, s7;
	[sflag:s12] =	ssyncadd.s32 $0xFFFFD800  }
0x27: {  	[hbm4b:s18+s3] =	stream.linear.scatter [tilespmem:s9], [sflag:$0x4], $0x2800, $0x38;
	[tilespmem:$0x6480] =	vst v63  }
0x28: {  	_ =	swait.ge [sflag:s13], $0x2800  }
0x29: {  	[sflag:s13] =	ssyncset.done $0x0  }
0x2a: {  	s19 =	sadd.s32 $0x50, s17;
	[sflag:s13] =	ssyncadd.s32 $0xFFFFD800  }
0x2b: {  	[tilespmem:s9], [sflag:$0x1] =	stream.indirect.gather [hbm4b:s2+s10], $0x80, s19, s10, $0xb8;
	[tilespmem:$0x6480] =	vst v63  }
0x2c: {  	_ =	swait.ge [sflag:s14], $0x2800  }
.Ltmp0:
0x2d: {  	[sflag:s14] =	ssyncset.done $0x0;
	(pc) =	sbr.rel @p0 .LBB2_2-.Ltmp0, $4  }
0x2e: {  	s18 =	sadd.s32 $0x500, s18;
	[sflag:s14] =	ssyncadd.s32 $0xFFFFD800  }
0x2f: {  	[hbm4b:s18+s3] =	stream.linear.scatter [tilespmem:s11], [sflag:$0x3], $0x2800, $0x38;
	[tilespmem:$0x6480] =	vst v63  }
0x30: {  	_ =	swait.ge [sflag:s8], $0x2800  }
0x31: {  	[sflag:s8] =	ssyncset.done $0x0  }
0x32: {  	[sflag:s8] =	ssyncadd.s32 $0xFFFFD800  }
0x33: {  	s15 =	sadd.s32 $0x1, s15;
	_ =	swait.ge [sflag:s12], $0x2800  }
0x34: {  	p0 =	sne.s32 s15, s5;
	[sflag:s12] =	ssyncset.done $0x0  }
.Ltmp1:
0x35: {  	[sflag:s12] =	ssyncadd.s32 $0xFFFFD800;
	(pc) =	sbr.rel @p0 .LBB2_1-.Ltmp1, $4  }
0x36: {  	[hbm4b:s6+s3] =	stream.linear.scatter [tilespmem:s9], [sflag:$0x4], $0x2800, $0x38;
	[tilespmem:$0x6480] =	vst v63  }
0x37: {  	_ =	swait.ge [sflag:s13], $0x2800  }
0x38: {  	[sflag:s13] =	ssyncset.done $0x0  }
0x39: {  	[sflag:s13] =	ssyncadd.s32 $0xFFFFD800  }
0x3a: {  	_ =	sfence.sel $0x180000  }
0x3b: {  	[bflag:$0x0] =	sbarrier.arrive $0xFFFF  }
0x3c: {  	p0 =	sne.s32 s0, $0x0;
	_ =	strace $0x9000004D  }
0x3d: {  	s0 =	sadd.s32 @!p0 $0x100000, s1;
	[bflag:$0x2] =	sbarrier.arrive $0xFFFF  }
0x3e: {  	[sflag:s0] =	ssyncadd.tile.s32 @!p0 $0x1;
	_ =	shalt  }
.Lfunc_end2:
_tile_overlayer_lowered:
.L_overlay_start_2:
0x3f: {  	(tag) =	ssettag $0x2  }
0x40: {  	s0 =	rddreg [dreg:$0x0];
	s2 =	stileid.u32  }
0x41: {  	s1 =	rddreg [dreg:$0x1];
	p0 =	sne.s32 s2, $0x0  }
0x42: {  	s3 =	rddreg [dreg:$0x2];
	[bflag:$0x3] =	sbarrier.arrive $0xFFFF;
	s2 =	simm.s32 @!p0 $0x1C03  }
0x43: {  	[timem:s3], [sflag:s2] =	dma.local @!p0 [hbm:s0], s1  }
0x44: {  	s0 =	simm.s32 @!p0 $0x3  }
0x45: {  	_ =	swait.ge @!p0 [sflag:s0], s1  }
0x46: {  	s1 =	ssub.s32 @!p0 $0x0, s1;
	[sflag:s0] =	ssyncset.done @!p0 $0x0  }
0x47: {  	[sflag:s0] =	ssyncadd.s32 @!p0 s1  }
0x48: {  	[bflag:$0x3] =	sbarrier.arrive $0xFFFF  }
0x49: {  	_ =	shalt  }

// kernel: kernel.24.cloned.1.call-start
scs
__scs_entry_jumppad:
0x0: {  	(pc) =	sbr.rel $0x88, $3  }
0x1: {  	(tag) =	ssettag $0x0;
	lr =	simm.s32 $0x1  }
0x2: {  	[smem:$0x3F9B] =	sst lr;
	_ =	strace $0xD0000000  }
0x3: {  	_ = 	snop  }
0x4: {  	_ = 	snop  }
0x5: {  	_ = 	snop  }
0x6: {  	_ = 	snop  }
0x7: {  	_ = 	snop  }
__scs_overlays_trampoline_lowered:
0x8: {  	[smem:$0x3FAA] =	sst s0  }
0x9: {  	[smem:$0x3FAB] =	sst s1  }
0xa: {  	[smem:$0x3FAC] =	sst s2  }
0xb: {  	[smem:$0x3FAD] =	sst s3  }
0xc: {  	[smem:$0x3FAE] =	sst s4  }
0xd: {  	[smem:$0x3FAF] =	sst s5  }
0xe: {  	[smem:$0x3FB0] =	sst s6  }
0xf: {  	[smem:$0x3FB1] =	sst s7  }
0x10: {  	[smem:$0x3FB2] =	sst s8  }
0x11: {  	[smem:$0x3FB3] =	sst s9;
	s0 =	simm.s32 @!p0 $0x0  }
0x12: {  	s1 =	sld [smem:$0x3F99];
	s0 =	simm.s32 @p0 $0x1  }
0x13: {  	[smem:$0x3FB4] =	sst s0;
	s0 =	simm.s32 @!p1 $0x0  }
0x14: {  	s2 =	sld [smem:$0x3F98];
	s0 =	simm.s32 @p1 $0x1  }
0x15: {  	[smem:$0x3FB5] =	sst s0;
	s0 =	simm.s32 @!p2 $0x0  }
0x16: {  	s3 =	sld [smem:$0x3FDB];
	s0 =	simm.s32 @p2 $0x1  }
0x17: {  	s4 =	simm.s32 $0x1BF5;
	[smem:$0x3FB7] =	sst s0  }
0x18: {  	s0 =	sld [smem:$0x3F9A];
	_ =	swait.ge [sflag:s4], $0x0  }
0x19: {  	s7 =	sld [smem:$0x3F9B]  }
0x1a: {  	s8 =	sadd.s32 $0xFFFFE003, lr  }
0x1b: {  	s9 =	sadd.s32 $0xFFFFFEF7, lr;
	s5 =	simm.s32 $0xFFFFFFFF;
	p2 =	slt.u32 s8, $0xFFFFF086  }
0x1c: {  	p1 =	slt.u32 s9, $0xF7A;
	s5 =	simm.s32 @!p2 $0x0  }
0x1d: {  	s5 =	simm.s32 @p1 $0x1;
	p0 =	seq.s32 s7, s2  }
0x1e: {  	s7 =	smul.u32 @!p0 $0xF7A, s2;
	p2 =	seq.s32 @!p0 s5, $0x0  }
0x1f: {  	s9 =	smul.u32 $0xF7A, s1;
	s8 =	simm.s32 @!p0 $0x1BF5;
	p2 =	por !p2, p0  }
0x20: {  	[sflag:s8] =	ssyncset.s32 @!p0 $0xFFFFF086;
	s6 =	sadd.s32 @!p0 s3, s7;
	s7 =	simm.s32 @!p0 $0x108  }
0x21: {  	s3 =	sadd.s32 s3, s9;
	s6 =	sadd.s32 @!p0 $0x88, s6;
	s7 =	simm.s32 @p2 $0x1082  }
0x22: {  	[simem:s7], [sflag:s8] =	dma.local @!p0 [hbm:s6], $0xF7A  }
0x23: {  	s9 =	sor.u32 $0xD0000000, s2;
	s6 =	simm.s32 $0x108;
	_ =	swait.ge @!p0 [sflag:s8], $0x0  }
0x24: {  	s3 =	sadd.s32 $0x88, s3;
	s6 =	simm.s32 @!p1 $0x1082;
	[sflag:s4] =	ssyncset.s32 $0xFFFFF086  }
0x25: {  	[simem:s6], [sflag:s4] =	dma.local [hbm:s3], $0xF7A  }
0x26: {  	[smem:$0x3F9B] =	sst s1;
	(tag) =	ssettag s2;
	_ =	strace s9  }
0x27: {  	s1 =	sld [smem:$0x3FAB]  }
0x28: {  	s2 =	sld [smem:$0x3FAC]  }
0x29: {  	s4 =	sld [smem:$0x3FAE]  }
0x2a: {  	p0 =	seq.s32 s5, $0x0;
	s5 =	sld [smem:$0x3FAF]  }
0x2b: {  	s6 =	sld [smem:$0x3FB0]  }
0x2c: {  	s7 =	sld [smem:$0x3FB1]  }
0x2d: {  	s3 =	simm.s32 $0x108;
	s8 =	sld [smem:$0x3FB2]  }
0x2e: {  	s3 =	simm.s32 @!p0 $0x1082;
	s9 =	sld [smem:$0x3FB3]  }
0x2f: {  	lr =	sadd.s32 s0, s3;
	s0 =	sld [smem:$0x3FAA]  }
0x30: {  	s3 =	sld [smem:$0x3FAD]  }
0x31: {  	[smem:$0x3FB6] =	sst s10  }
0x32: {  	s10 =	sld [smem:$0x3FB4];
	_ =	sdelay $0x3  }
0x33: {  	p0 =	seq.s32 s10, $0x1;
	s10 =	sld [smem:$0x3FB6];
	_ =	sdelay $0x3  }
0x34: {  	[smem:$0x3FB6] =	sst s10  }
0x35: {  	s10 =	sld [smem:$0x3FB5];
	_ =	sdelay $0x3  }
0x36: {  	p1 =	seq.s32 s10, $0x1;
	s10 =	sld [smem:$0x3FB6];
	_ =	sdelay $0x3  }
0x37: {  	[smem:$0x3FB6] =	sst s10  }
0x38: {  	s10 =	sld [smem:$0x3FB7]  }
0x39: {  	_ = 	snop;
	(pc) =	sbr.ind lr, $3  }
0x3a: {  	_ = 	snop  }
0x3b: {  	_ = 	snop  }
0x3c: {  	p2 =	seq.s32 s10, $0x1;
	s10 =	sld [smem:$0x3FB6]  }
0x3d: {  	_ =	shalt  }
0x3e: {  	_ =	shalt  }
0x3f: {  	_ =	shalt  }
0x40: {  	_ =	shalt  }
0x41: {  	_ =	shalt  }
0x42: {  	_ =	shalt  }
0x43: {  	_ =	shalt  }
0x44: {  	_ =	shalt  }
0x45: {  	_ =	shalt  }
0x46: {  	_ =	shalt  }
0x47: {  	_ =	shalt  }
0x48: {  	_ =	shalt  }
0x49: {  	_ =	shalt  }
0x4a: {  	_ =	shalt  }
0x4b: {  	_ =	shalt  }
0x4c: {  	_ =	shalt  }
0x4d: {  	_ =	shalt  }
0x4e: {  	_ =	shalt  }
0x4f: {  	_ =	shalt  }
0x50: {  	_ =	shalt  }
0x51: {  	_ =	shalt  }
0x52: {  	_ =	shalt  }
0x53: {  	_ =	shalt  }
0x54: {  	_ =	shalt  }
0x55: {  	_ =	shalt  }
0x56: {  	_ =	shalt  }
0x57: {  	_ =	shalt  }
0x58: {  	_ =	shalt  }
0x59: {  	_ =	shalt  }
0x5a: {  	_ =	shalt  }
0x5b: {  	_ =	shalt  }
0x5c: {  	_ =	shalt  }
0x5d: {  	_ =	shalt  }
0x5e: {  	_ =	shalt  }
0x5f: {  	_ =	shalt  }
0x60: {  	_ =	shalt  }
0x61: {  	_ =	shalt  }
0x62: {  	_ =	shalt  }
0x63: {  	_ =	shalt  }
0x64: {  	_ =	shalt  }
0x65: {  	_ =	shalt  }
0x66: {  	_ =	shalt  }
0x67: {  	_ =	shalt  }
0x68: {  	_ =	shalt  }
0x69: {  	_ =	shalt  }
0x6a: {  	_ =	shalt  }
0x6b: {  	_ =	shalt  }
0x6c: {  	_ =	shalt  }
0x6d: {  	_ =	shalt  }
0x6e: {  	_ =	shalt  }
0x6f: {  	_ =	shalt  }
0x70: {  	_ =	shalt  }
0x71: {  	_ =	shalt  }
0x72: {  	_ =	shalt  }
0x73: {  	_ =	shalt  }
0x74: {  	_ =	shalt  }
0x75: {  	_ =	shalt  }
0x76: {  	_ =	shalt  }
0x77: {  	_ =	shalt  }
0x78: {  	_ =	shalt  }
0x79: {  	_ =	shalt  }
0x7a: {  	_ =	shalt  }
0x7b: {  	_ =	shalt  }
0x7c: {  	_ =	shalt  }
0x7d: {  	_ =	shalt  }
0x7e: {  	_ =	shalt  }
0x7f: {  	_ =	shalt  }
0x80: {  	_ =	shalt  }
0x81: {  	_ =	shalt  }
0x82: {  	_ =	shalt  }
0x83: {  	_ =	shalt  }
0x84: {  	_ =	shalt  }
0x85: {  	_ =	shalt  }
0x86: {  	_ =	shalt  }
0x87: {  	_ =	shalt  }
.Lfunc_end0:
.L_simem_size_0:
called_computation.3_lowered:
.L_overlay_start_0:
0x88: {  	s2 =	sld [smem:$0x3FD9]  }
0x89: {  	s3 =	sld [smem:$0x3FFE];
	_ =	sdelay $0x1  }
0x8a: {  	s1 =	srdreg.scid  }
0x8b: {  	s0 =	sand.u32 $0x1, s1  }
0x8c: {  	s17 =	sshll.u32 s0, $0xA;
	s2 =	sadd.s32 s3, s2  }
0x8d: {  	s2 =	sadd.s32 s2, s17  }
0x8e: {  	[smem:$0x3FC2] =	sst s2  }
0x8f: {  	_ = 	snop  }
0x90: {  	s18 =	sld [smem:$0x3FD0];
	(tm) =	ssettm $0x1  }
0x91: {  	s19 =	sld [smem:$0x3FFB];
	_ =	sdelay $0x3  }
0x92: {  	_ =	strace s19  }
0x93: {  	s2 =	sld [smem:$0x3FFC];
	_ =	sdelay $0x3  }
0x94: {  	_ =	strace s2  }
0x95: {  	s2 =	sld [smem:$0x3FFD];
	_ =	sdelay $0x3  }
0x96: {  	_ =	strace s2  }
0x97: {  	_ =	strace $0x8FFFFFFF  }
0x98: {  	s20 =	sld [smem:$0x3FDB];
	_ =	sdelay $0x1  }
0x99: {  	s4 =	simm.s32 $_scs_section_size  }
0x9a: {  	s5 =	simm.s32 $_size__tile_overlayer_lowered;
	s6 =	simm.s32 $_tile_overlayer_lowered  }
0x9b: {  	s7 =	simm.s32 $0x1BFF;
	s21 =	sshll.u32 s6, $0x1;
	s4 =	sadd.s32 s4, s20  }
0x9c: {  	s22 =	simm.s32 $0x0;
	s5 =	sshll.u32 s5, $0x1;
	s6 =	sadd.s32 s21, s4  }
0x9d: {  	[timem:s22], [sflag:s7] =	dma.local [hbm:s6], s5  }
0x9e: {  	_ =	swait.ge [sflag:s7], s5  }
0x9f: {  	s5 =	ssub.s32 $0x0, s5;
	[sflag:s7] =	ssyncset.done $0x0  }
0xa0: {  	[sflag:s7] =	ssyncadd.s32 s5;
	_ =	sdelay $0x1  }
0xa1: {  	s23 =	simm.s32 $0x1B8B  }
0xa2: {  	_ =	swait.ge [sflag:s23], $0x1  }
0xa3: {  	[sflag:s23] =	ssyncset.done $0x0  }
0xa4: {  	[sflag:s23] =	ssyncadd.s32 $0xFFFFFFFF  }
0xa5: {  	s5 =	sld [smem:$0x0]  }
0xa6: {  	s6 =	sand.u32 $0xFFFFFFFE, s1  }
0xa7: {  	p0 =	sne.s32 s1, s6  }
0xa8: {  	s6 =	sshll.u32 @p0 s6, $0xE  }
0xa9: {  	s6 =	sadd.s32 @p0 $0x11B8D, s6;
	s7 =	sshll.u32 @p0 s5, $0x11  }
0xaa: {  	s6 =	sor.u32 @p0 s7, s6  }
0xab: {  	[sflag:s6] =	ssyncadd.remote.s32 @p0 $0x1;
	_ =	sdelay $0x1  }
0xac: {  	s6 =	simm.s32 @p0 $0x1B8D  }
0xad: {  	_ =	swait.eq @p0 [sflag:s6], $0x1  }
0xae: {  	[sflag:s6] =	ssyncadd.s32 @p0 $0xFFFFFFFF  }
0xaf: {  	s7 =	sshll.u32 @!p0 s1, $0xE  }
0xb0: {  	s7 =	sor.u32 @!p0 $0x4000, s7;
	s6 =	simm.s32 @!p0 $0x1B8D  }
0xb1: {  	s5 =	sshll.u32 @!p0 s5, $0x11;
	s7 =	sadd.s32 @!p0 $0x11B8D, s7;
	_ =	swait.eq @!p0 [sflag:s6], $0x1  }
0xb2: {  	s5 =	sor.u32 @!p0 s5, s7;
	[sflag:s6] =	ssyncadd.s32 @!p0 $0xFFFFFFFF  }
0xb3: {  	s25 =	simm.s32 $0x1B8E;
	s24 =	sld [smem:$0x3FFE];
	[sflag:s5] =	ssyncadd.remote.s32 @!p0 $0x1  }
0xb4: {  	s26 =	simm.s32 $execute0_lowered;
	[smem:$0x3FD2] =	sst s25  }
0xb5: {  	s6 =	sshll.u32 s26, $0x1;
	_ =	strace $0x8000004F;
	[dreg:$0x1] =	wrdreg $0xFFFFFFFF  }
0xb6: {  	s28 =	simm.s32 $_size_execute0_lowered;
	s4 =	sadd.s32 s4, s6;
	[dreg:$0x0] =	wrdreg $0x0  }
0xb7: {  	s6 =	sshll.u32 s28, $0x1;
	[dreg:$0x2] =	wrdreg s4  }
0xb8: {  	[dreg:$0x3] =	wrdreg s6  }
0xb9: {  	[dreg:$0x4] =	wrdreg $0xC0  }
0xba: {  	_ =	task [dreg:s22], $0x5FFFF  }
0xbb: {  	[dreg:$0x1] =	wrdreg $0xFFFFFFFF  }
0xbc: {  	[dreg:$0x0] =	wrdreg $0x60  }
0xbd: {  	[dreg:$0x2] =	wrdreg s18  }
0xbe: {  	[dreg:$0x3] =	wrdreg s24  }
0xbf: {  	[dreg:$0x4] =	wrdreg $0xA  }
0xc0: {  	_ =	task.clear_ibuf [dreg:s22], $0x5FFFF;
	_ =	strace $0x9000004F  }
0xc1: {  	s29 =	simm.s32 $0xA;
	_ =	strace $0x80000051  }
0xc2: {  	_ =	swait.ge [sflag:s29], $0x1  }
0xc3: {  	[sflag:s29] =	ssyncadd.s32 $0xFFFFFFFF  }
0xc4: {  	_ =	strace $0x90000051  }
0xc5: {  	_ =	sfence  }
0xc6: {  	s30 =	sld [smem:$0x0];
	_ =	sdelay $0x2  }
0xc7: {  	s31 =	sshll.u32 s1, $0xD;
	s1 =	sshrl.u32 s1, $0x2  }
0xc8: {  	s4 =	sand.u32 $0x4000, s31;
	s1 =	sadd.s32 s1, s30  }
0xc9: {  	s0 =	sor.u32 s4, s0;
	s1 =	sshll.u32 s1, $0x11  }
0xca: {  	s0 =	sor.u32 s1, s0  }
0xcb: {  	s0 =	sadd.s32 $0x8F2B, s0  }
0xcc: {  	[sflag:s0] =	ssyncadd.remote.s32 $0x1  }
0xcd: {  	_ =	sfence.sel $0xFFFF  }
0xce: {  	[dreg:$0x0] =	wrdreg $0xFFFFFFFF;
	(pc) =	sbr.abs _section_cstart, $3  }
0xcf: {  	[dreg:$0x1] =	wrdreg $0xFFFFFFFF  }
0xd0: {  	_ =	task.clear_ibuf [dreg:s22], $0x2FFFF;
	_ =	strace $0x9FFFFFFF  }
0xd1: {  	(tm) =	ssettm $0x7FFFFFFF  }
tec
execute0_lowered:
.L_overlay_start_1:
0x0: {  	(tag) =	ssettag $0x1  }
0x1: {  	s1 =	srdreg.scid;
	s2 =	rddreg [dreg:$0x0]  }
0x2: {  	s0 =	stileid.u32;
	s4 =	rddreg [dreg:$0x1]  }
0x3: {  	s3 =	simm.s32 $0x0;
	s12 =	simm.s32 $0x3B00;
	s13 =	simm.s32 $0x1  }
0x4: {  	s14 =	simm.s32 $0x4;
	s15 =	simm.s32 $0x2;
	s16 =	simm.s32 $0x1270  }
0x5: {  	s17 =	simm.s32 $0x0;
	s5 =	sand.u32 $0x1, s1;
	s1 =	rddreg [dreg:$0x2]  }
0x6: {  	s28 =	sshll.u32 s0, $0x1;
	[smem:$0x7FF] =	sst s3;
	s10 =	smul.u32 $0x25800, s0  }
0x7: {  	s9 =	sadd.s32 $0x297400, s4;
	s6 =	sor.u32 s5, s28;
	s11 =	smul.u32 $0x12C00, s5  }
0x8: {  	_ =	strace $0x80000050;
	s8 =	ssub.s32 $0x2, s5;
	s7 =	smul.u32 $0x12C0, s6  }
0x9: {  	s6 =	smul.u32 $0x12C00, s6;
	s29 =	sshrl.u32 s8, $0x1;
	s31 =	sadd.s32 s10, s9  }
0xa: {  	s10 =	simm.s32 $0x1300;
	s8 =	ssub.s32 s8, s29;
	s7 =	sshrl.u32 s7, $0x3  }
0xb: {  	s5 =	smax.u32 s8, $0x1;
	s30 =	sadd.s32 s9, s6;
	s8 =	sadd.s32 s11, s31  }
0xc: {  	s9 =	simm.s32 $0x3;
	s11 =	simm.s32 $0x50;
	s7 =	sadd.s32 s7, s4  }
0xd: {  	s6 =	sadd.s32 $0x12200, s30;
	s4 =	sadd.s32 $0x292800, s7;
	s7 =	sadd.s32 $0x12700, s30  }
.LBB2_1:
0xe: {  	[tilespmem:s3], [sflag:$0x3] =	stream.linear.gather [hbm4b:s4+s3], $0x12C0, $0x38;
	[tilespmem:$0x6300] =	vst v63  }
0xf: {  	_ =	swait.ge [sflag:s9], $0x12C0  }
0x10: {  	[sflag:s9] =	ssyncset.done $0x0  }
0x11: {  	[sflag:s9] =	ssyncadd.s32 $0xFFFFED40  }
0x12: {  	[tilespmem:s10], [sflag:$0x1] =	stream.indirect.gather [hbm4b:s2+s11], $0x80, s3, s11, $0xb8;
	[tilespmem:$0x6300] =	vst v63  }
0x13: {  	_ = 	snop  }
0x14: {  	[tilespmem:s12], [sflag:$0x2] =	stream.indirect.gather [hbm4b:s2+s11], $0x80, s11, s11, $0xb8;
	[tilespmem:$0x6300] =	vst v63  }
0x15: {  	_ =	swait.ge [sflag:s13], $0x2800  }
0x16: {  	[sflag:s13] =	ssyncset.done $0x0  }
0x17: {  	s18 =	sadd.s32 $0x0, s8;
	[sflag:s13] =	ssyncadd.s32 $0xFFFFD800  }
0x18: {  	[hbm4b:s18+s3] =	stream.linear.scatter [tilespmem:s10], [sflag:$0x4], $0x2800, $0x38;
	[tilespmem:$0x6300] =	vst v63  }
0x19: {  	_ =	swait.ge [sflag:s14], $0x2800  }
0x1a: {  	[sflag:s14] =	ssyncset.done $0x0  }
0x1b: {  	s19 =	simm.s32 $0xA0;
	[sflag:s14] =	ssyncadd.s32 $0xFFFFD800  }
0x1c: {  	[tilespmem:s10], [sflag:$0x1] =	stream.indirect.gather [hbm4b:s2+s11], $0x80, s19, s11, $0xb8;
	[tilespmem:$0x6300] =	vst v63  }
0x1d: {  	_ =	swait.ge [sflag:s15], $0x2800  }
0x1e: {  	[sflag:s15] =	ssyncset.done $0x0  }
0x1f: {  	s18 =	sadd.s32 $0x500, s18;
	[sflag:s15] =	ssyncadd.s32 $0xFFFFD800  }
0x20: {  	[hbm4b:s18+s3] =	stream.linear.scatter [tilespmem:s12], [sflag:$0x3], $0x2800, $0x38;
	[tilespmem:$0x6300] =	vst v63  }
0x21: {  	_ =	swait.ge [sflag:s9], $0x2800  }
0x22: {  	s19 =	simm.s32 $0x50;
	s18 =	simm.s32 $0xA00;
	[sflag:s9] =	ssyncset.done $0x0  }
.LBB2_2:
0x23: {  	p0 =	sne.s32 s18, $0x11800;
	[sflag:s9] =	ssyncadd.s32 $0xFFFFD800;
	s19 =	sadd.s32 $0xA0, s19  }
0x24: {  	[tilespmem:s12], [sflag:$0x2] =	stream.indirect.gather [hbm4b:s2+s11], $0x80, s19, s11, $0xb8;
	[tilespmem:$0x6300] =	vst v63  }
0x25: {  	s20 =	smov.u32 s18;
	s18 =	sadd.s32 $0xA00, s18;
	_ =	swait.ge [sflag:s13], $0x2800  }
0x26: {  	[sflag:s13] =	ssyncset.done $0x0  }
0x27: {  	s20 =	sadd.s32 s20, s8;
	[sflag:s13] =	ssyncadd.s32 $0xFFFFD800  }
0x28: {  	[hbm4b:s20+s3] =	stream.linear.scatter [tilespmem:s10], [sflag:$0x4], $0x2800, $0x38;
	[tilespmem:$0x6300] =	vst v63  }
0x29: {  	_ =	swait.ge [sflag:s14], $0x2800  }
0x2a: {  	[sflag:s14] =	ssyncset.done $0x0  }
0x2b: {  	s21 =	sadd.s32 $0x50, s19;
	[sflag:s14] =	ssyncadd.s32 $0xFFFFD800  }
0x2c: {  	[tilespmem:s10], [sflag:$0x1] =	stream.indirect.gather [hbm4b:s2+s11], $0x80, s21, s11, $0xb8;
	[tilespmem:$0x6300] =	vst v63  }
0x2d: {  	_ =	swait.ge [sflag:s15], $0x2800  }
.Ltmp0:
0x2e: {  	[sflag:s15] =	ssyncset.done $0x0;
	(pc) =	sbr.rel @p0 .LBB2_2-.Ltmp0, $4  }
0x2f: {  	s20 =	sadd.s32 $0x500, s20;
	[sflag:s15] =	ssyncadd.s32 $0xFFFFD800  }
0x30: {  	[hbm4b:s20+s3] =	stream.linear.scatter [tilespmem:s12], [sflag:$0x3], $0x2800, $0x38;
	[tilespmem:$0x6300] =	vst v63  }
0x31: {  	_ =	swait.ge [sflag:s9], $0x2800  }
0x32: {  	[sflag:s9] =	ssyncset.done $0x0  }
0x33: {  	[sflag:s9] =	ssyncadd.s32 $0xFFFFD800  }
0x34: {  	[tilespmem:s12], [sflag:$0x2] =	stream.indirect.gather [hbm4b:s2+s11], $0x80, s16, s11, $0xb8;
	[tilespmem:$0x6300] =	vst v63  }
0x35: {  	_ =	swait.ge [sflag:s13], $0x2800  }
0x36: {  	[sflag:s13] =	ssyncset.done $0x0  }
0x37: {  	[sflag:s13] =	ssyncadd.s32 $0xFFFFD800  }
0x38: {  	[hbm4b:s6+s3] =	stream.linear.scatter [tilespmem:s10], [sflag:$0x4], $0x2800, $0x38;
	[tilespmem:$0x6300] =	vst v63  }
0x39: {  	_ =	swait.ge [sflag:s14], $0x2800  }
0x3a: {  	[sflag:s14] =	ssyncset.done $0x0  }
0x3b: {  	[sflag:s14] =	ssyncadd.s32 $0xFFFFD800  }
0x3c: {  	s17 =	sadd.s32 $0x1, s17;
	_ =	swait.ge [sflag:s15], $0x2800  }
0x3d: {  	p0 =	sne.s32 s17, s5;
	[sflag:s15] =	ssyncset.done $0x0  }
.Ltmp1:
0x3e: {  	[sflag:s15] =	ssyncadd.s32 $0xFFFFD800;
	(pc) =	sbr.rel @p0 .LBB2_1-.Ltmp1, $4  }
0x3f: {  	[hbm4b:s7+s3] =	stream.linear.scatter [tilespmem:s12], [sflag:$0x3], $0x2800, $0x38;
	[tilespmem:$0x6300] =	vst v63  }
0x40: {  	_ =	swait.ge [sflag:s9], $0x2800  }
0x41: {  	[sflag:s9] =	ssyncset.done $0x0  }
0x42: {  	[sflag:s9] =	ssyncadd.s32 $0xFFFFD800  }
0x43: {  	_ =	sfence.sel $0x180000  }
0x44: {  	[bflag:$0x0] =	sbarrier.arrive $0xFFFF  }
0x45: {  	p0 =	sne.s32 s0, $0x0;
	_ =	strace $0x90000050  }
0x46: {  	s0 =	sadd.s32 @!p0 $0x100000, s1;
	[bflag:$0x2] =	sbarrier.arrive $0xFFFF  }
0x47: {  	[sflag:s0] =	ssyncadd.tile.s32 @!p0 $0x1;
	_ =	shalt  }
.Lfunc_end2:
_tile_overlayer_lowered:
.L_overlay_start_2:
0x48: {  	(tag) =	ssettag $0x2  }
0x49: {  	s0 =	rddreg [dreg:$0x0];
	s2 =	stileid.u32  }
0x4a: {  	s1 =	rddreg [dreg:$0x1];
	p0 =	sne.s32 s2, $0x0  }
0x4b: {  	s3 =	rddreg [dreg:$0x2];
	[bflag:$0x3] =	sbarrier.arrive $0xFFFF;
	s2 =	simm.s32 @!p0 $0x1C03  }
0x4c: {  	[timem:s3], [sflag:s2] =	dma.local @!p0 [hbm:s0], s1  }
0x4d: {  	s0 =	simm.s32 @!p0 $0x3  }
0x4e: {  	_ =	swait.ge @!p0 [sflag:s0], s1  }
0x4f: {  	s1 =	ssub.s32 @!p0 $0x0, s1;
	[sflag:s0] =	ssyncset.done @!p0 $0x0  }
0x50: {  	[sflag:s0] =	ssyncadd.s32 @!p0 s1  }
0x51: {  	[bflag:$0x3] =	sbarrier.arrive $0xFFFF  }
0x52: {  	_ =	shalt  }

// kernel: kernel.27.cloned.1.call-start
scs
__scs_entry_jumppad:
0x0: {  	(pc) =	sbr.rel $0x88, $3  }
0x1: {  	(tag) =	ssettag $0x0;
	lr =	simm.s32 $0x1  }
0x2: {  	[smem:$0x3F9B] =	sst lr;
	_ =	strace $0xD0000000  }
0x3: {  	_ = 	snop  }
0x4: {  	_ = 	snop  }
0x5: {  	_ = 	snop  }
0x6: {  	_ = 	snop  }
0x7: {  	_ = 	snop  }
__scs_overlays_trampoline_lowered:
0x8: {  	[smem:$0x3FAA] =	sst s0  }
0x9: {  	[smem:$0x3FAB] =	sst s1  }
0xa: {  	[smem:$0x3FAC] =	sst s2  }
0xb: {  	[smem:$0x3FAD] =	sst s3  }
0xc: {  	[smem:$0x3FAE] =	sst s4  }
0xd: {  	[smem:$0x3FAF] =	sst s5  }
0xe: {  	[smem:$0x3FB0] =	sst s6  }
0xf: {  	[smem:$0x3FB1] =	sst s7  }
0x10: {  	[smem:$0x3FB2] =	sst s8  }
0x11: {  	[smem:$0x3FB3] =	sst s9;
	s0 =	simm.s32 @!p0 $0x0  }
0x12: {  	s1 =	sld [smem:$0x3F99];
	s0 =	simm.s32 @p0 $0x1  }
0x13: {  	[smem:$0x3FB4] =	sst s0;
	s0 =	simm.s32 @!p1 $0x0  }
0x14: {  	s2 =	sld [smem:$0x3F98];
	s0 =	simm.s32 @p1 $0x1  }
0x15: {  	[smem:$0x3FB5] =	sst s0;
	s0 =	simm.s32 @!p2 $0x0  }
0x16: {  	s3 =	sld [smem:$0x3FDB];
	s0 =	simm.s32 @p2 $0x1  }
0x17: {  	s4 =	simm.s32 $0x1BF5;
	[smem:$0x3FB7] =	sst s0  }
0x18: {  	s0 =	sld [smem:$0x3F9A];
	_ =	swait.ge [sflag:s4], $0x0  }
0x19: {  	s7 =	sld [smem:$0x3F9B]  }
0x1a: {  	s8 =	sadd.s32 $0xFFFFE003, lr  }
0x1b: {  	s9 =	sadd.s32 $0xFFFFFEF7, lr;
	s5 =	simm.s32 $0xFFFFFFFF;
	p2 =	slt.u32 s8, $0xFFFFF086  }
0x1c: {  	p1 =	slt.u32 s9, $0xF7A;
	s5 =	simm.s32 @!p2 $0x0  }
0x1d: {  	s5 =	simm.s32 @p1 $0x1;
	p0 =	seq.s32 s7, s2  }
0x1e: {  	s7 =	smul.u32 @!p0 $0xF7A, s2;
	p2 =	seq.s32 @!p0 s5, $0x0  }
0x1f: {  	s9 =	smul.u32 $0xF7A, s1;
	s8 =	simm.s32 @!p0 $0x1BF5;
	p2 =	por !p2, p0  }
0x20: {  	[sflag:s8] =	ssyncset.s32 @!p0 $0xFFFFF086;
	s6 =	sadd.s32 @!p0 s3, s7;
	s7 =	simm.s32 @!p0 $0x108  }
0x21: {  	s3 =	sadd.s32 s3, s9;
	s6 =	sadd.s32 @!p0 $0x88, s6;
	s7 =	simm.s32 @p2 $0x1082  }
0x22: {  	[simem:s7], [sflag:s8] =	dma.local @!p0 [hbm:s6], $0xF7A  }
0x23: {  	s9 =	sor.u32 $0xD0000000, s2;
	s6 =	simm.s32 $0x108;
	_ =	swait.ge @!p0 [sflag:s8], $0x0  }
0x24: {  	s3 =	sadd.s32 $0x88, s3;
	s6 =	simm.s32 @!p1 $0x1082;
	[sflag:s4] =	ssyncset.s32 $0xFFFFF086  }
0x25: {  	[simem:s6], [sflag:s4] =	dma.local [hbm:s3], $0xF7A  }
0x26: {  	[smem:$0x3F9B] =	sst s1;
	(tag) =	ssettag s2;
	_ =	strace s9  }
0x27: {  	s1 =	sld [smem:$0x3FAB]  }
0x28: {  	s2 =	sld [smem:$0x3FAC]  }
0x29: {  	s4 =	sld [smem:$0x3FAE]  }
0x2a: {  	p0 =	seq.s32 s5, $0x0;
	s5 =	sld [smem:$0x3FAF]  }
0x2b: {  	s6 =	sld [smem:$0x3FB0]  }
0x2c: {  	s7 =	sld [smem:$0x3FB1]  }
0x2d: {  	s3 =	simm.s32 $0x108;
	s8 =	sld [smem:$0x3FB2]  }
0x2e: {  	s3 =	simm.s32 @!p0 $0x1082;
	s9 =	sld [smem:$0x3FB3]  }
0x2f: {  	lr =	sadd.s32 s0, s3;
	s0 =	sld [smem:$0x3FAA]  }
0x30: {  	s3 =	sld [smem:$0x3FAD]  }
0x31: {  	[smem:$0x3FB6] =	sst s10  }
0x32: {  	s10 =	sld [smem:$0x3FB4];
	_ =	sdelay $0x3  }
0x33: {  	p0 =	seq.s32 s10, $0x1;
	s10 =	sld [smem:$0x3FB6];
	_ =	sdelay $0x3  }
0x34: {  	[smem:$0x3FB6] =	sst s10  }
0x35: {  	s10 =	sld [smem:$0x3FB5];
	_ =	sdelay $0x3  }
0x36: {  	p1 =	seq.s32 s10, $0x1;
	s10 =	sld [smem:$0x3FB6];
	_ =	sdelay $0x3  }
0x37: {  	[smem:$0x3FB6] =	sst s10  }
0x38: {  	s10 =	sld [smem:$0x3FB7]  }
0x39: {  	_ = 	snop;
	(pc) =	sbr.ind lr, $3  }
0x3a: {  	_ = 	snop  }
0x3b: {  	_ = 	snop  }
0x3c: {  	p2 =	seq.s32 s10, $0x1;
	s10 =	sld [smem:$0x3FB6]  }
0x3d: {  	_ =	shalt  }
0x3e: {  	_ =	shalt  }
0x3f: {  	_ =	shalt  }
0x40: {  	_ =	shalt  }
0x41: {  	_ =	shalt  }
0x42: {  	_ =	shalt  }
0x43: {  	_ =	shalt  }
0x44: {  	_ =	shalt  }
0x45: {  	_ =	shalt  }
0x46: {  	_ =	shalt  }
0x47: {  	_ =	shalt  }
0x48: {  	_ =	shalt  }
0x49: {  	_ =	shalt  }
0x4a: {  	_ =	shalt  }
0x4b: {  	_ =	shalt  }
0x4c: {  	_ =	shalt  }
0x4d: {  	_ =	shalt  }
0x4e: {  	_ =	shalt  }
0x4f: {  	_ =	shalt  }
0x50: {  	_ =	shalt  }
0x51: {  	_ =	shalt  }
0x52: {  	_ =	shalt  }
0x53: {  	_ =	shalt  }
0x54: {  	_ =	shalt  }
0x55: {  	_ =	shalt  }
0x56: {  	_ =	shalt  }
0x57: {  	_ =	shalt  }
0x58: {  	_ =	shalt  }
0x59: {  	_ =	shalt  }
0x5a: {  	_ =	shalt  }
0x5b: {  	_ =	shalt  }
0x5c: {  	_ =	shalt  }
0x5d: {  	_ =	shalt  }
0x5e: {  	_ =	shalt  }
0x5f: {  	_ =	shalt  }
0x60: {  	_ =	shalt  }
0x61: {  	_ =	shalt  }
0x62: {  	_ =	shalt  }
0x63: {  	_ =	shalt  }
0x64: {  	_ =	shalt  }
0x65: {  	_ =	shalt  }
0x66: {  	_ =	shalt  }
0x67: {  	_ =	shalt  }
0x68: {  	_ =	shalt  }
0x69: {  	_ =	shalt  }
0x6a: {  	_ =	shalt  }
0x6b: {  	_ =	shalt  }
0x6c: {  	_ =	shalt  }
0x6d: {  	_ =	shalt  }
0x6e: {  	_ =	shalt  }
0x6f: {  	_ =	shalt  }
0x70: {  	_ =	shalt  }
0x71: {  	_ =	shalt  }
0x72: {  	_ =	shalt  }
0x73: {  	_ =	shalt  }
0x74: {  	_ =	shalt  }
0x75: {  	_ =	shalt  }
0x76: {  	_ =	shalt  }
0x77: {  	_ =	shalt  }
0x78: {  	_ =	shalt  }
0x79: {  	_ =	shalt  }
0x7a: {  	_ =	shalt  }
0x7b: {  	_ =	shalt  }
0x7c: {  	_ =	shalt  }
0x7d: {  	_ =	shalt  }
0x7e: {  	_ =	shalt  }
0x7f: {  	_ =	shalt  }
0x80: {  	_ =	shalt  }
0x81: {  	_ =	shalt  }
0x82: {  	_ =	shalt  }
0x83: {  	_ =	shalt  }
0x84: {  	_ =	shalt  }
0x85: {  	_ =	shalt  }
0x86: {  	_ =	shalt  }
0x87: {  	_ =	shalt  }
.Lfunc_end0:
.L_simem_size_0:
called_computation.4_lowered:
.L_overlay_start_0:
0x88: {  	s2 =	sld [smem:$0x3FD9]  }
0x89: {  	s3 =	sld [smem:$0x3FFE];
	_ =	sdelay $0x1  }
0x8a: {  	s1 =	srdreg.scid  }
0x8b: {  	s0 =	sand.u32 $0x1, s1  }
0x8c: {  	s17 =	sshll.u32 s0, $0xA;
	s2 =	sadd.s32 s3, s2  }
0x8d: {  	s2 =	sadd.s32 s2, s17  }
0x8e: {  	[smem:$0x3FC2] =	sst s2  }
0x8f: {  	_ = 	snop  }
0x90: {  	s2 =	sld [smem:$0x3FD0];
	(tm) =	ssettm $0x1  }
0x91: {  	s18 =	sld [smem:$0x3FFB];
	_ =	sdelay $0x3  }
0x92: {  	_ =	strace s18  }
0x93: {  	s3 =	sld [smem:$0x3FFC];
	_ =	sdelay $0x3  }
0x94: {  	_ =	strace s3  }
0x95: {  	s3 =	sld [smem:$0x3FFD];
	_ =	sdelay $0x3  }
0x96: {  	_ =	strace s3  }
0x97: {  	_ =	strace $0x8FFFFFFF  }
0x98: {  	s19 =	sld [smem:$0x3FDB];
	_ =	sdelay $0x1  }
0x99: {  	s4 =	simm.s32 $_scs_section_size  }
0x9a: {  	s5 =	simm.s32 $_size__tile_overlayer_lowered;
	s6 =	simm.s32 $_tile_overlayer_lowered  }
0x9b: {  	s22 =	simm.s32 $0x1BFF;
	s21 =	sshll.u32 s6, $0x1;
	s3 =	sadd.s32 s4, s19  }
0x9c: {  	s7 =	simm.s32 $0x0;
	s20 =	sshll.u32 s5, $0x1;
	s5 =	sadd.s32 s21, s3  }
0x9d: {  	[timem:s7], [sflag:s22] =	dma.local [hbm:s5], s20  }
0x9e: {  	_ =	swait.ge [sflag:s22], s20  }
0x9f: {  	s4 =	ssub.s32 $0x0, s20;
	[sflag:s22] =	ssyncset.done $0x0  }
0xa0: {  	[sflag:s22] =	ssyncadd.s32 s4;
	_ =	sdelay $0x1  }
0xa1: {  	s23 =	simm.s32 $0x1B8B  }
0xa2: {  	_ =	swait.ge [sflag:s23], $0x1  }
0xa3: {  	[sflag:s23] =	ssyncset.done $0x0  }
0xa4: {  	s25 =	simm.s32 $0x1B8E;
	s24 =	sld [smem:$0x3FFE];
	[sflag:s23] =	ssyncadd.s32 $0xFFFFFFFF  }
0xa5: {  	s26 =	simm.s32 $execute0_lowered;
	[smem:$0x3FD2] =	sst s25  }
0xa6: {  	s5 =	sshll.u32 s26, $0x1;
	_ =	strace $0x80000052;
	[dreg:$0x1] =	wrdreg $0xFFFFFFFF  }
0xa7: {  	s28 =	simm.s32 $_size_execute0_lowered;
	s3 =	sadd.s32 s3, s5;
	[dreg:$0x0] =	wrdreg $0x0  }
0xa8: {  	s5 =	sshll.u32 s28, $0x1;
	[dreg:$0x2] =	wrdreg s3  }
0xa9: {  	[dreg:$0x3] =	wrdreg s5  }
0xaa: {  	[dreg:$0x4] =	wrdreg $0xC0  }
0xab: {  	_ =	task [dreg:s7], $0x5FFFF  }
0xac: {  	[dreg:$0x1] =	wrdreg $0xFFFFFFFF  }
0xad: {  	[dreg:$0x0] =	wrdreg $0x60  }
0xae: {  	[dreg:$0x2] =	wrdreg s2  }
0xaf: {  	[dreg:$0x3] =	wrdreg s24  }
0xb0: {  	[dreg:$0x4] =	wrdreg $0x9  }
0xb1: {  	_ =	task.clear_ibuf [dreg:s7], $0x5FFFF;
	_ =	strace $0x90000052  }
0xb2: {  	s29 =	simm.s32 $0x9;
	_ =	strace $0x80000054  }
0xb3: {  	_ =	swait.ge [sflag:s29], $0x1  }
0xb4: {  	[sflag:s29] =	ssyncadd.s32 $0xFFFFFFFF  }
0xb5: {  	_ =	strace $0x90000054  }
0xb6: {  	_ =	sfence  }
0xb7: {  	s30 =	sld [smem:$0x0];
	_ =	sdelay $0x2  }
0xb8: {  	s31 =	sshll.u32 s1, $0xD;
	s1 =	sshrl.u32 s1, $0x2  }
0xb9: {  	s3 =	sand.u32 $0x4000, s31;
	s1 =	sadd.s32 s1, s30  }
0xba: {  	s0 =	sor.u32 s3, s0;
	s1 =	sshll.u32 s1, $0x11  }
0xbb: {  	s0 =	sor.u32 s1, s0  }
0xbc: {  	s0 =	sadd.s32 $0x8F2B, s0  }
0xbd: {  	[sflag:s0] =	ssyncadd.remote.s32 $0x1  }
0xbe: {  	_ =	sfence.sel $0xFFFF  }
0xbf: {  	[dreg:$0x0] =	wrdreg $0xFFFFFFFF;
	(pc) =	sbr.abs _section_cstart, $3  }
0xc0: {  	[dreg:$0x1] =	wrdreg $0xFFFFFFFF  }
0xc1: {  	_ =	task.clear_ibuf [dreg:s7], $0x2FFFF;
	_ =	strace $0x9FFFFFFF  }
0xc2: {  	(tm) =	ssettm $0x7FFFFFFF  }
0xc3: {  	_ =	shalt  }
tec
execute0_lowered:
.L_overlay_start_1:
0x0: {  	(tag) =	ssettag $0x1  }
0x1: {  	s1 =	srdreg.scid;
	s2 =	rddreg [dreg:$0x0]  }
0x2: {  	s0 =	stileid.u32;
	s4 =	rddreg [dreg:$0x1];
	s3 =	simm.s32 $0x0  }
0x3: {  	s11 =	simm.s32 $0x3C80;
	s12 =	simm.s32 $0x1;
	s13 =	simm.s32 $0x4  }
0x4: {  	s14 =	simm.s32 $0x2;
	s15 =	simm.s32 $0x0;
	s5 =	sand.u32 $0x1, s1  }
0x5: {  	s28 =	sshll.u32 s0, $0x1;
	s1 =	rddreg [dreg:$0x2];
	s29 =	smul.u32 $0x28A00, s0  }
0x6: {  	[smem:$0x7FF] =	sst s3;
	s6 =	sor.u32 s5, s28;
	s30 =	smul.u32 $0x14500, s5  }
0x7: {  	s10 =	sadd.s32 $0x8800, s4;
	s8 =	ssub.s32 $0x2, s5;
	s7 =	smul.u32 $0x1450, s6  }
0x8: {  	_ =	strace $0x80000053;
	s9 =	sshrl.u32 s8, $0x1;
	s6 =	smul.u32 $0x14500, s6  }
0x9: {  	s31 =	sadd.s32 s29, s10;
	s8 =	ssub.s32 s8, s9;
	s9 =	simm.s32 $0x1480  }
0xa: {  	s7 =	sshrl.u32 s7, $0x3;
	s6 =	sadd.s32 s10, s6;
	s5 =	smax.u32 s8, $0x1  }
0xb: {  	s8 =	simm.s32 $0x3;
	s10 =	simm.s32 $0x50;
	s7 =	sadd.s32 s7, s4  }
0xc: {  	s6 =	sadd.s32 $0x14000, s6;
	s4 =	sadd.s32 $0x3600, s7;
	s7 =	sadd.s32 s30, s31  }
.LBB2_1:
0xd: {  	[tilespmem:s3], [sflag:$0x3] =	stream.linear.gather [hbm4b:s4+s3], $0x1450, $0x38;
	[tilespmem:$0x6480] =	vst v63  }
0xe: {  	_ =	swait.ge [sflag:s8], $0x1450  }
0xf: {  	[sflag:s8] =	ssyncset.done $0x0  }
0x10: {  	[sflag:s8] =	ssyncadd.s32 $0xFFFFEBB0  }
0x11: {  	[tilespmem:s9], [sflag:$0x1] =	stream.indirect.gather [hbm4b:s2+s10], $0x80, s3, s10, $0xb8;
	[tilespmem:$0x6480] =	vst v63  }
0x12: {  	_ = 	snop  }
0x13: {  	[tilespmem:s11], [sflag:$0x2] =	stream.indirect.gather [hbm4b:s2+s10], $0x80, s10, s10, $0xb8;
	[tilespmem:$0x6480] =	vst v63  }
0x14: {  	_ =	swait.ge [sflag:s12], $0x2800  }
0x15: {  	[sflag:s12] =	ssyncset.done $0x0  }
0x16: {  	s16 =	sadd.s32 $0x0, s7;
	[sflag:s12] =	ssyncadd.s32 $0xFFFFD800  }
0x17: {  	[hbm4b:s16+s3] =	stream.linear.scatter [tilespmem:s9], [sflag:$0x4], $0x2800, $0x38;
	[tilespmem:$0x6480] =	vst v63  }
0x18: {  	_ =	swait.ge [sflag:s13], $0x2800  }
0x19: {  	[sflag:s13] =	ssyncset.done $0x0  }
0x1a: {  	s17 =	simm.s32 $0xA0;
	[sflag:s13] =	ssyncadd.s32 $0xFFFFD800  }
0x1b: {  	[tilespmem:s9], [sflag:$0x1] =	stream.indirect.gather [hbm4b:s2+s10], $0x80, s17, s10, $0xb8;
	[tilespmem:$0x6480] =	vst v63  }
0x1c: {  	_ =	swait.ge [sflag:s14], $0x2800  }
0x1d: {  	[sflag:s14] =	ssyncset.done $0x0  }
0x1e: {  	s16 =	sadd.s32 $0x500, s16;
	[sflag:s14] =	ssyncadd.s32 $0xFFFFD800  }
0x1f: {  	[hbm4b:s16+s3] =	stream.linear.scatter [tilespmem:s11], [sflag:$0x3], $0x2800, $0x38;
	[tilespmem:$0x6480] =	vst v63  }
0x20: {  	_ =	swait.ge [sflag:s8], $0x2800  }
0x21: {  	s17 =	simm.s32 $0x50;
	s16 =	simm.s32 $0xA00;
	[sflag:s8] =	ssyncset.done $0x0  }
.LBB2_2:
0x22: {  	p0 =	sne.s32 s16, $0x13600;
	[sflag:s8] =	ssyncadd.s32 $0xFFFFD800;
	s17 =	sadd.s32 $0xA0, s17  }
0x23: {  	[tilespmem:s11], [sflag:$0x2] =	stream.indirect.gather [hbm4b:s2+s10], $0x80, s17, s10, $0xb8;
	[tilespmem:$0x6480] =	vst v63  }
0x24: {  	s18 =	smov.u32 s16;
	s16 =	sadd.s32 $0xA00, s16;
	_ =	swait.ge [sflag:s12], $0x2800  }
0x25: {  	[sflag:s12] =	ssyncset.done $0x0  }
0x26: {  	s18 =	sadd.s32 s18, s7;
	[sflag:s12] =	ssyncadd.s32 $0xFFFFD800  }
0x27: {  	[hbm4b:s18+s3] =	stream.linear.scatter [tilespmem:s9], [sflag:$0x4], $0x2800, $0x38;
	[tilespmem:$0x6480] =	vst v63  }
0x28: {  	_ =	swait.ge [sflag:s13], $0x2800  }
0x29: {  	[sflag:s13] =	ssyncset.done $0x0  }
0x2a: {  	s19 =	sadd.s32 $0x50, s17;
	[sflag:s13] =	ssyncadd.s32 $0xFFFFD800  }
0x2b: {  	[tilespmem:s9], [sflag:$0x1] =	stream.indirect.gather [hbm4b:s2+s10], $0x80, s19, s10, $0xb8;
	[tilespmem:$0x6480] =	vst v63  }
0x2c: {  	_ =	swait.ge [sflag:s14], $0x2800  }
.Ltmp0:
0x2d: {  	[sflag:s14] =	ssyncset.done $0x0;
	(pc) =	sbr.rel @p0 .LBB2_2-.Ltmp0, $4  }
0x2e: {  	s18 =	sadd.s32 $0x500, s18;
	[sflag:s14] =	ssyncadd.s32 $0xFFFFD800  }
0x2f: {  	[hbm4b:s18+s3] =	stream.linear.scatter [tilespmem:s11], [sflag:$0x3], $0x2800, $0x38;
	[tilespmem:$0x6480] =	vst v63  }
0x30: {  	_ =	swait.ge [sflag:s8], $0x2800  }
0x31: {  	[sflag:s8] =	ssyncset.done $0x0  }
0x32: {  	[sflag:s8] =	ssyncadd.s32 $0xFFFFD800  }
0x33: {  	s15 =	sadd.s32 $0x1, s15;
	_ =	swait.ge [sflag:s12], $0x2800  }
0x34: {  	p0 =	sne.s32 s15, s5;
	[sflag:s12] =	ssyncset.done $0x0  }
.Ltmp1:
0x35: {  	[sflag:s12] =	ssyncadd.s32 $0xFFFFD800;
	(pc) =	sbr.rel @p0 .LBB2_1-.Ltmp1, $4  }
0x36: {  	[hbm4b:s6+s3] =	stream.linear.scatter [tilespmem:s9], [sflag:$0x4], $0x2800, $0x38;
	[tilespmem:$0x6480] =	vst v63  }
0x37: {  	_ =	swait.ge [sflag:s13], $0x2800  }
0x38: {  	[sflag:s13] =	ssyncset.done $0x0  }
0x39: {  	[sflag:s13] =	ssyncadd.s32 $0xFFFFD800  }
0x3a: {  	_ =	sfence.sel $0x180000  }
0x3b: {  	[bflag:$0x0] =	sbarrier.arrive $0xFFFF  }
0x3c: {  	p0 =	sne.s32 s0, $0x0;
	_ =	strace $0x90000053  }
0x3d: {  	s0 =	sadd.s32 @!p0 $0x100000, s1;
	[bflag:$0x2] =	sbarrier.arrive $0xFFFF  }
0x3e: {  	[sflag:s0] =	ssyncadd.tile.s32 @!p0 $0x1;
	_ =	shalt  }
.Lfunc_end2:
_tile_overlayer_lowered:
.L_overlay_start_2:
0x3f: {  	(tag) =	ssettag $0x2  }
0x40: {  	s0 =	rddreg [dreg:$0x0];
	s2 =	stileid.u32  }
0x41: {  	s1 =	rddreg [dreg:$0x1];
	p0 =	sne.s32 s2, $0x0  }
0x42: {  	s3 =	rddreg [dreg:$0x2];
	[bflag:$0x3] =	sbarrier.arrive $0xFFFF;
	s2 =	simm.s32 @!p0 $0x1C03  }
0x43: {  	[timem:s3], [sflag:s2] =	dma.local @!p0 [hbm:s0], s1  }
0x44: {  	s0 =	simm.s32 @!p0 $0x3  }
0x45: {  	_ =	swait.ge @!p0 [sflag:s0], s1  }
0x46: {  	s1 =	ssub.s32 @!p0 $0x0, s1;
	[sflag:s0] =	ssyncset.done @!p0 $0x0  }
0x47: {  	[sflag:s0] =	ssyncadd.s32 @!p0 s1  }
0x48: {  	[bflag:$0x3] =	sbarrier.arrive $0xFFFF  }
0x49: {  	_ =	shalt  }

// kernel: kernel.30.cloned.1.call-start
scs
__scs_entry_jumppad:
0x0: {  	(pc) =	sbr.rel $0x88, $3  }
0x1: {  	(tag) =	ssettag $0x0;
	lr =	simm.s32 $0x1  }
0x2: {  	[smem:$0x3F9B] =	sst lr;
	_ =	strace $0xD0000000  }
0x3: {  	_ = 	snop  }
0x4: {  	_ = 	snop  }
0x5: {  	_ = 	snop  }
0x6: {  	_ = 	snop  }
0x7: {  	_ = 	snop  }
__scs_overlays_trampoline_lowered:
0x8: {  	[smem:$0x3FAA] =	sst s0  }
0x9: {  	[smem:$0x3FAB] =	sst s1  }
0xa: {  	[smem:$0x3FAC] =	sst s2  }
0xb: {  	[smem:$0x3FAD] =	sst s3  }
0xc: {  	[smem:$0x3FAE] =	sst s4  }
0xd: {  	[smem:$0x3FAF] =	sst s5  }
0xe: {  	[smem:$0x3FB0] =	sst s6  }
0xf: {  	[smem:$0x3FB1] =	sst s7  }
0x10: {  	[smem:$0x3FB2] =	sst s8  }
0x11: {  	[smem:$0x3FB3] =	sst s9;
	s0 =	simm.s32 @!p0 $0x0  }
0x12: {  	s1 =	sld [smem:$0x3F99];
	s0 =	simm.s32 @p0 $0x1  }
0x13: {  	[smem:$0x3FB4] =	sst s0;
	s0 =	simm.s32 @!p1 $0x0  }
0x14: {  	s2 =	sld [smem:$0x3F98];
	s0 =	simm.s32 @p1 $0x1  }
0x15: {  	[smem:$0x3FB5] =	sst s0;
	s0 =	simm.s32 @!p2 $0x0  }
0x16: {  	s3 =	sld [smem:$0x3FDB];
	s0 =	simm.s32 @p2 $0x1  }
0x17: {  	s4 =	simm.s32 $0x1BF5;
	[smem:$0x3FB7] =	sst s0  }
0x18: {  	s0 =	sld [smem:$0x3F9A];
	_ =	swait.ge [sflag:s4], $0x0  }
0x19: {  	s7 =	sld [smem:$0x3F9B]  }
0x1a: {  	s8 =	sadd.s32 $0xFFFFE003, lr  }
0x1b: {  	s9 =	sadd.s32 $0xFFFFFEF7, lr;
	s5 =	simm.s32 $0xFFFFFFFF;
	p2 =	slt.u32 s8, $0xFFFFF086  }
0x1c: {  	p1 =	slt.u32 s9, $0xF7A;
	s5 =	simm.s32 @!p2 $0x0  }
0x1d: {  	s5 =	simm.s32 @p1 $0x1;
	p0 =	seq.s32 s7, s2  }
0x1e: {  	s7 =	smul.u32 @!p0 $0xF7A, s2;
	p2 =	seq.s32 @!p0 s5, $0x0  }
0x1f: {  	s9 =	smul.u32 $0xF7A, s1;
	s8 =	simm.s32 @!p0 $0x1BF5;
	p2 =	por !p2, p0  }
0x20: {  	[sflag:s8] =	ssyncset.s32 @!p0 $0xFFFFF086;
	s6 =	sadd.s32 @!p0 s3, s7;
	s7 =	simm.s32 @!p0 $0x108  }
0x21: {  	s3 =	sadd.s32 s3, s9;
	s6 =	sadd.s32 @!p0 $0x88, s6;
	s7 =	simm.s32 @p2 $0x1082  }
0x22: {  	[simem:s7], [sflag:s8] =	dma.local @!p0 [hbm:s6], $0xF7A  }
0x23: {  	s9 =	sor.u32 $0xD0000000, s2;
	s6 =	simm.s32 $0x108;
	_ =	swait.ge @!p0 [sflag:s8], $0x0  }
0x24: {  	s3 =	sadd.s32 $0x88, s3;
	s6 =	simm.s32 @!p1 $0x1082;
	[sflag:s4] =	ssyncset.s32 $0xFFFFF086  }
0x25: {  	[simem:s6], [sflag:s4] =	dma.local [hbm:s3], $0xF7A  }
0x26: {  	[smem:$0x3F9B] =	sst s1;
	(tag) =	ssettag s2;
	_ =	strace s9  }
0x27: {  	s1 =	sld [smem:$0x3FAB]  }
0x28: {  	s2 =	sld [smem:$0x3FAC]  }
0x29: {  	s4 =	sld [smem:$0x3FAE]  }
0x2a: {  	p0 =	seq.s32 s5, $0x0;
	s5 =	sld [smem:$0x3FAF]  }
0x2b: {  	s6 =	sld [smem:$0x3FB0]  }
0x2c: {  	s7 =	sld [smem:$0x3FB1]  }
0x2d: {  	s3 =	simm.s32 $0x108;
	s8 =	sld [smem:$0x3FB2]  }
0x2e: {  	s3 =	simm.s32 @!p0 $0x1082;
	s9 =	sld [smem:$0x3FB3]  }
0x2f: {  	lr =	sadd.s32 s0, s3;
	s0 =	sld [smem:$0x3FAA]  }
0x30: {  	s3 =	sld [smem:$0x3FAD]  }
0x31: {  	[smem:$0x3FB6] =	sst s10  }
0x32: {  	s10 =	sld [smem:$0x3FB4];
	_ =	sdelay $0x3  }
0x33: {  	p0 =	seq.s32 s10, $0x1;
	s10 =	sld [smem:$0x3FB6];
	_ =	sdelay $0x3  }
0x34: {  	[smem:$0x3FB6] =	sst s10  }
0x35: {  	s10 =	sld [smem:$0x3FB5];
	_ =	sdelay $0x3  }
0x36: {  	p1 =	seq.s32 s10, $0x1;
	s10 =	sld [smem:$0x3FB6];
	_ =	sdelay $0x3  }
0x37: {  	[smem:$0x3FB6] =	sst s10  }
0x38: {  	s10 =	sld [smem:$0x3FB7]  }
0x39: {  	_ = 	snop;
	(pc) =	sbr.ind lr, $3  }
0x3a: {  	_ = 	snop  }
0x3b: {  	_ = 	snop  }
0x3c: {  	p2 =	seq.s32 s10, $0x1;
	s10 =	sld [smem:$0x3FB6]  }
0x3d: {  	_ =	shalt  }
0x3e: {  	_ =	shalt  }
0x3f: {  	_ =	shalt  }
0x40: {  	_ =	shalt  }
0x41: {  	_ =	shalt  }
0x42: {  	_ =	shalt  }
0x43: {  	_ =	shalt  }
0x44: {  	_ =	shalt  }
0x45: {  	_ =	shalt  }
0x46: {  	_ =	shalt  }
0x47: {  	_ =	shalt  }
0x48: {  	_ =	shalt  }
0x49: {  	_ =	shalt  }
0x4a: {  	_ =	shalt  }
0x4b: {  	_ =	shalt  }
0x4c: {  	_ =	shalt  }
0x4d: {  	_ =	shalt  }
0x4e: {  	_ =	shalt  }
0x4f: {  	_ =	shalt  }
0x50: {  	_ =	shalt  }
0x51: {  	_ =	shalt  }
0x52: {  	_ =	shalt  }
0x53: {  	_ =	shalt  }
0x54: {  	_ =	shalt  }
0x55: {  	_ =	shalt  }
0x56: {  	_ =	shalt  }
0x57: {  	_ =	shalt  }
0x58: {  	_ =	shalt  }
0x59: {  	_ =	shalt  }
0x5a: {  	_ =	shalt  }
0x5b: {  	_ =	shalt  }
0x5c: {  	_ =	shalt  }
0x5d: {  	_ =	shalt  }
0x5e: {  	_ =	shalt  }
0x5f: {  	_ =	shalt  }
0x60: {  	_ =	shalt  }
0x61: {  	_ =	shalt  }
0x62: {  	_ =	shalt  }
0x63: {  	_ =	shalt  }
0x64: {  	_ =	shalt  }
0x65: {  	_ =	shalt  }
0x66: {  	_ =	shalt  }
0x67: {  	_ =	shalt  }
0x68: {  	_ =	shalt  }
0x69: {  	_ =	shalt  }
0x6a: {  	_ =	shalt  }
0x6b: {  	_ =	shalt  }
0x6c: {  	_ =	shalt  }
0x6d: {  	_ =	shalt  }
0x6e: {  	_ =	shalt  }
0x6f: {  	_ =	shalt  }
0x70: {  	_ =	shalt  }
0x71: {  	_ =	shalt  }
0x72: {  	_ =	shalt  }
0x73: {  	_ =	shalt  }
0x74: {  	_ =	shalt  }
0x75: {  	_ =	shalt  }
0x76: {  	_ =	shalt  }
0x77: {  	_ =	shalt  }
0x78: {  	_ =	shalt  }
0x79: {  	_ =	shalt  }
0x7a: {  	_ =	shalt  }
0x7b: {  	_ =	shalt  }
0x7c: {  	_ =	shalt  }
0x7d: {  	_ =	shalt  }
0x7e: {  	_ =	shalt  }
0x7f: {  	_ =	shalt  }
0x80: {  	_ =	shalt  }
0x81: {  	_ =	shalt  }
0x82: {  	_ =	shalt  }
0x83: {  	_ =	shalt  }
0x84: {  	_ =	shalt  }
0x85: {  	_ =	shalt  }
0x86: {  	_ =	shalt  }
0x87: {  	_ =	shalt  }
.Lfunc_end0:
.L_simem_size_0:
called_computation.5_lowered:
.L_overlay_start_0:
0x88: {  	s2 =	sld [smem:$0x3FD9]  }
0x89: {  	s3 =	sld [smem:$0x3FFE];
	_ =	sdelay $0x1  }
0x8a: {  	s1 =	srdreg.scid  }
0x8b: {  	s0 =	sand.u32 $0x1, s1  }
0x8c: {  	s17 =	sshll.u32 s0, $0xA;
	s2 =	sadd.s32 s3, s2  }
0x8d: {  	s2 =	sadd.s32 s2, s17  }
0x8e: {  	[smem:$0x3FC2] =	sst s2  }
0x8f: {  	_ = 	snop  }
0x90: {  	s18 =	sld [smem:$0x3FD0];
	(tm) =	ssettm $0x1  }
0x91: {  	s19 =	sld [smem:$0x3FFB];
	_ =	sdelay $0x3  }
0x92: {  	_ =	strace s19  }
0x93: {  	s2 =	sld [smem:$0x3FFC];
	_ =	sdelay $0x3  }
0x94: {  	_ =	strace s2  }
0x95: {  	s2 =	sld [smem:$0x3FFD];
	_ =	sdelay $0x3  }
0x96: {  	_ =	strace s2  }
0x97: {  	_ =	strace $0x8FFFFFFF  }
0x98: {  	s20 =	sld [smem:$0x3FDB];
	_ =	sdelay $0x1  }
0x99: {  	s4 =	simm.s32 $_scs_section_size  }
0x9a: {  	s5 =	simm.s32 $_size__tile_overlayer_lowered;
	s6 =	simm.s32 $_tile_overlayer_lowered  }
0x9b: {  	s7 =	simm.s32 $0x1BFF;
	s21 =	sshll.u32 s6, $0x1;
	s4 =	sadd.s32 s4, s20  }
0x9c: {  	s22 =	simm.s32 $0x0;
	s5 =	sshll.u32 s5, $0x1;
	s6 =	sadd.s32 s21, s4  }
0x9d: {  	[timem:s22], [sflag:s7] =	dma.local [hbm:s6], s5  }
0x9e: {  	_ =	swait.ge [sflag:s7], s5  }
0x9f: {  	s5 =	ssub.s32 $0x0, s5;
	[sflag:s7] =	ssyncset.done $0x0  }
0xa0: {  	[sflag:s7] =	ssyncadd.s32 s5;
	_ =	sdelay $0x1  }
0xa1: {  	s23 =	simm.s32 $0x1B8B  }
0xa2: {  	_ =	swait.ge [sflag:s23], $0x1  }
0xa3: {  	[sflag:s23] =	ssyncset.done $0x0  }
0xa4: {  	[sflag:s23] =	ssyncadd.s32 $0xFFFFFFFF  }
0xa5: {  	s5 =	sld [smem:$0x0]  }
0xa6: {  	s6 =	sand.u32 $0xFFFFFFFE, s1  }
0xa7: {  	p0 =	sne.s32 s1, s6  }
0xa8: {  	s6 =	sshll.u32 @p0 s6, $0xE  }
0xa9: {  	s6 =	sadd.s32 @p0 $0x11B8D, s6;
	s7 =	sshll.u32 @p0 s5, $0x11  }
0xaa: {  	s6 =	sor.u32 @p0 s7, s6  }
0xab: {  	[sflag:s6] =	ssyncadd.remote.s32 @p0 $0x1;
	_ =	sdelay $0x1  }
0xac: {  	s6 =	simm.s32 @p0 $0x1B8D  }
0xad: {  	_ =	swait.eq @p0 [sflag:s6], $0x1  }
0xae: {  	[sflag:s6] =	ssyncadd.s32 @p0 $0xFFFFFFFF  }
0xaf: {  	s7 =	sshll.u32 @!p0 s1, $0xE  }
0xb0: {  	s7 =	sor.u32 @!p0 $0x4000, s7;
	s6 =	simm.s32 @!p0 $0x1B8D  }
0xb1: {  	s5 =	sshll.u32 @!p0 s5, $0x11;
	s7 =	sadd.s32 @!p0 $0x11B8D, s7;
	_ =	swait.eq @!p0 [sflag:s6], $0x1  }
0xb2: {  	s5 =	sor.u32 @!p0 s5, s7;
	[sflag:s6] =	ssyncadd.s32 @!p0 $0xFFFFFFFF  }
0xb3: {  	s25 =	simm.s32 $0x1B8E;
	s24 =	sld [smem:$0x3FFE];
	[sflag:s5] =	ssyncadd.remote.s32 @!p0 $0x1  }
0xb4: {  	s26 =	simm.s32 $execute0_lowered;
	[smem:$0x3FD2] =	sst s25  }
0xb5: {  	s6 =	sshll.u32 s26, $0x1;
	_ =	strace $0x80000055;
	[dreg:$0x1] =	wrdreg $0xFFFFFFFF  }
0xb6: {  	s28 =	simm.s32 $_size_execute0_lowered;
	s4 =	sadd.s32 s4, s6;
	[dreg:$0x0] =	wrdreg $0x0  }
0xb7: {  	s6 =	sshll.u32 s28, $0x1;
	[dreg:$0x2] =	wrdreg s4  }
0xb8: {  	[dreg:$0x3] =	wrdreg s6  }
0xb9: {  	[dreg:$0x4] =	wrdreg $0xC0  }
0xba: {  	_ =	task [dreg:s22], $0x5FFFF  }
0xbb: {  	[dreg:$0x1] =	wrdreg $0xFFFFFFFF  }
0xbc: {  	[dreg:$0x0] =	wrdreg $0x60  }
0xbd: {  	[dreg:$0x2] =	wrdreg s18  }
0xbe: {  	[dreg:$0x3] =	wrdreg s24  }
0xbf: {  	[dreg:$0x4] =	wrdreg $0xA  }
0xc0: {  	_ =	task.clear_ibuf [dreg:s22], $0x5FFFF;
	_ =	strace $0x90000055  }
0xc1: {  	s29 =	simm.s32 $0xA;
	_ =	strace $0x80000057  }
0xc2: {  	_ =	swait.ge [sflag:s29], $0x1  }
0xc3: {  	[sflag:s29] =	ssyncadd.s32 $0xFFFFFFFF  }
0xc4: {  	_ =	strace $0x90000057  }
0xc5: {  	_ =	sfence  }
0xc6: {  	s30 =	sld [smem:$0x0];
	_ =	sdelay $0x2  }
0xc7: {  	s31 =	sshll.u32 s1, $0xD;
	s1 =	sshrl.u32 s1, $0x2  }
0xc8: {  	s4 =	sand.u32 $0x4000, s31;
	s1 =	sadd.s32 s1, s30  }
0xc9: {  	s0 =	sor.u32 s4, s0;
	s1 =	sshll.u32 s1, $0x11  }
0xca: {  	s0 =	sor.u32 s1, s0  }
0xcb: {  	s0 =	sadd.s32 $0x8F2B, s0  }
0xcc: {  	[sflag:s0] =	ssyncadd.remote.s32 $0x1  }
0xcd: {  	_ =	sfence.sel $0xFFFF  }
0xce: {  	[dreg:$0x0] =	wrdreg $0xFFFFFFFF;
	(pc) =	sbr.abs _section_cstart, $3  }
0xcf: {  	[dreg:$0x1] =	wrdreg $0xFFFFFFFF  }
0xd0: {  	_ =	task.clear_ibuf [dreg:s22], $0x2FFFF;
	_ =	strace $0x9FFFFFFF  }
0xd1: {  	(tm) =	ssettm $0x7FFFFFFF  }
tec
execute0_lowered:
.L_overlay_start_1:
0x0: {  	(tag) =	ssettag $0x1  }
0x1: {  	s1 =	srdreg.scid;
	s2 =	rddreg [dreg:$0x0]  }
0x2: {  	s0 =	stileid.u32;
	s4 =	rddreg [dreg:$0x1]  }
0x3: {  	s3 =	simm.s32 $0x0;
	s12 =	simm.s32 $0x3B00;
	s13 =	simm.s32 $0x1  }
0x4: {  	s14 =	simm.s32 $0x4;
	s15 =	simm.s32 $0x2;
	s16 =	simm.s32 $0x1270  }
0x5: {  	s17 =	simm.s32 $0x0;
	s5 =	sand.u32 $0x1, s1;
	s1 =	rddreg [dreg:$0x2]  }
0x6: {  	s28 =	sshll.u32 s0, $0x1;
	[smem:$0x7FF] =	sst s3;
	s10 =	smul.u32 $0x25800, s0  }
0x7: {  	s9 =	sadd.s32 $0x297400, s4;
	s6 =	sor.u32 s5, s28;
	s11 =	smul.u32 $0x12C00, s5  }
0x8: {  	_ =	strace $0x80000056;
	s8 =	ssub.s32 $0x2, s5;
	s7 =	smul.u32 $0x12C0, s6  }
0x9: {  	s6 =	smul.u32 $0x12C00, s6;
	s29 =	sshrl.u32 s8, $0x1;
	s31 =	sadd.s32 s10, s9  }
0xa: {  	s10 =	simm.s32 $0x1300;
	s8 =	ssub.s32 s8, s29;
	s7 =	sshrl.u32 s7, $0x3  }
0xb: {  	s5 =	smax.u32 s8, $0x1;
	s30 =	sadd.s32 s9, s6;
	s8 =	sadd.s32 s11, s31  }
0xc: {  	s9 =	simm.s32 $0x3;
	s11 =	simm.s32 $0x50;
	s7 =	sadd.s32 s7, s4  }
0xd: {  	s6 =	sadd.s32 $0x12200, s30;
	s4 =	sadd.s32 $0x292800, s7;
	s7 =	sadd.s32 $0x12700, s30  }
.LBB2_1:
0xe: {  	[tilespmem:s3], [sflag:$0x3] =	stream.linear.gather [hbm4b:s4+s3], $0x12C0, $0x38;
	[tilespmem:$0x6300] =	vst v63  }
0xf: {  	_ =	swait.ge [sflag:s9], $0x12C0  }
0x10: {  	[sflag:s9] =	ssyncset.done $0x0  }
0x11: {  	[sflag:s9] =	ssyncadd.s32 $0xFFFFED40  }
0x12: {  	[tilespmem:s10], [sflag:$0x1] =	stream.indirect.gather [hbm4b:s2+s11], $0x80, s3, s11, $0xb8;
	[tilespmem:$0x6300] =	vst v63  }
0x13: {  	_ = 	snop  }
0x14: {  	[tilespmem:s12], [sflag:$0x2] =	stream.indirect.gather [hbm4b:s2+s11], $0x80, s11, s11, $0xb8;
	[tilespmem:$0x6300] =	vst v63  }
0x15: {  	_ =	swait.ge [sflag:s13], $0x2800  }
0x16: {  	[sflag:s13] =	ssyncset.done $0x0  }
0x17: {  	s18 =	sadd.s32 $0x0, s8;
	[sflag:s13] =	ssyncadd.s32 $0xFFFFD800  }
0x18: {  	[hbm4b:s18+s3] =	stream.linear.scatter [tilespmem:s10], [sflag:$0x4], $0x2800, $0x38;
	[tilespmem:$0x6300] =	vst v63  }
0x19: {  	_ =	swait.ge [sflag:s14], $0x2800  }
0x1a: {  	[sflag:s14] =	ssyncset.done $0x0  }
0x1b: {  	s19 =	simm.s32 $0xA0;
	[sflag:s14] =	ssyncadd.s32 $0xFFFFD800  }
0x1c: {  	[tilespmem:s10], [sflag:$0x1] =	stream.indirect.gather [hbm4b:s2+s11], $0x80, s19, s11, $0xb8;
	[tilespmem:$0x6300] =	vst v63  }
0x1d: {  	_ =	swait.ge [sflag:s15], $0x2800  }
0x1e: {  	[sflag:s15] =	ssyncset.done $0x0  }
0x1f: {  	s18 =	sadd.s32 $0x500, s18;
	[sflag:s15] =	ssyncadd.s32 $0xFFFFD800  }
0x20: {  	[hbm4b:s18+s3] =	stream.linear.scatter [tilespmem:s12], [sflag:$0x3], $0x2800, $0x38;
	[tilespmem:$0x6300] =	vst v63  }
0x21: {  	_ =	swait.ge [sflag:s9], $0x2800  }
0x22: {  	s19 =	simm.s32 $0x50;
	s18 =	simm.s32 $0xA00;
	[sflag:s9] =	ssyncset.done $0x0  }
.LBB2_2:
0x23: {  	p0 =	sne.s32 s18, $0x11800;
	[sflag:s9] =	ssyncadd.s32 $0xFFFFD800;
	s19 =	sadd.s32 $0xA0, s19  }
0x24: {  	[tilespmem:s12], [sflag:$0x2] =	stream.indirect.gather [hbm4b:s2+s11], $0x80, s19, s11, $0xb8;
	[tilespmem:$0x6300] =	vst v63  }
0x25: {  	s20 =	smov.u32 s18;
	s18 =	sadd.s32 $0xA00, s18;
	_ =	swait.ge [sflag:s13], $0x2800  }
0x26: {  	[sflag:s13] =	ssyncset.done $0x0  }
0x27: {  	s20 =	sadd.s32 s20, s8;
	[sflag:s13] =	ssyncadd.s32 $0xFFFFD800  }
0x28: {  	[hbm4b:s20+s3] =	stream.linear.scatter [tilespmem:s10], [sflag:$0x4], $0x2800, $0x38;
	[tilespmem:$0x6300] =	vst v63  }
0x29: {  	_ =	swait.ge [sflag:s14], $0x2800  }
0x2a: {  	[sflag:s14] =	ssyncset.done $0x0  }
0x2b: {  	s21 =	sadd.s32 $0x50, s19;
	[sflag:s14] =	ssyncadd.s32 $0xFFFFD800  }
0x2c: {  	[tilespmem:s10], [sflag:$0x1] =	stream.indirect.gather [hbm4b:s2+s11], $0x80, s21, s11, $0xb8;
	[tilespmem:$0x6300] =	vst v63  }
0x2d: {  	_ =	swait.ge [sflag:s15], $0x2800  }
.Ltmp0:
0x2e: {  	[sflag:s15] =	ssyncset.done $0x0;
	(pc) =	sbr.rel @p0 .LBB2_2-.Ltmp0, $4  }
0x2f: {  	s20 =	sadd.s32 $0x500, s20;
	[sflag:s15] =	ssyncadd.s32 $0xFFFFD800  }
0x30: {  	[hbm4b:s20+s3] =	stream.linear.scatter [tilespmem:s12], [sflag:$0x3], $0x2800, $0x38;
	[tilespmem:$0x6300] =	vst v63  }
0x31: {  	_ =	swait.ge [sflag:s9], $0x2800  }
0x32: {  	[sflag:s9] =	ssyncset.done $0x0  }
0x33: {  	[sflag:s9] =	ssyncadd.s32 $0xFFFFD800  }
0x34: {  	[tilespmem:s12], [sflag:$0x2] =	stream.indirect.gather [hbm4b:s2+s11], $0x80, s16, s11, $0xb8;
	[tilespmem:$0x6300] =	vst v63  }
0x35: {  	_ =	swait.ge [sflag:s13], $0x2800  }
0x36: {  	[sflag:s13] =	ssyncset.done $0x0  }
0x37: {  	[sflag:s13] =	ssyncadd.s32 $0xFFFFD800  }
0x38: {  	[hbm4b:s6+s3] =	stream.linear.scatter [tilespmem:s10], [sflag:$0x4], $0x2800, $0x38;
	[tilespmem:$0x6300] =	vst v63  }
0x39: {  	_ =	swait.ge [sflag:s14], $0x2800  }
0x3a: {  	[sflag:s14] =	ssyncset.done $0x0  }
0x3b: {  	[sflag:s14] =	ssyncadd.s32 $0xFFFFD800  }
0x3c: {  	s17 =	sadd.s32 $0x1, s17;
	_ =	swait.ge [sflag:s15], $0x2800  }
0x3d: {  	p0 =	sne.s32 s17, s5;
	[sflag:s15] =	ssyncset.done $0x0  }
.Ltmp1:
0x3e: {  	[sflag:s15] =	ssyncadd.s32 $0xFFFFD800;
	(pc) =	sbr.rel @p0 .LBB2_1-.Ltmp1, $4  }
0x3f: {  	[hbm4b:s7+s3] =	stream.linear.scatter [tilespmem:s12], [sflag:$0x3], $0x2800, $0x38;
	[tilespmem:$0x6300] =	vst v63  }
0x40: {  	_ =	swait.ge [sflag:s9], $0x2800  }
0x41: {  	[sflag:s9] =	ssyncset.done $0x0  }
0x42: {  	[sflag:s9] =	ssyncadd.s32 $0xFFFFD800  }
0x43: {  	_ =	sfence.sel $0x180000  }
0x44: {  	[bflag:$0x0] =	sbarrier.arrive $0xFFFF  }
0x45: {  	p0 =	sne.s32 s0, $0x0;
	_ =	strace $0x90000056  }
0x46: {  	s0 =	sadd.s32 @!p0 $0x100000, s1;
	[bflag:$0x2] =	sbarrier.arrive $0xFFFF  }
0x47: {  	[sflag:s0] =	ssyncadd.tile.s32 @!p0 $0x1;
	_ =	shalt  }
.Lfunc_end2:
_tile_overlayer_lowered:
.L_overlay_start_2:
0x48: {  	(tag) =	ssettag $0x2  }
0x49: {  	s0 =	rddreg [dreg:$0x0];
	s2 =	stileid.u32  }
0x4a: {  	s1 =	rddreg [dreg:$0x1];
	p0 =	sne.s32 s2, $0x0  }
0x4b: {  	s3 =	rddreg [dreg:$0x2];
	[bflag:$0x3] =	sbarrier.arrive $0xFFFF;
	s2 =	simm.s32 @!p0 $0x1C03  }
0x4c: {  	[timem:s3], [sflag:s2] =	dma.local @!p0 [hbm:s0], s1  }
0x4d: {  	s0 =	simm.s32 @!p0 $0x3  }
0x4e: {  	_ =	swait.ge @!p0 [sflag:s0], s1  }
0x4f: {  	s1 =	ssub.s32 @!p0 $0x0, s1;
	[sflag:s0] =	ssyncset.done @!p0 $0x0  }
0x50: {  	[sflag:s0] =	ssyncadd.s32 @!p0 s1  }
0x51: {  	[bflag:$0x3] =	sbarrier.arrive $0xFFFF  }
0x52: {  	_ =	shalt  }

</sc_bundles>
